<compile_context>
chip_gen: v7x
topology: tpu7x:2x2x1
jax: 0.10.2.dev20260603
libtpu: 0.0.44.dev20260713+nightly
codegen_flags: <defaults>
</compile_context>

<pallas_src>
import jax
import jax.numpy as jnp
from jax import lax
from jax.experimental import pallas as pl
from jax.experimental.pallas import tpu as pltpu
from jax.experimental.pallas import tpu_sc as plsc

EPS_ = 1e-5
N_NODES = 10000
N_EDGES = 320000
ND = 128
HD = 16
PACK = 8
EPR = N_EDGES // PACK

NW = 32
CH = 128
GJ = 20
GROUP_E = GJ * CH
NGRP = N_EDGES // GROUP_E
NCH = N_EDGES // CH
S2R = 2520
MAXG = 4
NPT = N_NODES // 16

_sc_mesh = plsc.VectorSubcoreMesh(core_axis_name="c", subcore_axis_name="s")
_sc_params = pltpu.CompilerParams(use_tc_tiling_on_sc=False)


def _worker_span(w):
    cnt = jnp.where(w < 29, 4, 3)
    base = jnp.where(w < 29, 4 * w, 116 + 3 * (w - 29))
    return base, cnt


def _sc_gather_body(xs_hbm, xr_hbm, s2_hbm, r2_hbm, gs_hbm, gr_hbm,
                    sidx, ridx, rows, sem):
    cid = lax.axis_index("c")
    sid = lax.axis_index("s")
    w = sid * 2 + cid
    gbase, gcnt = _worker_span(w)
    base_c = gbase * GJ
    pltpu.sync_copy(s2_hbm.at[pl.ds(base_c, MAXG * GJ)], sidx)
    pltpu.sync_copy(r2_hbm.at[pl.ds(base_c, MAXG * GJ)], ridx)

    def do_table(tab_hbm, idx, out_hbm):
        def body(g, carry):
            cps = [pltpu.async_copy(tab_hbm.at[idx.at[g * GJ + j]],
                                    rows.at[pl.ds(j * CH, CH)], sem)
                   for j in range(GJ)]
            for cp in cps:
                cp.wait()
            pltpu.sync_copy(rows,
                            out_hbm.at[pl.ds((gbase + g) * GROUP_E, GROUP_E)])
            return carry
        lax.fori_loop(0, gcnt, body, 0)

    do_table(xs_hbm, sidx, gs_hbm)
    do_table(xr_hbm, ridx, gr_hbm)


_gather_call = pl.kernel(
    _sc_gather_body,
    out_type=[jax.ShapeDtypeStruct((N_EDGES, HD), jnp.float32),
              jax.ShapeDtypeStruct((N_EDGES, HD), jnp.float32)],
    mesh=_sc_mesh,
    scratch_types=[pltpu.VMEM((MAXG * GJ, CH), jnp.int32),
                   pltpu.VMEM((MAXG * GJ, CH), jnp.int32),
                   pltpu.VMEM((GROUP_E, HD), jnp.float32),
                   pltpu.SemaphoreType.DMA],
    compiler_params=_sc_params,
)


def _sc_scatter_body(vals_hbm, r2_hbm, z_hbm, out_hbm, idx, rows, acc):
    cid = lax.axis_index("c")
    sid = lax.axis_index("s")
    w = sid * 2 + cid
    gbase, gcnt = _worker_span(w)
    base_c = gbase * GJ
    pltpu.sync_copy(z_hbm.at[pl.ds(sid * NPT, NPT)],
                    acc.at[pl.ds(sid * NPT, NPT)])
    pltpu.sync_copy(r2_hbm.at[pl.ds(base_c, MAXG * GJ)], idx)
    plsc.subcore_barrier()

    def body(g, carry):
        pltpu.sync_copy(vals_hbm.at[pl.ds((gbase + g) * GROUP_E, GROUP_E)],
                        rows)
        for j in range(GJ):
            pltpu.sync_copy(rows.at[pl.ds(j * CH, CH)],
                            acc.at[idx.at[g * GJ + j]], add=True)
        return carry
    lax.fori_loop(0, gcnt, body, 0)

    plsc.subcore_barrier()
    pltpu.sync_copy(acc.at[pl.ds(sid * NPT, NPT)],
                    out_hbm.at[cid, pl.ds(sid * NPT, NPT)])


_scatter_call = pl.kernel(
    _sc_scatter_body,
    out_type=jax.ShapeDtypeStruct((2, N_NODES, HD), jnp.float32),
    mesh=_sc_mesh,
    scratch_types=[pltpu.VMEM((MAXG * GJ, CH), jnp.int32),
                   pltpu.VMEM((GROUP_E, HD), jnp.float32),
                   pltpu.VMEM_SHARED((N_NODES, HD), jnp.float32)],
    compiler_params=_sc_params,
)


def _proj_body(x_ref, wa_ref, wb_ref, oa_ref, ob_ref):
    xv = x_ref[...]
    oa_ref[...] = jnp.dot(xv, wa_ref[...], preferred_element_type=jnp.float32)
    ob_ref[...] = jnp.dot(xv, wb_ref[...], preferred_element_type=jnp.float32)


def _edge_body(gs_ref, gr_ref, ea_ref, w1_ref, w2_ref, gm_ref,
               b1_ref, b2_ref, g_ref, bt_ref, o_ref):
    eav = ea_ref[...]
    pre = (gs_ref[...] + gr_ref[...]
           + jnp.dot(eav, w1_ref[...], preferred_element_type=jnp.float32)
           + b1_ref[...])
    h1 = jnp.maximum(pre, 0.0)
    h = jnp.dot(h1, w2_ref[...], preferred_element_type=jnp.float32) + b2_ref[...]
    mu = jnp.dot(h, gm_ref[...], preferred_element_type=jnp.float32)
    d = h - mu
    var = jnp.dot(d * d, gm_ref[...], preferred_element_type=jnp.float32)
    o_ref[...] = eav + d * lax.rsqrt(var + EPS_) * g_ref[...] + bt_ref[...]


def _node_body(x_ref, p0_ref, p1_ref, w1a_ref, w1b_ref, w2_ref,
               b1_ref, b2_ref, g_ref, bt_ref, o_ref):
    xv = x_ref[...]
    agg = p0_ref[...] + p1_ref[...]
    h1 = jnp.maximum(
        jnp.dot(xv, w1a_ref[...], preferred_element_type=jnp.float32)
        + jnp.dot(agg, w1b_ref[...], preferred_element_type=jnp.float32)
        + b1_ref[...], 0.0)
    u = jnp.dot(h1, w2_ref[...], preferred_element_type=jnp.float32) + b2_ref[...]
    mu = jnp.mean(u, axis=-1, keepdims=True)
    d = u - mu
    var = jnp.mean(d * d, axis=-1, keepdims=True)
    o_ref[...] = xv + d * lax.rsqrt(var + EPS_) * g_ref[...] + bt_ref[...]


BBLK = 2000


def kernel(x, edge_index, edge_attr, eW1, eb1, eW2, eb2,
           nW1, nb1, nW2, nb2, eg, ebt, ng, nbt):
    f32 = jnp.float32
    pad1 = jnp.zeros((S2R * CH - N_EDGES,), jnp.int32)
    s2 = jnp.concatenate([edge_index[0], pad1]).reshape(S2R, CH)
    r2 = jnp.concatenate([edge_index[1], pad1]).reshape(S2R, CH)

    xs, xr = pl.pallas_call(
        _proj_body,
        grid=(10,),
        in_specs=[pl.BlockSpec((1000, ND), lambda i: (i, 0)),
                  pl.BlockSpec((ND, HD), lambda i: (0, 0)),
                  pl.BlockSpec((ND, HD), lambda i: (0, 0))],
        out_specs=[pl.BlockSpec((1000, HD), lambda i: (i, 0))] * 2,
        out_shape=[jax.ShapeDtypeStruct((N_NODES, HD), f32)] * 2,
    )(x, eW1[:ND], eW1[ND:2 * ND])

    gs, gr = _gather_call(xs, xr, s2, r2)

    eye8 = jnp.eye(PACK, dtype=f32)
    w1bd = jnp.kron(eye8, eW1[2 * ND:])
    w2bd = jnp.kron(eye8, eW2)
    gmat = jnp.kron(eye8, jnp.full((HD, HD), 1.0 / HD, f32))
    b1t = jnp.tile(eb1, PACK).reshape(1, ND)
    b2t = jnp.tile(eb2, PACK).reshape(1, ND)
    egt = jnp.tile(eg, PACK).reshape(1, ND)
    ebtt = jnp.tile(ebt, PACK).reshape(1, ND)

    ean_p = pl.pallas_call(
        _edge_body,
        grid=(EPR // BBLK,),
        in_specs=[pl.BlockSpec((BBLK, ND), lambda i: (i, 0))] * 3
        + [pl.BlockSpec((ND, ND), lambda i: (0, 0))] * 3
        + [pl.BlockSpec((1, ND), lambda i: (0, 0))] * 4,
        out_specs=pl.BlockSpec((BBLK, ND), lambda i: (i, 0)),
        out_shape=jax.ShapeDtypeStruct((EPR, ND), f32),
    )(gs.reshape(EPR, ND), gr.reshape(EPR, ND), edge_attr.reshape(EPR, ND),
      w1bd, w2bd, gmat, b1t, b2t, egt, ebtt)

    edge_attr_new = ean_p.reshape(N_EDGES, HD)

    parts = _scatter_call(edge_attr_new, r2, jnp.zeros((N_NODES, HD), f32))

    x_new = pl.pallas_call(
        _node_body,
        grid=(10,),
        in_specs=[pl.BlockSpec((1000, ND), lambda i: (i, 0)),
                  pl.BlockSpec((1000, HD), lambda i: (i, 0)),
                  pl.BlockSpec((1000, HD), lambda i: (i, 0)),
                  pl.BlockSpec((ND, HD), lambda i: (0, 0)),
                  pl.BlockSpec((HD, HD), lambda i: (0, 0)),
                  pl.BlockSpec((HD, ND), lambda i: (0, 0)),
                  pl.BlockSpec((1, HD), lambda i: (0, 0)),
                  pl.BlockSpec((1, ND), lambda i: (0, 0)),
                  pl.BlockSpec((1, ND), lambda i: (0, 0)),
                  pl.BlockSpec((1, ND), lambda i: (0, 0))],
        out_specs=pl.BlockSpec((1000, ND), lambda i: (i, 0)),
        out_shape=jax.ShapeDtypeStruct((N_NODES, ND), f32),
    )(x, parts[0], parts[1], nW1[:ND], nW1[ND:], nW2,
      nb1.reshape(1, HD), nb2.reshape(1, ND), ng.reshape(1, ND),
      nbt.reshape(1, ND))

    return (x_new, edge_attr_new)

# --- scband reference (transcript-rebuilt; emitter-appended) ---
"""Pipeline reference for scband-gnslayer-30494267802176 (READ-ONLY COPY).

The authoritative reference and input builder live on the scoring server;
editing this copy changes nothing except your own understanding.
"""

import jax, jax.numpy as jnp
import numpy as np

EPS = 1e-5

def layer_norm(h, g, b):
    mu = h.mean(axis=-1, keepdims=True)
    var = ((h - mu) ** 2).mean(axis=-1, keepdims=True)
    return (h - mu) / jnp.sqrt(var + EPS) * g + b

def setup_inputs(seed: int = 0):
    key = jax.random.key(seed)
    ks = jax.random.split(key, 12)
    N, E = 10000, 320000
    node_dim, edge_dim, hidden_dim = 128, 16, 16
    x = jax.random.normal(ks[0], (N, node_dim), dtype=jnp.float32)
    edge_index = jax.random.randint(ks[1], (2, E), 0, N, dtype=jnp.int32)
    edge_attr = jax.random.normal(ks[2], (E, edge_dim), dtype=jnp.float32)
    eW1 = 0.05 * jax.random.normal(ks[3], (node_dim * 2 + edge_dim, hidden_dim), dtype=jnp.float32)
    eb1 = jnp.zeros((hidden_dim,), jnp.float32)
    eW2 = 0.05 * jax.random.normal(ks[4], (hidden_dim, hidden_dim), dtype=jnp.float32)
    eb2 = jnp.zeros((hidden_dim,), jnp.float32)
    nW1 = 0.05 * jax.random.normal(ks[5], (hidden_dim + node_dim, hidden_dim), dtype=jnp.float32)
    nb1 = jnp.zeros((hidden_dim,), jnp.float32)
    nW2 = 0.05 * jax.random.normal(ks[6], (hidden_dim, node_dim), dtype=jnp.float32)
    nb2 = jnp.zeros((node_dim,), jnp.float32)
    eg = jnp.ones((hidden_dim,), jnp.float32)
    ebt = jnp.zeros((hidden_dim,), jnp.float32)
    ng = jnp.ones((node_dim,), jnp.float32)
    nbt = jnp.zeros((node_dim,), jnp.float32)
    return {"x": x, "edge_index": edge_index, "edge_attr": edge_attr,
            "eW1": eW1, "eb1": eb1, "eW2": eW2, "eb2": eb2,
            "nW1": nW1, "nb1": nb1, "nW2": nW2, "nb2": nb2,
            "eg": eg, "ebt": ebt, "ng": ng, "nbt": nbt}

def reference(x, edge_index, edge_attr, eW1, eb1, eW2, eb2, nW1, nb1, nW2, nb2, eg, ebt, ng, nbt):
    senders = edge_index[0]
    receivers = edge_index[1]
    sender_features = x[senders]
    receiver_features = x[receivers]
    edge_input = jnp.concatenate([sender_features, receiver_features, edge_attr], axis=-1)
    h = jnp.maximum(edge_input @ eW1 + eb1, 0.0) @ eW2 + eb2
    h = layer_norm(h, eg, ebt)
    edge_attr_new = edge_attr + h
    num_nodes = x.shape[0]
    hidden_dim = edge_attr_new.shape[1]
    node_agg = jnp.zeros((num_nodes, hidden_dim), dtype=x.dtype).at[receivers].add(edge_attr_new)
    node_input = jnp.concatenate([x, node_agg], axis=-1)
    u = jnp.maximum(node_input @ nW1 + nb1, 0.0) @ nW2 + nb2
    u = layer_norm(u, ng, nbt)
    x_new = x + u
    return (x_new, edge_attr_new)

if __name__ == "__main__":
    import jax
    _d = setup_inputs()
    print(jax.jit(kernel)(*tuple(_d.values())))

</pallas_src>

<mosaic_0001>
#map = affine_map<(d0, d1) -> (0, 0)>
#map1 = affine_map<(d0, d1) -> (0, 0, 0)>
module attributes {stable_mosaic.version = 14 : i64} {
  func.func @_sc_scatter_body(%arg0: i32, %arg1: i32, %arg2: memref<320000x16xf32, #tpu.memory_space<hbm>>, %arg3: memref<2520x128xi32, #tpu.memory_space<hbm>>, %arg4: memref<10000x16xf32, #tpu.memory_space<hbm>>, %arg5: memref<2x10000x16xf32, #tpu.memory_space<hbm>>, %arg6: memref<80x128xi32, #tpu.memory_space<vmem>>, %arg7: memref<2560x16xf32, #tpu.memory_space<vmem>>, %arg8: memref<10000x16xf32, #tpu.memory_space<vmem_shared>>) attributes {dimension_semantics = [#tpu.dimension_semantics<core_parallel>, #tpu.dimension_semantics<subcore_parallel>], iteration_bounds = array<i64: 2, 16>, scalar_prefetch = 0 : i64, scratch_operands = 3 : i64, tpu.core_type = #tpu.core_type<sc_vector_subcore>, window_params = [{transform_indices = #map}, {transform_indices = #map}, {transform_indices = #map}, {transform_indices = #map1}]} {
    %mul3A = arith.constant 2 : i32
    %mul3A_0 = arith.muli %arg1, %mul3A : i32
    %add3A = arith.addi %mul3A_0, %arg0 : i32
    %lt3A = arith.constant 29 : i32
    %lt3A_1 = arith.cmpi slt, %add3A, %lt3A : i32
    %jit3A = arith.constant 4 : i32
    %jit3A_2 = arith.constant 3 : i32
    %select_n3A = arith.select %lt3A_1, %jit3A, %jit3A_2 : i32
    %lt3A_3 = arith.constant 29 : i32
    %lt3A_4 = arith.cmpi slt, %add3A, %lt3A_3 : i32
    %mul3A_5 = arith.constant 4 : i32
    %mul3A_6 = arith.muli %mul3A_5, %add3A : i32
    %sub3A = arith.constant 29 : i32
    %sub3A_7 = arith.subi %add3A, %sub3A : i32
    %mul3A_8 = arith.constant 3 : i32
    %mul3A_9 = arith.muli %mul3A_8, %sub3A_7 : i32
    %add3A_10 = arith.constant 116 : i32
    %add3A_11 = arith.addi %add3A_10, %mul3A_9 : i32
    %select_n3A_12 = arith.select %lt3A_4, %mul3A_6, %add3A_11 : i32
    %mul3A_13 = arith.constant 20 : i32
    %mul3A_14 = arith.muli %select_n3A_12, %mul3A_13 : i32
    %mul3A_15 = arith.constant 625 : i32
    %mul3A_16 = arith.muli %arg1, %mul3A_15 : i32
    %mul3A_17 = arith.constant 625 : i32
    %mul3A_18 = arith.muli %arg1, %mul3A_17 : i32
    "tpu.region"() ({
      %run_scoped3A = tpu.sem_alloc : memref<!tpu.dma_semaphore, #tpu.memory_space<semaphore_mem>>
      %dma_start3A = arith.constant 0 : i32
      %dma_start3A_33 = tpu.memref_slice %arg8[%mul3A_18, %dma_start3A] : memref<10000x16xf32, #tpu.memory_space<vmem_shared>> -> memref<625x16xf32, #tpu.memory_space<vmem_shared>>
      %dma_start3A_34 = arith.constant 0 : i32
      %dma_start3A_35 = tpu.memref_slice %arg4[%mul3A_16, %dma_start3A_34] : memref<10000x16xf32, #tpu.memory_space<hbm>> -> memref<625x16xf32, #tpu.memory_space<hbm>>
      tpu.enqueue_dma source(%dma_start3A_35 : memref<625x16xf32, #tpu.memory_space<hbm>>) target(%dma_start3A_33 : memref<625x16xf32, #tpu.memory_space<vmem_shared>>) target_semaphore(%run_scoped3A : memref<!tpu.dma_semaphore, #tpu.memory_space<semaphore_mem>>)
      %dma_wait3A = arith.constant 0 : i32
      %dma_wait3A_36 = tpu.memref_slice %arg8[%mul3A_18, %dma_wait3A] : memref<10000x16xf32, #tpu.memory_space<vmem_shared>> -> memref<625x16xf32, #tpu.memory_space<vmem_shared>>
      %dma_wait3A_37 = arith.constant 0 : i32
      %dma_wait3A_38 = tpu.memref_slice %arg4[%mul3A_16, %dma_wait3A_37] : memref<10000x16xf32, #tpu.memory_space<hbm>> -> memref<625x16xf32, #tpu.memory_space<hbm>>
      tpu.wait_dma2 semaphore(%run_scoped3A : memref<!tpu.dma_semaphore, #tpu.memory_space<semaphore_mem>>) src(%dma_wait3A_38 : memref<625x16xf32, #tpu.memory_space<hbm>>) dst(%dma_wait3A_36 : memref<625x16xf32, #tpu.memory_space<vmem_shared>>)
      tpu.yield
    }) : () -> ()
    "tpu.region"() ({
      %run_scoped3A = tpu.sem_alloc : memref<!tpu.dma_semaphore, #tpu.memory_space<semaphore_mem>>
      %dma_start3A = arith.constant 0 : i32
      %dma_start3A_33 = tpu.memref_slice %arg3[%mul3A_14, %dma_start3A] : memref<2520x128xi32, #tpu.memory_space<hbm>> -> memref<80x128xi32, #tpu.memory_space<hbm>>
      %dma_start3A_34 = arith.constant 0 : i32
      %dma_start3A_35 = tpu.memref_slice %arg3[%mul3A_14, %dma_start3A_34] : memref<2520x128xi32, #tpu.memory_space<hbm>> -> memref<80x128xi32, #tpu.memory_space<hbm>>
      tpu.enqueue_dma source(%dma_start3A_35 : memref<80x128xi32, #tpu.memory_space<hbm>>) target(%arg6 : memref<80x128xi32, #tpu.memory_space<vmem>>) target_semaphore(%run_scoped3A : memref<!tpu.dma_semaphore, #tpu.memory_space<semaphore_mem>>)
      %dma_wait3A = arith.constant 0 : i32
      %dma_wait3A_36 = tpu.memref_slice %arg3[%mul3A_14, %dma_wait3A] : memref<2520x128xi32, #tpu.memory_space<hbm>> -> memref<80x128xi32, #tpu.memory_space<hbm>>
      %dma_wait3A_37 = arith.constant 0 : i32
      %dma_wait3A_38 = tpu.memref_slice %arg3[%mul3A_14, %dma_wait3A_37] : memref<2520x128xi32, #tpu.memory_space<hbm>> -> memref<80x128xi32, #tpu.memory_space<hbm>>
      tpu.wait_dma2 semaphore(%run_scoped3A : memref<!tpu.dma_semaphore, #tpu.memory_space<semaphore_mem>>) src(%dma_wait3A_38 : memref<80x128xi32, #tpu.memory_space<hbm>>) dst(%arg6 : memref<80x128xi32, #tpu.memory_space<vmem>>)
      tpu.yield
    }) : () -> ()
    %barrier3A = arith.constant 0 : index
    tpu.barrier barrier_id(%barrier3A)
    %while3A = arith.constant 0 : i32
    %while3A_19 = arith.constant 0 : i32
    %while3A_20 = arith.subi %select_n3A, %while3A_19 : i32
    %while3A_21 = arith.addi %while3A_19, %while3A_20 : i32
    %while3A_22 = arith.constant 1 : i32
    %while3A_23 = arith.divsi %while3A_20, %while3A_22 : i32
    %while3A_24 = arith.muli %while3A_23, %while3A_22 : i32
    %while3A_25 = arith.addi %while3A_19, %while3A_24 : i32
    %while3A_26 = arith.constant 1 : i32
    scf.for %while3A_33 = %while3A_19 to %while3A_25 step %while3A_26  : i32 {
      %add3A_34 = arith.addi %select_n3A_12, %while3A_33 : i32
      %mul3A_35 = arith.constant 2560 : i32
      %mul3A_36 = arith.muli %add3A_34, %mul3A_35 : i32
      "tpu.region"() ({
        %run_scoped3A = tpu.sem_alloc : memref<!tpu.dma_semaphore, #tpu.memory_space<semaphore_mem>>
        %dma_start3A = arith.constant 0 : i32
        %dma_start3A_117 = tpu.memref_slice %arg2[%mul3A_36, %dma_start3A] : memref<320000x16xf32, #tpu.memory_space<hbm>> -> memref<2560x16xf32, #tpu.memory_space<hbm>>
        %dma_start3A_118 = arith.constant 0 : i32
        %dma_start3A_119 = tpu.memref_slice %arg2[%mul3A_36, %dma_start3A_118] : memref<320000x16xf32, #tpu.memory_space<hbm>> -> memref<2560x16xf32, #tpu.memory_space<hbm>>
        tpu.enqueue_dma source(%dma_start3A_119 : memref<2560x16xf32, #tpu.memory_space<hbm>>) target(%arg7 : memref<2560x16xf32, #tpu.memory_space<vmem>>) target_semaphore(%run_scoped3A : memref<!tpu.dma_semaphore, #tpu.memory_space<semaphore_mem>>)
        %dma_wait3A = arith.constant 0 : i32
        %dma_wait3A_120 = tpu.memref_slice %arg2[%mul3A_36, %dma_wait3A] : memref<320000x16xf32, #tpu.memory_space<hbm>> -> memref<2560x16xf32, #tpu.memory_space<hbm>>
        %dma_wait3A_121 = arith.constant 0 : i32
        %dma_wait3A_122 = tpu.memref_slice %arg2[%mul3A_36, %dma_wait3A_121] : memref<320000x16xf32, #tpu.memory_space<hbm>> -> memref<2560x16xf32, #tpu.memory_space<hbm>>
        tpu.wait_dma2 semaphore(%run_scoped3A : memref<!tpu.dma_semaphore, #tpu.memory_space<semaphore_mem>>) src(%dma_wait3A_122 : memref<2560x16xf32, #tpu.memory_space<hbm>>) dst(%arg7 : memref<2560x16xf32, #tpu.memory_space<vmem>>)
        tpu.yield
      }) : () -> ()
      %mul3A_37 = arith.constant 20 : i32
      %mul3A_38 = arith.muli %while3A_33, %mul3A_37 : i32
      %add3A_39 = arith.constant 0 : i32
      %add3A_40 = arith.addi %mul3A_38, %add3A_39 : i32
      "tpu.region"() ({
        %run_scoped3A = tpu.sem_alloc : memref<!tpu.dma_semaphore, #tpu.memory_space<semaphore_mem>>
        %dma_start3A = arith.constant 0 : i32
        %dma_start3A_117 = arith.constant 0 : i32
        %dma_start3A_118 = tpu.memref_slice %arg7[%dma_start3A, %dma_start3A_117] : memref<2560x16xf32, #tpu.memory_space<vmem>> -> memref<128x16xf32, #tpu.memory_space<vmem>>
        %dma_start3A_119 = arith.constant 0 : i32
        %dma_start3A_120 = tpu.memref_slice %arg6[%add3A_40, %dma_start3A_119] : memref<80x128xi32, #tpu.memory_space<vmem>> -> memref<1x128xi32, #tpu.memory_space<vmem>>
        %dma_start3A_121 = tpu.memref_squeeze %dma_start3A_120 : memref<1x128xi32, #tpu.memory_space<vmem>> -> memref<128xi32, #tpu.memory_space<vmem>>
        %dma_start3A_122 = arith.constant 0 : i32
        %dma_start3A_123 = arith.constant 0 : i32
        %dma_start3A_124 = tpu.memref_slice %arg8[%dma_start3A_122, %dma_start3A_123] : memref<10000x16xf32, #tpu.memory_space<vmem_shared>> -> memref<10000x16xf32, #tpu.memory_space<vmem_shared>>
        tpu.enqueue_indirect_dma source(%dma_start3A_118 : memref<128x16xf32, #tpu.memory_space<vmem>>) target(%dma_start3A_124 : memref<10000x16xf32, #tpu.memory_space<vmem_shared>>) offsets(%dma_start3A_121 : memref<128xi32, #tpu.memory_space<vmem>>) semaphore(%run_scoped3A : memref<!tpu.dma_semaphore, #tpu.memory_space<semaphore_mem>>) {add = true}
        %dma_wait3A = arith.constant 0 : i32
        %dma_wait3A_125 = arith.constant 0 : i32
        %dma_wait3A_126 = tpu.memref_slice %arg7[%dma_wait3A, %dma_wait3A_125] : memref<2560x16xf32, #tpu.memory_space<vmem>> -> memref<128x16xf32, #tpu.memory_space<vmem>>
        %dma_wait3A_127 = arith.constant 0 : i32
        %dma_wait3A_128 = tpu.memref_slice %arg6[%add3A_40, %dma_wait3A_127] : memref<80x128xi32, #tpu.memory_space<vmem>> -> memref<1x128xi32, #tpu.memory_space<vmem>>
        %dma_wait3A_129 = tpu.memref_squeeze %dma_wait3A_128 : memref<1x128xi32, #tpu.memory_space<vmem>> -> memref<128xi32, #tpu.memory_space<vmem>>
        %dma_wait3A_130 = arith.constant 0 : i32
        %dma_wait3A_131 = arith.constant 0 : i32
        %dma_wait3A_132 = tpu.memref_slice %arg8[%dma_wait3A_130, %dma_wait3A_131] : memref<10000x16xf32, #tpu.memory_space<vmem_shared>> -> memref<10000x16xf32, #tpu.memory_space<vmem_shared>>
        tpu.wait_indirect_dma semaphore(%run_scoped3A : memref<!tpu.dma_semaphore, #tpu.memory_space<semaphore_mem>>) src(%dma_wait3A_126 : memref<128x16xf32, #tpu.memory_space<vmem>>) dst(%dma_wait3A_132 : memref<10000x16xf32, #tpu.memory_space<vmem_shared>>)
        tpu.yield
      }) : () -> ()
      %mul3A_41 = arith.constant 20 : i32
      %mul3A_42 = arith.muli %while3A_33, %mul3A_41 : i32
      %add3A_43 = arith.constant 1 : i32
      %add3A_44 = arith.addi %mul3A_42, %add3A_43 : i32
      "tpu.region"() ({
        %run_scoped3A = tpu.sem_alloc : memref<!tpu.dma_semaphore, #tpu.memory_space<semaphore_mem>>
        %dma_start3A = arith.constant 128 : i32
        %dma_start3A_117 = arith.constant 0 : i32
        %dma_start3A_118 = tpu.memref_slice %arg7[%dma_start3A, %dma_start3A_117] : memref<2560x16xf32, #tpu.memory_space<vmem>> -> memref<128x16xf32, #tpu.memory_space<vmem>>
        %dma_start3A_119 = arith.constant 0 : i32
        %dma_start3A_120 = tpu.memref_slice %arg6[%add3A_44, %dma_start3A_119] : memref<80x128xi32, #tpu.memory_space<vmem>> -> memref<1x128xi32, #tpu.memory_space<vmem>>
        %dma_start3A_121 = tpu.memref_squeeze %dma_start3A_120 : memref<1x128xi32, #tpu.memory_space<vmem>> -> memref<128xi32, #tpu.memory_space<vmem>>
        %dma_start3A_122 = arith.constant 0 : i32
        %dma_start3A_123 = arith.constant 0 : i32
        %dma_start3A_124 = tpu.memref_slice %arg8[%dma_start3A_122, %dma_start3A_123] : memref<10000x16xf32, #tpu.memory_space<vmem_shared>> -> memref<10000x16xf32, #tpu.memory_space<vmem_shared>>
        tpu.enqueue_indirect_dma source(%dma_start3A_118 : memref<128x16xf32, #tpu.memory_space<vmem>>) target(%dma_start3A_124 : memref<10000x16xf32, #tpu.memory_space<vmem_shared>>) offsets(%dma_start3A_121 : memref<128xi32, #tpu.memory_space<vmem>>) semaphore(%run_scoped3A : memref<!tpu.dma_semaphore, #tpu.memory_space<semaphore_mem>>) {add = true}
        %dma_wait3A = arith.constant 128 : i32
        %dma_wait3A_125 = arith.constant 0 : i32
        %dma_wait3A_126 = tpu.memref_slice %arg7[%dma_wait3A, %dma_wait3A_125] : memref<2560x16xf32, #tpu.memory_space<vmem>> -> memref<128x16xf32, #tpu.memory_space<vmem>>
        %dma_wait3A_127 = arith.constant 0 : i32
        %dma_wait3A_128 = tpu.memref_slice %arg6[%add3A_44, %dma_wait3A_127] : memref<80x128xi32, #tpu.memory_space<vmem>> -> memref<1x128xi32, #tpu.memory_space<vmem>>
        %dma_wait3A_129 = tpu.memref_squeeze %dma_wait3A_128 : memref<1x128xi32, #tpu.memory_space<vmem>> -> memref<128xi32, #tpu.memory_space<vmem>>
        %dma_wait3A_130 = arith.constant 0 : i32
        %dma_wait3A_131 = arith.constant 0 : i32
        %dma_wait3A_132 = tpu.memref_slice %arg8[%dma_wait3A_130, %dma_wait3A_131] : memref<10000x16xf32, #tpu.memory_space<vmem_shared>> -> memref<10000x16xf32, #tpu.memory_space<vmem_shared>>
        tpu.wait_indirect_dma semaphore(%run_scoped3A : memref<!tpu.dma_semaphore, #tpu.memory_space<semaphore_mem>>) src(%dma_wait3A_126 : memref<128x16xf32, #tpu.memory_space<vmem>>) dst(%dma_wait3A_132 : memref<10000x16xf32, #tpu.memory_space<vmem_shared>>)
        tpu.yield
      }) : () -> ()
      %mul3A_45 = arith.constant 20 : i32
      %mul3A_46 = arith.muli %while3A_33, %mul3A_45 : i32
      %add3A_47 = arith.constant 2 : i32
      %add3A_48 = arith.addi %mul3A_46, %add3A_47 : i32
      "tpu.region"() ({
        %run_scoped3A = tpu.sem_alloc : memref<!tpu.dma_semaphore, #tpu.memory_space<semaphore_mem>>
        %dma_start3A = arith.constant 256 : i32
        %dma_start3A_117 = arith.constant 0 : i32
        %dma_start3A_118 = tpu.memref_slice %arg7[%dma_start3A, %dma_start3A_117] : memref<2560x16xf32, #tpu.memory_space<vmem>> -> memref<128x16xf32, #tpu.memory_space<vmem>>
        %dma_start3A_119 = arith.constant 0 : i32
        %dma_start3A_120 = tpu.memref_slice %arg6[%add3A_48, %dma_start3A_119] : memref<80x128xi32, #tpu.memory_space<vmem>> -> memref<1x128xi32, #tpu.memory_space<vmem>>
        %dma_start3A_121 = tpu.memref_squeeze %dma_start3A_120 : memref<1x128xi32, #tpu.memory_space<vmem>> -> memref<128xi32, #tpu.memory_space<vmem>>
        %dma_start3A_122 = arith.constant 0 : i32
        %dma_start3A_123 = arith.constant 0 : i32
        %dma_start3A_124 = tpu.memref_slice %arg8[%dma_start3A_122, %dma_start3A_123] : memref<10000x16xf32, #tpu.memory_space<vmem_shared>> -> memref<10000x16xf32, #tpu.memory_space<vmem_shared>>
        tpu.enqueue_indirect_dma source(%dma_start3A_118 : memref<128x16xf32, #tpu.memory_space<vmem>>) target(%dma_start3A_124 : memref<10000x16xf32, #tpu.memory_space<vmem_shared>>) offsets(%dma_start3A_121 : memref<128xi32, #tpu.memory_space<vmem>>) semaphore(%run_scoped3A : memref<!tpu.dma_semaphore, #tpu.memory_space<semaphore_mem>>) {add = true}
        %dma_wait3A = arith.constant 256 : i32
        %dma_wait3A_125 = arith.constant 0 : i32
        %dma_wait3A_126 = tpu.memref_slice %arg7[%dma_wait3A, %dma_wait3A_125] : memref<2560x16xf32, #tpu.memory_space<vmem>> -> memref<128x16xf32, #tpu.memory_space<vmem>>
        %dma_wait3A_127 = arith.constant 0 : i32
        %dma_wait3A_128 = tpu.memref_slice %arg6[%add3A_48, %dma_wait3A_127] : memref<80x128xi32, #tpu.memory_space<vmem>> -> memref<1x128xi32, #tpu.memory_space<vmem>>
        %dma_wait3A_129 = tpu.memref_squeeze %dma_wait3A_128 : memref<1x128xi32, #tpu.memory_space<vmem>> -> memref<128xi32, #tpu.memory_space<vmem>>
        %dma_wait3A_130 = arith.constant 0 : i32
        %dma_wait3A_131 = arith.constant 0 : i32
        %dma_wait3A_132 = tpu.memref_slice %arg8[%dma_wait3A_130, %dma_wait3A_131] : memref<10000x16xf32, #tpu.memory_space<vmem_shared>> -> memref<10000x16xf32, #tpu.memory_space<vmem_shared>>
        tpu.wait_indirect_dma semaphore(%run_scoped3A : memref<!tpu.dma_semaphore, #tpu.memory_space<semaphore_mem>>) src(%dma_wait3A_126 : memref<128x16xf32, #tpu.memory_space<vmem>>) dst(%dma_wait3A_132 : memref<10000x16xf32, #tpu.memory_space<vmem_shared>>)
        tpu.yield
      }) : () -> ()
      %mul3A_49 = arith.constant 20 : i32
      %mul3A_50 = arith.muli %while3A_33, %mul3A_49 : i32
      %add3A_51 = arith.constant 3 : i32
      %add3A_52 = arith.addi %mul3A_50, %add3A_51 : i32
      "tpu.region"() ({
        %run_scoped3A = tpu.sem_alloc : memref<!tpu.dma_semaphore, #tpu.memory_space<semaphore_mem>>
        %dma_start3A = arith.constant 384 : i32
        %dma_start3A_117 = arith.constant 0 : i32
        %dma_start3A_118 = tpu.memref_slice %arg7[%dma_start3A, %dma_start3A_117] : memref<2560x16xf32, #tpu.memory_space<vmem>> -> memref<128x16xf32, #tpu.memory_space<vmem>>
        %dma_start3A_119 = arith.constant 0 : i32
        %dma_start3A_120 = tpu.memref_slice %arg6[%add3A_52, %dma_start3A_119] : memref<80x128xi32, #tpu.memory_space<vmem>> -> memref<1x128xi32, #tpu.memory_space<vmem>>
        %dma_start3A_121 = tpu.memref_squeeze %dma_start3A_120 : memref<1x128xi32, #tpu.memory_space<vmem>> -> memref<128xi32, #tpu.memory_space<vmem>>
        %dma_start3A_122 = arith.constant 0 : i32
        %dma_start3A_123 = arith.constant 0 : i32
        %dma_start3A_124 = tpu.memref_slice %arg8[%dma_start3A_122, %dma_start3A_123] : memref<10000x16xf32, #tpu.memory_space<vmem_shared>> -> memref<10000x16xf32, #tpu.memory_space<vmem_shared>>
        tpu.enqueue_indirect_dma source(%dma_start3A_118 : memref<128x16xf32, #tpu.memory_space<vmem>>) target(%dma_start3A_124 : memref<10000x16xf32, #tpu.memory_space<vmem_shared>>) offsets(%dma_start3A_121 : memref<128xi32, #tpu.memory_space<vmem>>) semaphore(%run_scoped3A : memref<!tpu.dma_semaphore, #tpu.memory_space<semaphore_mem>>) {add = true}
        %dma_wait3A = arith.constant 384 : i32
        %dma_wait3A_125 = arith.constant 0 : i32
        %dma_wait3A_126 = tpu.memref_slice %arg7[%dma_wait3A, %dma_wait3A_125] : memref<2560x16xf32, #tpu.memory_space<vmem>> -> memref<128x16xf32, #tpu.memory_space<vmem>>
        %dma_wait3A_127 = arith.constant 0 : i32
        %dma_wait3A_128 = tpu.memref_slice %arg6[%add3A_52, %dma_wait3A_127] : memref<80x128xi32, #tpu.memory_space<vmem>> -> memref<1x128xi32, #tpu.memory_space<vmem>>
        %dma_wait3A_129 = tpu.memref_squeeze %dma_wait3A_128 : memref<1x128xi32, #tpu.memory_space<vmem>> -> memref<128xi32, #tpu.memory_space<vmem>>
        %dma_wait3A_130 = arith.constant 0 : i32
        %dma_wait3A_131 = arith.constant 0 : i32
        %dma_wait3A_132 = tpu.memref_slice %arg8[%dma_wait3A_130, %dma_wait3A_131] : memref<10000x16xf32, #tpu.memory_space<vmem_shared>> -> memref<10000x16xf32, #tpu.memory_space<vmem_shared>>
        tpu.wait_indirect_dma semaphore(%run_scoped3A : memref<!tpu.dma_semaphore, #tpu.memory_space<semaphore_mem>>) src(%dma_wait3A_126 : memref<128x16xf32, #tpu.memory_space<vmem>>) dst(%dma_wait3A_132 : memref<10000x16xf32, #tpu.memory_space<vmem_shared>>)
        tpu.yield
      }) : () -> ()
      %mul3A_53 = arith.constant 20 : i32
      %mul3A_54 = arith.muli %while3A_33, %mul3A_53 : i32
      %add3A_55 = arith.constant 4 : i32
      %add3A_56 = arith.addi %mul3A_54, %add3A_55 : i32
      "tpu.region"() ({
        %run_scoped3A = tpu.sem_alloc : memref<!tpu.dma_semaphore, #tpu.memory_space<semaphore_mem>>
        %dma_start3A = arith.constant 512 : i32
        %dma_start3A_117 = arith.constant 0 : i32
        %dma_start3A_118 = tpu.memref_slice %arg7[%dma_start3A, %dma_start3A_117] : memref<2560x16xf32, #tpu.memory_space<vmem>> -> memref<128x16xf32, #tpu.memory_space<vmem>>
        %dma_start3A_119 = arith.constant 0 : i32
        %dma_start3A_120 = tpu.memref_slice %arg6[%add3A_56, %dma_start3A_119] : memref<80x128xi32, #tpu.memory_space<vmem>> -> memref<1x128xi32, #tpu.memory_space<vmem>>
        %dma_start3A_121 = tpu.memref_squeeze %dma_start3A_120 : memref<1x128xi32, #tpu.memory_space<vmem>> -> memref<128xi32, #tpu.memory_space<vmem>>
        %dma_start3A_122 = arith.constant 0 : i32
        %dma_start3A_123 = arith.constant 0 : i32
        %dma_start3A_124 = tpu.memref_slice %arg8[%dma_start3A_122, %dma_start3A_123] : memref<10000x16xf32, #tpu.memory_space<vmem_shared>> -> memref<10000x16xf32, #tpu.memory_space<vmem_shared>>
        tpu.enqueue_indirect_dma source(%dma_start3A_118 : memref<128x16xf32, #tpu.memory_space<vmem>>) target(%dma_start3A_124 : memref<10000x16xf32, #tpu.memory_space<vmem_shared>>) offsets(%dma_start3A_121 : memref<128xi32, #tpu.memory_space<vmem>>) semaphore(%run_scoped3A : memref<!tpu.dma_semaphore, #tpu.memory_space<semaphore_mem>>) {add = true}
        %dma_wait3A = arith.constant 512 : i32
        %dma_wait3A_125 = arith.constant 0 : i32
        %dma_wait3A_126 = tpu.memref_slice %arg7[%dma_wait3A, %dma_wait3A_125] : memref<2560x16xf32, #tpu.memory_space<vmem>> -> memref<128x16xf32, #tpu.memory_space<vmem>>
        %dma_wait3A_127 = arith.constant 0 : i32
        %dma_wait3A_128 = tpu.memref_slice %arg6[%add3A_56, %dma_wait3A_127] : memref<80x128xi32, #tpu.memory_space<vmem>> -> memref<1x128xi32, #tpu.memory_space<vmem>>
        %dma_wait3A_129 = tpu.memref_squeeze %dma_wait3A_128 : memref<1x128xi32, #tpu.memory_space<vmem>> -> memref<128xi32, #tpu.memory_space<vmem>>
        %dma_wait3A_130 = arith.constant 0 : i32
        %dma_wait3A_131 = arith.constant 0 : i32
        %dma_wait3A_132 = tpu.memref_slice %arg8[%dma_wait3A_130, %dma_wait3A_131] : memref<10000x16xf32, #tpu.memory_space<vmem_shared>> -> memref<10000x16xf32, #tpu.memory_space<vmem_shared>>
        tpu.wait_indirect_dma semaphore(%run_scoped3A : memref<!tpu.dma_semaphore, #tpu.memory_space<semaphore_mem>>) src(%dma_wait3A_126 : memref<128x16xf32, #tpu.memory_space<vmem>>) dst(%dma_wait3A_132 : memref<10000x16xf32, #tpu.memory_space<vmem_shared>>)
        tpu.yield
      }) : () -> ()
      %mul3A_57 = arith.constant 20 : i32
      %mul3A_58 = arith.muli %while3A_33, %mul3A_57 : i32
      %add3A_59 = arith.constant 5 : i32
      %add3A_60 = arith.addi %mul3A_58, %add3A_59 : i32
      "tpu.region"() ({
        %run_scoped3A = tpu.sem_alloc : memref<!tpu.dma_semaphore, #tpu.memory_space<semaphore_mem>>
        %dma_start3A = arith.constant 640 : i32
        %dma_start3A_117 = arith.constant 0 : i32
        %dma_start3A_118 = tpu.memref_slice %arg7[%dma_start3A, %dma_start3A_117] : memref<2560x16xf32, #tpu.memory_space<vmem>> -> memref<128x16xf32, #tpu.memory_space<vmem>>
        %dma_start3A_119 = arith.constant 0 : i32
        %dma_start3A_120 = tpu.memref_slice %arg6[%add3A_60, %dma_start3A_119] : memref<80x128xi32, #tpu.memory_space<vmem>> -> memref<1x128xi32, #tpu.memory_space<vmem>>
        %dma_start3A_121 = tpu.memref_squeeze %dma_start3A_120 : memref<1x128xi32, #tpu.memory_space<vmem>> -> memref<128xi32, #tpu.memory_space<vmem>>
        %dma_start3A_122 = arith.constant 0 : i32
        %dma_start3A_123 = arith.constant 0 : i32
        %dma_start3A_124 = tpu.memref_slice %arg8[%dma_start3A_122, %dma_start3A_123] : memref<10000x16xf32, #tpu.memory_space<vmem_shared>> -> memref<10000x16xf32, #tpu.memory_space<vmem_shared>>
        tpu.enqueue_indirect_dma source(%dma_start3A_118 : memref<128x16xf32, #tpu.memory_space<vmem>>) target(%dma_start3A_124 : memref<10000x16xf32, #tpu.memory_space<vmem_shared>>) offsets(%dma_start3A_121 : memref<128xi32, #tpu.memory_space<vmem>>) semaphore(%run_scoped3A : memref<!tpu.dma_semaphore, #tpu.memory_space<semaphore_mem>>) {add = true}
        %dma_wait3A = arith.constant 640 : i32
        %dma_wait3A_125 = arith.constant 0 : i32
        %dma_wait3A_126 = tpu.memref_slice %arg7[%dma_wait3A, %dma_wait3A_125] : memref<2560x16xf32, #tpu.memory_space<vmem>> -> memref<128x16xf32, #tpu.memory_space<vmem>>
        %dma_wait3A_127 = arith.constant 0 : i32
        %dma_wait3A_128 = tpu.memref_slice %arg6[%add3A_60, %dma_wait3A_127] : memref<80x128xi32, #tpu.memory_space<vmem>> -> memref<1x128xi32, #tpu.memory_space<vmem>>
        %dma_wait3A_129 = tpu.memref_squeeze %dma_wait3A_128 : memref<1x128xi32, #tpu.memory_space<vmem>> -> memref<128xi32, #tpu.memory_space<vmem>>
        %dma_wait3A_130 = arith.constant 0 : i32
        %dma_wait3A_131 = arith.constant 0 : i32
        %dma_wait3A_132 = tpu.memref_slice %arg8[%dma_wait3A_130, %dma_wait3A_131] : memref<10000x16xf32, #tpu.memory_space<vmem_shared>> -> memref<10000x16xf32, #tpu.memory_space<vmem_shared>>
        tpu.wait_indirect_dma semaphore(%run_scoped3A : memref<!tpu.dma_semaphore, #tpu.memory_space<semaphore_mem>>) src(%dma_wait3A_126 : memref<128x16xf32, #tpu.memory_space<vmem>>) dst(%dma_wait3A_132 : memref<10000x16xf32, #tpu.memory_space<vmem_shared>>)
        tpu.yield
      }) : () -> ()
      %mul3A_61 = arith.constant 20 : i32
      %mul3A_62 = arith.muli %while3A_33, %mul3A_61 : i32
      %add3A_63 = arith.constant 6 : i32
      %add3A_64 = arith.addi %mul3A_62, %add3A_63 : i32
      "tpu.region"() ({
        %run_scoped3A = tpu.sem_alloc : memref<!tpu.dma_semaphore, #tpu.memory_space<semaphore_mem>>
        %dma_start3A = arith.constant 768 : i32
        %dma_start3A_117 = arith.constant 0 : i32
        %dma_start3A_118 = tpu.memref_slice %arg7[%dma_start3A, %dma_start3A_117] : memref<2560x16xf32, #tpu.memory_space<vmem>> -> memref<128x16xf32, #tpu.memory_space<vmem>>
        %dma_start3A_119 = arith.constant 0 : i32
        %dma_start3A_120 = tpu.memref_slice %arg6[%add3A_64, %dma_start3A_119] : memref<80x128xi32, #tpu.memory_space<vmem>> -> memref<1x128xi32, #tpu.memory_space<vmem>>
        %dma_start3A_121 = tpu.memref_squeeze %dma_start3A_120 : memref<1x128xi32, #tpu.memory_space<vmem>> -> memref<128xi32, #tpu.memory_space<vmem>>
        %dma_start3A_122 = arith.constant 0 : i32
        %dma_start3A_123 = arith.constant 0 : i32
        %dma_start3A_124 = tpu.memref_slice %arg8[%dma_start3A_122, %dma_start3A_123] : memref<10000x16xf32, #tpu.memory_space<vmem_shared>> -> memref<10000x16xf32, #tpu.memory_space<vmem_shared>>
        tpu.enqueue_indirect_dma source(%dma_start3A_118 : memref<128x16xf32, #tpu.memory_space<vmem>>) target(%dma_start3A_124 : memref<10000x16xf32, #tpu.memory_space<vmem_shared>>) offsets(%dma_start3A_121 : memref<128xi32, #tpu.memory_space<vmem>>) semaphore(%run_scoped3A : memref<!tpu.dma_semaphore, #tpu.memory_space<semaphore_mem>>) {add = true}
        %dma_wait3A = arith.constant 768 : i32
        %dma_wait3A_125 = arith.constant 0 : i32
        %dma_wait3A_126 = tpu.memref_slice %arg7[%dma_wait3A, %dma_wait3A_125] : memref<2560x16xf32, #tpu.memory_space<vmem>> -> memref<128x16xf32, #tpu.memory_space<vmem>>
        %dma_wait3A_127 = arith.constant 0 : i32
        %dma_wait3A_128 = tpu.memref_slice %arg6[%add3A_64, %dma_wait3A_127] : memref<80x128xi32, #tpu.memory_space<vmem>> -> memref<1x128xi32, #tpu.memory_space<vmem>>
        %dma_wait3A_129 = tpu.memref_squeeze %dma_wait3A_128 : memref<1x128xi32, #tpu.memory_space<vmem>> -> memref<128xi32, #tpu.memory_space<vmem>>
        %dma_wait3A_130 = arith.constant 0 : i32
        %dma_wait3A_131 = arith.constant 0 : i32
        %dma_wait3A_132 = tpu.memref_slice %arg8[%dma_wait3A_130, %dma_wait3A_131] : memref<10000x16xf32, #tpu.memory_space<vmem_shared>> -> memref<10000x16xf32, #tpu.memory_space<vmem_shared>>
        tpu.wait_indirect_dma semaphore(%run_scoped3A : memref<!tpu.dma_semaphore, #tpu.memory_space<semaphore_mem>>) src(%dma_wait3A_126 : memref<128x16xf32, #tpu.memory_space<vmem>>) dst(%dma_wait3A_132 : memref<10000x16xf32, #tpu.memory_space<vmem_shared>>)
        tpu.yield
      }) : () -> ()
      %mul3A_65 = arith.constant 20 : i32
      %mul3A_66 = arith.muli %while3A_33, %mul3A_65 : i32
      %add3A_67 = arith.constant 7 : i32
      %add3A_68 = arith.addi %mul3A_66, %add3A_67 : i32
      "tpu.region"() ({
        %run_scoped3A = tpu.sem_alloc : memref<!tpu.dma_semaphore, #tpu.memory_space<semaphore_mem>>
        %dma_start3A = arith.constant 896 : i32
        %dma_start3A_117 = arith.constant 0 : i32
        %dma_start3A_118 = tpu.memref_slice %arg7[%dma_start3A, %dma_start3A_117] : memref<2560x16xf32, #tpu.memory_space<vmem>> -> memref<128x16xf32, #tpu.memory_space<vmem>>
        %dma_start3A_119 = arith.constant 0 : i32
        %dma_start3A_120 = tpu.memref_slice %arg6[%add3A_68, %dma_start3A_119] : memref<80x128xi32, #tpu.memory_space<vmem>> -> memref<1x128xi32, #tpu.memory_space<vmem>>
        %dma_start3A_121 = tpu.memref_squeeze %dma_start3A_120 : memref<1x128xi32, #tpu.memory_space<vmem>> -> memref<128xi32, #tpu.memory_space<vmem>>
        %dma_start3A_122 = arith.constant 0 : i32
        %dma_start3A_123 = arith.constant 0 : i32
        %dma_start3A_124 = tpu.memref_slice %arg8[%dma_start3A_122, %dma_start3A_123] : memref<10000x16xf32, #tpu.memory_space<vmem_shared>> -> memref<10000x16xf32, #tpu.memory_space<vmem_shared>>
        tpu.enqueue_indirect_dma source(%dma_start3A_118 : memref<128x16xf32, #tpu.memory_space<vmem>>) target(%dma_start3A_124 : memref<10000x16xf32, #tpu.memory_space<vmem_shared>>) offsets(%dma_start3A_121 : memref<128xi32, #tpu.memory_space<vmem>>) semaphore(%run_scoped3A : memref<!tpu.dma_semaphore, #tpu.memory_space<semaphore_mem>>) {add = true}
        %dma_wait3A = arith.constant 896 : i32
        %dma_wait3A_125 = arith.constant 0 : i32
        %dma_wait3A_126 = tpu.memref_slice %arg7[%dma_wait3A, %dma_wait3A_125] : memref<2560x16xf32, #tpu.memory_space<vmem>> -> memref<128x16xf32, #tpu.memory_space<vmem>>
        %dma_wait3A_127 = arith.constant 0 : i32
        %dma_wait3A_128 = tpu.memref_slice %arg6[%add3A_68, %dma_wait3A_127] : memref<80x128xi32, #tpu.memory_space<vmem>> -> memref<1x128xi32, #tpu.memory_space<vmem>>
        %dma_wait3A_129 = tpu.memref_squeeze %dma_wait3A_128 : memref<1x128xi32, #tpu.memory_space<vmem>> -> memref<128xi32, #tpu.memory_space<vmem>>
        %dma_wait3A_130 = arith.constant 0 : i32
        %dma_wait3A_131 = arith.constant 0 : i32
        %dma_wait3A_132 = tpu.memref_slice %arg8[%dma_wait3A_130, %dma_wait3A_131] : memref<10000x16xf32, #tpu.memory_space<vmem_shared>> -> memref<10000x16xf32, #tpu.memory_space<vmem_shared>>
        tpu.wait_indirect_dma semaphore(%run_scoped3A : memref<!tpu.dma_semaphore, #tpu.memory_space<semaphore_mem>>) src(%dma_wait3A_126 : memref<128x16xf32, #tpu.memory_space<vmem>>) dst(%dma_wait3A_132 : memref<10000x16xf32, #tpu.memory_space<vmem_shared>>)
        tpu.yield
      }) : () -> ()
      %mul3A_69 = arith.constant 20 : i32
      %mul3A_70 = arith.muli %while3A_33, %mul3A_69 : i32
      %add3A_71 = arith.constant 8 : i32
      %add3A_72 = arith.addi %mul3A_70, %add3A_71 : i32
      "tpu.region"() ({
        %run_scoped3A = tpu.sem_alloc : memref<!tpu.dma_semaphore, #tpu.memory_space<semaphore_mem>>
        %dma_start3A = arith.constant 1024 : i32
        %dma_start3A_117 = arith.constant 0 : i32
        %dma_start3A_118 = tpu.memref_slice %arg7[%dma_start3A, %dma_start3A_117] : memref<2560x16xf32, #tpu.memory_space<vmem>> -> memref<128x16xf32, #tpu.memory_space<vmem>>
        %dma_start3A_119 = arith.constant 0 : i32
        %dma_start3A_120 = tpu.memref_slice %arg6[%add3A_72, %dma_start3A_119] : memref<80x128xi32, #tpu.memory_space<vmem>> -> memref<1x128xi32, #tpu.memory_space<vmem>>
        %dma_start3A_121 = tpu.memref_squeeze %dma_start3A_120 : memref<1x128xi32, #tpu.memory_space<vmem>> -> memref<128xi32, #tpu.memory_space<vmem>>
        %dma_start3A_122 = arith.constant 0 : i32
        %dma_start3A_123 = arith.constant 0 : i32
        %dma_start3A_124 = tpu.memref_slice %arg8[%dma_start3A_122, %dma_start3A_123] : memref<10000x16xf32, #tpu.memory_space<vmem_shared>> -> memref<10000x16xf32, #tpu.memory_space<vmem_shared>>
        tpu.enqueue_indirect_dma source(%dma_start3A_118 : memref<128x16xf32, #tpu.memory_space<vmem>>) target(%dma_start3A_124 : memref<10000x16xf32, #tpu.memory_space<vmem_shared>>) offsets(%dma_start3A_121 : memref<128xi32, #tpu.memory_space<vmem>>) semaphore(%run_scoped3A : memref<!tpu.dma_semaphore, #tpu.memory_space<semaphore_mem>>) {add = true}
        %dma_wait3A = arith.constant 1024 : i32
        %dma_wait3A_125 = arith.constant 0 : i32
        %dma_wait3A_126 = tpu.memref_slice %arg7[%dma_wait3A, %dma_wait3A_125] : memref<2560x16xf32, #tpu.memory_space<vmem>> -> memref<128x16xf32, #tpu.memory_space<vmem>>
        %dma_wait3A_127 = arith.constant 0 : i32
        %dma_wait3A_128 = tpu.memref_slice %arg6[%add3A_72, %dma_wait3A_127] : memref<80x128xi32, #tpu.memory_space<vmem>> -> memref<1x128xi32, #tpu.memory_space<vmem>>
        %dma_wait3A_129 = tpu.memref_squeeze %dma_wait3A_128 : memref<1x128xi32, #tpu.memory_space<vmem>> -> memref<128xi32, #tpu.memory_space<vmem>>
        %dma_wait3A_130 = arith.constant 0 : i32
        %dma_wait3A_131 = arith.constant 0 : i32
        %dma_wait3A_132 = tpu.memref_slice %arg8[%dma_wait3A_130, %dma_wait3A_131] : memref<10000x16xf32, #tpu.memory_space<vmem_shared>> -> memref<10000x16xf32, #tpu.memory_space<vmem_shared>>
        tpu.wait_indirect_dma semaphore(%run_scoped3A : memref<!tpu.dma_semaphore, #tpu.memory_space<semaphore_mem>>) src(%dma_wait3A_126 : memref<128x16xf32, #tpu.memory_space<vmem>>) dst(%dma_wait3A_132 : memref<10000x16xf32, #tpu.memory_space<vmem_shared>>)
        tpu.yield
      }) : () -> ()
      %mul3A_73 = arith.constant 20 : i32
      %mul3A_74 = arith.muli %while3A_33, %mul3A_73 : i32
      %add3A_75 = arith.constant 9 : i32
      %add3A_76 = arith.addi %mul3A_74, %add3A_75 : i32
      "tpu.region"() ({
        %run_scoped3A = tpu.sem_alloc : memref<!tpu.dma_semaphore, #tpu.memory_space<semaphore_mem>>
        %dma_start3A = arith.constant 1152 : i32
        %dma_start3A_117 = arith.constant 0 : i32
        %dma_start3A_118 = tpu.memref_slice %arg7[%dma_start3A, %dma_start3A_117] : memref<2560x16xf32, #tpu.memory_space<vmem>> -> memref<128x16xf32, #tpu.memory_space<vmem>>
        %dma_start3A_119 = arith.constant 0 : i32
        %dma_start3A_120 = tpu.memref_slice %arg6[%add3A_76, %dma_start3A_119] : memref<80x128xi32, #tpu.memory_space<vmem>> -> memref<1x128xi32, #tpu.memory_space<vmem>>
        %dma_start3A_121 = tpu.memref_squeeze %dma_start3A_120 : memref<1x128xi32, #tpu.memory_space<vmem>> -> memref<128xi32, #tpu.memory_space<vmem>>
        %dma_start3A_122 = arith.constant 0 : i32
        %dma_start3A_123 = arith.constant 0 : i32
        %dma_start3A_124 = tpu.memref_slice %arg8[%dma_start3A_122, %dma_start3A_123] : memref<10000x16xf32, #tpu.memory_space<vmem_shared>> -> memref<10000x16xf32, #tpu.memory_space<vmem_shared>>
        tpu.enqueue_indirect_dma source(%dma_start3A_118 : memref<128x16xf32, #tpu.memory_space<vmem>>) target(%dma_start3A_124 : memref<10000x16xf32, #tpu.memory_space<vmem_shared>>) offsets(%dma_start3A_121 : memref<128xi32, #tpu.memory_space<vmem>>) semaphore(%run_scoped3A : memref<!tpu.dma_semaphore, #tpu.memory_space<semaphore_mem>>) {add = true}
        %dma_wait3A = arith.constant 1152 : i32
        %dma_wait3A_125 = arith.constant 0 : i32
        %dma_wait3A_126 = tpu.memref_slice %arg7[%dma_wait3A, %dma_wait3A_125] : memref<2560x16xf32, #tpu.memory_space<vmem>> -> memref<128x16xf32, #tpu.memory_space<vmem>>
        %dma_wait3A_127 = arith.constant 0 : i32
        %dma_wait3A_128 = tpu.memref_slice %arg6[%add3A_76, %dma_wait3A_127] : memref<80x128xi32, #tpu.memory_space<vmem>> -> memref<1x128xi32, #tpu.memory_space<vmem>>
        %dma_wait3A_129 = tpu.memref_squeeze %dma_wait3A_128 : memref<1x128xi32, #tpu.memory_space<vmem>> -> memref<128xi32, #tpu.memory_space<vmem>>
        %dma_wait3A_130 = arith.constant 0 : i32
        %dma_wait3A_131 = arith.constant 0 : i32
        %dma_wait3A_132 = tpu.memref_slice %arg8[%dma_wait3A_130, %dma_wait3A_131] : memref<10000x16xf32, #tpu.memory_space<vmem_shared>> -> memref<10000x16xf32, #tpu.memory_space<vmem_shared>>
        tpu.wait_indirect_dma semaphore(%run_scoped3A : memref<!tpu.dma_semaphore, #tpu.memory_space<semaphore_mem>>) src(%dma_wait3A_126 : memref<128x16xf32, #tpu.memory_space<vmem>>) dst(%dma_wait3A_132 : memref<10000x16xf32, #tpu.memory_space<vmem_shared>>)
        tpu.yield
      }) : () -> ()
      %mul3A_77 = arith.constant 20 : i32
      %mul3A_78 = arith.muli %while3A_33, %mul3A_77 : i32
      %add3A_79 = arith.constant 10 : i32
      %add3A_80 = arith.addi %mul3A_78, %add3A_79 : i32
      "tpu.region"() ({
        %run_scoped3A = tpu.sem_alloc : memref<!tpu.dma_semaphore, #tpu.memory_space<semaphore_mem>>
        %dma_start3A = arith.constant 1280 : i32
        %dma_start3A_117 = arith.constant 0 : i32
        %dma_start3A_118 = tpu.memref_slice %arg7[%dma_start3A, %dma_start3A_117] : memref<2560x16xf32, #tpu.memory_space<vmem>> -> memref<128x16xf32, #tpu.memory_space<vmem>>
        %dma_start3A_119 = arith.constant 0 : i32
        %dma_start3A_120 = tpu.memref_slice %arg6[%add3A_80, %dma_start3A_119] : memref<80x128xi32, #tpu.memory_space<vmem>> -> memref<1x128xi32, #tpu.memory_space<vmem>>
        %dma_start3A_121 = tpu.memref_squeeze %dma_start3A_120 : memref<1x128xi32, #tpu.memory_space<vmem>> -> memref<128xi32, #tpu.memory_space<vmem>>
        %dma_start3A_122 = arith.constant 0 : i32
        %dma_start3A_123 = arith.constant 0 : i32
        %dma_start3A_124 = tpu.memref_slice %arg8[%dma_start3A_122, %dma_start3A_123] : memref<10000x16xf32, #tpu.memory_space<vmem_shared>> -> memref<10000x16xf32, #tpu.memory_space<vmem_shared>>
        tpu.enqueue_indirect_dma source(%dma_start3A_118 : memref<128x16xf32, #tpu.memory_space<vmem>>) target(%dma_start3A_124 : memref<10000x16xf32, #tpu.memory_space<vmem_shared>>) offsets(%dma_start3A_121 : memref<128xi32, #tpu.memory_space<vmem>>) semaphore(%run_scoped3A : memref<!tpu.dma_semaphore, #tpu.memory_space<semaphore_mem>>) {add = true}
        %dma_wait3A = arith.constant 1280 : i32
        %dma_wait3A_125 = arith.constant 0 : i32
        %dma_wait3A_126 = tpu.memref_slice %arg7[%dma_wait3A, %dma_wait3A_125] : memref<2560x16xf32, #tpu.memory_space<vmem>> -> memref<128x16xf32, #tpu.memory_space<vmem>>
        %dma_wait3A_127 = arith.constant 0 : i32
        %dma_wait3A_128 = tpu.memref_slice %arg6[%add3A_80, %dma_wait3A_127] : memref<80x128xi32, #tpu.memory_space<vmem>> -> memref<1x128xi32, #tpu.memory_space<vmem>>
        %dma_wait3A_129 = tpu.memref_squeeze %dma_wait3A_128 : memref<1x128xi32, #tpu.memory_space<vmem>> -> memref<128xi32, #tpu.memory_space<vmem>>
        %dma_wait3A_130 = arith.constant 0 : i32
        %dma_wait3A_131 = arith.constant 0 : i32
        %dma_wait3A_132 = tpu.memref_slice %arg8[%dma_wait3A_130, %dma_wait3A_131] : memref<10000x16xf32, #tpu.memory_space<vmem_shared>> -> memref<10000x16xf32, #tpu.memory_space<vmem_shared>>
        tpu.wait_indirect_dma semaphore(%run_scoped3A : memref<!tpu.dma_semaphore, #tpu.memory_space<semaphore_mem>>) src(%dma_wait3A_126 : memref<128x16xf32, #tpu.memory_space<vmem>>) dst(%dma_wait3A_132 : memref<10000x16xf32, #tpu.memory_space<vmem_shared>>)
        tpu.yield
      }) : () -> ()
      %mul3A_81 = arith.constant 20 : i32
      %mul3A_82 = arith.muli %while3A_33, %mul3A_81 : i32
      %add3A_83 = arith.constant 11 : i32
      %add3A_84 = arith.addi %mul3A_82, %add3A_83 : i32
      "tpu.region"() ({
        %run_scoped3A = tpu.sem_alloc : memref<!tpu.dma_semaphore, #tpu.memory_space<semaphore_mem>>
        %dma_start3A = arith.constant 1408 : i32
        %dma_start3A_117 = arith.constant 0 : i32
        %dma_start3A_118 = tpu.memref_slice %arg7[%dma_start3A, %dma_start3A_117] : memref<2560x16xf32, #tpu.memory_space<vmem>> -> memref<128x16xf32, #tpu.memory_space<vmem>>
        %dma_start3A_119 = arith.constant 0 : i32
        %dma_start3A_120 = tpu.memref_slice %arg6[%add3A_84, %dma_start3A_119] : memref<80x128xi32, #tpu.memory_space<vmem>> -> memref<1x128xi32, #tpu.memory_space<vmem>>
        %dma_start3A_121 = tpu.memref_squeeze %dma_start3A_120 : memref<1x128xi32, #tpu.memory_space<vmem>> -> memref<128xi32, #tpu.memory_space<vmem>>
        %dma_start3A_122 = arith.constant 0 : i32
        %dma_start3A_123 = arith.constant 0 : i32
        %dma_start3A_124 = tpu.memref_slice %arg8[%dma_start3A_122, %dma_start3A_123] : memref<10000x16xf32, #tpu.memory_space<vmem_shared>> -> memref<10000x16xf32, #tpu.memory_space<vmem_shared>>
        tpu.enqueue_indirect_dma source(%dma_start3A_118 : memref<128x16xf32, #tpu.memory_space<vmem>>) target(%dma_start3A_124 : memref<10000x16xf32, #tpu.memory_space<vmem_shared>>) offsets(%dma_start3A_121 : memref<128xi32, #tpu.memory_space<vmem>>) semaphore(%run_scoped3A : memref<!tpu.dma_semaphore, #tpu.memory_space<semaphore_mem>>) {add = true}
        %dma_wait3A = arith.constant 1408 : i32
        %dma_wait3A_125 = arith.constant 0 : i32
        %dma_wait3A_126 = tpu.memref_slice %arg7[%dma_wait3A, %dma_wait3A_125] : memref<2560x16xf32, #tpu.memory_space<vmem>> -> memref<128x16xf32, #tpu.memory_space<vmem>>
        %dma_wait3A_127 = arith.constant 0 : i32
        %dma_wait3A_128 = tpu.memref_slice %arg6[%add3A_84, %dma_wait3A_127] : memref<80x128xi32, #tpu.memory_space<vmem>> -> memref<1x128xi32, #tpu.memory_space<vmem>>
        %dma_wait3A_129 = tpu.memref_squeeze %dma_wait3A_128 : memref<1x128xi32, #tpu.memory_space<vmem>> -> memref<128xi32, #tpu.memory_space<vmem>>
        %dma_wait3A_130 = arith.constant 0 : i32
        %dma_wait3A_131 = arith.constant 0 : i32
        %dma_wait3A_132 = tpu.memref_slice %arg8[%dma_wait3A_130, %dma_wait3A_131] : memref<10000x16xf32, #tpu.memory_space<vmem_shared>> -> memref<10000x16xf32, #tpu.memory_space<vmem_shared>>
        tpu.wait_indirect_dma semaphore(%run_scoped3A : memref<!tpu.dma_semaphore, #tpu.memory_space<semaphore_mem>>) src(%dma_wait3A_126 : memref<128x16xf32, #tpu.memory_space<vmem>>) dst(%dma_wait3A_132 : memref<10000x16xf32, #tpu.memory_space<vmem_shared>>)
        tpu.yield
      }) : () -> ()
      %mul3A_85 = arith.constant 20 : i32
      %mul3A_86 = arith.muli %while3A_33, %mul3A_85 : i32
      %add3A_87 = arith.constant 12 : i32
      %add3A_88 = arith.addi %mul3A_86, %add3A_87 : i32
      "tpu.region"() ({
        %run_scoped3A = tpu.sem_alloc : memref<!tpu.dma_semaphore, #tpu.memory_space<semaphore_mem>>
        %dma_start3A = arith.constant 1536 : i32
        %dma_start3A_117 = arith.constant 0 : i32
        %dma_start3A_118 = tpu.memref_slice %arg7[%dma_start3A, %dma_start3A_117] : memref<2560x16xf32, #tpu.memory_space<vmem>> -> memref<128x16xf32, #tpu.memory_space<vmem>>
        %dma_start3A_119 = arith.constant 0 : i32
        %dma_start3A_120 = tpu.memref_slice %arg6[%add3A_88, %dma_start3A_119] : memref<80x128xi32, #tpu.memory_space<vmem>> -> memref<1x128xi32, #tpu.memory_space<vmem>>
        %dma_start3A_121 = tpu.memref_squeeze %dma_start3A_120 : memref<1x128xi32, #tpu.memory_space<vmem>> -> memref<128xi32, #tpu.memory_space<vmem>>
        %dma_start3A_122 = arith.constant 0 : i32
        %dma_start3A_123 = arith.constant 0 : i32
        %dma_start3A_124 = tpu.memref_slice %arg8[%dma_start3A_122, %dma_start3A_123] : memref<10000x16xf32, #tpu.memory_space<vmem_shared>> -> memref<10000x16xf32, #tpu.memory_space<vmem_shared>>
        tpu.enqueue_indirect_dma source(%dma_start3A_118 : memref<128x16xf32, #tpu.memory_space<vmem>>) target(%dma_start3A_124 : memref<10000x16xf32, #tpu.memory_space<vmem_shared>>) offsets(%dma_start3A_121 : memref<128xi32, #tpu.memory_space<vmem>>) semaphore(%run_scoped3A : memref<!tpu.dma_semaphore, #tpu.memory_space<semaphore_mem>>) {add = true}
        %dma_wait3A = arith.constant 1536 : i32
        %dma_wait3A_125 = arith.constant 0 : i32
        %dma_wait3A_126 = tpu.memref_slice %arg7[%dma_wait3A, %dma_wait3A_125] : memref<2560x16xf32, #tpu.memory_space<vmem>> -> memref<128x16xf32, #tpu.memory_space<vmem>>
        %dma_wait3A_127 = arith.constant 0 : i32
        %dma_wait3A_128 = tpu.memref_slice %arg6[%add3A_88, %dma_wait3A_127] : memref<80x128xi32, #tpu.memory_space<vmem>> -> memref<1x128xi32, #tpu.memory_space<vmem>>
        %dma_wait3A_129 = tpu.memref_squeeze %dma_wait3A_128 : memref<1x128xi32, #tpu.memory_space<vmem>> -> memref<128xi32, #tpu.memory_space<vmem>>
        %dma_wait3A_130 = arith.constant 0 : i32
        %dma_wait3A_131 = arith.constant 0 : i32
        %dma_wait3A_132 = tpu.memref_slice %arg8[%dma_wait3A_130, %dma_wait3A_131] : memref<10000x16xf32, #tpu.memory_space<vmem_shared>> -> memref<10000x16xf32, #tpu.memory_space<vmem_shared>>
        tpu.wait_indirect_dma semaphore(%run_scoped3A : memref<!tpu.dma_semaphore, #tpu.memory_space<semaphore_mem>>) src(%dma_wait3A_126 : memref<128x16xf32, #tpu.memory_space<vmem>>) dst(%dma_wait3A_132 : memref<10000x16xf32, #tpu.memory_space<vmem_shared>>)
        tpu.yield
      }) : () -> ()
      %mul3A_89 = arith.constant 20 : i32
      %mul3A_90 = arith.muli %while3A_33, %mul3A_89 : i32
      %add3A_91 = arith.constant 13 : i32
      %add3A_92 = arith.addi %mul3A_90, %add3A_91 : i32
      "tpu.region"() ({
        %run_scoped3A = tpu.sem_alloc : memref<!tpu.dma_semaphore, #tpu.memory_space<semaphore_mem>>
        %dma_start3A = arith.constant 1664 : i32
        %dma_start3A_117 = arith.constant 0 : i32
        %dma_start3A_118 = tpu.memref_slice %arg7[%dma_start3A, %dma_start3A_117] : memref<2560x16xf32, #tpu.memory_space<vmem>> -> memref<128x16xf32, #tpu.memory_space<vmem>>
        %dma_start3A_119 = arith.constant 0 : i32
        %dma_start3A_120 = tpu.memref_slice %arg6[%add3A_92, %dma_start3A_119] : memref<80x128xi32, #tpu.memory_space<vmem>> -> memref<1x128xi32, #tpu.memory_space<vmem>>
        %dma_start3A_121 = tpu.memref_squeeze %dma_start3A_120 : memref<1x128xi32, #tpu.memory_space<vmem>> -> memref<128xi32, #tpu.memory_space<vmem>>
        %dma_start3A_122 = arith.constant 0 : i32
        %dma_start3A_123 = arith.constant 0 : i32
        %dma_start3A_124 = tpu.memref_slice %arg8[%dma_start3A_122, %dma_start3A_123] : memref<10000x16xf32, #tpu.memory_space<vmem_shared>> -> memref<10000x16xf32, #tpu.memory_space<vmem_shared>>
        tpu.enqueue_indirect_dma source(%dma_start3A_118 : memref<128x16xf32, #tpu.memory_space<vmem>>) target(%dma_start3A_124 : memref<10000x16xf32, #tpu.memory_space<vmem_shared>>) offsets(%dma_start3A_121 : memref<128xi32, #tpu.memory_space<vmem>>) semaphore(%run_scoped3A : memref<!tpu.dma_semaphore, #tpu.memory_space<semaphore_mem>>) {add = true}
        %dma_wait3A = arith.constant 1664 : i32
        %dma_wait3A_125 = arith.constant 0 : i32
        %dma_wait3A_126 = tpu.memref_slice %arg7[%dma_wait3A, %dma_wait3A_125] : memref<2560x16xf32, #tpu.memory_space<vmem>> -> memref<128x16xf32, #tpu.memory_space<vmem>>
        %dma_wait3A_127 = arith.constant 0 : i32
        %dma_wait3A_128 = tpu.memref_slice %arg6[%add3A_92, %dma_wait3A_127] : memref<80x128xi32, #tpu.memory_space<vmem>> -> memref<1x128xi32, #tpu.memory_space<vmem>>
        %dma_wait3A_129 = tpu.memref_squeeze %dma_wait3A_128 : memref<1x128xi32, #tpu.memory_space<vmem>> -> memref<128xi32, #tpu.memory_space<vmem>>
        %dma_wait3A_130 = arith.constant 0 : i32
        %dma_wait3A_131 = arith.constant 0 : i32
        %dma_wait3A_132 = tpu.memref_slice %arg8[%dma_wait3A_130, %dma_wait3A_131] : memref<10000x16xf32, #tpu.memory_space<vmem_shared>> -> memref<10000x16xf32, #tpu.memory_space<vmem_shared>>
        tpu.wait_indirect_dma semaphore(%run_scoped3A : memref<!tpu.dma_semaphore, #tpu.memory_space<semaphore_mem>>) src(%dma_wait3A_126 : memref<128x16xf32, #tpu.memory_space<vmem>>) dst(%dma_wait3A_132 : memref<10000x16xf32, #tpu.memory_space<vmem_shared>>)
        tpu.yield
      }) : () -> ()
      %mul3A_93 = arith.constant 20 : i32
      %mul3A_94 = arith.muli %while3A_33, %mul3A_93 : i32
      %add3A_95 = arith.constant 14 : i32
      %add3A_96 = arith.addi %mul3A_94, %add3A_95 : i32
      "tpu.region"() ({
        %run_scoped3A = tpu.sem_alloc : memref<!tpu.dma_semaphore, #tpu.memory_space<semaphore_mem>>
        %dma_start3A = arith.constant 1792 : i32
        %dma_start3A_117 = arith.constant 0 : i32
        %dma_start3A_118 = tpu.memref_slice %arg7[%dma_start3A, %dma_start3A_117] : memref<2560x16xf32, #tpu.memory_space<vmem>> -> memref<128x16xf32, #tpu.memory_space<vmem>>
        %dma_start3A_119 = arith.constant 0 : i32
        %dma_start3A_120 = tpu.memref_slice %arg6[%add3A_96, %dma_start3A_119] : memref<80x128xi32, #tpu.memory_space<vmem>> -> memref<1x128xi32, #tpu.memory_space<vmem>>
        %dma_start3A_121 = tpu.memref_squeeze %dma_start3A_120 : memref<1x128xi32, #tpu.memory_space<vmem>> -> memref<128xi32, #tpu.memory_space<vmem>>
        %dma_start3A_122 = arith.constant 0 : i32
        %dma_start3A_123 = arith.constant 0 : i32
        %dma_start3A_124 = tpu.memref_slice %arg8[%dma_start3A_122, %dma_start3A_123] : memref<10000x16xf32, #tpu.memory_space<vmem_shared>> -> memref<10000x16xf32, #tpu.memory_space<vmem_shared>>
        tpu.enqueue_indirect_dma source(%dma_start3A_118 : memref<128x16xf32, #tpu.memory_space<vmem>>) target(%dma_start3A_124 : memref<10000x16xf32, #tpu.memory_space<vmem_shared>>) offsets(%dma_start3A_121 : memref<128xi32, #tpu.memory_space<vmem>>) semaphore(%run_scoped3A : memref<!tpu.dma_semaphore, #tpu.memory_space<semaphore_mem>>) {add = true}
        %dma_wait3A = arith.constant 1792 : i32
        %dma_wait3A_125 = arith.constant 0 : i32
        %dma_wait3A_126 = tpu.memref_slice %arg7[%dma_wait3A, %dma_wait3A_125] : memref<2560x16xf32, #tpu.memory_space<vmem>> -> memref<128x16xf32, #tpu.memory_space<vmem>>
        %dma_wait3A_127 = arith.constant 0 : i32
        %dma_wait3A_128 = tpu.memref_slice %arg6[%add3A_96, %dma_wait3A_127] : memref<80x128xi32, #tpu.memory_space<vmem>> -> memref<1x128xi32, #tpu.memory_space<vmem>>
        %dma_wait3A_129 = tpu.memref_squeeze %dma_wait3A_128 : memref<1x128xi32, #tpu.memory_space<vmem>> -> memref<128xi32, #tpu.memory_space<vmem>>
        %dma_wait3A_130 = arith.constant 0 : i32
        %dma_wait3A_131 = arith.constant 0 : i32
        %dma_wait3A_132 = tpu.memref_slice %arg8[%dma_wait3A_130, %dma_wait3A_131] : memref<10000x16xf32, #tpu.memory_space<vmem_shared>> -> memref<10000x16xf32, #tpu.memory_space<vmem_shared>>
        tpu.wait_indirect_dma semaphore(%run_scoped3A : memref<!tpu.dma_semaphore, #tpu.memory_space<semaphore_mem>>) src(%dma_wait3A_126 : memref<128x16xf32, #tpu.memory_space<vmem>>) dst(%dma_wait3A_132 : memref<10000x16xf32, #tpu.memory_space<vmem_shared>>)
        tpu.yield
      }) : () -> ()
      %mul3A_97 = arith.constant 20 : i32
      %mul3A_98 = arith.muli %while3A_33, %mul3A_97 : i32
      %add3A_99 = arith.constant 15 : i32
      %add3A_100 = arith.addi %mul3A_98, %add3A_99 : i32
      "tpu.region"() ({
        %run_scoped3A = tpu.sem_alloc : memref<!tpu.dma_semaphore, #tpu.memory_space<semaphore_mem>>
        %dma_start3A = arith.constant 1920 : i32
        %dma_start3A_117 = arith.constant 0 : i32
        %dma_start3A_118 = tpu.memref_slice %arg7[%dma_start3A, %dma_start3A_117] : memref<2560x16xf32, #tpu.memory_space<vmem>> -> memref<128x16xf32, #tpu.memory_space<vmem>>
        %dma_start3A_119 = arith.constant 0 : i32
        %dma_start3A_120 = tpu.memref_slice %arg6[%add3A_100, %dma_start3A_119] : memref<80x128xi32, #tpu.memory_space<vmem>> -> memref<1x128xi32, #tpu.memory_space<vmem>>
        %dma_start3A_121 = tpu.memref_squeeze %dma_start3A_120 : memref<1x128xi32, #tpu.memory_space<vmem>> -> memref<128xi32, #tpu.memory_space<vmem>>
        %dma_start3A_122 = arith.constant 0 : i32
        %dma_start3A_123 = arith.constant 0 : i32
        %dma_start3A_124 = tpu.memref_slice %arg8[%dma_start3A_122, %dma_start3A_123] : memref<10000x16xf32, #tpu.memory_space<vmem_shared>> -> memref<10000x16xf32, #tpu.memory_space<vmem_shared>>
        tpu.enqueue_indirect_dma source(%dma_start3A_118 : memref<128x16xf32, #tpu.memory_space<vmem>>) target(%dma_start3A_124 : memref<10000x16xf32, #tpu.memory_space<vmem_shared>>) offsets(%dma_start3A_121 : memref<128xi32, #tpu.memory_space<vmem>>) semaphore(%run_scoped3A : memref<!tpu.dma_semaphore, #tpu.memory_space<semaphore_mem>>) {add = true}
        %dma_wait3A = arith.constant 1920 : i32
        %dma_wait3A_125 = arith.constant 0 : i32
        %dma_wait3A_126 = tpu.memref_slice %arg7[%dma_wait3A, %dma_wait3A_125] : memref<2560x16xf32, #tpu.memory_space<vmem>> -> memref<128x16xf32, #tpu.memory_space<vmem>>
        %dma_wait3A_127 = arith.constant 0 : i32
        %dma_wait3A_128 = tpu.memref_slice %arg6[%add3A_100, %dma_wait3A_127] : memref<80x128xi32, #tpu.memory_space<vmem>> -> memref<1x128xi32, #tpu.memory_space<vmem>>
        %dma_wait3A_129 = tpu.memref_squeeze %dma_wait3A_128 : memref<1x128xi32, #tpu.memory_space<vmem>> -> memref<128xi32, #tpu.memory_space<vmem>>
        %dma_wait3A_130 = arith.constant 0 : i32
        %dma_wait3A_131 = arith.constant 0 : i32
        %dma_wait3A_132 = tpu.memref_slice %arg8[%dma_wait3A_130, %dma_wait3A_131] : memref<10000x16xf32, #tpu.memory_space<vmem_shared>> -> memref<10000x16xf32, #tpu.memory_space<vmem_shared>>
        tpu.wait_indirect_dma semaphore(%run_scoped3A : memref<!tpu.dma_semaphore, #tpu.memory_space<semaphore_mem>>) src(%dma_wait3A_126 : memref<128x16xf32, #tpu.memory_space<vmem>>) dst(%dma_wait3A_132 : memref<10000x16xf32, #tpu.memory_space<vmem_shared>>)
        tpu.yield
      }) : () -> ()
      %mul3A_101 = arith.constant 20 : i32
      %mul3A_102 = arith.muli %while3A_33, %mul3A_101 : i32
      %add3A_103 = arith.constant 16 : i32
      %add3A_104 = arith.addi %mul3A_102, %add3A_103 : i32
      "tpu.region"() ({
        %run_scoped3A = tpu.sem_alloc : memref<!tpu.dma_semaphore, #tpu.memory_space<semaphore_mem>>
        %dma_start3A = arith.constant 2048 : i32
        %dma_start3A_117 = arith.constant 0 : i32
        %dma_start3A_118 = tpu.memref_slice %arg7[%dma_start3A, %dma_start3A_117] : memref<2560x16xf32, #tpu.memory_space<vmem>> -> memref<128x16xf32, #tpu.memory_space<vmem>>
        %dma_start3A_119 = arith.constant 0 : i32
        %dma_start3A_120 = tpu.memref_slice %arg6[%add3A_104, %dma_start3A_119] : memref<80x128xi32, #tpu.memory_space<vmem>> -> memref<1x128xi32, #tpu.memory_space<vmem>>
        %dma_start3A_121 = tpu.memref_squeeze %dma_start3A_120 : memref<1x128xi32, #tpu.memory_space<vmem>> -> memref<128xi32, #tpu.memory_space<vmem>>
        %dma_start3A_122 = arith.constant 0 : i32
        %dma_start3A_123 = arith.constant 0 : i32
        %dma_start3A_124 = tpu.memref_slice %arg8[%dma_start3A_122, %dma_start3A_123] : memref<10000x16xf32, #tpu.memory_space<vmem_shared>> -> memref<10000x16xf32, #tpu.memory_space<vmem_shared>>
        tpu.enqueue_indirect_dma source(%dma_start3A_118 : memref<128x16xf32, #tpu.memory_space<vmem>>) target(%dma_start3A_124 : memref<10000x16xf32, #tpu.memory_space<vmem_shared>>) offsets(%dma_start3A_121 : memref<128xi32, #tpu.memory_space<vmem>>) semaphore(%run_scoped3A : memref<!tpu.dma_semaphore, #tpu.memory_space<semaphore_mem>>) {add = true}
        %dma_wait3A = arith.constant 2048 : i32
        %dma_wait3A_125 = arith.constant 0 : i32
        %dma_wait3A_126 = tpu.memref_slice %arg7[%dma_wait3A, %dma_wait3A_125] : memref<2560x16xf32, #tpu.memory_space<vmem>> -> memref<128x16xf32, #tpu.memory_space<vmem>>
        %dma_wait3A_127 = arith.constant 0 : i32
        %dma_wait3A_128 = tpu.memref_slice %arg6[%add3A_104, %dma_wait3A_127] : memref<80x128xi32, #tpu.memory_space<vmem>> -> memref<1x128xi32, #tpu.memory_space<vmem>>
        %dma_wait3A_129 = tpu.memref_squeeze %dma_wait3A_128 : memref<1x128xi32, #tpu.memory_space<vmem>> -> memref<128xi32, #tpu.memory_space<vmem>>
        %dma_wait3A_130 = arith.constant 0 : i32
        %dma_wait3A_131 = arith.constant 0 : i32
        %dma_wait3A_132 = tpu.memref_slice %arg8[%dma_wait3A_130, %dma_wait3A_131] : memref<10000x16xf32, #tpu.memory_space<vmem_shared>> -> memref<10000x16xf32, #tpu.memory_space<vmem_shared>>
        tpu.wait_indirect_dma semaphore(%run_scoped3A : memref<!tpu.dma_semaphore, #tpu.memory_space<semaphore_mem>>) src(%dma_wait3A_126 : memref<128x16xf32, #tpu.memory_space<vmem>>) dst(%dma_wait3A_132 : memref<10000x16xf32, #tpu.memory_space<vmem_shared>>)
        tpu.yield
      }) : () -> ()
      %mul3A_105 = arith.constant 20 : i32
      %mul3A_106 = arith.muli %while3A_33, %mul3A_105 : i32
      %add3A_107 = arith.constant 17 : i32
      %add3A_108 = arith.addi %mul3A_106, %add3A_107 : i32
      "tpu.region"() ({
        %run_scoped3A = tpu.sem_alloc : memref<!tpu.dma_semaphore, #tpu.memory_space<semaphore_mem>>
        %dma_start3A = arith.constant 2176 : i32
        %dma_start3A_117 = arith.constant 0 : i32
        %dma_start3A_118 = tpu.memref_slice %arg7[%dma_start3A, %dma_start3A_117] : memref<2560x16xf32, #tpu.memory_space<vmem>> -> memref<128x16xf32, #tpu.memory_space<vmem>>
        %dma_start3A_119 = arith.constant 0 : i32
        %dma_start3A_120 = tpu.memref_slice %arg6[%add3A_108, %dma_start3A_119] : memref<80x128xi32, #tpu.memory_space<vmem>> -> memref<1x128xi32, #tpu.memory_space<vmem>>
        %dma_start3A_121 = tpu.memref_squeeze %dma_start3A_120 : memref<1x128xi32, #tpu.memory_space<vmem>> -> memref<128xi32, #tpu.memory_space<vmem>>
        %dma_start3A_122 = arith.constant 0 : i32
        %dma_start3A_123 = arith.constant 0 : i32
        %dma_start3A_124 = tpu.memref_slice %arg8[%dma_start3A_122, %dma_start3A_123] : memref<10000x16xf32, #tpu.memory_space<vmem_shared>> -> memref<10000x16xf32, #tpu.memory_space<vmem_shared>>
        tpu.enqueue_indirect_dma source(%dma_start3A_118 : memref<128x16xf32, #tpu.memory_space<vmem>>) target(%dma_start3A_124 : memref<10000x16xf32, #tpu.memory_space<vmem_shared>>) offsets(%dma_start3A_121 : memref<128xi32, #tpu.memory_space<vmem>>) semaphore(%run_scoped3A : memref<!tpu.dma_semaphore, #tpu.memory_space<semaphore_mem>>) {add = true}
        %dma_wait3A = arith.constant 2176 : i32
        %dma_wait3A_125 = arith.constant 0 : i32
        %dma_wait3A_126 = tpu.memref_slice %arg7[%dma_wait3A, %dma_wait3A_125] : memref<2560x16xf32, #tpu.memory_space<vmem>> -> memref<128x16xf32, #tpu.memory_space<vmem>>
        %dma_wait3A_127 = arith.constant 0 : i32
        %dma_wait3A_128 = tpu.memref_slice %arg6[%add3A_108, %dma_wait3A_127] : memref<80x128xi32, #tpu.memory_space<vmem>> -> memref<1x128xi32, #tpu.memory_space<vmem>>
        %dma_wait3A_129 = tpu.memref_squeeze %dma_wait3A_128 : memref<1x128xi32, #tpu.memory_space<vmem>> -> memref<128xi32, #tpu.memory_space<vmem>>
        %dma_wait3A_130 = arith.constant 0 : i32
        %dma_wait3A_131 = arith.constant 0 : i32
        %dma_wait3A_132 = tpu.memref_slice %arg8[%dma_wait3A_130, %dma_wait3A_131] : memref<10000x16xf32, #tpu.memory_space<vmem_shared>> -> memref<10000x16xf32, #tpu.memory_space<vmem_shared>>
        tpu.wait_indirect_dma semaphore(%run_scoped3A : memref<!tpu.dma_semaphore, #tpu.memory_space<semaphore_mem>>) src(%dma_wait3A_126 : memref<128x16xf32, #tpu.memory_space<vmem>>) dst(%dma_wait3A_132 : memref<10000x16xf32, #tpu.memory_space<vmem_shared>>)
        tpu.yield
      }) : () -> ()
      %mul3A_109 = arith.constant 20 : i32
      %mul3A_110 = arith.muli %while3A_33, %mul3A_109 : i32
      %add3A_111 = arith.constant 18 : i32
      %add3A_112 = arith.addi %mul3A_110, %add3A_111 : i32
      "tpu.region"() ({
        %run_scoped3A = tpu.sem_alloc : memref<!tpu.dma_semaphore, #tpu.memory_space<semaphore_mem>>
        %dma_start3A = arith.constant 2304 : i32
        %dma_start3A_117 = arith.constant 0 : i32
        %dma_start3A_118 = tpu.memref_slice %arg7[%dma_start3A, %dma_start3A_117] : memref<2560x16xf32, #tpu.memory_space<vmem>> -> memref<128x16xf32, #tpu.memory_space<vmem>>
        %dma_start3A_119 = arith.constant 0 : i32
        %dma_start3A_120 = tpu.memref_slice %arg6[%add3A_112, %dma_start3A_119] : memref<80x128xi32, #tpu.memory_space<vmem>> -> memref<1x128xi32, #tpu.memory_space<vmem>>
        %dma_start3A_121 = tpu.memref_squeeze %dma_start3A_120 : memref<1x128xi32, #tpu.memory_space<vmem>> -> memref<128xi32, #tpu.memory_space<vmem>>
        %dma_start3A_122 = arith.constant 0 : i32
        %dma_start3A_123 = arith.constant 0 : i32
        %dma_start3A_124 = tpu.memref_slice %arg8[%dma_start3A_122, %dma_start3A_123] : memref<10000x16xf32, #tpu.memory_space<vmem_shared>> -> memref<10000x16xf32, #tpu.memory_space<vmem_shared>>
        tpu.enqueue_indirect_dma source(%dma_start3A_118 : memref<128x16xf32, #tpu.memory_space<vmem>>) target(%dma_start3A_124 : memref<10000x16xf32, #tpu.memory_space<vmem_shared>>) offsets(%dma_start3A_121 : memref<128xi32, #tpu.memory_space<vmem>>) semaphore(%run_scoped3A : memref<!tpu.dma_semaphore, #tpu.memory_space<semaphore_mem>>) {add = true}
        %dma_wait3A = arith.constant 2304 : i32
        %dma_wait3A_125 = arith.constant 0 : i32
        %dma_wait3A_126 = tpu.memref_slice %arg7[%dma_wait3A, %dma_wait3A_125] : memref<2560x16xf32, #tpu.memory_space<vmem>> -> memref<128x16xf32, #tpu.memory_space<vmem>>
        %dma_wait3A_127 = arith.constant 0 : i32
        %dma_wait3A_128 = tpu.memref_slice %arg6[%add3A_112, %dma_wait3A_127] : memref<80x128xi32, #tpu.memory_space<vmem>> -> memref<1x128xi32, #tpu.memory_space<vmem>>
        %dma_wait3A_129 = tpu.memref_squeeze %dma_wait3A_128 : memref<1x128xi32, #tpu.memory_space<vmem>> -> memref<128xi32, #tpu.memory_space<vmem>>
        %dma_wait3A_130 = arith.constant 0 : i32
        %dma_wait3A_131 = arith.constant 0 : i32
        %dma_wait3A_132 = tpu.memref_slice %arg8[%dma_wait3A_130, %dma_wait3A_131] : memref<10000x16xf32, #tpu.memory_space<vmem_shared>> -> memref<10000x16xf32, #tpu.memory_space<vmem_shared>>
        tpu.wait_indirect_dma semaphore(%run_scoped3A : memref<!tpu.dma_semaphore, #tpu.memory_space<semaphore_mem>>) src(%dma_wait3A_126 : memref<128x16xf32, #tpu.memory_space<vmem>>) dst(%dma_wait3A_132 : memref<10000x16xf32, #tpu.memory_space<vmem_shared>>)
        tpu.yield
      }) : () -> ()
      %mul3A_113 = arith.constant 20 : i32
      %mul3A_114 = arith.muli %while3A_33, %mul3A_113 : i32
      %add3A_115 = arith.constant 19 : i32
      %add3A_116 = arith.addi %mul3A_114, %add3A_115 : i32
      "tpu.region"() ({
        %run_scoped3A = tpu.sem_alloc : memref<!tpu.dma_semaphore, #tpu.memory_space<semaphore_mem>>
        %dma_start3A = arith.constant 2432 : i32
        %dma_start3A_117 = arith.constant 0 : i32
        %dma_start3A_118 = tpu.memref_slice %arg7[%dma_start3A, %dma_start3A_117] : memref<2560x16xf32, #tpu.memory_space<vmem>> -> memref<128x16xf32, #tpu.memory_space<vmem>>
        %dma_start3A_119 = arith.constant 0 : i32
        %dma_start3A_120 = tpu.memref_slice %arg6[%add3A_116, %dma_start3A_119] : memref<80x128xi32, #tpu.memory_space<vmem>> -> memref<1x128xi32, #tpu.memory_space<vmem>>
        %dma_start3A_121 = tpu.memref_squeeze %dma_start3A_120 : memref<1x128xi32, #tpu.memory_space<vmem>> -> memref<128xi32, #tpu.memory_space<vmem>>
        %dma_start3A_122 = arith.constant 0 : i32
        %dma_start3A_123 = arith.constant 0 : i32
        %dma_start3A_124 = tpu.memref_slice %arg8[%dma_start3A_122, %dma_start3A_123] : memref<10000x16xf32, #tpu.memory_space<vmem_shared>> -> memref<10000x16xf32, #tpu.memory_space<vmem_shared>>
        tpu.enqueue_indirect_dma source(%dma_start3A_118 : memref<128x16xf32, #tpu.memory_space<vmem>>) target(%dma_start3A_124 : memref<10000x16xf32, #tpu.memory_space<vmem_shared>>) offsets(%dma_start3A_121 : memref<128xi32, #tpu.memory_space<vmem>>) semaphore(%run_scoped3A : memref<!tpu.dma_semaphore, #tpu.memory_space<semaphore_mem>>) {add = true}
        %dma_wait3A = arith.constant 2432 : i32
        %dma_wait3A_125 = arith.constant 0 : i32
        %dma_wait3A_126 = tpu.memref_slice %arg7[%dma_wait3A, %dma_wait3A_125] : memref<2560x16xf32, #tpu.memory_space<vmem>> -> memref<128x16xf32, #tpu.memory_space<vmem>>
        %dma_wait3A_127 = arith.constant 0 : i32
        %dma_wait3A_128 = tpu.memref_slice %arg6[%add3A_116, %dma_wait3A_127] : memref<80x128xi32, #tpu.memory_space<vmem>> -> memref<1x128xi32, #tpu.memory_space<vmem>>
        %dma_wait3A_129 = tpu.memref_squeeze %dma_wait3A_128 : memref<1x128xi32, #tpu.memory_space<vmem>> -> memref<128xi32, #tpu.memory_space<vmem>>
        %dma_wait3A_130 = arith.constant 0 : i32
        %dma_wait3A_131 = arith.constant 0 : i32
        %dma_wait3A_132 = tpu.memref_slice %arg8[%dma_wait3A_130, %dma_wait3A_131] : memref<10000x16xf32, #tpu.memory_space<vmem_shared>> -> memref<10000x16xf32, #tpu.memory_space<vmem_shared>>
        tpu.wait_indirect_dma semaphore(%run_scoped3A : memref<!tpu.dma_semaphore, #tpu.memory_space<semaphore_mem>>) src(%dma_wait3A_126 : memref<128x16xf32, #tpu.memory_space<vmem>>) dst(%dma_wait3A_132 : memref<10000x16xf32, #tpu.memory_space<vmem_shared>>)
        tpu.yield
      }) : () -> ()
    }
    %while3A_27 = arith.constant 1 : i32
    scf.for %while3A_33 = %while3A_25 to %while3A_21 step %while3A_27  : i32 {
      %add3A_34 = arith.addi %select_n3A_12, %while3A_33 : i32
      %mul3A_35 = arith.constant 2560 : i32
      %mul3A_36 = arith.muli %add3A_34, %mul3A_35 : i32
      "tpu.region"() ({
        %run_scoped3A = tpu.sem_alloc : memref<!tpu.dma_semaphore, #tpu.memory_space<semaphore_mem>>
        %dma_start3A = arith.constant 0 : i32
        %dma_start3A_117 = tpu.memref_slice %arg2[%mul3A_36, %dma_start3A] : memref<320000x16xf32, #tpu.memory_space<hbm>> -> memref<2560x16xf32, #tpu.memory_space<hbm>>
        %dma_start3A_118 = arith.constant 0 : i32
        %dma_start3A_119 = tpu.memref_slice %arg2[%mul3A_36, %dma_start3A_118] : memref<320000x16xf32, #tpu.memory_space<hbm>> -> memref<2560x16xf32, #tpu.memory_space<hbm>>
        tpu.enqueue_dma source(%dma_start3A_119 : memref<2560x16xf32, #tpu.memory_space<hbm>>) target(%arg7 : memref<2560x16xf32, #tpu.memory_space<vmem>>) target_semaphore(%run_scoped3A : memref<!tpu.dma_semaphore, #tpu.memory_space<semaphore_mem>>)
        %dma_wait3A = arith.constant 0 : i32
        %dma_wait3A_120 = tpu.memref_slice %arg2[%mul3A_36, %dma_wait3A] : memref<320000x16xf32, #tpu.memory_space<hbm>> -> memref<2560x16xf32, #tpu.memory_space<hbm>>
        %dma_wait3A_121 = arith.constant 0 : i32
        %dma_wait3A_122 = tpu.memref_slice %arg2[%mul3A_36, %dma_wait3A_121] : memref<320000x16xf32, #tpu.memory_space<hbm>> -> memref<2560x16xf32, #tpu.memory_space<hbm>>
        tpu.wait_dma2 semaphore(%run_scoped3A : memref<!tpu.dma_semaphore, #tpu.memory_space<semaphore_mem>>) src(%dma_wait3A_122 : memref<2560x16xf32, #tpu.memory_space<hbm>>) dst(%arg7 : memref<2560x16xf32, #tpu.memory_space<vmem>>)
        tpu.yield
      }) : () -> ()
      %mul3A_37 = arith.constant 20 : i32
      %mul3A_38 = arith.muli %while3A_33, %mul3A_37 : i32
      %add3A_39 = arith.constant 0 : i32
      %add3A_40 = arith.addi %mul3A_38, %add3A_39 : i32
      "tpu.region"() ({
        %run_scoped3A = tpu.sem_alloc : memref<!tpu.dma_semaphore, #tpu.memory_space<semaphore_mem>>
        %dma_start3A = arith.constant 0 : i32
        %dma_start3A_117 = arith.constant 0 : i32
        %dma_start3A_118 = tpu.memref_slice %arg7[%dma_start3A, %dma_start3A_117] : memref<2560x16xf32, #tpu.memory_space<vmem>> -> memref<128x16xf32, #tpu.memory_space<vmem>>
        %dma_start3A_119 = arith.constant 0 : i32
        %dma_start3A_120 = tpu.memref_slice %arg6[%add3A_40, %dma_start3A_119] : memref<80x128xi32, #tpu.memory_space<vmem>> -> memref<1x128xi32, #tpu.memory_space<vmem>>
        %dma_start3A_121 = tpu.memref_squeeze %dma_start3A_120 : memref<1x128xi32, #tpu.memory_space<vmem>> -> memref<128xi32, #tpu.memory_space<vmem>>
        %dma_start3A_122 = arith.constant 0 : i32
        %dma_start3A_123 = arith.constant 0 : i32
        %dma_start3A_124 = tpu.memref_slice %arg8[%dma_start3A_122, %dma_start3A_123] : memref<10000x16xf32, #tpu.memory_space<vmem_shared>> -> memref<10000x16xf32, #tpu.memory_space<vmem_shared>>
        tpu.enqueue_indirect_dma source(%dma_start3A_118 : memref<128x16xf32, #tpu.memory_space<vmem>>) target(%dma_start3A_124 : memref<10000x16xf32, #tpu.memory_space<vmem_shared>>) offsets(%dma_start3A_121 : memref<128xi32, #tpu.memory_space<vmem>>) semaphore(%run_scoped3A : memref<!tpu.dma_semaphore, #tpu.memory_space<semaphore_mem>>) {add = true}
        %dma_wait3A = arith.constant 0 : i32
        %dma_wait3A_125 = arith.constant 0 : i32
        %dma_wait3A_126 = tpu.memref_slice %arg7[%dma_wait3A, %dma_wait3A_125] : memref<2560x16xf32, #tpu.memory_space<vmem>> -> memref<128x16xf32, #tpu.memory_space<vmem>>
        %dma_wait3A_127 = arith.constant 0 : i32
        %dma_wait3A_128 = tpu.memref_slice %arg6[%add3A_40, %dma_wait3A_127] : memref<80x128xi32, #tpu.memory_space<vmem>> -> memref<1x128xi32, #tpu.memory_space<vmem>>
        %dma_wait3A_129 = tpu.memref_squeeze %dma_wait3A_128 : memref<1x128xi32, #tpu.memory_space<vmem>> -> memref<128xi32, #tpu.memory_space<vmem>>
        %dma_wait3A_130 = arith.constant 0 : i32
        %dma_wait3A_131 = arith.constant 0 : i32
        %dma_wait3A_132 = tpu.memref_slice %arg8[%dma_wait3A_130, %dma_wait3A_131] : memref<10000x16xf32, #tpu.memory_space<vmem_shared>> -> memref<10000x16xf32, #tpu.memory_space<vmem_shared>>
        tpu.wait_indirect_dma semaphore(%run_scoped3A : memref<!tpu.dma_semaphore, #tpu.memory_space<semaphore_mem>>) src(%dma_wait3A_126 : memref<128x16xf32, #tpu.memory_space<vmem>>) dst(%dma_wait3A_132 : memref<10000x16xf32, #tpu.memory_space<vmem_shared>>)
        tpu.yield
      }) : () -> ()
      %mul3A_41 = arith.constant 20 : i32
      %mul3A_42 = arith.muli %while3A_33, %mul3A_41 : i32
      %add3A_43 = arith.constant 1 : i32
      %add3A_44 = arith.addi %mul3A_42, %add3A_43 : i32
      "tpu.region"() ({
        %run_scoped3A = tpu.sem_alloc : memref<!tpu.dma_semaphore, #tpu.memory_space<semaphore_mem>>
        %dma_start3A = arith.constant 128 : i32
        %dma_start3A_117 = arith.constant 0 : i32
        %dma_start3A_118 = tpu.memref_slice %arg7[%dma_start3A, %dma_start3A_117] : memref<2560x16xf32, #tpu.memory_space<vmem>> -> memref<128x16xf32, #tpu.memory_space<vmem>>
        %dma_start3A_119 = arith.constant 0 : i32
        %dma_start3A_120 = tpu.memref_slice %arg6[%add3A_44, %dma_start3A_119] : memref<80x128xi32, #tpu.memory_space<vmem>> -> memref<1x128xi32, #tpu.memory_space<vmem>>
        %dma_start3A_121 = tpu.memref_squeeze %dma_start3A_120 : memref<1x128xi32, #tpu.memory_space<vmem>> -> memref<128xi32, #tpu.memory_space<vmem>>
        %dma_start3A_122 = arith.constant 0 : i32
        %dma_start3A_123 = arith.constant 0 : i32
        %dma_start3A_124 = tpu.memref_slice %arg8[%dma_start3A_122, %dma_start3A_123] : memref<10000x16xf32, #tpu.memory_space<vmem_shared>> -> memref<10000x16xf32, #tpu.memory_space<vmem_shared>>
        tpu.enqueue_indirect_dma source(%dma_start3A_118 : memref<128x16xf32, #tpu.memory_space<vmem>>) target(%dma_start3A_124 : memref<10000x16xf32, #tpu.memory_space<vmem_shared>>) offsets(%dma_start3A_121 : memref<128xi32, #tpu.memory_space<vmem>>) semaphore(%run_scoped3A : memref<!tpu.dma_semaphore, #tpu.memory_space<semaphore_mem>>) {add = true}
        %dma_wait3A = arith.constant 128 : i32
        %dma_wait3A_125 = arith.constant 0 : i32
        %dma_wait3A_126 = tpu.memref_slice %arg7[%dma_wait3A, %dma_wait3A_125] : memref<2560x16xf32, #tpu.memory_space<vmem>> -> memref<128x16xf32, #tpu.memory_space<vmem>>
        %dma_wait3A_127 = arith.constant 0 : i32
        %dma_wait3A_128 = tpu.memref_slice %arg6[%add3A_44, %dma_wait3A_127] : memref<80x128xi32, #tpu.memory_space<vmem>> -> memref<1x128xi32, #tpu.memory_space<vmem>>
        %dma_wait3A_129 = tpu.memref_squeeze %dma_wait3A_128 : memref<1x128xi32, #tpu.memory_space<vmem>> -> memref<128xi32, #tpu.memory_space<vmem>>
        %dma_wait3A_130 = arith.constant 0 : i32
        %dma_wait3A_131 = arith.constant 0 : i32
        %dma_wait3A_132 = tpu.memref_slice %arg8[%dma_wait3A_130, %dma_wait3A_131] : memref<10000x16xf32, #tpu.memory_space<vmem_shared>> -> memref<10000x16xf32, #tpu.memory_space<vmem_shared>>
        tpu.wait_indirect_dma semaphore(%run_scoped3A : memref<!tpu.dma_semaphore, #tpu.memory_space<semaphore_mem>>) src(%dma_wait3A_126 : memref<128x16xf32, #tpu.memory_space<vmem>>) dst(%dma_wait3A_132 : memref<10000x16xf32, #tpu.memory_space<vmem_shared>>)
        tpu.yield
      }) : () -> ()
      %mul3A_45 = arith.constant 20 : i32
      %mul3A_46 = arith.muli %while3A_33, %mul3A_45 : i32
      %add3A_47 = arith.constant 2 : i32
      %add3A_48 = arith.addi %mul3A_46, %add3A_47 : i32
      "tpu.region"() ({
        %run_scoped3A = tpu.sem_alloc : memref<!tpu.dma_semaphore, #tpu.memory_space<semaphore_mem>>
        %dma_start3A = arith.constant 256 : i32
        %dma_start3A_117 = arith.constant 0 : i32
        %dma_start3A_118 = tpu.memref_slice %arg7[%dma_start3A, %dma_start3A_117] : memref<2560x16xf32, #tpu.memory_space<vmem>> -> memref<128x16xf32, #tpu.memory_space<vmem>>
        %dma_start3A_119 = arith.constant 0 : i32
        %dma_start3A_120 = tpu.memref_slice %arg6[%add3A_48, %dma_start3A_119] : memref<80x128xi32, #tpu.memory_space<vmem>> -> memref<1x128xi32, #tpu.memory_space<vmem>>
        %dma_start3A_121 = tpu.memref_squeeze %dma_start3A_120 : memref<1x128xi32, #tpu.memory_space<vmem>> -> memref<128xi32, #tpu.memory_space<vmem>>
        %dma_start3A_122 = arith.constant 0 : i32
        %dma_start3A_123 = arith.constant 0 : i32
        %dma_start3A_124 = tpu.memref_slice %arg8[%dma_start3A_122, %dma_start3A_123] : memref<10000x16xf32, #tpu.memory_space<vmem_shared>> -> memref<10000x16xf32, #tpu.memory_space<vmem_shared>>
        tpu.enqueue_indirect_dma source(%dma_start3A_118 : memref<128x16xf32, #tpu.memory_space<vmem>>) target(%dma_start3A_124 : memref<10000x16xf32, #tpu.memory_space<vmem_shared>>) offsets(%dma_start3A_121 : memref<128xi32, #tpu.memory_space<vmem>>) semaphore(%run_scoped3A : memref<!tpu.dma_semaphore, #tpu.memory_space<semaphore_mem>>) {add = true}
        %dma_wait3A = arith.constant 256 : i32
        %dma_wait3A_125 = arith.constant 0 : i32
        %dma_wait3A_126 = tpu.memref_slice %arg7[%dma_wait3A, %dma_wait3A_125] : memref<2560x16xf32, #tpu.memory_space<vmem>> -> memref<128x16xf32, #tpu.memory_space<vmem>>
        %dma_wait3A_127 = arith.constant 0 : i32
        %dma_wait3A_128 = tpu.memref_slice %arg6[%add3A_48, %dma_wait3A_127] : memref<80x128xi32, #tpu.memory_space<vmem>> -> memref<1x128xi32, #tpu.memory_space<vmem>>
        %dma_wait3A_129 = tpu.memref_squeeze %dma_wait3A_128 : memref<1x128xi32, #tpu.memory_space<vmem>> -> memref<128xi32, #tpu.memory_space<vmem>>
        %dma_wait3A_130 = arith.constant 0 : i32
        %dma_wait3A_131 = arith.constant 0 : i32
        %dma_wait3A_132 = tpu.memref_slice %arg8[%dma_wait3A_130, %dma_wait3A_131] : memref<10000x16xf32, #tpu.memory_space<vmem_shared>> -> memref<10000x16xf32, #tpu.memory_space<vmem_shared>>
        tpu.wait_indirect_dma semaphore(%run_scoped3A : memref<!tpu.dma_semaphore, #tpu.memory_space<semaphore_mem>>) src(%dma_wait3A_126 : memref<128x16xf32, #tpu.memory_space<vmem>>) dst(%dma_wait3A_132 : memref<10000x16xf32, #tpu.memory_space<vmem_shared>>)
        tpu.yield
      }) : () -> ()
      %mul3A_49 = arith.constant 20 : i32
      %mul3A_50 = arith.muli %while3A_33, %mul3A_49 : i32
      %add3A_51 = arith.constant 3 : i32
      %add3A_52 = arith.addi %mul3A_50, %add3A_51 : i32
      "tpu.region"() ({
        %run_scoped3A = tpu.sem_alloc : memref<!tpu.dma_semaphore, #tpu.memory_space<semaphore_mem>>
        %dma_start3A = arith.constant 384 : i32
        %dma_start3A_117 = arith.constant 0 : i32
        %dma_start3A_118 = tpu.memref_slice %arg7[%dma_start3A, %dma_start3A_117] : memref<2560x16xf32, #tpu.memory_space<vmem>> -> memref<128x16xf32, #tpu.memory_space<vmem>>
        %dma_start3A_119 = arith.constant 0 : i32
        %dma_start3A_120 = tpu.memref_slice %arg6[%add3A_52, %dma_start3A_119] : memref<80x128xi32, #tpu.memory_space<vmem>> -> memref<1x128xi32, #tpu.memory_space<vmem>>
        %dma_start3A_121 = tpu.memref_squeeze %dma_start3A_120 : memref<1x128xi32, #tpu.memory_space<vmem>> -> memref<128xi32, #tpu.memory_space<vmem>>
        %dma_start3A_122 = arith.constant 0 : i32
        %dma_start3A_123 = arith.constant 0 : i32
        %dma_start3A_124 = tpu.memref_slice %arg8[%dma_start3A_122, %dma_start3A_123] : memref<10000x16xf32, #tpu.memory_space<vmem_shared>> -> memref<10000x16xf32, #tpu.memory_space<vmem_shared>>
        tpu.enqueue_indirect_dma source(%dma_start3A_118 : memref<128x16xf32, #tpu.memory_space<vmem>>) target(%dma_start3A_124 : memref<10000x16xf32, #tpu.memory_space<vmem_shared>>) offsets(%dma_start3A_121 : memref<128xi32, #tpu.memory_space<vmem>>) semaphore(%run_scoped3A : memref<!tpu.dma_semaphore, #tpu.memory_space<semaphore_mem>>) {add = true}
        %dma_wait3A = arith.constant 384 : i32
        %dma_wait3A_125 = arith.constant 0 : i32
        %dma_wait3A_126 = tpu.memref_slice %arg7[%dma_wait3A, %dma_wait3A_125] : memref<2560x16xf32, #tpu.memory_space<vmem>> -> memref<128x16xf32, #tpu.memory_space<vmem>>
        %dma_wait3A_127 = arith.constant 0 : i32
        %dma_wait3A_128 = tpu.memref_slice %arg6[%add3A_52, %dma_wait3A_127] : memref<80x128xi32, #tpu.memory_space<vmem>> -> memref<1x128xi32, #tpu.memory_space<vmem>>
        %dma_wait3A_129 = tpu.memref_squeeze %dma_wait3A_128 : memref<1x128xi32, #tpu.memory_space<vmem>> -> memref<128xi32, #tpu.memory_space<vmem>>
        %dma_wait3A_130 = arith.constant 0 : i32
        %dma_wait3A_131 = arith.constant 0 : i32
        %dma_wait3A_132 = tpu.memref_slice %arg8[%dma_wait3A_130, %dma_wait3A_131] : memref<10000x16xf32, #tpu.memory_space<vmem_shared>> -> memref<10000x16xf32, #tpu.memory_space<vmem_shared>>
        tpu.wait_indirect_dma semaphore(%run_scoped3A : memref<!tpu.dma_semaphore, #tpu.memory_space<semaphore_mem>>) src(%dma_wait3A_126 : memref<128x16xf32, #tpu.memory_space<vmem>>) dst(%dma_wait3A_132 : memref<10000x16xf32, #tpu.memory_space<vmem_shared>>)
        tpu.yield
      }) : () -> ()
      %mul3A_53 = arith.constant 20 : i32
      %mul3A_54 = arith.muli %while3A_33, %mul3A_53 : i32
      %add3A_55 = arith.constant 4 : i32
      %add3A_56 = arith.addi %mul3A_54, %add3A_55 : i32
      "tpu.region"() ({
        %run_scoped3A = tpu.sem_alloc : memref<!tpu.dma_semaphore, #tpu.memory_space<semaphore_mem>>
        %dma_start3A = arith.constant 512 : i32
        %dma_start3A_117 = arith.constant 0 : i32
        %dma_start3A_118 = tpu.memref_slice %arg7[%dma_start3A, %dma_start3A_117] : memref<2560x16xf32, #tpu.memory_space<vmem>> -> memref<128x16xf32, #tpu.memory_space<vmem>>
        %dma_start3A_119 = arith.constant 0 : i32
        %dma_start3A_120 = tpu.memref_slice %arg6[%add3A_56, %dma_start3A_119] : memref<80x128xi32, #tpu.memory_space<vmem>> -> memref<1x128xi32, #tpu.memory_space<vmem>>
        %dma_start3A_121 = tpu.memref_squeeze %dma_start3A_120 : memref<1x128xi32, #tpu.memory_space<vmem>> -> memref<128xi32, #tpu.memory_space<vmem>>
        %dma_start3A_122 = arith.constant 0 : i32
        %dma_start3A_123 = arith.constant 0 : i32
        %dma_start3A_124 = tpu.memref_slice %arg8[%dma_start3A_122, %dma_start3A_123] : memref<10000x16xf32, #tpu.memory_space<vmem_shared>> -> memref<10000x16xf32, #tpu.memory_space<vmem_shared>>
        tpu.enqueue_indirect_dma source(%dma_start3A_118 : memref<128x16xf32, #tpu.memory_space<vmem>>) target(%dma_start3A_124 : memref<10000x16xf32, #tpu.memory_space<vmem_shared>>) offsets(%dma_start3A_121 : memref<128xi32, #tpu.memory_space<vmem>>) semaphore(%run_scoped3A : memref<!tpu.dma_semaphore, #tpu.memory_space<semaphore_mem>>) {add = true}
        %dma_wait3A = arith.constant 512 : i32
        %dma_wait3A_125 = arith.constant 0 : i32
        %dma_wait3A_126 = tpu.memref_slice %arg7[%dma_wait3A, %dma_wait3A_125] : memref<2560x16xf32, #tpu.memory_space<vmem>> -> memref<128x16xf32, #tpu.memory_space<vmem>>
        %dma_wait3A_127 = arith.constant 0 : i32
        %dma_wait3A_128 = tpu.memref_slice %arg6[%add3A_56, %dma_wait3A_127] : memref<80x128xi32, #tpu.memory_space<vmem>> -> memref<1x128xi32, #tpu.memory_space<vmem>>
        %dma_wait3A_129 = tpu.memref_squeeze %dma_wait3A_128 : memref<1x128xi32, #tpu.memory_space<vmem>> -> memref<128xi32, #tpu.memory_space<vmem>>
        %dma_wait3A_130 = arith.constant 0 : i32
        %dma_wait3A_131 = arith.constant 0 : i32
        %dma_wait3A_132 = tpu.memref_slice %arg8[%dma_wait3A_130, %dma_wait3A_131] : memref<10000x16xf32, #tpu.memory_space<vmem_shared>> -> memref<10000x16xf32, #tpu.memory_space<vmem_shared>>
        tpu.wait_indirect_dma semaphore(%run_scoped3A : memref<!tpu.dma_semaphore, #tpu.memory_space<semaphore_mem>>) src(%dma_wait3A_126 : memref<128x16xf32, #tpu.memory_space<vmem>>) dst(%dma_wait3A_132 : memref<10000x16xf32, #tpu.memory_space<vmem_shared>>)
        tpu.yield
      }) : () -> ()
      %mul3A_57 = arith.constant 20 : i32
      %mul3A_58 = arith.muli %while3A_33, %mul3A_57 : i32
      %add3A_59 = arith.constant 5 : i32
      %add3A_60 = arith.addi %mul3A_58, %add3A_59 : i32
      "tpu.region"() ({
        %run_scoped3A = tpu.sem_alloc : memref<!tpu.dma_semaphore, #tpu.memory_space<semaphore_mem>>
        %dma_start3A = arith.constant 640 : i32
        %dma_start3A_117 = arith.constant 0 : i32
        %dma_start3A_118 = tpu.memref_slice %arg7[%dma_start3A, %dma_start3A_117] : memref<2560x16xf32, #tpu.memory_space<vmem>> -> memref<128x16xf32, #tpu.memory_space<vmem>>
        %dma_start3A_119 = arith.constant 0 : i32
        %dma_start3A_120 = tpu.memref_slice %arg6[%add3A_60, %dma_start3A_119] : memref<80x128xi32, #tpu.memory_space<vmem>> -> memref<1x128xi32, #tpu.memory_space<vmem>>
        %dma_start3A_121 = tpu.memref_squeeze %dma_start3A_120 : memref<1x128xi32, #tpu.memory_space<vmem>> -> memref<128xi32, #tpu.memory_space<vmem>>
        %dma_start3A_122 = arith.constant 0 : i32
        %dma_start3A_123 = arith.constant 0 : i32
        %dma_start3A_124 = tpu.memref_slice %arg8[%dma_start3A_122, %dma_start3A_123] : memref<10000x16xf32, #tpu.memory_space<vmem_shared>> -> memref<10000x16xf32, #tpu.memory_space<vmem_shared>>
        tpu.enqueue_indirect_dma source(%dma_start3A_118 : memref<128x16xf32, #tpu.memory_space<vmem>>) target(%dma_start3A_124 : memref<10000x16xf32, #tpu.memory_space<vmem_shared>>) offsets(%dma_start3A_121 : memref<128xi32, #tpu.memory_space<vmem>>) semaphore(%run_scoped3A : memref<!tpu.dma_semaphore, #tpu.memory_space<semaphore_mem>>) {add = true}
        %dma_wait3A = arith.constant 640 : i32
        %dma_wait3A_125 = arith.constant 0 : i32
        %dma_wait3A_126 = tpu.memref_slice %arg7[%dma_wait3A, %dma_wait3A_125] : memref<2560x16xf32, #tpu.memory_space<vmem>> -> memref<128x16xf32, #tpu.memory_space<vmem>>
        %dma_wait3A_127 = arith.constant 0 : i32
        %dma_wait3A_128 = tpu.memref_slice %arg6[%add3A_60, %dma_wait3A_127] : memref<80x128xi32, #tpu.memory_space<vmem>> -> memref<1x128xi32, #tpu.memory_space<vmem>>
        %dma_wait3A_129 = tpu.memref_squeeze %dma_wait3A_128 : memref<1x128xi32, #tpu.memory_space<vmem>> -> memref<128xi32, #tpu.memory_space<vmem>>
        %dma_wait3A_130 = arith.constant 0 : i32
        %dma_wait3A_131 = arith.constant 0 : i32
        %dma_wait3A_132 = tpu.memref_slice %arg8[%dma_wait3A_130, %dma_wait3A_131] : memref<10000x16xf32, #tpu.memory_space<vmem_shared>> -> memref<10000x16xf32, #tpu.memory_space<vmem_shared>>
        tpu.wait_indirect_dma semaphore(%run_scoped3A : memref<!tpu.dma_semaphore, #tpu.memory_space<semaphore_mem>>) src(%dma_wait3A_126 : memref<128x16xf32, #tpu.memory_space<vmem>>) dst(%dma_wait3A_132 : memref<10000x16xf32, #tpu.memory_space<vmem_shared>>)
        tpu.yield
      }) : () -> ()
      %mul3A_61 = arith.constant 20 : i32
      %mul3A_62 = arith.muli %while3A_33, %mul3A_61 : i32
      %add3A_63 = arith.constant 6 : i32
      %add3A_64 = arith.addi %mul3A_62, %add3A_63 : i32
      "tpu.region"() ({
        %run_scoped3A = tpu.sem_alloc : memref<!tpu.dma_semaphore, #tpu.memory_space<semaphore_mem>>
        %dma_start3A = arith.constant 768 : i32
        %dma_start3A_117 = arith.constant 0 : i32
        %dma_start3A_118 = tpu.memref_slice %arg7[%dma_start3A, %dma_start3A_117] : memref<2560x16xf32, #tpu.memory_space<vmem>> -> memref<128x16xf32, #tpu.memory_space<vmem>>
        %dma_start3A_119 = arith.constant 0 : i32
        %dma_start3A_120 = tpu.memref_slice %arg6[%add3A_64, %dma_start3A_119] : memref<80x128xi32, #tpu.memory_space<vmem>> -> memref<1x128xi32, #tpu.memory_space<vmem>>
        %dma_start3A_121 = tpu.memref_squeeze %dma_start3A_120 : memref<1x128xi32, #tpu.memory_space<vmem>> -> memref<128xi32, #tpu.memory_space<vmem>>
        %dma_start3A_122 = arith.constant 0 : i32
        %dma_start3A_123 = arith.constant 0 : i32
        %dma_start3A_124 = tpu.memref_slice %arg8[%dma_start3A_122, %dma_start3A_123] : memref<10000x16xf32, #tpu.memory_space<vmem_shared>> -> memref<10000x16xf32, #tpu.memory_space<vmem_shared>>
        tpu.enqueue_indirect_dma source(%dma_start3A_118 : memref<128x16xf32, #tpu.memory_space<vmem>>) target(%dma_start3A_124 : memref<10000x16xf32, #tpu.memory_space<vmem_shared>>) offsets(%dma_start3A_121 : memref<128xi32, #tpu.memory_space<vmem>>) semaphore(%run_scoped3A : memref<!tpu.dma_semaphore, #tpu.memory_space<semaphore_mem>>) {add = true}
        %dma_wait3A = arith.constant 768 : i32
        %dma_wait3A_125 = arith.constant 0 : i32
        %dma_wait3A_126 = tpu.memref_slice %arg7[%dma_wait3A, %dma_wait3A_125] : memref<2560x16xf32, #tpu.memory_space<vmem>> -> memref<128x16xf32, #tpu.memory_space<vmem>>
        %dma_wait3A_127 = arith.constant 0 : i32
        %dma_wait3A_128 = tpu.memref_slice %arg6[%add3A_64, %dma_wait3A_127] : memref<80x128xi32, #tpu.memory_space<vmem>> -> memref<1x128xi32, #tpu.memory_space<vmem>>
        %dma_wait3A_129 = tpu.memref_squeeze %dma_wait3A_128 : memref<1x128xi32, #tpu.memory_space<vmem>> -> memref<128xi32, #tpu.memory_space<vmem>>
        %dma_wait3A_130 = arith.constant 0 : i32
        %dma_wait3A_131 = arith.constant 0 : i32
        %dma_wait3A_132 = tpu.memref_slice %arg8[%dma_wait3A_130, %dma_wait3A_131] : memref<10000x16xf32, #tpu.memory_space<vmem_shared>> -> memref<10000x16xf32, #tpu.memory_space<vmem_shared>>
        tpu.wait_indirect_dma semaphore(%run_scoped3A : memref<!tpu.dma_semaphore, #tpu.memory_space<semaphore_mem>>) src(%dma_wait3A_126 : memref<128x16xf32, #tpu.memory_space<vmem>>) dst(%dma_wait3A_132 : memref<10000x16xf32, #tpu.memory_space<vmem_shared>>)
        tpu.yield
      }) : () -> ()
      %mul3A_65 = arith.constant 20 : i32
      %mul3A_66 = arith.muli %while3A_33, %mul3A_65 : i32
      %add3A_67 = arith.constant 7 : i32
      %add3A_68 = arith.addi %mul3A_66, %add3A_67 : i32
      "tpu.region"() ({
        %run_scoped3A = tpu.sem_alloc : memref<!tpu.dma_semaphore, #tpu.memory_space<semaphore_mem>>
        %dma_start3A = arith.constant 896 : i32
        %dma_start3A_117 = arith.constant 0 : i32
        %dma_start3A_118 = tpu.memref_slice %arg7[%dma_start3A, %dma_start3A_117] : memref<2560x16xf32, #tpu.memory_space<vmem>> -> memref<128x16xf32, #tpu.memory_space<vmem>>
        %dma_start3A_119 = arith.constant 0 : i32
        %dma_start3A_120 = tpu.memref_slice %arg6[%add3A_68, %dma_start3A_119] : memref<80x128xi32, #tpu.memory_space<vmem>> -> memref<1x128xi32, #tpu.memory_space<vmem>>
        %dma_start3A_121 = tpu.memref_squeeze %dma_start3A_120 : memref<1x128xi32, #tpu.memory_space<vmem>> -> memref<128xi32, #tpu.memory_space<vmem>>
        %dma_start3A_122 = arith.constant 0 : i32
        %dma_start3A_123 = arith.constant 0 : i32
        %dma_start3A_124 = tpu.memref_slice %arg8[%dma_start3A_122, %dma_start3A_123] : memref<10000x16xf32, #tpu.memory_space<vmem_shared>> -> memref<10000x16xf32, #tpu.memory_space<vmem_shared>>
        tpu.enqueue_indirect_dma source(%dma_start3A_118 : memref<128x16xf32, #tpu.memory_space<vmem>>) target(%dma_start3A_124 : memref<10000x16xf32, #tpu.memory_space<vmem_shared>>) offsets(%dma_start3A_121 : memref<128xi32, #tpu.memory_space<vmem>>) semaphore(%run_scoped3A : memref<!tpu.dma_semaphore, #tpu.memory_space<semaphore_mem>>) {add = true}
        %dma_wait3A = arith.constant 896 : i32
        %dma_wait3A_125 = arith.constant 0 : i32
        %dma_wait3A_126 = tpu.memref_slice %arg7[%dma_wait3A, %dma_wait3A_125] : memref<2560x16xf32, #tpu.memory_space<vmem>> -> memref<128x16xf32, #tpu.memory_space<vmem>>
        %dma_wait3A_127 = arith.constant 0 : i32
        %dma_wait3A_128 = tpu.memref_slice %arg6[%add3A_68, %dma_wait3A_127] : memref<80x128xi32, #tpu.memory_space<vmem>> -> memref<1x128xi32, #tpu.memory_space<vmem>>
        %dma_wait3A_129 = tpu.memref_squeeze %dma_wait3A_128 : memref<1x128xi32, #tpu.memory_space<vmem>> -> memref<128xi32, #tpu.memory_space<vmem>>
        %dma_wait3A_130 = arith.constant 0 : i32
        %dma_wait3A_131 = arith.constant 0 : i32
        %dma_wait3A_132 = tpu.memref_slice %arg8[%dma_wait3A_130, %dma_wait3A_131] : memref<10000x16xf32, #tpu.memory_space<vmem_shared>> -> memref<10000x16xf32, #tpu.memory_space<vmem_shared>>
        tpu.wait_indirect_dma semaphore(%run_scoped3A : memref<!tpu.dma_semaphore, #tpu.memory_space<semaphore_mem>>) src(%dma_wait3A_126 : memref<128x16xf32, #tpu.memory_space<vmem>>) dst(%dma_wait3A_132 : memref<10000x16xf32, #tpu.memory_space<vmem_shared>>)
        tpu.yield
      }) : () -> ()
      %mul3A_69 = arith.constant 20 : i32
      %mul3A_70 = arith.muli %while3A_33, %mul3A_69 : i32
      %add3A_71 = arith.constant 8 : i32
      %add3A_72 = arith.addi %mul3A_70, %add3A_71 : i32
      "tpu.region"() ({
        %run_scoped3A = tpu.sem_alloc : memref<!tpu.dma_semaphore, #tpu.memory_space<semaphore_mem>>
        %dma_start3A = arith.constant 1024 : i32
        %dma_start3A_117 = arith.constant 0 : i32
        %dma_start3A_118 = tpu.memref_slice %arg7[%dma_start3A, %dma_start3A_117] : memref<2560x16xf32, #tpu.memory_space<vmem>> -> memref<128x16xf32, #tpu.memory_space<vmem>>
        %dma_start3A_119 = arith.constant 0 : i32
        %dma_start3A_120 = tpu.memref_slice %arg6[%add3A_72, %dma_start3A_119] : memref<80x128xi32, #tpu.memory_space<vmem>> -> memref<1x128xi32, #tpu.memory_space<vmem>>
        %dma_start3A_121 = tpu.memref_squeeze %dma_start3A_120 : memref<1x128xi32, #tpu.memory_space<vmem>> -> memref<128xi32, #tpu.memory_space<vmem>>
        %dma_start3A_122 = arith.constant 0 : i32
        %dma_start3A_123 = arith.constant 0 : i32
        %dma_start3A_124 = tpu.memref_slice %arg8[%dma_start3A_122, %dma_start3A_123] : memref<10000x16xf32, #tpu.memory_space<vmem_shared>> -> memref<10000x16xf32, #tpu.memory_space<vmem_shared>>
        tpu.enqueue_indirect_dma source(%dma_start3A_118 : memref<128x16xf32, #tpu.memory_space<vmem>>) target(%dma_start3A_124 : memref<10000x16xf32, #tpu.memory_space<vmem_shared>>) offsets(%dma_start3A_121 : memref<128xi32, #tpu.memory_space<vmem>>) semaphore(%run_scoped3A : memref<!tpu.dma_semaphore, #tpu.memory_space<semaphore_mem>>) {add = true}
        %dma_wait3A = arith.constant 1024 : i32
        %dma_wait3A_125 = arith.constant 0 : i32
        %dma_wait3A_126 = tpu.memref_slice %arg7[%dma_wait3A, %dma_wait3A_125] : memref<2560x16xf32, #tpu.memory_space<vmem>> -> memref<128x16xf32, #tpu.memory_space<vmem>>
        %dma_wait3A_127 = arith.constant 0 : i32
        %dma_wait3A_128 = tpu.memref_slice %arg6[%add3A_72, %dma_wait3A_127] : memref<80x128xi32, #tpu.memory_space<vmem>> -> memref<1x128xi32, #tpu.memory_space<vmem>>
        %dma_wait3A_129 = tpu.memref_squeeze %dma_wait3A_128 : memref<1x128xi32, #tpu.memory_space<vmem>> -> memref<128xi32, #tpu.memory_space<vmem>>
        %dma_wait3A_130 = arith.constant 0 : i32
        %dma_wait3A_131 = arith.constant 0 : i32
        %dma_wait3A_132 = tpu.memref_slice %arg8[%dma_wait3A_130, %dma_wait3A_131] : memref<10000x16xf32, #tpu.memory_space<vmem_shared>> -> memref<10000x16xf32, #tpu.memory_space<vmem_shared>>
        tpu.wait_indirect_dma semaphore(%run_scoped3A : memref<!tpu.dma_semaphore, #tpu.memory_space<semaphore_mem>>) src(%dma_wait3A_126 : memref<128x16xf32, #tpu.memory_space<vmem>>) dst(%dma_wait3A_132 : memref<10000x16xf32, #tpu.memory_space<vmem_shared>>)
        tpu.yield
      }) : () -> ()
      %mul3A_73 = arith.constant 20 : i32
      %mul3A_74 = arith.muli %while3A_33, %mul3A_73 : i32
      %add3A_75 = arith.constant 9 : i32
      %add3A_76 = arith.addi %mul3A_74, %add3A_75 : i32
      "tpu.region"() ({
        %run_scoped3A = tpu.sem_alloc : memref<!tpu.dma_semaphore, #tpu.memory_space<semaphore_mem>>
        %dma_start3A = arith.constant 1152 : i32
        %dma_start3A_117 = arith.constant 0 : i32
        %dma_start3A_118 = tpu.memref_slice %arg7[%dma_start3A, %dma_start3A_117] : memref<2560x16xf32, #tpu.memory_space<vmem>> -> memref<128x16xf32, #tpu.memory_space<vmem>>
        %dma_start3A_119 = arith.constant 0 : i32
        %dma_start3A_120 = tpu.memref_slice %arg6[%add3A_76, %dma_start3A_119] : memref<80x128xi32, #tpu.memory_space<vmem>> -> memref<1x128xi32, #tpu.memory_space<vmem>>
        %dma_start3A_121 = tpu.memref_squeeze %dma_start3A_120 : memref<1x128xi32, #tpu.memory_space<vmem>> -> memref<128xi32, #tpu.memory_space<vmem>>
        %dma_start3A_122 = arith.constant 0 : i32
        %dma_start3A_123 = arith.constant 0 : i32
        %dma_start3A_124 = tpu.memref_slice %arg8[%dma_start3A_122, %dma_start3A_123] : memref<10000x16xf32, #tpu.memory_space<vmem_shared>> -> memref<10000x16xf32, #tpu.memory_space<vmem_shared>>
        tpu.enqueue_indirect_dma source(%dma_start3A_118 : memref<128x16xf32, #tpu.memory_space<vmem>>) target(%dma_start3A_124 : memref<10000x16xf32, #tpu.memory_space<vmem_shared>>) offsets(%dma_start3A_121 : memref<128xi32, #tpu.memory_space<vmem>>) semaphore(%run_scoped3A : memref<!tpu.dma_semaphore, #tpu.memory_space<semaphore_mem>>) {add = true}
        %dma_wait3A = arith.constant 1152 : i32
        %dma_wait3A_125 = arith.constant 0 : i32
        %dma_wait3A_126 = tpu.memref_slice %arg7[%dma_wait3A, %dma_wait3A_125] : memref<2560x16xf32, #tpu.memory_space<vmem>> -> memref<128x16xf32, #tpu.memory_space<vmem>>
        %dma_wait3A_127 = arith.constant 0 : i32
        %dma_wait3A_128 = tpu.memref_slice %arg6[%add3A_76, %dma_wait3A_127] : memref<80x128xi32, #tpu.memory_space<vmem>> -> memref<1x128xi32, #tpu.memory_space<vmem>>
        %dma_wait3A_129 = tpu.memref_squeeze %dma_wait3A_128 : memref<1x128xi32, #tpu.memory_space<vmem>> -> memref<128xi32, #tpu.memory_space<vmem>>
        %dma_wait3A_130 = arith.constant 0 : i32
        %dma_wait3A_131 = arith.constant 0 : i32
        %dma_wait3A_132 = tpu.memref_slice %arg8[%dma_wait3A_130, %dma_wait3A_131] : memref<10000x16xf32, #tpu.memory_space<vmem_shared>> -> memref<10000x16xf32, #tpu.memory_space<vmem_shared>>
        tpu.wait_indirect_dma semaphore(%run_scoped3A : memref<!tpu.dma_semaphore, #tpu.memory_space<semaphore_mem>>) src(%dma_wait3A_126 : memref<128x16xf32, #tpu.memory_space<vmem>>) dst(%dma_wait3A_132 : memref<10000x16xf32, #tpu.memory_space<vmem_shared>>)
        tpu.yield
      }) : () -> ()
      %mul3A_77 = arith.constant 20 : i32
      %mul3A_78 = arith.muli %while3A_33, %mul3A_77 : i32
      %add3A_79 = arith.constant 10 : i32
      %add3A_80 = arith.addi %mul3A_78, %add3A_79 : i32
      "tpu.region"() ({
        %run_scoped3A = tpu.sem_alloc : memref<!tpu.dma_semaphore, #tpu.memory_space<semaphore_mem>>
        %dma_start3A = arith.constant 1280 : i32
        %dma_start3A_117 = arith.constant 0 : i32
        %dma_start3A_118 = tpu.memref_slice %arg7[%dma_start3A, %dma_start3A_117] : memref<2560x16xf32, #tpu.memory_space<vmem>> -> memref<128x16xf32, #tpu.memory_space<vmem>>
        %dma_start3A_119 = arith.constant 0 : i32
        %dma_start3A_120 = tpu.memref_slice %arg6[%add3A_80, %dma_start3A_119] : memref<80x128xi32, #tpu.memory_space<vmem>> -> memref<1x128xi32, #tpu.memory_space<vmem>>
        %dma_start3A_121 = tpu.memref_squeeze %dma_start3A_120 : memref<1x128xi32, #tpu.memory_space<vmem>> -> memref<128xi32, #tpu.memory_space<vmem>>
        %dma_start3A_122 = arith.constant 0 : i32
        %dma_start3A_123 = arith.constant 0 : i32
        %dma_start3A_124 = tpu.memref_slice %arg8[%dma_start3A_122, %dma_start3A_123] : memref<10000x16xf32, #tpu.memory_space<vmem_shared>> -> memref<10000x16xf32, #tpu.memory_space<vmem_shared>>
        tpu.enqueue_indirect_dma source(%dma_start3A_118 : memref<128x16xf32, #tpu.memory_space<vmem>>) target(%dma_start3A_124 : memref<10000x16xf32, #tpu.memory_space<vmem_shared>>) offsets(%dma_start3A_121 : memref<128xi32, #tpu.memory_space<vmem>>) semaphore(%run_scoped3A : memref<!tpu.dma_semaphore, #tpu.memory_space<semaphore_mem>>) {add = true}
        %dma_wait3A = arith.constant 1280 : i32
        %dma_wait3A_125 = arith.constant 0 : i32
        %dma_wait3A_126 = tpu.memref_slice %arg7[%dma_wait3A, %dma_wait3A_125] : memref<2560x16xf32, #tpu.memory_space<vmem>> -> memref<128x16xf32, #tpu.memory_space<vmem>>
        %dma_wait3A_127 = arith.constant 0 : i32
        %dma_wait3A_128 = tpu.memref_slice %arg6[%add3A_80, %dma_wait3A_127] : memref<80x128xi32, #tpu.memory_space<vmem>> -> memref<1x128xi32, #tpu.memory_space<vmem>>
        %dma_wait3A_129 = tpu.memref_squeeze %dma_wait3A_128 : memref<1x128xi32, #tpu.memory_space<vmem>> -> memref<128xi32, #tpu.memory_space<vmem>>
        %dma_wait3A_130 = arith.constant 0 : i32
        %dma_wait3A_131 = arith.constant 0 : i32
        %dma_wait3A_132 = tpu.memref_slice %arg8[%dma_wait3A_130, %dma_wait3A_131] : memref<10000x16xf32, #tpu.memory_space<vmem_shared>> -> memref<10000x16xf32, #tpu.memory_space<vmem_shared>>
        tpu.wait_indirect_dma semaphore(%run_scoped3A : memref<!tpu.dma_semaphore, #tpu.memory_space<semaphore_mem>>) src(%dma_wait3A_126 : memref<128x16xf32, #tpu.memory_space<vmem>>) dst(%dma_wait3A_132 : memref<10000x16xf32, #tpu.memory_space<vmem_shared>>)
        tpu.yield
      }) : () -> ()
      %mul3A_81 = arith.constant 20 : i32
      %mul3A_82 = arith.muli %while3A_33, %mul3A_81 : i32
      %add3A_83 = arith.constant 11 : i32
      %add3A_84 = arith.addi %mul3A_82, %add3A_83 : i32
      "tpu.region"() ({
        %run_scoped3A = tpu.sem_alloc : memref<!tpu.dma_semaphore, #tpu.memory_space<semaphore_mem>>
        %dma_start3A = arith.constant 1408 : i32
        %dma_start3A_117 = arith.constant 0 : i32
        %dma_start3A_118 = tpu.memref_slice %arg7[%dma_start3A, %dma_start3A_117] : memref<2560x16xf32, #tpu.memory_space<vmem>> -> memref<128x16xf32, #tpu.memory_space<vmem>>
        %dma_start3A_119 = arith.constant 0 : i32
        %dma_start3A_120 = tpu.memref_slice %arg6[%add3A_84, %dma_start3A_119] : memref<80x128xi32, #tpu.memory_space<vmem>> -> memref<1x128xi32, #tpu.memory_space<vmem>>
        %dma_start3A_121 = tpu.memref_squeeze %dma_start3A_120 : memref<1x128xi32, #tpu.memory_space<vmem>> -> memref<128xi32, #tpu.memory_space<vmem>>
        %dma_start3A_122 = arith.constant 0 : i32
        %dma_start3A_123 = arith.constant 0 : i32
        %dma_start3A_124 = tpu.memref_slice %arg8[%dma_start3A_122, %dma_start3A_123] : memref<10000x16xf32, #tpu.memory_space<vmem_shared>> -> memref<10000x16xf32, #tpu.memory_space<vmem_shared>>
        tpu.enqueue_indirect_dma source(%dma_start3A_118 : memref<128x16xf32, #tpu.memory_space<vmem>>) target(%dma_start3A_124 : memref<10000x16xf32, #tpu.memory_space<vmem_shared>>) offsets(%dma_start3A_121 : memref<128xi32, #tpu.memory_space<vmem>>) semaphore(%run_scoped3A : memref<!tpu.dma_semaphore, #tpu.memory_space<semaphore_mem>>) {add = true}
        %dma_wait3A = arith.constant 1408 : i32
        %dma_wait3A_125 = arith.constant 0 : i32
        %dma_wait3A_126 = tpu.memref_slice %arg7[%dma_wait3A, %dma_wait3A_125] : memref<2560x16xf32, #tpu.memory_space<vmem>> -> memref<128x16xf32, #tpu.memory_space<vmem>>
        %dma_wait3A_127 = arith.constant 0 : i32
        %dma_wait3A_128 = tpu.memref_slice %arg6[%add3A_84, %dma_wait3A_127] : memref<80x128xi32, #tpu.memory_space<vmem>> -> memref<1x128xi32, #tpu.memory_space<vmem>>
        %dma_wait3A_129 = tpu.memref_squeeze %dma_wait3A_128 : memref<1x128xi32, #tpu.memory_space<vmem>> -> memref<128xi32, #tpu.memory_space<vmem>>
        %dma_wait3A_130 = arith.constant 0 : i32
        %dma_wait3A_131 = arith.constant 0 : i32
        %dma_wait3A_132 = tpu.memref_slice %arg8[%dma_wait3A_130, %dma_wait3A_131] : memref<10000x16xf32, #tpu.memory_space<vmem_shared>> -> memref<10000x16xf32, #tpu.memory_space<vmem_shared>>
        tpu.wait_indirect_dma semaphore(%run_scoped3A : memref<!tpu.dma_semaphore, #tpu.memory_space<semaphore_mem>>) src(%dma_wait3A_126 : memref<128x16xf32, #tpu.memory_space<vmem>>) dst(%dma_wait3A_132 : memref<10000x16xf32, #tpu.memory_space<vmem_shared>>)
        tpu.yield
      }) : () -> ()
      %mul3A_85 = arith.constant 20 : i32
      %mul3A_86 = arith.muli %while3A_33, %mul3A_85 : i32
      %add3A_87 = arith.constant 12 : i32
      %add3A_88 = arith.addi %mul3A_86, %add3A_87 : i32
      "tpu.region"() ({
        %run_scoped3A = tpu.sem_alloc : memref<!tpu.dma_semaphore, #tpu.memory_space<semaphore_mem>>
        %dma_start3A = arith.constant 1536 : i32
        %dma_start3A_117 = arith.constant 0 : i32
        %dma_start3A_118 = tpu.memref_slice %arg7[%dma_start3A, %dma_start3A_117] : memref<2560x16xf32, #tpu.memory_space<vmem>> -> memref<128x16xf32, #tpu.memory_space<vmem>>
        %dma_start3A_119 = arith.constant 0 : i32
        %dma_start3A_120 = tpu.memref_slice %arg6[%add3A_88, %dma_start3A_119] : memref<80x128xi32, #tpu.memory_space<vmem>> -> memref<1x128xi32, #tpu.memory_space<vmem>>
        %dma_start3A_121 = tpu.memref_squeeze %dma_start3A_120 : memref<1x128xi32, #tpu.memory_space<vmem>> -> memref<128xi32, #tpu.memory_space<vmem>>
        %dma_start3A_122 = arith.constant 0 : i32
        %dma_start3A_123 = arith.constant 0 : i32
        %dma_start3A_124 = tpu.memref_slice %arg8[%dma_start3A_122, %dma_start3A_123] : memref<10000x16xf32, #tpu.memory_space<vmem_shared>> -> memref<10000x16xf32, #tpu.memory_space<vmem_shared>>
        tpu.enqueue_indirect_dma source(%dma_start3A_118 : memref<128x16xf32, #tpu.memory_space<vmem>>) target(%dma_start3A_124 : memref<10000x16xf32, #tpu.memory_space<vmem_shared>>) offsets(%dma_start3A_121 : memref<128xi32, #tpu.memory_space<vmem>>) semaphore(%run_scoped3A : memref<!tpu.dma_semaphore, #tpu.memory_space<semaphore_mem>>) {add = true}
        %dma_wait3A = arith.constant 1536 : i32
        %dma_wait3A_125 = arith.constant 0 : i32
        %dma_wait3A_126 = tpu.memref_slice %arg7[%dma_wait3A, %dma_wait3A_125] : memref<2560x16xf32, #tpu.memory_space<vmem>> -> memref<128x16xf32, #tpu.memory_space<vmem>>
        %dma_wait3A_127 = arith.constant 0 : i32
        %dma_wait3A_128 = tpu.memref_slice %arg6[%add3A_88, %dma_wait3A_127] : memref<80x128xi32, #tpu.memory_space<vmem>> -> memref<1x128xi32, #tpu.memory_space<vmem>>
        %dma_wait3A_129 = tpu.memref_squeeze %dma_wait3A_128 : memref<1x128xi32, #tpu.memory_space<vmem>> -> memref<128xi32, #tpu.memory_space<vmem>>
        %dma_wait3A_130 = arith.constant 0 : i32
        %dma_wait3A_131 = arith.constant 0 : i32
        %dma_wait3A_132 = tpu.memref_slice %arg8[%dma_wait3A_130, %dma_wait3A_131] : memref<10000x16xf32, #tpu.memory_space<vmem_shared>> -> memref<10000x16xf32, #tpu.memory_space<vmem_shared>>
        tpu.wait_indirect_dma semaphore(%run_scoped3A : memref<!tpu.dma_semaphore, #tpu.memory_space<semaphore_mem>>) src(%dma_wait3A_126 : memref<128x16xf32, #tpu.memory_space<vmem>>) dst(%dma_wait3A_132 : memref<10000x16xf32, #tpu.memory_space<vmem_shared>>)
        tpu.yield
      }) : () -> ()
      %mul3A_89 = arith.constant 20 : i32
      %mul3A_90 = arith.muli %while3A_33, %mul3A_89 : i32
      %add3A_91 = arith.constant 13 : i32
      %add3A_92 = arith.addi %mul3A_90, %add3A_91 : i32
      "tpu.region"() ({
        %run_scoped3A = tpu.sem_alloc : memref<!tpu.dma_semaphore, #tpu.memory_space<semaphore_mem>>
        %dma_start3A = arith.constant 1664 : i32
        %dma_start3A_117 = arith.constant 0 : i32
        %dma_start3A_118 = tpu.memref_slice %arg7[%dma_start3A, %dma_start3A_117] : memref<2560x16xf32, #tpu.memory_space<vmem>> -> memref<128x16xf32, #tpu.memory_space<vmem>>
        %dma_start3A_119 = arith.constant 0 : i32
        %dma_start3A_120 = tpu.memref_slice %arg6[%add3A_92, %dma_start3A_119] : memref<80x128xi32, #tpu.memory_space<vmem>> -> memref<1x128xi32, #tpu.memory_space<vmem>>
        %dma_start3A_121 = tpu.memref_squeeze %dma_start3A_120 : memref<1x128xi32, #tpu.memory_space<vmem>> -> memref<128xi32, #tpu.memory_space<vmem>>
        %dma_start3A_122 = arith.constant 0 : i32
        %dma_start3A_123 = arith.constant 0 : i32
        %dma_start3A_124 = tpu.memref_slice %arg8[%dma_start3A_122, %dma_start3A_123] : memref<10000x16xf32, #tpu.memory_space<vmem_shared>> -> memref<10000x16xf32, #tpu.memory_space<vmem_shared>>
        tpu.enqueue_indirect_dma source(%dma_start3A_118 : memref<128x16xf32, #tpu.memory_space<vmem>>) target(%dma_start3A_124 : memref<10000x16xf32, #tpu.memory_space<vmem_shared>>) offsets(%dma_start3A_121 : memref<128xi32, #tpu.memory_space<vmem>>) semaphore(%run_scoped3A : memref<!tpu.dma_semaphore, #tpu.memory_space<semaphore_mem>>) {add = true}
        %dma_wait3A = arith.constant 1664 : i32
        %dma_wait3A_125 = arith.constant 0 : i32
        %dma_wait3A_126 = tpu.memref_slice %arg7[%dma_wait3A, %dma_wait3A_125] : memref<2560x16xf32, #tpu.memory_space<vmem>> -> memref<128x16xf32, #tpu.memory_space<vmem>>
        %dma_wait3A_127 = arith.constant 0 : i32
        %dma_wait3A_128 = tpu.memref_slice %arg6[%add3A_92, %dma_wait3A_127] : memref<80x128xi32, #tpu.memory_space<vmem>> -> memref<1x128xi32, #tpu.memory_space<vmem>>
        %dma_wait3A_129 = tpu.memref_squeeze %dma_wait3A_128 : memref<1x128xi32, #tpu.memory_space<vmem>> -> memref<128xi32, #tpu.memory_space<vmem>>
        %dma_wait3A_130 = arith.constant 0 : i32
        %dma_wait3A_131 = arith.constant 0 : i32
        %dma_wait3A_132 = tpu.memref_slice %arg8[%dma_wait3A_130, %dma_wait3A_131] : memref<10000x16xf32, #tpu.memory_space<vmem_shared>> -> memref<10000x16xf32, #tpu.memory_space<vmem_shared>>
        tpu.wait_indirect_dma semaphore(%run_scoped3A : memref<!tpu.dma_semaphore, #tpu.memory_space<semaphore_mem>>) src(%dma_wait3A_126 : memref<128x16xf32, #tpu.memory_space<vmem>>) dst(%dma_wait3A_132 : memref<10000x16xf32, #tpu.memory_space<vmem_shared>>)
        tpu.yield
      }) : () -> ()
      %mul3A_93 = arith.constant 20 : i32
      %mul3A_94 = arith.muli %while3A_33, %mul3A_93 : i32
      %add3A_95 = arith.constant 14 : i32
      %add3A_96 = arith.addi %mul3A_94, %add3A_95 : i32
      "tpu.region"() ({
        %run_scoped3A = tpu.sem_alloc : memref<!tpu.dma_semaphore, #tpu.memory_space<semaphore_mem>>
        %dma_start3A = arith.constant 1792 : i32
        %dma_start3A_117 = arith.constant 0 : i32
        %dma_start3A_118 = tpu.memref_slice %arg7[%dma_start3A, %dma_start3A_117] : memref<2560x16xf32, #tpu.memory_space<vmem>> -> memref<128x16xf32, #tpu.memory_space<vmem>>
        %dma_start3A_119 = arith.constant 0 : i32
        %dma_start3A_120 = tpu.memref_slice %arg6[%add3A_96, %dma_start3A_119] : memref<80x128xi32, #tpu.memory_space<vmem>> -> memref<1x128xi32, #tpu.memory_space<vmem>>
        %dma_start3A_121 = tpu.memref_squeeze %dma_start3A_120 : memref<1x128xi32, #tpu.memory_space<vmem>> -> memref<128xi32, #tpu.memory_space<vmem>>
        %dma_start3A_122 = arith.constant 0 : i32
        %dma_start3A_123 = arith.constant 0 : i32
        %dma_start3A_124 = tpu.memref_slice %arg8[%dma_start3A_122, %dma_start3A_123] : memref<10000x16xf32, #tpu.memory_space<vmem_shared>> -> memref<10000x16xf32, #tpu.memory_space<vmem_shared>>
        tpu.enqueue_indirect_dma source(%dma_start3A_118 : memref<128x16xf32, #tpu.memory_space<vmem>>) target(%dma_start3A_124 : memref<10000x16xf32, #tpu.memory_space<vmem_shared>>) offsets(%dma_start3A_121 : memref<128xi32, #tpu.memory_space<vmem>>) semaphore(%run_scoped3A : memref<!tpu.dma_semaphore, #tpu.memory_space<semaphore_mem>>) {add = true}
        %dma_wait3A = arith.constant 1792 : i32
        %dma_wait3A_125 = arith.constant 0 : i32
        %dma_wait3A_126 = tpu.memref_slice %arg7[%dma_wait3A, %dma_wait3A_125] : memref<2560x16xf32, #tpu.memory_space<vmem>> -> memref<128x16xf32, #tpu.memory_space<vmem>>
        %dma_wait3A_127 = arith.constant 0 : i32
        %dma_wait3A_128 = tpu.memref_slice %arg6[%add3A_96, %dma_wait3A_127] : memref<80x128xi32, #tpu.memory_space<vmem>> -> memref<1x128xi32, #tpu.memory_space<vmem>>
        %dma_wait3A_129 = tpu.memref_squeeze %dma_wait3A_128 : memref<1x128xi32, #tpu.memory_space<vmem>> -> memref<128xi32, #tpu.memory_space<vmem>>
        %dma_wait3A_130 = arith.constant 0 : i32
        %dma_wait3A_131 = arith.constant 0 : i32
        %dma_wait3A_132 = tpu.memref_slice %arg8[%dma_wait3A_130, %dma_wait3A_131] : memref<10000x16xf32, #tpu.memory_space<vmem_shared>> -> memref<10000x16xf32, #tpu.memory_space<vmem_shared>>
        tpu.wait_indirect_dma semaphore(%run_scoped3A : memref<!tpu.dma_semaphore, #tpu.memory_space<semaphore_mem>>) src(%dma_wait3A_126 : memref<128x16xf32, #tpu.memory_space<vmem>>) dst(%dma_wait3A_132 : memref<10000x16xf32, #tpu.memory_space<vmem_shared>>)
        tpu.yield
      }) : () -> ()
      %mul3A_97 = arith.constant 20 : i32
      %mul3A_98 = arith.muli %while3A_33, %mul3A_97 : i32
      %add3A_99 = arith.constant 15 : i32
      %add3A_100 = arith.addi %mul3A_98, %add3A_99 : i32
      "tpu.region"() ({
        %run_scoped3A = tpu.sem_alloc : memref<!tpu.dma_semaphore, #tpu.memory_space<semaphore_mem>>
        %dma_start3A = arith.constant 1920 : i32
        %dma_start3A_117 = arith.constant 0 : i32
        %dma_start3A_118 = tpu.memref_slice %arg7[%dma_start3A, %dma_start3A_117] : memref<2560x16xf32, #tpu.memory_space<vmem>> -> memref<128x16xf32, #tpu.memory_space<vmem>>
        %dma_start3A_119 = arith.constant 0 : i32
        %dma_start3A_120 = tpu.memref_slice %arg6[%add3A_100, %dma_start3A_119] : memref<80x128xi32, #tpu.memory_space<vmem>> -> memref<1x128xi32, #tpu.memory_space<vmem>>
        %dma_start3A_121 = tpu.memref_squeeze %dma_start3A_120 : memref<1x128xi32, #tpu.memory_space<vmem>> -> memref<128xi32, #tpu.memory_space<vmem>>
        %dma_start3A_122 = arith.constant 0 : i32
        %dma_start3A_123 = arith.constant 0 : i32
        %dma_start3A_124 = tpu.memref_slice %arg8[%dma_start3A_122, %dma_start3A_123] : memref<10000x16xf32, #tpu.memory_space<vmem_shared>> -> memref<10000x16xf32, #tpu.memory_space<vmem_shared>>
        tpu.enqueue_indirect_dma source(%dma_start3A_118 : memref<128x16xf32, #tpu.memory_space<vmem>>) target(%dma_start3A_124 : memref<10000x16xf32, #tpu.memory_space<vmem_shared>>) offsets(%dma_start3A_121 : memref<128xi32, #tpu.memory_space<vmem>>) semaphore(%run_scoped3A : memref<!tpu.dma_semaphore, #tpu.memory_space<semaphore_mem>>) {add = true}
        %dma_wait3A = arith.constant 1920 : i32
        %dma_wait3A_125 = arith.constant 0 : i32
        %dma_wait3A_126 = tpu.memref_slice %arg7[%dma_wait3A, %dma_wait3A_125] : memref<2560x16xf32, #tpu.memory_space<vmem>> -> memref<128x16xf32, #tpu.memory_space<vmem>>
        %dma_wait3A_127 = arith.constant 0 : i32
        %dma_wait3A_128 = tpu.memref_slice %arg6[%add3A_100, %dma_wait3A_127] : memref<80x128xi32, #tpu.memory_space<vmem>> -> memref<1x128xi32, #tpu.memory_space<vmem>>
        %dma_wait3A_129 = tpu.memref_squeeze %dma_wait3A_128 : memref<1x128xi32, #tpu.memory_space<vmem>> -> memref<128xi32, #tpu.memory_space<vmem>>
        %dma_wait3A_130 = arith.constant 0 : i32
        %dma_wait3A_131 = arith.constant 0 : i32
        %dma_wait3A_132 = tpu.memref_slice %arg8[%dma_wait3A_130, %dma_wait3A_131] : memref<10000x16xf32, #tpu.memory_space<vmem_shared>> -> memref<10000x16xf32, #tpu.memory_space<vmem_shared>>
        tpu.wait_indirect_dma semaphore(%run_scoped3A : memref<!tpu.dma_semaphore, #tpu.memory_space<semaphore_mem>>) src(%dma_wait3A_126 : memref<128x16xf32, #tpu.memory_space<vmem>>) dst(%dma_wait3A_132 : memref<10000x16xf32, #tpu.memory_space<vmem_shared>>)
        tpu.yield
      }) : () -> ()
      %mul3A_101 = arith.constant 20 : i32
      %mul3A_102 = arith.muli %while3A_33, %mul3A_101 : i32
      %add3A_103 = arith.constant 16 : i32
      %add3A_104 = arith.addi %mul3A_102, %add3A_103 : i32
      "tpu.region"() ({
        %run_scoped3A = tpu.sem_alloc : memref<!tpu.dma_semaphore, #tpu.memory_space<semaphore_mem>>
        %dma_start3A = arith.constant 2048 : i32
        %dma_start3A_117 = arith.constant 0 : i32
        %dma_start3A_118 = tpu.memref_slice %arg7[%dma_start3A, %dma_start3A_117] : memref<2560x16xf32, #tpu.memory_space<vmem>> -> memref<128x16xf32, #tpu.memory_space<vmem>>
        %dma_start3A_119 = arith.constant 0 : i32
        %dma_start3A_120 = tpu.memref_slice %arg6[%add3A_104, %dma_start3A_119] : memref<80x128xi32, #tpu.memory_space<vmem>> -> memref<1x128xi32, #tpu.memory_space<vmem>>
        %dma_start3A_121 = tpu.memref_squeeze %dma_start3A_120 : memref<1x128xi32, #tpu.memory_space<vmem>> -> memref<128xi32, #tpu.memory_space<vmem>>
        %dma_start3A_122 = arith.constant 0 : i32
        %dma_start3A_123 = arith.constant 0 : i32
        %dma_start3A_124 = tpu.memref_slice %arg8[%dma_start3A_122, %dma_start3A_123] : memref<10000x16xf32, #tpu.memory_space<vmem_shared>> -> memref<10000x16xf32, #tpu.memory_space<vmem_shared>>
        tpu.enqueue_indirect_dma source(%dma_start3A_118 : memref<128x16xf32, #tpu.memory_space<vmem>>) target(%dma_start3A_124 : memref<10000x16xf32, #tpu.memory_space<vmem_shared>>) offsets(%dma_start3A_121 : memref<128xi32, #tpu.memory_space<vmem>>) semaphore(%run_scoped3A : memref<!tpu.dma_semaphore, #tpu.memory_space<semaphore_mem>>) {add = true}
        %dma_wait3A = arith.constant 2048 : i32
        %dma_wait3A_125 = arith.constant 0 : i32
        %dma_wait3A_126 = tpu.memref_slice %arg7[%dma_wait3A, %dma_wait3A_125] : memref<2560x16xf32, #tpu.memory_space<vmem>> -> memref<128x16xf32, #tpu.memory_space<vmem>>
        %dma_wait3A_127 = arith.constant 0 : i32
        %dma_wait3A_128 = tpu.memref_slice %arg6[%add3A_104, %dma_wait3A_127] : memref<80x128xi32, #tpu.memory_space<vmem>> -> memref<1x128xi32, #tpu.memory_space<vmem>>
        %dma_wait3A_129 = tpu.memref_squeeze %dma_wait3A_128 : memref<1x128xi32, #tpu.memory_space<vmem>> -> memref<128xi32, #tpu.memory_space<vmem>>
        %dma_wait3A_130 = arith.constant 0 : i32
        %dma_wait3A_131 = arith.constant 0 : i32
        %dma_wait3A_132 = tpu.memref_slice %arg8[%dma_wait3A_130, %dma_wait3A_131] : memref<10000x16xf32, #tpu.memory_space<vmem_shared>> -> memref<10000x16xf32, #tpu.memory_space<vmem_shared>>
        tpu.wait_indirect_dma semaphore(%run_scoped3A : memref<!tpu.dma_semaphore, #tpu.memory_space<semaphore_mem>>) src(%dma_wait3A_126 : memref<128x16xf32, #tpu.memory_space<vmem>>) dst(%dma_wait3A_132 : memref<10000x16xf32, #tpu.memory_space<vmem_shared>>)
        tpu.yield
      }) : () -> ()
      %mul3A_105 = arith.constant 20 : i32
      %mul3A_106 = arith.muli %while3A_33, %mul3A_105 : i32
      %add3A_107 = arith.constant 17 : i32
      %add3A_108 = arith.addi %mul3A_106, %add3A_107 : i32
      "tpu.region"() ({
        %run_scoped3A = tpu.sem_alloc : memref<!tpu.dma_semaphore, #tpu.memory_space<semaphore_mem>>
        %dma_start3A = arith.constant 2176 : i32
        %dma_start3A_117 = arith.constant 0 : i32
        %dma_start3A_118 = tpu.memref_slice %arg7[%dma_start3A, %dma_start3A_117] : memref<2560x16xf32, #tpu.memory_space<vmem>> -> memref<128x16xf32, #tpu.memory_space<vmem>>
        %dma_start3A_119 = arith.constant 0 : i32
        %dma_start3A_120 = tpu.memref_slice %arg6[%add3A_108, %dma_start3A_119] : memref<80x128xi32, #tpu.memory_space<vmem>> -> memref<1x128xi32, #tpu.memory_space<vmem>>
        %dma_start3A_121 = tpu.memref_squeeze %dma_start3A_120 : memref<1x128xi32, #tpu.memory_space<vmem>> -> memref<128xi32, #tpu.memory_space<vmem>>
        %dma_start3A_122 = arith.constant 0 : i32
        %dma_start3A_123 = arith.constant 0 : i32
        %dma_start3A_124 = tpu.memref_slice %arg8[%dma_start3A_122, %dma_start3A_123] : memref<10000x16xf32, #tpu.memory_space<vmem_shared>> -> memref<10000x16xf32, #tpu.memory_space<vmem_shared>>
        tpu.enqueue_indirect_dma source(%dma_start3A_118 : memref<128x16xf32, #tpu.memory_space<vmem>>) target(%dma_start3A_124 : memref<10000x16xf32, #tpu.memory_space<vmem_shared>>) offsets(%dma_start3A_121 : memref<128xi32, #tpu.memory_space<vmem>>) semaphore(%run_scoped3A : memref<!tpu.dma_semaphore, #tpu.memory_space<semaphore_mem>>) {add = true}
        %dma_wait3A = arith.constant 2176 : i32
        %dma_wait3A_125 = arith.constant 0 : i32
        %dma_wait3A_126 = tpu.memref_slice %arg7[%dma_wait3A, %dma_wait3A_125] : memref<2560x16xf32, #tpu.memory_space<vmem>> -> memref<128x16xf32, #tpu.memory_space<vmem>>
        %dma_wait3A_127 = arith.constant 0 : i32
        %dma_wait3A_128 = tpu.memref_slice %arg6[%add3A_108, %dma_wait3A_127] : memref<80x128xi32, #tpu.memory_space<vmem>> -> memref<1x128xi32, #tpu.memory_space<vmem>>
        %dma_wait3A_129 = tpu.memref_squeeze %dma_wait3A_128 : memref<1x128xi32, #tpu.memory_space<vmem>> -> memref<128xi32, #tpu.memory_space<vmem>>
        %dma_wait3A_130 = arith.constant 0 : i32
        %dma_wait3A_131 = arith.constant 0 : i32
        %dma_wait3A_132 = tpu.memref_slice %arg8[%dma_wait3A_130, %dma_wait3A_131] : memref<10000x16xf32, #tpu.memory_space<vmem_shared>> -> memref<10000x16xf32, #tpu.memory_space<vmem_shared>>
        tpu.wait_indirect_dma semaphore(%run_scoped3A : memref<!tpu.dma_semaphore, #tpu.memory_space<semaphore_mem>>) src(%dma_wait3A_126 : memref<128x16xf32, #tpu.memory_space<vmem>>) dst(%dma_wait3A_132 : memref<10000x16xf32, #tpu.memory_space<vmem_shared>>)
        tpu.yield
      }) : () -> ()
      %mul3A_109 = arith.constant 20 : i32
      %mul3A_110 = arith.muli %while3A_33, %mul3A_109 : i32
      %add3A_111 = arith.constant 18 : i32
      %add3A_112 = arith.addi %mul3A_110, %add3A_111 : i32
      "tpu.region"() ({
        %run_scoped3A = tpu.sem_alloc : memref<!tpu.dma_semaphore, #tpu.memory_space<semaphore_mem>>
        %dma_start3A = arith.constant 2304 : i32
        %dma_start3A_117 = arith.constant 0 : i32
        %dma_start3A_118 = tpu.memref_slice %arg7[%dma_start3A, %dma_start3A_117] : memref<2560x16xf32, #tpu.memory_space<vmem>> -> memref<128x16xf32, #tpu.memory_space<vmem>>
        %dma_start3A_119 = arith.constant 0 : i32
        %dma_start3A_120 = tpu.memref_slice %arg6[%add3A_112, %dma_start3A_119] : memref<80x128xi32, #tpu.memory_space<vmem>> -> memref<1x128xi32, #tpu.memory_space<vmem>>
        %dma_start3A_121 = tpu.memref_squeeze %dma_start3A_120 : memref<1x128xi32, #tpu.memory_space<vmem>> -> memref<128xi32, #tpu.memory_space<vmem>>
        %dma_start3A_122 = arith.constant 0 : i32
        %dma_start3A_123 = arith.constant 0 : i32
        %dma_start3A_124 = tpu.memref_slice %arg8[%dma_start3A_122, %dma_start3A_123] : memref<10000x16xf32, #tpu.memory_space<vmem_shared>> -> memref<10000x16xf32, #tpu.memory_space<vmem_shared>>
        tpu.enqueue_indirect_dma source(%dma_start3A_118 : memref<128x16xf32, #tpu.memory_space<vmem>>) target(%dma_start3A_124 : memref<10000x16xf32, #tpu.memory_space<vmem_shared>>) offsets(%dma_start3A_121 : memref<128xi32, #tpu.memory_space<vmem>>) semaphore(%run_scoped3A : memref<!tpu.dma_semaphore, #tpu.memory_space<semaphore_mem>>) {add = true}
        %dma_wait3A = arith.constant 2304 : i32
        %dma_wait3A_125 = arith.constant 0 : i32
        %dma_wait3A_126 = tpu.memref_slice %arg7[%dma_wait3A, %dma_wait3A_125] : memref<2560x16xf32, #tpu.memory_space<vmem>> -> memref<128x16xf32, #tpu.memory_space<vmem>>
        %dma_wait3A_127 = arith.constant 0 : i32
        %dma_wait3A_128 = tpu.memref_slice %arg6[%add3A_112, %dma_wait3A_127] : memref<80x128xi32, #tpu.memory_space<vmem>> -> memref<1x128xi32, #tpu.memory_space<vmem>>
        %dma_wait3A_129 = tpu.memref_squeeze %dma_wait3A_128 : memref<1x128xi32, #tpu.memory_space<vmem>> -> memref<128xi32, #tpu.memory_space<vmem>>
        %dma_wait3A_130 = arith.constant 0 : i32
        %dma_wait3A_131 = arith.constant 0 : i32
        %dma_wait3A_132 = tpu.memref_slice %arg8[%dma_wait3A_130, %dma_wait3A_131] : memref<10000x16xf32, #tpu.memory_space<vmem_shared>> -> memref<10000x16xf32, #tpu.memory_space<vmem_shared>>
        tpu.wait_indirect_dma semaphore(%run_scoped3A : memref<!tpu.dma_semaphore, #tpu.memory_space<semaphore_mem>>) src(%dma_wait3A_126 : memref<128x16xf32, #tpu.memory_space<vmem>>) dst(%dma_wait3A_132 : memref<10000x16xf32, #tpu.memory_space<vmem_shared>>)
        tpu.yield
      }) : () -> ()
      %mul3A_113 = arith.constant 20 : i32
      %mul3A_114 = arith.muli %while3A_33, %mul3A_113 : i32
      %add3A_115 = arith.constant 19 : i32
      %add3A_116 = arith.addi %mul3A_114, %add3A_115 : i32
      "tpu.region"() ({
        %run_scoped3A = tpu.sem_alloc : memref<!tpu.dma_semaphore, #tpu.memory_space<semaphore_mem>>
        %dma_start3A = arith.constant 2432 : i32
        %dma_start3A_117 = arith.constant 0 : i32
        %dma_start3A_118 = tpu.memref_slice %arg7[%dma_start3A, %dma_start3A_117] : memref<2560x16xf32, #tpu.memory_space<vmem>> -> memref<128x16xf32, #tpu.memory_space<vmem>>
        %dma_start3A_119 = arith.constant 0 : i32
        %dma_start3A_120 = tpu.memref_slice %arg6[%add3A_116, %dma_start3A_119] : memref<80x128xi32, #tpu.memory_space<vmem>> -> memref<1x128xi32, #tpu.memory_space<vmem>>
        %dma_start3A_121 = tpu.memref_squeeze %dma_start3A_120 : memref<1x128xi32, #tpu.memory_space<vmem>> -> memref<128xi32, #tpu.memory_space<vmem>>
        %dma_start3A_122 = arith.constant 0 : i32
        %dma_start3A_123 = arith.constant 0 : i32
        %dma_start3A_124 = tpu.memref_slice %arg8[%dma_start3A_122, %dma_start3A_123] : memref<10000x16xf32, #tpu.memory_space<vmem_shared>> -> memref<10000x16xf32, #tpu.memory_space<vmem_shared>>
        tpu.enqueue_indirect_dma source(%dma_start3A_118 : memref<128x16xf32, #tpu.memory_space<vmem>>) target(%dma_start3A_124 : memref<10000x16xf32, #tpu.memory_space<vmem_shared>>) offsets(%dma_start3A_121 : memref<128xi32, #tpu.memory_space<vmem>>) semaphore(%run_scoped3A : memref<!tpu.dma_semaphore, #tpu.memory_space<semaphore_mem>>) {add = true}
        %dma_wait3A = arith.constant 2432 : i32
        %dma_wait3A_125 = arith.constant 0 : i32
        %dma_wait3A_126 = tpu.memref_slice %arg7[%dma_wait3A, %dma_wait3A_125] : memref<2560x16xf32, #tpu.memory_space<vmem>> -> memref<128x16xf32, #tpu.memory_space<vmem>>
        %dma_wait3A_127 = arith.constant 0 : i32
        %dma_wait3A_128 = tpu.memref_slice %arg6[%add3A_116, %dma_wait3A_127] : memref<80x128xi32, #tpu.memory_space<vmem>> -> memref<1x128xi32, #tpu.memory_space<vmem>>
        %dma_wait3A_129 = tpu.memref_squeeze %dma_wait3A_128 : memref<1x128xi32, #tpu.memory_space<vmem>> -> memref<128xi32, #tpu.memory_space<vmem>>
        %dma_wait3A_130 = arith.constant 0 : i32
        %dma_wait3A_131 = arith.constant 0 : i32
        %dma_wait3A_132 = tpu.memref_slice %arg8[%dma_wait3A_130, %dma_wait3A_131] : memref<10000x16xf32, #tpu.memory_space<vmem_shared>> -> memref<10000x16xf32, #tpu.memory_space<vmem_shared>>
        tpu.wait_indirect_dma semaphore(%run_scoped3A : memref<!tpu.dma_semaphore, #tpu.memory_space<semaphore_mem>>) src(%dma_wait3A_126 : memref<128x16xf32, #tpu.memory_space<vmem>>) dst(%dma_wait3A_132 : memref<10000x16xf32, #tpu.memory_space<vmem_shared>>)
        tpu.yield
      }) : () -> ()
    }
    %barrier3A_28 = arith.constant 0 : index
    tpu.barrier barrier_id(%barrier3A_28)
    %mul3A_29 = arith.constant 625 : i32
    %mul3A_30 = arith.muli %arg1, %mul3A_29 : i32
    %mul3A_31 = arith.constant 625 : i32
    %mul3A_32 = arith.muli %arg1, %mul3A_31 : i32
    "tpu.region"() ({
      %run_scoped3A = tpu.sem_alloc : memref<!tpu.dma_semaphore, #tpu.memory_space<semaphore_mem>>
      %dma_start3A = arith.constant 0 : i32
      %dma_start3A_33 = tpu.memref_slice %arg5[%arg0, %mul3A_32, %dma_start3A] : memref<2x10000x16xf32, #tpu.memory_space<hbm>> -> memref<1x625x16xf32, #tpu.memory_space<hbm>>
      %dma_start3A_34 = tpu.memref_squeeze %dma_start3A_33 : memref<1x625x16xf32, #tpu.memory_space<hbm>> -> memref<625x16xf32, #tpu.memory_space<hbm>>
      %dma_start3A_35 = arith.constant 0 : i32
      %dma_start3A_36 = tpu.memref_slice %arg8[%mul3A_30, %dma_start3A_35] : memref<10000x16xf32, #tpu.memory_space<vmem_shared>> -> memref<625x16xf32, #tpu.memory_space<vmem_shared>>
      tpu.enqueue_dma source(%dma_start3A_36 : memref<625x16xf32, #tpu.memory_space<vmem_shared>>) target(%dma_start3A_34 : memref<625x16xf32, #tpu.memory_space<hbm>>) target_semaphore(%run_scoped3A : memref<!tpu.dma_semaphore, #tpu.memory_space<semaphore_mem>>)
      %dma_wait3A = arith.constant 0 : i32
      %dma_wait3A_37 = tpu.memref_slice %arg5[%arg0, %mul3A_32, %dma_wait3A] : memref<2x10000x16xf32, #tpu.memory_space<hbm>> -> memref<1x625x16xf32, #tpu.memory_space<hbm>>
      %dma_wait3A_38 = tpu.memref_squeeze %dma_wait3A_37 : memref<1x625x16xf32, #tpu.memory_space<hbm>> -> memref<625x16xf32, #tpu.memory_space<hbm>>
      %dma_wait3A_39 = arith.constant 0 : i32
      %dma_wait3A_40 = tpu.memref_slice %arg8[%mul3A_30, %dma_wait3A_39] : memref<10000x16xf32, #tpu.memory_space<vmem_shared>> -> memref<625x16xf32, #tpu.memory_space<vmem_shared>>
      tpu.wait_dma2 semaphore(%run_scoped3A : memref<!tpu.dma_semaphore, #tpu.memory_space<semaphore_mem>>) src(%dma_wait3A_40 : memref<625x16xf32, #tpu.memory_space<vmem_shared>>) dst(%dma_wait3A_38 : memref<625x16xf32, #tpu.memory_space<hbm>>)
      tpu.yield
    }) : () -> ()
    return
  }
}

#map = affine_map<(d0, d1) -> (0, 0)>
module attributes {stable_mosaic.version = 14 : i64} {
  func.func @_sc_gather_body(%arg0: i32, %arg1: i32, %arg2: memref<10000x16xf32, #tpu.memory_space<hbm>>, %arg3: memref<10000x16xf32, #tpu.memory_space<hbm>>, %arg4: memref<2520x128xi32, #tpu.memory_space<hbm>>, %arg5: memref<2520x128xi32, #tpu.memory_space<hbm>>, %arg6: memref<320000x16xf32, #tpu.memory_space<hbm>>, %arg7: memref<320000x16xf32, #tpu.memory_space<hbm>>, %arg8: memref<80x128xi32, #tpu.memory_space<vmem>>, %arg9: memref<80x128xi32, #tpu.memory_space<vmem>>, %arg10: memref<2560x16xf32, #tpu.memory_space<vmem>>, %arg11: memref<!tpu.dma_semaphore, #tpu.memory_space<semaphore_mem>>) attributes {dimension_semantics = [#tpu.dimension_semantics<core_parallel>, #tpu.dimension_semantics<subcore_parallel>], iteration_bounds = array<i64: 2, 16>, scalar_prefetch = 0 : i64, scratch_operands = 4 : i64, tpu.core_type = #tpu.core_type<sc_vector_subcore>, window_params = [{transform_indices = #map}, {transform_indices = #map}, {transform_indices = #map}, {transform_indices = #map}, {transform_indices = #map}, {transform_indices = #map}]} {
    %mul3A = arith.constant 2 : i32
    %mul3A_0 = arith.muli %arg1, %mul3A : i32
    %add3A = arith.addi %mul3A_0, %arg0 : i32
    %lt3A = arith.constant 29 : i32
    %lt3A_1 = arith.cmpi slt, %add3A, %lt3A : i32
    %jit3A = arith.constant 4 : i32
    %jit3A_2 = arith.constant 3 : i32
    %select_n3A = arith.select %lt3A_1, %jit3A, %jit3A_2 : i32
    %lt3A_3 = arith.constant 29 : i32
    %lt3A_4 = arith.cmpi slt, %add3A, %lt3A_3 : i32
    %mul3A_5 = arith.constant 4 : i32
    %mul3A_6 = arith.muli %mul3A_5, %add3A : i32
    %sub3A = arith.constant 29 : i32
    %sub3A_7 = arith.subi %add3A, %sub3A : i32
    %mul3A_8 = arith.constant 3 : i32
    %mul3A_9 = arith.muli %mul3A_8, %sub3A_7 : i32
    %add3A_10 = arith.constant 116 : i32
    %add3A_11 = arith.addi %add3A_10, %mul3A_9 : i32
    %select_n3A_12 = arith.select %lt3A_4, %mul3A_6, %add3A_11 : i32
    %mul3A_13 = arith.constant 20 : i32
    %mul3A_14 = arith.muli %select_n3A_12, %mul3A_13 : i32
    "tpu.region"() ({
      %run_scoped3A = tpu.sem_alloc : memref<!tpu.dma_semaphore, #tpu.memory_space<semaphore_mem>>
      %dma_start3A = arith.constant 0 : i32
      %dma_start3A_34 = tpu.memref_slice %arg4[%mul3A_14, %dma_start3A] : memref<2520x128xi32, #tpu.memory_space<hbm>> -> memref<80x128xi32, #tpu.memory_space<hbm>>
      %dma_start3A_35 = arith.constant 0 : i32
      %dma_start3A_36 = tpu.memref_slice %arg4[%mul3A_14, %dma_start3A_35] : memref<2520x128xi32, #tpu.memory_space<hbm>> -> memref<80x128xi32, #tpu.memory_space<hbm>>
      tpu.enqueue_dma source(%dma_start3A_36 : memref<80x128xi32, #tpu.memory_space<hbm>>) target(%arg8 : memref<80x128xi32, #tpu.memory_space<vmem>>) target_semaphore(%run_scoped3A : memref<!tpu.dma_semaphore, #tpu.memory_space<semaphore_mem>>)
      %dma_wait3A = arith.constant 0 : i32
      %dma_wait3A_37 = tpu.memref_slice %arg4[%mul3A_14, %dma_wait3A] : memref<2520x128xi32, #tpu.memory_space<hbm>> -> memref<80x128xi32, #tpu.memory_space<hbm>>
      %dma_wait3A_38 = arith.constant 0 : i32
      %dma_wait3A_39 = tpu.memref_slice %arg4[%mul3A_14, %dma_wait3A_38] : memref<2520x128xi32, #tpu.memory_space<hbm>> -> memref<80x128xi32, #tpu.memory_space<hbm>>
      tpu.wait_dma2 semaphore(%run_scoped3A : memref<!tpu.dma_semaphore, #tpu.memory_space<semaphore_mem>>) src(%dma_wait3A_39 : memref<80x128xi32, #tpu.memory_space<hbm>>) dst(%arg8 : memref<80x128xi32, #tpu.memory_space<vmem>>)
      tpu.yield
    }) : () -> ()
    "tpu.region"() ({
      %run_scoped3A = tpu.sem_alloc : memref<!tpu.dma_semaphore, #tpu.memory_space<semaphore_mem>>
      %dma_start3A = arith.constant 0 : i32
      %dma_start3A_34 = tpu.memref_slice %arg5[%mul3A_14, %dma_start3A] : memref<2520x128xi32, #tpu.memory_space<hbm>> -> memref<80x128xi32, #tpu.memory_space<hbm>>
      %dma_start3A_35 = arith.constant 0 : i32
      %dma_start3A_36 = tpu.memref_slice %arg5[%mul3A_14, %dma_start3A_35] : memref<2520x128xi32, #tpu.memory_space<hbm>> -> memref<80x128xi32, #tpu.memory_space<hbm>>
      tpu.enqueue_dma source(%dma_start3A_36 : memref<80x128xi32, #tpu.memory_space<hbm>>) target(%arg9 : memref<80x128xi32, #tpu.memory_space<vmem>>) target_semaphore(%run_scoped3A : memref<!tpu.dma_semaphore, #tpu.memory_space<semaphore_mem>>)
      %dma_wait3A = arith.constant 0 : i32
      %dma_wait3A_37 = tpu.memref_slice %arg5[%mul3A_14, %dma_wait3A] : memref<2520x128xi32, #tpu.memory_space<hbm>> -> memref<80x128xi32, #tpu.memory_space<hbm>>
      %dma_wait3A_38 = arith.constant 0 : i32
      %dma_wait3A_39 = tpu.memref_slice %arg5[%mul3A_14, %dma_wait3A_38] : memref<2520x128xi32, #tpu.memory_space<hbm>> -> memref<80x128xi32, #tpu.memory_space<hbm>>
      tpu.wait_dma2 semaphore(%run_scoped3A : memref<!tpu.dma_semaphore, #tpu.memory_space<semaphore_mem>>) src(%dma_wait3A_39 : memref<80x128xi32, #tpu.memory_space<hbm>>) dst(%arg9 : memref<80x128xi32, #tpu.memory_space<vmem>>)
      tpu.yield
    }) : () -> ()
    %while3A = arith.constant 0 : i32
    %while3A_15 = arith.constant 0 : i32
    %while3A_16 = arith.subi %select_n3A, %while3A_15 : i32
    %while3A_17 = arith.addi %while3A_15, %while3A_16 : i32
    %while3A_18 = arith.constant 1 : i32
    %while3A_19 = arith.divsi %while3A_16, %while3A_18 : i32
    %while3A_20 = arith.muli %while3A_19, %while3A_18 : i32
    %while3A_21 = arith.addi %while3A_15, %while3A_20 : i32
    %while3A_22 = arith.constant 1 : i32
    scf.for %while3A_34 = %while3A_15 to %while3A_21 step %while3A_22  : i32 {
      %mul3A_35 = arith.constant 20 : i32
      %mul3A_36 = arith.muli %while3A_34, %mul3A_35 : i32
      %add3A_37 = arith.constant 0 : i32
      %add3A_38 = arith.addi %mul3A_36, %add3A_37 : i32
      %dma_start3A = arith.constant 0 : i32
      %dma_start3A_39 = arith.constant 0 : i32
      %dma_start3A_40 = tpu.memref_slice %arg10[%dma_start3A, %dma_start3A_39] : memref<2560x16xf32, #tpu.memory_space<vmem>> -> memref<128x16xf32, #tpu.memory_space<vmem>>
      %dma_start3A_41 = arith.constant 0 : i32
      %dma_start3A_42 = tpu.memref_slice %arg8[%add3A_38, %dma_start3A_41] : memref<80x128xi32, #tpu.memory_space<vmem>> -> memref<1x128xi32, #tpu.memory_space<vmem>>
      %dma_start3A_43 = tpu.memref_squeeze %dma_start3A_42 : memref<1x128xi32, #tpu.memory_space<vmem>> -> memref<128xi32, #tpu.memory_space<vmem>>
      %dma_start3A_44 = arith.constant 0 : i32
      %dma_start3A_45 = arith.constant 0 : i32
      %dma_start3A_46 = tpu.memref_slice %arg2[%dma_start3A_44, %dma_start3A_45] : memref<10000x16xf32, #tpu.memory_space<hbm>> -> memref<10000x16xf32, #tpu.memory_space<hbm>>
      tpu.enqueue_indirect_dma source(%dma_start3A_46 : memref<10000x16xf32, #tpu.memory_space<hbm>>) target(%dma_start3A_40 : memref<128x16xf32, #tpu.memory_space<vmem>>) offsets(%dma_start3A_43 : memref<128xi32, #tpu.memory_space<vmem>>) semaphore(%arg11 : memref<!tpu.dma_semaphore, #tpu.memory_space<semaphore_mem>>)
      %mul3A_47 = arith.constant 20 : i32
      %mul3A_48 = arith.muli %while3A_34, %mul3A_47 : i32
      %add3A_49 = arith.constant 1 : i32
      %add3A_50 = arith.addi %mul3A_48, %add3A_49 : i32
      %dma_start3A_51 = arith.constant 128 : i32
      %dma_start3A_52 = arith.constant 0 : i32
      %dma_start3A_53 = tpu.memref_slice %arg10[%dma_start3A_51, %dma_start3A_52] : memref<2560x16xf32, #tpu.memory_space<vmem>> -> memref<128x16xf32, #tpu.memory_space<vmem>>
      %dma_start3A_54 = arith.constant 0 : i32
      %dma_start3A_55 = tpu.memref_slice %arg8[%add3A_50, %dma_start3A_54] : memref<80x128xi32, #tpu.memory_space<vmem>> -> memref<1x128xi32, #tpu.memory_space<vmem>>
      %dma_start3A_56 = tpu.memref_squeeze %dma_start3A_55 : memref<1x128xi32, #tpu.memory_space<vmem>> -> memref<128xi32, #tpu.memory_space<vmem>>
      %dma_start3A_57 = arith.constant 0 : i32
      %dma_start3A_58 = arith.constant 0 : i32
      %dma_start3A_59 = tpu.memref_slice %arg2[%dma_start3A_57, %dma_start3A_58] : memref<10000x16xf32, #tpu.memory_space<hbm>> -> memref<10000x16xf32, #tpu.memory_space<hbm>>
      tpu.enqueue_indirect_dma source(%dma_start3A_59 : memref<10000x16xf32, #tpu.memory_space<hbm>>) target(%dma_start3A_53 : memref<128x16xf32, #tpu.memory_space<vmem>>) offsets(%dma_start3A_56 : memref<128xi32, #tpu.memory_space<vmem>>) semaphore(%arg11 : memref<!tpu.dma_semaphore, #tpu.memory_space<semaphore_mem>>)
      %mul3A_60 = arith.constant 20 : i32
      %mul3A_61 = arith.muli %while3A_34, %mul3A_60 : i32
      %add3A_62 = arith.constant 2 : i32
      %add3A_63 = arith.addi %mul3A_61, %add3A_62 : i32
      %dma_start3A_64 = arith.constant 256 : i32
      %dma_start3A_65 = arith.constant 0 : i32
      %dma_start3A_66 = tpu.memref_slice %arg10[%dma_start3A_64, %dma_start3A_65] : memref<2560x16xf32, #tpu.memory_space<vmem>> -> memref<128x16xf32, #tpu.memory_space<vmem>>
      %dma_start3A_67 = arith.constant 0 : i32
      %dma_start3A_68 = tpu.memref_slice %arg8[%add3A_63, %dma_start3A_67] : memref<80x128xi32, #tpu.memory_space<vmem>> -> memref<1x128xi32, #tpu.memory_space<vmem>>
      %dma_start3A_69 = tpu.memref_squeeze %dma_start3A_68 : memref<1x128xi32, #tpu.memory_space<vmem>> -> memref<128xi32, #tpu.memory_space<vmem>>
      %dma_start3A_70 = arith.constant 0 : i32
      %dma_start3A_71 = arith.constant 0 : i32
      %dma_start3A_72 = tpu.memref_slice %arg2[%dma_start3A_70, %dma_start3A_71] : memref<10000x16xf32, #tpu.memory_space<hbm>> -> memref<10000x16xf32, #tpu.memory_space<hbm>>
      tpu.enqueue_indirect_dma source(%dma_start3A_72 : memref<10000x16xf32, #tpu.memory_space<hbm>>) target(%dma_start3A_66 : memref<128x16xf32, #tpu.memory_space<vmem>>) offsets(%dma_start3A_69 : memref<128xi32, #tpu.memory_space<vmem>>) semaphore(%arg11 : memref<!tpu.dma_semaphore, #tpu.memory_space<semaphore_mem>>)
      %mul3A_73 = arith.constant 20 : i32
      %mul3A_74 = arith.muli %while3A_34, %mul3A_73 : i32
      %add3A_75 = arith.constant 3 : i32
      %add3A_76 = arith.addi %mul3A_74, %add3A_75 : i32
      %dma_start3A_77 = arith.constant 384 : i32
      %dma_start3A_78 = arith.constant 0 : i32
      %dma_start3A_79 = tpu.memref_slice %arg10[%dma_start3A_77, %dma_start3A_78] : memref<2560x16xf32, #tpu.memory_space<vmem>> -> memref<128x16xf32, #tpu.memory_space<vmem>>
      %dma_start3A_80 = arith.constant 0 : i32
      %dma_start3A_81 = tpu.memref_slice %arg8[%add3A_76, %dma_start3A_80] : memref<80x128xi32, #tpu.memory_space<vmem>> -> memref<1x128xi32, #tpu.memory_space<vmem>>
      %dma_start3A_82 = tpu.memref_squeeze %dma_start3A_81 : memref<1x128xi32, #tpu.memory_space<vmem>> -> memref<128xi32, #tpu.memory_space<vmem>>
      %dma_start3A_83 = arith.constant 0 : i32
      %dma_start3A_84 = arith.constant 0 : i32
      %dma_start3A_85 = tpu.memref_slice %arg2[%dma_start3A_83, %dma_start3A_84] : memref<10000x16xf32, #tpu.memory_space<hbm>> -> memref<10000x16xf32, #tpu.memory_space<hbm>>
      tpu.enqueue_indirect_dma source(%dma_start3A_85 : memref<10000x16xf32, #tpu.memory_space<hbm>>) target(%dma_start3A_79 : memref<128x16xf32, #tpu.memory_space<vmem>>) offsets(%dma_start3A_82 : memref<128xi32, #tpu.memory_space<vmem>>) semaphore(%arg11 : memref<!tpu.dma_semaphore, #tpu.memory_space<semaphore_mem>>)
      %mul3A_86 = arith.constant 20 : i32
      %mul3A_87 = arith.muli %while3A_34, %mul3A_86 : i32
      %add3A_88 = arith.constant 4 : i32
      %add3A_89 = arith.addi %mul3A_87, %add3A_88 : i32
      %dma_start3A_90 = arith.constant 512 : i32
      %dma_start3A_91 = arith.constant 0 : i32
      %dma_start3A_92 = tpu.memref_slice %arg10[%dma_start3A_90, %dma_start3A_91] : memref<2560x16xf32, #tpu.memory_space<vmem>> -> memref<128x16xf32, #tpu.memory_space<vmem>>
      %dma_start3A_93 = arith.constant 0 : i32
      %dma_start3A_94 = tpu.memref_slice %arg8[%add3A_89, %dma_start3A_93] : memref<80x128xi32, #tpu.memory_space<vmem>> -> memref<1x128xi32, #tpu.memory_space<vmem>>
      %dma_start3A_95 = tpu.memref_squeeze %dma_start3A_94 : memref<1x128xi32, #tpu.memory_space<vmem>> -> memref<128xi32, #tpu.memory_space<vmem>>
      %dma_start3A_96 = arith.constant 0 : i32
      %dma_start3A_97 = arith.constant 0 : i32
      %dma_start3A_98 = tpu.memref_slice %arg2[%dma_start3A_96, %dma_start3A_97] : memref<10000x16xf32, #tpu.memory_space<hbm>> -> memref<10000x16xf32, #tpu.memory_space<hbm>>
      tpu.enqueue_indirect_dma source(%dma_start3A_98 : memref<10000x16xf32, #tpu.memory_space<hbm>>) target(%dma_start3A_92 : memref<128x16xf32, #tpu.memory_space<vmem>>) offsets(%dma_start3A_95 : memref<128xi32, #tpu.memory_space<vmem>>) semaphore(%arg11 : memref<!tpu.dma_semaphore, #tpu.memory_space<semaphore_mem>>)
      %mul3A_99 = arith.constant 20 : i32
      %mul3A_100 = arith.muli %while3A_34, %mul3A_99 : i32
      %add3A_101 = arith.constant 5 : i32
      %add3A_102 = arith.addi %mul3A_100, %add3A_101 : i32
      %dma_start3A_103 = arith.constant 640 : i32
      %dma_start3A_104 = arith.constant 0 : i32
      %dma_start3A_105 = tpu.memref_slice %arg10[%dma_start3A_103, %dma_start3A_104] : memref<2560x16xf32, #tpu.memory_space<vmem>> -> memref<128x16xf32, #tpu.memory_space<vmem>>
      %dma_start3A_106 = arith.constant 0 : i32
      %dma_start3A_107 = tpu.memref_slice %arg8[%add3A_102, %dma_start3A_106] : memref<80x128xi32, #tpu.memory_space<vmem>> -> memref<1x128xi32, #tpu.memory_space<vmem>>
      %dma_start3A_108 = tpu.memref_squeeze %dma_start3A_107 : memref<1x128xi32, #tpu.memory_space<vmem>> -> memref<128xi32, #tpu.memory_space<vmem>>
      %dma_start3A_109 = arith.constant 0 : i32
      %dma_start3A_110 = arith.constant 0 : i32
      %dma_start3A_111 = tpu.memref_slice %arg2[%dma_start3A_109, %dma_start3A_110] : memref<10000x16xf32, #tpu.memory_space<hbm>> -> memref<10000x16xf32, #tpu.memory_space<hbm>>
      tpu.enqueue_indirect_dma source(%dma_start3A_111 : memref<10000x16xf32, #tpu.memory_space<hbm>>) target(%dma_start3A_105 : memref<128x16xf32, #tpu.memory_space<vmem>>) offsets(%dma_start3A_108 : memref<128xi32, #tpu.memory_space<vmem>>) semaphore(%arg11 : memref<!tpu.dma_semaphore, #tpu.memory_space<semaphore_mem>>)
      %mul3A_112 = arith.constant 20 : i32
      %mul3A_113 = arith.muli %while3A_34, %mul3A_112 : i32
      %add3A_114 = arith.constant 6 : i32
      %add3A_115 = arith.addi %mul3A_113, %add3A_114 : i32
      %dma_start3A_116 = arith.constant 768 : i32
      %dma_start3A_117 = arith.constant 0 : i32
      %dma_start3A_118 = tpu.memref_slice %arg10[%dma_start3A_116, %dma_start3A_117] : memref<2560x16xf32, #tpu.memory_space<vmem>> -> memref<128x16xf32, #tpu.memory_space<vmem>>
      %dma_start3A_119 = arith.constant 0 : i32
      %dma_start3A_120 = tpu.memref_slice %arg8[%add3A_115, %dma_start3A_119] : memref<80x128xi32, #tpu.memory_space<vmem>> -> memref<1x128xi32, #tpu.memory_space<vmem>>
      %dma_start3A_121 = tpu.memref_squeeze %dma_start3A_120 : memref<1x128xi32, #tpu.memory_space<vmem>> -> memref<128xi32, #tpu.memory_space<vmem>>
      %dma_start3A_122 = arith.constant 0 : i32
      %dma_start3A_123 = arith.constant 0 : i32
      %dma_start3A_124 = tpu.memref_slice %arg2[%dma_start3A_122, %dma_start3A_123] : memref<10000x16xf32, #tpu.memory_space<hbm>> -> memref<10000x16xf32, #tpu.memory_space<hbm>>
      tpu.enqueue_indirect_dma source(%dma_start3A_124 : memref<10000x16xf32, #tpu.memory_space<hbm>>) target(%dma_start3A_118 : memref<128x16xf32, #tpu.memory_space<vmem>>) offsets(%dma_start3A_121 : memref<128xi32, #tpu.memory_space<vmem>>) semaphore(%arg11 : memref<!tpu.dma_semaphore, #tpu.memory_space<semaphore_mem>>)
      %mul3A_125 = arith.constant 20 : i32
      %mul3A_126 = arith.muli %while3A_34, %mul3A_125 : i32
      %add3A_127 = arith.constant 7 : i32
      %add3A_128 = arith.addi %mul3A_126, %add3A_127 : i32
      %dma_start3A_129 = arith.constant 896 : i32
      %dma_start3A_130 = arith.constant 0 : i32
      %dma_start3A_131 = tpu.memref_slice %arg10[%dma_start3A_129, %dma_start3A_130] : memref<2560x16xf32, #tpu.memory_space<vmem>> -> memref<128x16xf32, #tpu.memory_space<vmem>>
      %dma_start3A_132 = arith.constant 0 : i32
      %dma_start3A_133 = tpu.memref_slice %arg8[%add3A_128, %dma_start3A_132] : memref<80x128xi32, #tpu.memory_space<vmem>> -> memref<1x128xi32, #tpu.memory_space<vmem>>
      %dma_start3A_134 = tpu.memref_squeeze %dma_start3A_133 : memref<1x128xi32, #tpu.memory_space<vmem>> -> memref<128xi32, #tpu.memory_space<vmem>>
      %dma_start3A_135 = arith.constant 0 : i32
      %dma_start3A_136 = arith.constant 0 : i32
      %dma_start3A_137 = tpu.memref_slice %arg2[%dma_start3A_135, %dma_start3A_136] : memref<10000x16xf32, #tpu.memory_space<hbm>> -> memref<10000x16xf32, #tpu.memory_space<hbm>>
      tpu.enqueue_indirect_dma source(%dma_start3A_137 : memref<10000x16xf32, #tpu.memory_space<hbm>>) target(%dma_start3A_131 : memref<128x16xf32, #tpu.memory_space<vmem>>) offsets(%dma_start3A_134 : memref<128xi32, #tpu.memory_space<vmem>>) semaphore(%arg11 : memref<!tpu.dma_semaphore, #tpu.memory_space<semaphore_mem>>)
      %mul3A_138 = arith.constant 20 : i32
      %mul3A_139 = arith.muli %while3A_34, %mul3A_138 : i32
      %add3A_140 = arith.constant 8 : i32
      %add3A_141 = arith.addi %mul3A_139, %add3A_140 : i32
      %dma_start3A_142 = arith.constant 1024 : i32
      %dma_start3A_143 = arith.constant 0 : i32
      %dma_start3A_144 = tpu.memref_slice %arg10[%dma_start3A_142, %dma_start3A_143] : memref<2560x16xf32, #tpu.memory_space<vmem>> -> memref<128x16xf32, #tpu.memory_space<vmem>>
      %dma_start3A_145 = arith.constant 0 : i32
      %dma_start3A_146 = tpu.memref_slice %arg8[%add3A_141, %dma_start3A_145] : memref<80x128xi32, #tpu.memory_space<vmem>> -> memref<1x128xi32, #tpu.memory_space<vmem>>
      %dma_start3A_147 = tpu.memref_squeeze %dma_start3A_146 : memref<1x128xi32, #tpu.memory_space<vmem>> -> memref<128xi32, #tpu.memory_space<vmem>>
      %dma_start3A_148 = arith.constant 0 : i32
      %dma_start3A_149 = arith.constant 0 : i32
      %dma_start3A_150 = tpu.memref_slice %arg2[%dma_start3A_148, %dma_start3A_149] : memref<10000x16xf32, #tpu.memory_space<hbm>> -> memref<10000x16xf32, #tpu.memory_space<hbm>>
      tpu.enqueue_indirect_dma source(%dma_start3A_150 : memref<10000x16xf32, #tpu.memory_space<hbm>>) target(%dma_start3A_144 : memref<128x16xf32, #tpu.memory_space<vmem>>) offsets(%dma_start3A_147 : memref<128xi32, #tpu.memory_space<vmem>>) semaphore(%arg11 : memref<!tpu.dma_semaphore, #tpu.memory_space<semaphore_mem>>)
      %mul3A_151 = arith.constant 20 : i32
      %mul3A_152 = arith.muli %while3A_34, %mul3A_151 : i32
      %add3A_153 = arith.constant 9 : i32
      %add3A_154 = arith.addi %mul3A_152, %add3A_153 : i32
      %dma_start3A_155 = arith.constant 1152 : i32
      %dma_start3A_156 = arith.constant 0 : i32
      %dma_start3A_157 = tpu.memref_slice %arg10[%dma_start3A_155, %dma_start3A_156] : memref<2560x16xf32, #tpu.memory_space<vmem>> -> memref<128x16xf32, #tpu.memory_space<vmem>>
      %dma_start3A_158 = arith.constant 0 : i32
      %dma_start3A_159 = tpu.memref_slice %arg8[%add3A_154, %dma_start3A_158] : memref<80x128xi32, #tpu.memory_space<vmem>> -> memref<1x128xi32, #tpu.memory_space<vmem>>
      %dma_start3A_160 = tpu.memref_squeeze %dma_start3A_159 : memref<1x128xi32, #tpu.memory_space<vmem>> -> memref<128xi32, #tpu.memory_space<vmem>>
      %dma_start3A_161 = arith.constant 0 : i32
      %dma_start3A_162 = arith.constant 0 : i32
      %dma_start3A_163 = tpu.memref_slice %arg2[%dma_start3A_161, %dma_start3A_162] : memref<10000x16xf32, #tpu.memory_space<hbm>> -> memref<10000x16xf32, #tpu.memory_space<hbm>>
      tpu.enqueue_indirect_dma source(%dma_start3A_163 : memref<10000x16xf32, #tpu.memory_space<hbm>>) target(%dma_start3A_157 : memref<128x16xf32, #tpu.memory_space<vmem>>) offsets(%dma_start3A_160 : memref<128xi32, #tpu.memory_space<vmem>>) semaphore(%arg11 : memref<!tpu.dma_semaphore, #tpu.memory_space<semaphore_mem>>)
      %mul3A_164 = arith.constant 20 : i32
      %mul3A_165 = arith.muli %while3A_34, %mul3A_164 : i32
      %add3A_166 = arith.constant 10 : i32
      %add3A_167 = arith.addi %mul3A_165, %add3A_166 : i32
      %dma_start3A_168 = arith.constant 1280 : i32
      %dma_start3A_169 = arith.constant 0 : i32
      %dma_start3A_170 = tpu.memref_slice %arg10[%dma_start3A_168, %dma_start3A_169] : memref<2560x16xf32, #tpu.memory_space<vmem>> -> memref<128x16xf32, #tpu.memory_space<vmem>>
      %dma_start3A_171 = arith.constant 0 : i32
      %dma_start3A_172 = tpu.memref_slice %arg8[%add3A_167, %dma_start3A_171] : memref<80x128xi32, #tpu.memory_space<vmem>> -> memref<1x128xi32, #tpu.memory_space<vmem>>
      %dma_start3A_173 = tpu.memref_squeeze %dma_start3A_172 : memref<1x128xi32, #tpu.memory_space<vmem>> -> memref<128xi32, #tpu.memory_space<vmem>>
      %dma_start3A_174 = arith.constant 0 : i32
      %dma_start3A_175 = arith.constant 0 : i32
      %dma_start3A_176 = tpu.memref_slice %arg2[%dma_start3A_174, %dma_start3A_175] : memref<10000x16xf32, #tpu.memory_space<hbm>> -> memref<10000x16xf32, #tpu.memory_space<hbm>>
      tpu.enqueue_indirect_dma source(%dma_start3A_176 : memref<10000x16xf32, #tpu.memory_space<hbm>>) target(%dma_start3A_170 : memref<128x16xf32, #tpu.memory_space<vmem>>) offsets(%dma_start3A_173 : memref<128xi32, #tpu.memory_space<vmem>>) semaphore(%arg11 : memref<!tpu.dma_semaphore, #tpu.memory_space<semaphore_mem>>)
      %mul3A_177 = arith.constant 20 : i32
      %mul3A_178 = arith.muli %while3A_34, %mul3A_177 : i32
      %add3A_179 = arith.constant 11 : i32
      %add3A_180 = arith.addi %mul3A_178, %add3A_179 : i32
      %dma_start3A_181 = arith.constant 1408 : i32
      %dma_start3A_182 = arith.constant 0 : i32
      %dma_start3A_183 = tpu.memref_slice %arg10[%dma_start3A_181, %dma_start3A_182] : memref<2560x16xf32, #tpu.memory_space<vmem>> -> memref<128x16xf32, #tpu.memory_space<vmem>>
      %dma_start3A_184 = arith.constant 0 : i32
      %dma_start3A_185 = tpu.memref_slice %arg8[%add3A_180, %dma_start3A_184] : memref<80x128xi32, #tpu.memory_space<vmem>> -> memref<1x128xi32, #tpu.memory_space<vmem>>
      %dma_start3A_186 = tpu.memref_squeeze %dma_start3A_185 : memref<1x128xi32, #tpu.memory_space<vmem>> -> memref<128xi32, #tpu.memory_space<vmem>>
      %dma_start3A_187 = arith.constant 0 : i32
      %dma_start3A_188 = arith.constant 0 : i32
      %dma_start3A_189 = tpu.memref_slice %arg2[%dma_start3A_187, %dma_start3A_188] : memref<10000x16xf32, #tpu.memory_space<hbm>> -> memref<10000x16xf32, #tpu.memory_space<hbm>>
      tpu.enqueue_indirect_dma source(%dma_start3A_189 : memref<10000x16xf32, #tpu.memory_space<hbm>>) target(%dma_start3A_183 : memref<128x16xf32, #tpu.memory_space<vmem>>) offsets(%dma_start3A_186 : memref<128xi32, #tpu.memory_space<vmem>>) semaphore(%arg11 : memref<!tpu.dma_semaphore, #tpu.memory_space<semaphore_mem>>)
      %mul3A_190 = arith.constant 20 : i32
      %mul3A_191 = arith.muli %while3A_34, %mul3A_190 : i32
      %add3A_192 = arith.constant 12 : i32
      %add3A_193 = arith.addi %mul3A_191, %add3A_192 : i32
      %dma_start3A_194 = arith.constant 1536 : i32
      %dma_start3A_195 = arith.constant 0 : i32
      %dma_start3A_196 = tpu.memref_slice %arg10[%dma_start3A_194, %dma_start3A_195] : memref<2560x16xf32, #tpu.memory_space<vmem>> -> memref<128x16xf32, #tpu.memory_space<vmem>>
      %dma_start3A_197 = arith.constant 0 : i32
      %dma_start3A_198 = tpu.memref_slice %arg8[%add3A_193, %dma_start3A_197] : memref<80x128xi32, #tpu.memory_space<vmem>> -> memref<1x128xi32, #tpu.memory_space<vmem>>
      %dma_start3A_199 = tpu.memref_squeeze %dma_start3A_198 : memref<1x128xi32, #tpu.memory_space<vmem>> -> memref<128xi32, #tpu.memory_space<vmem>>
      %dma_start3A_200 = arith.constant 0 : i32
      %dma_start3A_201 = arith.constant 0 : i32
      %dma_start3A_202 = tpu.memref_slice %arg2[%dma_start3A_200, %dma_start3A_201] : memref<10000x16xf32, #tpu.memory_space<hbm>> -> memref<10000x16xf32, #tpu.memory_space<hbm>>
      tpu.enqueue_indirect_dma source(%dma_start3A_202 : memref<10000x16xf32, #tpu.memory_space<hbm>>) target(%dma_start3A_196 : memref<128x16xf32, #tpu.memory_space<vmem>>) offsets(%dma_start3A_199 : memref<128xi32, #tpu.memory_space<vmem>>) semaphore(%arg11 : memref<!tpu.dma_semaphore, #tpu.memory_space<semaphore_mem>>)
      %mul3A_203 = arith.constant 20 : i32
      %mul3A_204 = arith.muli %while3A_34, %mul3A_203 : i32
      %add3A_205 = arith.constant 13 : i32
      %add3A_206 = arith.addi %mul3A_204, %add3A_205 : i32
      %dma_start3A_207 = arith.constant 1664 : i32
      %dma_start3A_208 = arith.constant 0 : i32
      %dma_start3A_209 = tpu.memref_slice %arg10[%dma_start3A_207, %dma_start3A_208] : memref<2560x16xf32, #tpu.memory_space<vmem>> -> memref<128x16xf32, #tpu.memory_space<vmem>>
      %dma_start3A_210 = arith.constant 0 : i32
      %dma_start3A_211 = tpu.memref_slice %arg8[%add3A_206, %dma_start3A_210] : memref<80x128xi32, #tpu.memory_space<vmem>> -> memref<1x128xi32, #tpu.memory_space<vmem>>
      %dma_start3A_212 = tpu.memref_squeeze %dma_start3A_211 : memref<1x128xi32, #tpu.memory_space<vmem>> -> memref<128xi32, #tpu.memory_space<vmem>>
      %dma_start3A_213 = arith.constant 0 : i32
      %dma_start3A_214 = arith.constant 0 : i32
      %dma_start3A_215 = tpu.memref_slice %arg2[%dma_start3A_213, %dma_start3A_214] : memref<10000x16xf32, #tpu.memory_space<hbm>> -> memref<10000x16xf32, #tpu.memory_space<hbm>>
      tpu.enqueue_indirect_dma source(%dma_start3A_215 : memref<10000x16xf32, #tpu.memory_space<hbm>>) target(%dma_start3A_209 : memref<128x16xf32, #tpu.memory_space<vmem>>) offsets(%dma_start3A_212 : memref<128xi32, #tpu.memory_space<vmem>>) semaphore(%arg11 : memref<!tpu.dma_semaphore, #tpu.memory_space<semaphore_mem>>)
      %mul3A_216 = arith.constant 20 : i32
      %mul3A_217 = arith.muli %while3A_34, %mul3A_216 : i32
      %add3A_218 = arith.constant 14 : i32
      %add3A_219 = arith.addi %mul3A_217, %add3A_218 : i32
      %dma_start3A_220 = arith.constant 1792 : i32
      %dma_start3A_221 = arith.constant 0 : i32
      %dma_start3A_222 = tpu.memref_slice %arg10[%dma_start3A_220, %dma_start3A_221] : memref<2560x16xf32, #tpu.memory_space<vmem>> -> memref<128x16xf32, #tpu.memory_space<vmem>>
      %dma_start3A_223 = arith.constant 0 : i32
      %dma_start3A_224 = tpu.memref_slice %arg8[%add3A_219, %dma_start3A_223] : memref<80x128xi32, #tpu.memory_space<vmem>> -> memref<1x128xi32, #tpu.memory_space<vmem>>
      %dma_start3A_225 = tpu.memref_squeeze %dma_start3A_224 : memref<1x128xi32, #tpu.memory_space<vmem>> -> memref<128xi32, #tpu.memory_space<vmem>>
      %dma_start3A_226 = arith.constant 0 : i32
      %dma_start3A_227 = arith.constant 0 : i32
      %dma_start3A_228 = tpu.memref_slice %arg2[%dma_start3A_226, %dma_start3A_227] : memref<10000x16xf32, #tpu.memory_space<hbm>> -> memref<10000x16xf32, #tpu.memory_space<hbm>>
      tpu.enqueue_indirect_dma source(%dma_start3A_228 : memref<10000x16xf32, #tpu.memory_space<hbm>>) target(%dma_start3A_222 : memref<128x16xf32, #tpu.memory_space<vmem>>) offsets(%dma_start3A_225 : memref<128xi32, #tpu.memory_space<vmem>>) semaphore(%arg11 : memref<!tpu.dma_semaphore, #tpu.memory_space<semaphore_mem>>)
      %mul3A_229 = arith.constant 20 : i32
      %mul3A_230 = arith.muli %while3A_34, %mul3A_229 : i32
      %add3A_231 = arith.constant 15 : i32
      %add3A_232 = arith.addi %mul3A_230, %add3A_231 : i32
      %dma_start3A_233 = arith.constant 1920 : i32
      %dma_start3A_234 = arith.constant 0 : i32
      %dma_start3A_235 = tpu.memref_slice %arg10[%dma_start3A_233, %dma_start3A_234] : memref<2560x16xf32, #tpu.memory_space<vmem>> -> memref<128x16xf32, #tpu.memory_space<vmem>>
      %dma_start3A_236 = arith.constant 0 : i32
      %dma_start3A_237 = tpu.memref_slice %arg8[%add3A_232, %dma_start3A_236] : memref<80x128xi32, #tpu.memory_space<vmem>> -> memref<1x128xi32, #tpu.memory_space<vmem>>
      %dma_start3A_238 = tpu.memref_squeeze %dma_start3A_237 : memref<1x128xi32, #tpu.memory_space<vmem>> -> memref<128xi32, #tpu.memory_space<vmem>>
      %dma_start3A_239 = arith.constant 0 : i32
      %dma_start3A_240 = arith.constant 0 : i32
      %dma_start3A_241 = tpu.memref_slice %arg2[%dma_start3A_239, %dma_start3A_240] : memref<10000x16xf32, #tpu.memory_space<hbm>> -> memref<10000x16xf32, #tpu.memory_space<hbm>>
      tpu.enqueue_indirect_dma source(%dma_start3A_241 : memref<10000x16xf32, #tpu.memory_space<hbm>>) target(%dma_start3A_235 : memref<128x16xf32, #tpu.memory_space<vmem>>) offsets(%dma_start3A_238 : memref<128xi32, #tpu.memory_space<vmem>>) semaphore(%arg11 : memref<!tpu.dma_semaphore, #tpu.memory_space<semaphore_mem>>)
      %mul3A_242 = arith.constant 20 : i32
      %mul3A_243 = arith.muli %while3A_34, %mul3A_242 : i32
      %add3A_244 = arith.constant 16 : i32
      %add3A_245 = arith.addi %mul3A_243, %add3A_244 : i32
      %dma_start3A_246 = arith.constant 2048 : i32
      %dma_start3A_247 = arith.constant 0 : i32
      %dma_start3A_248 = tpu.memref_slice %arg10[%dma_start3A_246, %dma_start3A_247] : memref<2560x16xf32, #tpu.memory_space<vmem>> -> memref<128x16xf32, #tpu.memory_space<vmem>>
      %dma_start3A_249 = arith.constant 0 : i32
      %dma_start3A_250 = tpu.memref_slice %arg8[%add3A_245, %dma_start3A_249] : memref<80x128xi32, #tpu.memory_space<vmem>> -> memref<1x128xi32, #tpu.memory_space<vmem>>
      %dma_start3A_251 = tpu.memref_squeeze %dma_start3A_250 : memref<1x128xi32, #tpu.memory_space<vmem>> -> memref<128xi32, #tpu.memory_space<vmem>>
      %dma_start3A_252 = arith.constant 0 : i32
      %dma_start3A_253 = arith.constant 0 : i32
      %dma_start3A_254 = tpu.memref_slice %arg2[%dma_start3A_252, %dma_start3A_253] : memref<10000x16xf32, #tpu.memory_space<hbm>> -> memref<10000x16xf32, #tpu.memory_space<hbm>>
      tpu.enqueue_indirect_dma source(%dma_start3A_254 : memref<10000x16xf32, #tpu.memory_space<hbm>>) target(%dma_start3A_248 : memref<128x16xf32, #tpu.memory_space<vmem>>) offsets(%dma_start3A_251 : memref<128xi32, #tpu.memory_space<vmem>>) semaphore(%arg11 : memref<!tpu.dma_semaphore, #tpu.memory_space<semaphore_mem>>)
      %mul3A_255 = arith.constant 20 : i32
      %mul3A_256 = arith.muli %while3A_34, %mul3A_255 : i32
      %add3A_257 = arith.constant 17 : i32
      %add3A_258 = arith.addi %mul3A_256, %add3A_257 : i32
      %dma_start3A_259 = arith.constant 2176 : i32
      %dma_start3A_260 = arith.constant 0 : i32
      %dma_start3A_261 = tpu.memref_slice %arg10[%dma_start3A_259, %dma_start3A_260] : memref<2560x16xf32, #tpu.memory_space<vmem>> -> memref<128x16xf32, #tpu.memory_space<vmem>>
      %dma_start3A_262 = arith.constant 0 : i32
      %dma_start3A_263 = tpu.memref_slice %arg8[%add3A_258, %dma_start3A_262] : memref<80x128xi32, #tpu.memory_space<vmem>> -> memref<1x128xi32, #tpu.memory_space<vmem>>
      %dma_start3A_264 = tpu.memref_squeeze %dma_start3A_263 : memref<1x128xi32, #tpu.memory_space<vmem>> -> memref<128xi32, #tpu.memory_space<vmem>>
      %dma_start3A_265 = arith.constant 0 : i32
      %dma_start3A_266 = arith.constant 0 : i32
      %dma_start3A_267 = tpu.memref_slice %arg2[%dma_start3A_265, %dma_start3A_266] : memref<10000x16xf32, #tpu.memory_space<hbm>> -> memref<10000x16xf32, #tpu.memory_space<hbm>>
      tpu.enqueue_indirect_dma source(%dma_start3A_267 : memref<10000x16xf32, #tpu.memory_space<hbm>>) target(%dma_start3A_261 : memref<128x16xf32, #tpu.memory_space<vmem>>) offsets(%dma_start3A_264 : memref<128xi32, #tpu.memory_space<vmem>>) semaphore(%arg11 : memref<!tpu.dma_semaphore, #tpu.memory_space<semaphore_mem>>)
      %mul3A_268 = arith.constant 20 : i32
      %mul3A_269 = arith.muli %while3A_34, %mul3A_268 : i32
      %add3A_270 = arith.constant 18 : i32
      %add3A_271 = arith.addi %mul3A_269, %add3A_270 : i32
      %dma_start3A_272 = arith.constant 2304 : i32
      %dma_start3A_273 = arith.constant 0 : i32
      %dma_start3A_274 = tpu.memref_slice %arg10[%dma_start3A_272, %dma_start3A_273] : memref<2560x16xf32, #tpu.memory_space<vmem>> -> memref<128x16xf32, #tpu.memory_space<vmem>>
      %dma_start3A_275 = arith.constant 0 : i32
      %dma_start3A_276 = tpu.memref_slice %arg8[%add3A_271, %dma_start3A_275] : memref<80x128xi32, #tpu.memory_space<vmem>> -> memref<1x128xi32, #tpu.memory_space<vmem>>
      %dma_start3A_277 = tpu.memref_squeeze %dma_start3A_276 : memref<1x128xi32, #tpu.memory_space<vmem>> -> memref<128xi32, #tpu.memory_space<vmem>>
      %dma_start3A_278 = arith.constant 0 : i32
      %dma_start3A_279 = arith.constant 0 : i32
      %dma_start3A_280 = tpu.memref_slice %arg2[%dma_start3A_278, %dma_start3A_279] : memref<10000x16xf32, #tpu.memory_space<hbm>> -> memref<10000x16xf32, #tpu.memory_space<hbm>>
      tpu.enqueue_indirect_dma source(%dma_start3A_280 : memref<10000x16xf32, #tpu.memory_space<hbm>>) target(%dma_start3A_274 : memref<128x16xf32, #tpu.memory_space<vmem>>) offsets(%dma_start3A_277 : memref<128xi32, #tpu.memory_space<vmem>>) semaphore(%arg11 : memref<!tpu.dma_semaphore, #tpu.memory_space<semaphore_mem>>)
      %mul3A_281 = arith.constant 20 : i32
      %mul3A_282 = arith.muli %while3A_34, %mul3A_281 : i32
      %add3A_283 = arith.constant 19 : i32
      %add3A_284 = arith.addi %mul3A_282, %add3A_283 : i32
      %dma_start3A_285 = arith.constant 2432 : i32
      %dma_start3A_286 = arith.constant 0 : i32
      %dma_start3A_287 = tpu.memref_slice %arg10[%dma_start3A_285, %dma_start3A_286] : memref<2560x16xf32, #tpu.memory_space<vmem>> -> memref<128x16xf32, #tpu.memory_space<vmem>>
      %dma_start3A_288 = arith.constant 0 : i32
      %dma_start3A_289 = tpu.memref_slice %arg8[%add3A_284, %dma_start3A_288] : memref<80x128xi32, #tpu.memory_space<vmem>> -> memref<1x128xi32, #tpu.memory_space<vmem>>
      %dma_start3A_290 = tpu.memref_squeeze %dma_start3A_289 : memref<1x128xi32, #tpu.memory_space<vmem>> -> memref<128xi32, #tpu.memory_space<vmem>>
      %dma_start3A_291 = arith.constant 0 : i32
      %dma_start3A_292 = arith.constant 0 : i32
      %dma_start3A_293 = tpu.memref_slice %arg2[%dma_start3A_291, %dma_start3A_292] : memref<10000x16xf32, #tpu.memory_space<hbm>> -> memref<10000x16xf32, #tpu.memory_space<hbm>>
      tpu.enqueue_indirect_dma source(%dma_start3A_293 : memref<10000x16xf32, #tpu.memory_space<hbm>>) target(%dma_start3A_287 : memref<128x16xf32, #tpu.memory_space<vmem>>) offsets(%dma_start3A_290 : memref<128xi32, #tpu.memory_space<vmem>>) semaphore(%arg11 : memref<!tpu.dma_semaphore, #tpu.memory_space<semaphore_mem>>)
      %dma_wait3A = arith.constant 0 : i32
      %dma_wait3A_294 = arith.constant 0 : i32
      %dma_wait3A_295 = tpu.memref_slice %arg10[%dma_wait3A, %dma_wait3A_294] : memref<2560x16xf32, #tpu.memory_space<vmem>> -> memref<128x16xf32, #tpu.memory_space<vmem>>
      %dma_wait3A_296 = arith.constant 0 : i32
      %dma_wait3A_297 = tpu.memref_slice %arg8[%add3A_38, %dma_wait3A_296] : memref<80x128xi32, #tpu.memory_space<vmem>> -> memref<1x128xi32, #tpu.memory_space<vmem>>
      %dma_wait3A_298 = tpu.memref_squeeze %dma_wait3A_297 : memref<1x128xi32, #tpu.memory_space<vmem>> -> memref<128xi32, #tpu.memory_space<vmem>>
      %dma_wait3A_299 = arith.constant 0 : i32
      %dma_wait3A_300 = arith.constant 0 : i32
      %dma_wait3A_301 = tpu.memref_slice %arg2[%dma_wait3A_299, %dma_wait3A_300] : memref<10000x16xf32, #tpu.memory_space<hbm>> -> memref<10000x16xf32, #tpu.memory_space<hbm>>
      tpu.wait_indirect_dma semaphore(%arg11 : memref<!tpu.dma_semaphore, #tpu.memory_space<semaphore_mem>>) src(%dma_wait3A_301 : memref<10000x16xf32, #tpu.memory_space<hbm>>) dst(%dma_wait3A_295 : memref<128x16xf32, #tpu.memory_space<vmem>>)
      %dma_wait3A_302 = arith.constant 128 : i32
      %dma_wait3A_303 = arith.constant 0 : i32
      %dma_wait3A_304 = tpu.memref_slice %arg10[%dma_wait3A_302, %dma_wait3A_303] : memref<2560x16xf32, #tpu.memory_space<vmem>> -> memref<128x16xf32, #tpu.memory_space<vmem>>
      %dma_wait3A_305 = arith.constant 0 : i32
      %dma_wait3A_306 = tpu.memref_slice %arg8[%add3A_50, %dma_wait3A_305] : memref<80x128xi32, #tpu.memory_space<vmem>> -> memref<1x128xi32, #tpu.memory_space<vmem>>
      %dma_wait3A_307 = tpu.memref_squeeze %dma_wait3A_306 : memref<1x128xi32, #tpu.memory_space<vmem>> -> memref<128xi32, #tpu.memory_space<vmem>>
      %dma_wait3A_308 = arith.constant 0 : i32
      %dma_wait3A_309 = arith.constant 0 : i32
      %dma_wait3A_310 = tpu.memref_slice %arg2[%dma_wait3A_308, %dma_wait3A_309] : memref<10000x16xf32, #tpu.memory_space<hbm>> -> memref<10000x16xf32, #tpu.memory_space<hbm>>
      tpu.wait_indirect_dma semaphore(%arg11 : memref<!tpu.dma_semaphore, #tpu.memory_space<semaphore_mem>>) src(%dma_wait3A_310 : memref<10000x16xf32, #tpu.memory_space<hbm>>) dst(%dma_wait3A_304 : memref<128x16xf32, #tpu.memory_space<vmem>>)
      %dma_wait3A_311 = arith.constant 256 : i32
      %dma_wait3A_312 = arith.constant 0 : i32
      %dma_wait3A_313 = tpu.memref_slice %arg10[%dma_wait3A_311, %dma_wait3A_312] : memref<2560x16xf32, #tpu.memory_space<vmem>> -> memref<128x16xf32, #tpu.memory_space<vmem>>
      %dma_wait3A_314 = arith.constant 0 : i32
      %dma_wait3A_315 = tpu.memref_slice %arg8[%add3A_63, %dma_wait3A_314] : memref<80x128xi32, #tpu.memory_space<vmem>> -> memref<1x128xi32, #tpu.memory_space<vmem>>
      %dma_wait3A_316 = tpu.memref_squeeze %dma_wait3A_315 : memref<1x128xi32, #tpu.memory_space<vmem>> -> memref<128xi32, #tpu.memory_space<vmem>>
      %dma_wait3A_317 = arith.constant 0 : i32
      %dma_wait3A_318 = arith.constant 0 : i32
      %dma_wait3A_319 = tpu.memref_slice %arg2[%dma_wait3A_317, %dma_wait3A_318] : memref<10000x16xf32, #tpu.memory_space<hbm>> -> memref<10000x16xf32, #tpu.memory_space<hbm>>
      tpu.wait_indirect_dma semaphore(%arg11 : memref<!tpu.dma_semaphore, #tpu.memory_space<semaphore_mem>>) src(%dma_wait3A_319 : memref<10000x16xf32, #tpu.memory_space<hbm>>) dst(%dma_wait3A_313 : memref<128x16xf32, #tpu.memory_space<vmem>>)
      %dma_wait3A_320 = arith.constant 384 : i32
      %dma_wait3A_321 = arith.constant 0 : i32
      %dma_wait3A_322 = tpu.memref_slice %arg10[%dma_wait3A_320, %dma_wait3A_321] : memref<2560x16xf32, #tpu.memory_space<vmem>> -> memref<128x16xf32, #tpu.memory_space<vmem>>
      %dma_wait3A_323 = arith.constant 0 : i32
      %dma_wait3A_324 = tpu.memref_slice %arg8[%add3A_76, %dma_wait3A_323] : memref<80x128xi32, #tpu.memory_space<vmem>> -> memref<1x128xi32, #tpu.memory_space<vmem>>
      %dma_wait3A_325 = tpu.memref_squeeze %dma_wait3A_324 : memref<1x128xi32, #tpu.memory_space<vmem>> -> memref<128xi32, #tpu.memory_space<vmem>>
      %dma_wait3A_326 = arith.constant 0 : i32
      %dma_wait3A_327 = arith.constant 0 : i32
      %dma_wait3A_328 = tpu.memref_slice %arg2[%dma_wait3A_326, %dma_wait3A_327] : memref<10000x16xf32, #tpu.memory_space<hbm>> -> memref<10000x16xf32, #tpu.memory_space<hbm>>
      tpu.wait_indirect_dma semaphore(%arg11 : memref<!tpu.dma_semaphore, #tpu.memory_space<semaphore_mem>>) src(%dma_wait3A_328 : memref<10000x16xf32, #tpu.memory_space<hbm>>) dst(%dma_wait3A_322 : memref<128x16xf32, #tpu.memory_space<vmem>>)
      %dma_wait3A_329 = arith.constant 512 : i32
      %dma_wait3A_330 = arith.constant 0 : i32
      %dma_wait3A_331 = tpu.memref_slice %arg10[%dma_wait3A_329, %dma_wait3A_330] : memref<2560x16xf32, #tpu.memory_space<vmem>> -> memref<128x16xf32, #tpu.memory_space<vmem>>
      %dma_wait3A_332 = arith.constant 0 : i32
      %dma_wait3A_333 = tpu.memref_slice %arg8[%add3A_89, %dma_wait3A_332] : memref<80x128xi32, #tpu.memory_space<vmem>> -> memref<1x128xi32, #tpu.memory_space<vmem>>
      %dma_wait3A_334 = tpu.memref_squeeze %dma_wait3A_333 : memref<1x128xi32, #tpu.memory_space<vmem>> -> memref<128xi32, #tpu.memory_space<vmem>>
      %dma_wait3A_335 = arith.constant 0 : i32
      %dma_wait3A_336 = arith.constant 0 : i32
      %dma_wait3A_337 = tpu.memref_slice %arg2[%dma_wait3A_335, %dma_wait3A_336] : memref<10000x16xf32, #tpu.memory_space<hbm>> -> memref<10000x16xf32, #tpu.memory_space<hbm>>
      tpu.wait_indirect_dma semaphore(%arg11 : memref<!tpu.dma_semaphore, #tpu.memory_space<semaphore_mem>>) src(%dma_wait3A_337 : memref<10000x16xf32, #tpu.memory_space<hbm>>) dst(%dma_wait3A_331 : memref<128x16xf32, #tpu.memory_space<vmem>>)
      %dma_wait3A_338 = arith.constant 640 : i32
      %dma_wait3A_339 = arith.constant 0 : i32
      %dma_wait3A_340 = tpu.memref_slice %arg10[%dma_wait3A_338, %dma_wait3A_339] : memref<2560x16xf32, #tpu.memory_space<vmem>> -> memref<128x16xf32, #tpu.memory_space<vmem>>
      %dma_wait3A_341 = arith.constant 0 : i32
      %dma_wait3A_342 = tpu.memref_slice %arg8[%add3A_102, %dma_wait3A_341] : memref<80x128xi32, #tpu.memory_space<vmem>> -> memref<1x128xi32, #tpu.memory_space<vmem>>
      %dma_wait3A_343 = tpu.memref_squeeze %dma_wait3A_342 : memref<1x128xi32, #tpu.memory_space<vmem>> -> memref<128xi32, #tpu.memory_space<vmem>>
      %dma_wait3A_344 = arith.constant 0 : i32
      %dma_wait3A_345 = arith.constant 0 : i32
      %dma_wait3A_346 = tpu.memref_slice %arg2[%dma_wait3A_344, %dma_wait3A_345] : memref<10000x16xf32, #tpu.memory_space<hbm>> -> memref<10000x16xf32, #tpu.memory_space<hbm>>
      tpu.wait_indirect_dma semaphore(%arg11 : memref<!tpu.dma_semaphore, #tpu.memory_space<semaphore_mem>>) src(%dma_wait3A_346 : memref<10000x16xf32, #tpu.memory_space<hbm>>) dst(%dma_wait3A_340 : memref<128x16xf32, #tpu.memory_space<vmem>>)
      %dma_wait3A_347 = arith.constant 768 : i32
      %dma_wait3A_348 = arith.constant 0 : i32
      %dma_wait3A_349 = tpu.memref_slice %arg10[%dma_wait3A_347, %dma_wait3A_348] : memref<2560x16xf32, #tpu.memory_space<vmem>> -> memref<128x16xf32, #tpu.memory_space<vmem>>
      %dma_wait3A_350 = arith.constant 0 : i32
      %dma_wait3A_351 = tpu.memref_slice %arg8[%add3A_115, %dma_wait3A_350] : memref<80x128xi32, #tpu.memory_space<vmem>> -> memref<1x128xi32, #tpu.memory_space<vmem>>
      %dma_wait3A_352 = tpu.memref_squeeze %dma_wait3A_351 : memref<1x128xi32, #tpu.memory_space<vmem>> -> memref<128xi32, #tpu.memory_space<vmem>>
      %dma_wait3A_353 = arith.constant 0 : i32
      %dma_wait3A_354 = arith.constant 0 : i32
      %dma_wait3A_355 = tpu.memref_slice %arg2[%dma_wait3A_353, %dma_wait3A_354] : memref<10000x16xf32, #tpu.memory_space<hbm>> -> memref<10000x16xf32, #tpu.memory_space<hbm>>
      tpu.wait_indirect_dma semaphore(%arg11 : memref<!tpu.dma_semaphore, #tpu.memory_space<semaphore_mem>>) src(%dma_wait3A_355 : memref<10000x16xf32, #tpu.memory_space<hbm>>) dst(%dma_wait3A_349 : memref<128x16xf32, #tpu.memory_space<vmem>>)
      %dma_wait3A_356 = arith.constant 896 : i32
      %dma_wait3A_357 = arith.constant 0 : i32
      %dma_wait3A_358 = tpu.memref_slice %arg10[%dma_wait3A_356, %dma_wait3A_357] : memref<2560x16xf32, #tpu.memory_space<vmem>> -> memref<128x16xf32, #tpu.memory_space<vmem>>
      %dma_wait3A_359 = arith.constant 0 : i32
      %dma_wait3A_360 = tpu.memref_slice %arg8[%add3A_128, %dma_wait3A_359] : memref<80x128xi32, #tpu.memory_space<vmem>> -> memref<1x128xi32, #tpu.memory_space<vmem>>
      %dma_wait3A_361 = tpu.memref_squeeze %dma_wait3A_360 : memref<1x128xi32, #tpu.memory_space<vmem>> -> memref<128xi32, #tpu.memory_space<vmem>>
      %dma_wait3A_362 = arith.constant 0 : i32
      %dma_wait3A_363 = arith.constant 0 : i32
      %dma_wait3A_364 = tpu.memref_slice %arg2[%dma_wait3A_362, %dma_wait3A_363] : memref<10000x16xf32, #tpu.memory_space<hbm>> -> memref<10000x16xf32, #tpu.memory_space<hbm>>
      tpu.wait_indirect_dma semaphore(%arg11 : memref<!tpu.dma_semaphore, #tpu.memory_space<semaphore_mem>>) src(%dma_wait3A_364 : memref<10000x16xf32, #tpu.memory_space<hbm>>) dst(%dma_wait3A_358 : memref<128x16xf32, #tpu.memory_space<vmem>>)
      %dma_wait3A_365 = arith.constant 1024 : i32
      %dma_wait3A_366 = arith.constant 0 : i32
      %dma_wait3A_367 = tpu.memref_slice %arg10[%dma_wait3A_365, %dma_wait3A_366] : memref<2560x16xf32, #tpu.memory_space<vmem>> -> memref<128x16xf32, #tpu.memory_space<vmem>>
      %dma_wait3A_368 = arith.constant 0 : i32
      %dma_wait3A_369 = tpu.memref_slice %arg8[%add3A_141, %dma_wait3A_368] : memref<80x128xi32, #tpu.memory_space<vmem>> -> memref<1x128xi32, #tpu.memory_space<vmem>>
      %dma_wait3A_370 = tpu.memref_squeeze %dma_wait3A_369 : memref<1x128xi32, #tpu.memory_space<vmem>> -> memref<128xi32, #tpu.memory_space<vmem>>
      %dma_wait3A_371 = arith.constant 0 : i32
      %dma_wait3A_372 = arith.constant 0 : i32
      %dma_wait3A_373 = tpu.memref_slice %arg2[%dma_wait3A_371, %dma_wait3A_372] : memref<10000x16xf32, #tpu.memory_space<hbm>> -> memref<10000x16xf32, #tpu.memory_space<hbm>>
      tpu.wait_indirect_dma semaphore(%arg11 : memref<!tpu.dma_semaphore, #tpu.memory_space<semaphore_mem>>) src(%dma_wait3A_373 : memref<10000x16xf32, #tpu.memory_space<hbm>>) dst(%dma_wait3A_367 : memref<128x16xf32, #tpu.memory_space<vmem>>)
      %dma_wait3A_374 = arith.constant 1152 : i32
      %dma_wait3A_375 = arith.constant 0 : i32
      %dma_wait3A_376 = tpu.memref_slice %arg10[%dma_wait3A_374, %dma_wait3A_375] : memref<2560x16xf32, #tpu.memory_space<vmem>> -> memref<128x16xf32, #tpu.memory_space<vmem>>
      %dma_wait3A_377 = arith.constant 0 : i32
      %dma_wait3A_378 = tpu.memref_slice %arg8[%add3A_154, %dma_wait3A_377] : memref<80x128xi32, #tpu.memory_space<vmem>> -> memref<1x128xi32, #tpu.memory_space<vmem>>
      %dma_wait3A_379 = tpu.memref_squeeze %dma_wait3A_378 : memref<1x128xi32, #tpu.memory_space<vmem>> -> memref<128xi32, #tpu.memory_space<vmem>>
      %dma_wait3A_380 = arith.constant 0 : i32
      %dma_wait3A_381 = arith.constant 0 : i32
      %dma_wait3A_382 = tpu.memref_slice %arg2[%dma_wait3A_380, %dma_wait3A_381] : memref<10000x16xf32, #tpu.memory_space<hbm>> -> memref<10000x16xf32, #tpu.memory_space<hbm>>
      tpu.wait_indirect_dma semaphore(%arg11 : memref<!tpu.dma_semaphore, #tpu.memory_space<semaphore_mem>>) src(%dma_wait3A_382 : memref<10000x16xf32, #tpu.memory_space<hbm>>) dst(%dma_wait3A_376 : memref<128x16xf32, #tpu.memory_space<vmem>>)
      %dma_wait3A_383 = arith.constant 1280 : i32
      %dma_wait3A_384 = arith.constant 0 : i32
      %dma_wait3A_385 = tpu.memref_slice %arg10[%dma_wait3A_383, %dma_wait3A_384] : memref<2560x16xf32, #tpu.memory_space<vmem>> -> memref<128x16xf32, #tpu.memory_space<vmem>>
      %dma_wait3A_386 = arith.constant 0 : i32
      %dma_wait3A_387 = tpu.memref_slice %arg8[%add3A_167, %dma_wait3A_386] : memref<80x128xi32, #tpu.memory_space<vmem>> -> memref<1x128xi32, #tpu.memory_space<vmem>>
      %dma_wait3A_388 = tpu.memref_squeeze %dma_wait3A_387 : memref<1x128xi32, #tpu.memory_space<vmem>> -> memref<128xi32, #tpu.memory_space<vmem>>
      %dma_wait3A_389 = arith.constant 0 : i32
      %dma_wait3A_390 = arith.constant 0 : i32
      %dma_wait3A_391 = tpu.memref_slice %arg2[%dma_wait3A_389, %dma_wait3A_390] : memref<10000x16xf32, #tpu.memory_space<hbm>> -> memref<10000x16xf32, #tpu.memory_space<hbm>>
      tpu.wait_indirect_dma semaphore(%arg11 : memref<!tpu.dma_semaphore, #tpu.memory_space<semaphore_mem>>) src(%dma_wait3A_391 : memref<10000x16xf32, #tpu.memory_space<hbm>>) dst(%dma_wait3A_385 : memref<128x16xf32, #tpu.memory_space<vmem>>)
      %dma_wait3A_392 = arith.constant 1408 : i32
      %dma_wait3A_393 = arith.constant 0 : i32
      %dma_wait3A_394 = tpu.memref_slice %arg10[%dma_wait3A_392, %dma_wait3A_393] : memref<2560x16xf32, #tpu.memory_space<vmem>> -> memref<128x16xf32, #tpu.memory_space<vmem>>
      %dma_wait3A_395 = arith.constant 0 : i32
      %dma_wait3A_396 = tpu.memref_slice %arg8[%add3A_180, %dma_wait3A_395] : memref<80x128xi32, #tpu.memory_space<vmem>> -> memref<1x128xi32, #tpu.memory_space<vmem>>
      %dma_wait3A_397 = tpu.memref_squeeze %dma_wait3A_396 : memref<1x128xi32, #tpu.memory_space<vmem>> -> memref<128xi32, #tpu.memory_space<vmem>>
      %dma_wait3A_398 = arith.constant 0 : i32
      %dma_wait3A_399 = arith.constant 0 : i32
      %dma_wait3A_400 = tpu.memref_slice %arg2[%dma_wait3A_398, %dma_wait3A_399] : memref<10000x16xf32, #tpu.memory_space<hbm>> -> memref<10000x16xf32, #tpu.memory_space<hbm>>
      tpu.wait_indirect_dma semaphore(%arg11 : memref<!tpu.dma_semaphore, #tpu.memory_space<semaphore_mem>>) src(%dma_wait3A_400 : memref<10000x16xf32, #tpu.memory_space<hbm>>) dst(%dma_wait3A_394 : memref<128x16xf32, #tpu.memory_space<vmem>>)
      %dma_wait3A_401 = arith.constant 1536 : i32
      %dma_wait3A_402 = arith.constant 0 : i32
      %dma_wait3A_403 = tpu.memref_slice %arg10[%dma_wait3A_401, %dma_wait3A_402] : memref<2560x16xf32, #tpu.memory_space<vmem>> -> memref<128x16xf32, #tpu.memory_space<vmem>>
      %dma_wait3A_404 = arith.constant 0 : i32
      %dma_wait3A_405 = tpu.memref_slice %arg8[%add3A_193, %dma_wait3A_404] : memref<80x128xi32, #tpu.memory_space<vmem>> -> memref<1x128xi32, #tpu.memory_space<vmem>>
      %dma_wait3A_406 = tpu.memref_squeeze %dma_wait3A_405 : memref<1x128xi32, #tpu.memory_space<vmem>> -> memref<128xi32, #tpu.memory_space<vmem>>
      %dma_wait3A_407 = arith.constant 0 : i32
      %dma_wait3A_408 = arith.constant 0 : i32
      %dma_wait3A_409 = tpu.memref_slice %arg2[%dma_wait3A_407, %dma_wait3A_408] : memref<10000x16xf32, #tpu.memory_space<hbm>> -> memref<10000x16xf32, #tpu.memory_space<hbm>>
      tpu.wait_indirect_dma semaphore(%arg11 : memref<!tpu.dma_semaphore, #tpu.memory_space<semaphore_mem>>) src(%dma_wait3A_409 : memref<10000x16xf32, #tpu.memory_space<hbm>>) dst(%dma_wait3A_403 : memref<128x16xf32, #tpu.memory_space<vmem>>)
      %dma_wait3A_410 = arith.constant 1664 : i32
      %dma_wait3A_411 = arith.constant 0 : i32
      %dma_wait3A_412 = tpu.memref_slice %arg10[%dma_wait3A_410, %dma_wait3A_411] : memref<2560x16xf32, #tpu.memory_space<vmem>> -> memref<128x16xf32, #tpu.memory_space<vmem>>
      %dma_wait3A_413 = arith.constant 0 : i32
      %dma_wait3A_414 = tpu.memref_slice %arg8[%add3A_206, %dma_wait3A_413] : memref<80x128xi32, #tpu.memory_space<vmem>> -> memref<1x128xi32, #tpu.memory_space<vmem>>
      %dma_wait3A_415 = tpu.memref_squeeze %dma_wait3A_414 : memref<1x128xi32, #tpu.memory_space<vmem>> -> memref<128xi32, #tpu.memory_space<vmem>>
      %dma_wait3A_416 = arith.constant 0 : i32
      %dma_wait3A_417 = arith.constant 0 : i32
      %dma_wait3A_418 = tpu.memref_slice %arg2[%dma_wait3A_416, %dma_wait3A_417] : memref<10000x16xf32, #tpu.memory_space<hbm>> -> memref<10000x16xf32, #tpu.memory_space<hbm>>
      tpu.wait_indirect_dma semaphore(%arg11 : memref<!tpu.dma_semaphore, #tpu.memory_space<semaphore_mem>>) src(%dma_wait3A_418 : memref<10000x16xf32, #tpu.memory_space<hbm>>) dst(%dma_wait3A_412 : memref<128x16xf32, #tpu.memory_space<vmem>>)
      %dma_wait3A_419 = arith.constant 1792 : i32
      %dma_wait3A_420 = arith.constant 0 : i32
      %dma_wait3A_421 = tpu.memref_slice %arg10[%dma_wait3A_419, %dma_wait3A_420] : memref<2560x16xf32, #tpu.memory_space<vmem>> -> memref<128x16xf32, #tpu.memory_space<vmem>>
      %dma_wait3A_422 = arith.constant 0 : i32
      %dma_wait3A_423 = tpu.memref_slice %arg8[%add3A_219, %dma_wait3A_422] : memref<80x128xi32, #tpu.memory_space<vmem>> -> memref<1x128xi32, #tpu.memory_space<vmem>>
      %dma_wait3A_424 = tpu.memref_squeeze %dma_wait3A_423 : memref<1x128xi32, #tpu.memory_space<vmem>> -> memref<128xi32, #tpu.memory_space<vmem>>
      %dma_wait3A_425 = arith.constant 0 : i32
      %dma_wait3A_426 = arith.constant 0 : i32
      %dma_wait3A_427 = tpu.memref_slice %arg2[%dma_wait3A_425, %dma_wait3A_426] : memref<10000x16xf32, #tpu.memory_space<hbm>> -> memref<10000x16xf32, #tpu.memory_space<hbm>>
      tpu.wait_indirect_dma semaphore(%arg11 : memref<!tpu.dma_semaphore, #tpu.memory_space<semaphore_mem>>) src(%dma_wait3A_427 : memref<10000x16xf32, #tpu.memory_space<hbm>>) dst(%dma_wait3A_421 : memref<128x16xf32, #tpu.memory_space<vmem>>)
      %dma_wait3A_428 = arith.constant 1920 : i32
      %dma_wait3A_429 = arith.constant 0 : i32
      %dma_wait3A_430 = tpu.memref_slice %arg10[%dma_wait3A_428, %dma_wait3A_429] : memref<2560x16xf32, #tpu.memory_space<vmem>> -> memref<128x16xf32, #tpu.memory_space<vmem>>
      %dma_wait3A_431 = arith.constant 0 : i32
      %dma_wait3A_432 = tpu.memref_slice %arg8[%add3A_232, %dma_wait3A_431] : memref<80x128xi32, #tpu.memory_space<vmem>> -> memref<1x128xi32, #tpu.memory_space<vmem>>
      %dma_wait3A_433 = tpu.memref_squeeze %dma_wait3A_432 : memref<1x128xi32, #tpu.memory_space<vmem>> -> memref<128xi32, #tpu.memory_space<vmem>>
      %dma_wait3A_434 = arith.constant 0 : i32
      %dma_wait3A_435 = arith.constant 0 : i32
      %dma_wait3A_436 = tpu.memref_slice %arg2[%dma_wait3A_434, %dma_wait3A_435] : memref<10000x16xf32, #tpu.memory_space<hbm>> -> memref<10000x16xf32, #tpu.memory_space<hbm>>
      tpu.wait_indirect_dma semaphore(%arg11 : memref<!tpu.dma_semaphore, #tpu.memory_space<semaphore_mem>>) src(%dma_wait3A_436 : memref<10000x16xf32, #tpu.memory_space<hbm>>) dst(%dma_wait3A_430 : memref<128x16xf32, #tpu.memory_space<vmem>>)
      %dma_wait3A_437 = arith.constant 2048 : i32
      %dma_wait3A_438 = arith.constant 0 : i32
      %dma_wait3A_439 = tpu.memref_slice %arg10[%dma_wait3A_437, %dma_wait3A_438] : memref<2560x16xf32, #tpu.memory_space<vmem>> -> memref<128x16xf32, #tpu.memory_space<vmem>>
      %dma_wait3A_440 = arith.constant 0 : i32
      %dma_wait3A_441 = tpu.memref_slice %arg8[%add3A_245, %dma_wait3A_440] : memref<80x128xi32, #tpu.memory_space<vmem>> -> memref<1x128xi32, #tpu.memory_space<vmem>>
      %dma_wait3A_442 = tpu.memref_squeeze %dma_wait3A_441 : memref<1x128xi32, #tpu.memory_space<vmem>> -> memref<128xi32, #tpu.memory_space<vmem>>
      %dma_wait3A_443 = arith.constant 0 : i32
      %dma_wait3A_444 = arith.constant 0 : i32
      %dma_wait3A_445 = tpu.memref_slice %arg2[%dma_wait3A_443, %dma_wait3A_444] : memref<10000x16xf32, #tpu.memory_space<hbm>> -> memref<10000x16xf32, #tpu.memory_space<hbm>>
      tpu.wait_indirect_dma semaphore(%arg11 : memref<!tpu.dma_semaphore, #tpu.memory_space<semaphore_mem>>) src(%dma_wait3A_445 : memref<10000x16xf32, #tpu.memory_space<hbm>>) dst(%dma_wait3A_439 : memref<128x16xf32, #tpu.memory_space<vmem>>)
      %dma_wait3A_446 = arith.constant 2176 : i32
      %dma_wait3A_447 = arith.constant 0 : i32
      %dma_wait3A_448 = tpu.memref_slice %arg10[%dma_wait3A_446, %dma_wait3A_447] : memref<2560x16xf32, #tpu.memory_space<vmem>> -> memref<128x16xf32, #tpu.memory_space<vmem>>
      %dma_wait3A_449 = arith.constant 0 : i32
      %dma_wait3A_450 = tpu.memref_slice %arg8[%add3A_258, %dma_wait3A_449] : memref<80x128xi32, #tpu.memory_space<vmem>> -> memref<1x128xi32, #tpu.memory_space<vmem>>
      %dma_wait3A_451 = tpu.memref_squeeze %dma_wait3A_450 : memref<1x128xi32, #tpu.memory_space<vmem>> -> memref<128xi32, #tpu.memory_space<vmem>>
      %dma_wait3A_452 = arith.constant 0 : i32
      %dma_wait3A_453 = arith.constant 0 : i32
      %dma_wait3A_454 = tpu.memref_slice %arg2[%dma_wait3A_452, %dma_wait3A_453] : memref<10000x16xf32, #tpu.memory_space<hbm>> -> memref<10000x16xf32, #tpu.memory_space<hbm>>
      tpu.wait_indirect_dma semaphore(%arg11 : memref<!tpu.dma_semaphore, #tpu.memory_space<semaphore_mem>>) src(%dma_wait3A_454 : memref<10000x16xf32, #tpu.memory_space<hbm>>) dst(%dma_wait3A_448 : memref<128x16xf32, #tpu.memory_space<vmem>>)
      %dma_wait3A_455 = arith.constant 2304 : i32
      %dma_wait3A_456 = arith.constant 0 : i32
      %dma_wait3A_457 = tpu.memref_slice %arg10[%dma_wait3A_455, %dma_wait3A_456] : memref<2560x16xf32, #tpu.memory_space<vmem>> -> memref<128x16xf32, #tpu.memory_space<vmem>>
      %dma_wait3A_458 = arith.constant 0 : i32
      %dma_wait3A_459 = tpu.memref_slice %arg8[%add3A_271, %dma_wait3A_458] : memref<80x128xi32, #tpu.memory_space<vmem>> -> memref<1x128xi32, #tpu.memory_space<vmem>>
      %dma_wait3A_460 = tpu.memref_squeeze %dma_wait3A_459 : memref<1x128xi32, #tpu.memory_space<vmem>> -> memref<128xi32, #tpu.memory_space<vmem>>
      %dma_wait3A_461 = arith.constant 0 : i32
      %dma_wait3A_462 = arith.constant 0 : i32
      %dma_wait3A_463 = tpu.memref_slice %arg2[%dma_wait3A_461, %dma_wait3A_462] : memref<10000x16xf32, #tpu.memory_space<hbm>> -> memref<10000x16xf32, #tpu.memory_space<hbm>>
      tpu.wait_indirect_dma semaphore(%arg11 : memref<!tpu.dma_semaphore, #tpu.memory_space<semaphore_mem>>) src(%dma_wait3A_463 : memref<10000x16xf32, #tpu.memory_space<hbm>>) dst(%dma_wait3A_457 : memref<128x16xf32, #tpu.memory_space<vmem>>)
      %dma_wait3A_464 = arith.constant 2432 : i32
      %dma_wait3A_465 = arith.constant 0 : i32
      %dma_wait3A_466 = tpu.memref_slice %arg10[%dma_wait3A_464, %dma_wait3A_465] : memref<2560x16xf32, #tpu.memory_space<vmem>> -> memref<128x16xf32, #tpu.memory_space<vmem>>
      %dma_wait3A_467 = arith.constant 0 : i32
      %dma_wait3A_468 = tpu.memref_slice %arg8[%add3A_284, %dma_wait3A_467] : memref<80x128xi32, #tpu.memory_space<vmem>> -> memref<1x128xi32, #tpu.memory_space<vmem>>
      %dma_wait3A_469 = tpu.memref_squeeze %dma_wait3A_468 : memref<1x128xi32, #tpu.memory_space<vmem>> -> memref<128xi32, #tpu.memory_space<vmem>>
      %dma_wait3A_470 = arith.constant 0 : i32
      %dma_wait3A_471 = arith.constant 0 : i32
      %dma_wait3A_472 = tpu.memref_slice %arg2[%dma_wait3A_470, %dma_wait3A_471] : memref<10000x16xf32, #tpu.memory_space<hbm>> -> memref<10000x16xf32, #tpu.memory_space<hbm>>
      tpu.wait_indirect_dma semaphore(%arg11 : memref<!tpu.dma_semaphore, #tpu.memory_space<semaphore_mem>>) src(%dma_wait3A_472 : memref<10000x16xf32, #tpu.memory_space<hbm>>) dst(%dma_wait3A_466 : memref<128x16xf32, #tpu.memory_space<vmem>>)
      %add3A_473 = arith.addi %select_n3A_12, %while3A_34 : i32
      %mul3A_474 = arith.constant 2560 : i32
      %mul3A_475 = arith.muli %add3A_473, %mul3A_474 : i32
      "tpu.region"() ({
        %run_scoped3A = tpu.sem_alloc : memref<!tpu.dma_semaphore, #tpu.memory_space<semaphore_mem>>
        %dma_start3A_476 = arith.constant 0 : i32
        %dma_start3A_477 = tpu.memref_slice %arg6[%mul3A_475, %dma_start3A_476] : memref<320000x16xf32, #tpu.memory_space<hbm>> -> memref<2560x16xf32, #tpu.memory_space<hbm>>
        %dma_start3A_478 = arith.constant 0 : i32
        %dma_start3A_479 = tpu.memref_slice %arg6[%mul3A_475, %dma_start3A_478] : memref<320000x16xf32, #tpu.memory_space<hbm>> -> memref<2560x16xf32, #tpu.memory_space<hbm>>
        tpu.enqueue_dma source(%arg10 : memref<2560x16xf32, #tpu.memory_space<vmem>>) target(%dma_start3A_479 : memref<2560x16xf32, #tpu.memory_space<hbm>>) target_semaphore(%run_scoped3A : memref<!tpu.dma_semaphore, #tpu.memory_space<semaphore_mem>>)
        %dma_wait3A_480 = arith.constant 0 : i32
        %dma_wait3A_481 = tpu.memref_slice %arg6[%mul3A_475, %dma_wait3A_480] : memref<320000x16xf32, #tpu.memory_space<hbm>> -> memref<2560x16xf32, #tpu.memory_space<hbm>>
        %dma_wait3A_482 = arith.constant 0 : i32
        %dma_wait3A_483 = tpu.memref_slice %arg6[%mul3A_475, %dma_wait3A_482] : memref<320000x16xf32, #tpu.memory_space<hbm>> -> memref<2560x16xf32, #tpu.memory_space<hbm>>
        tpu.wait_dma2 semaphore(%run_scoped3A : memref<!tpu.dma_semaphore, #tpu.memory_space<semaphore_mem>>) src(%arg10 : memref<2560x16xf32, #tpu.memory_space<vmem>>) dst(%dma_wait3A_483 : memref<2560x16xf32, #tpu.memory_space<hbm>>)
        tpu.yield
      }) : () -> ()
    }
    %while3A_23 = arith.constant 1 : i32
    scf.for %while3A_34 = %while3A_21 to %while3A_17 step %while3A_23  : i32 {
      %mul3A_35 = arith.constant 20 : i32
      %mul3A_36 = arith.muli %while3A_34, %mul3A_35 : i32
      %add3A_37 = arith.constant 0 : i32
      %add3A_38 = arith.addi %mul3A_36, %add3A_37 : i32
      %dma_start3A = arith.constant 0 : i32
      %dma_start3A_39 = arith.constant 0 : i32
      %dma_start3A_40 = tpu.memref_slice %arg10[%dma_start3A, %dma_start3A_39] : memref<2560x16xf32, #tpu.memory_space<vmem>> -> memref<128x16xf32, #tpu.memory_space<vmem>>
      %dma_start3A_41 = arith.constant 0 : i32
      %dma_start3A_42 = tpu.memref_slice %arg8[%add3A_38, %dma_start3A_41] : memref<80x128xi32, #tpu.memory_space<vmem>> -> memref<1x128xi32, #tpu.memory_space<vmem>>
      %dma_start3A_43 = tpu.memref_squeeze %dma_start3A_42 : memref<1x128xi32, #tpu.memory_space<vmem>> -> memref<128xi32, #tpu.memory_space<vmem>>
      %dma_start3A_44 = arith.constant 0 : i32
      %dma_start3A_45 = arith.constant 0 : i32
      %dma_start3A_46 = tpu.memref_slice %arg2[%dma_start3A_44, %dma_start3A_45] : memref<10000x16xf32, #tpu.memory_space<hbm>> -> memref<10000x16xf32, #tpu.memory_space<hbm>>
      tpu.enqueue_indirect_dma source(%dma_start3A_46 : memref<10000x16xf32, #tpu.memory_space<hbm>>) target(%dma_start3A_40 : memref<128x16xf32, #tpu.memory_space<vmem>>) offsets(%dma_start3A_43 : memref<128xi32, #tpu.memory_space<vmem>>) semaphore(%arg11 : memref<!tpu.dma_semaphore, #tpu.memory_space<semaphore_mem>>)
      %mul3A_47 = arith.constant 20 : i32
      %mul3A_48 = arith.muli %while3A_34, %mul3A_47 : i32
      %add3A_49 = arith.constant 1 : i32
      %add3A_50 = arith.addi %mul3A_48, %add3A_49 : i32
      %dma_start3A_51 = arith.constant 128 : i32
      %dma_start3A_52 = arith.constant 0 : i32
      %dma_start3A_53 = tpu.memref_slice %arg10[%dma_start3A_51, %dma_start3A_52] : memref<2560x16xf32, #tpu.memory_space<vmem>> -> memref<128x16xf32, #tpu.memory_space<vmem>>
      %dma_start3A_54 = arith.constant 0 : i32
      %dma_start3A_55 = tpu.memref_slice %arg8[%add3A_50, %dma_start3A_54] : memref<80x128xi32, #tpu.memory_space<vmem>> -> memref<1x128xi32, #tpu.memory_space<vmem>>
      %dma_start3A_56 = tpu.memref_squeeze %dma_start3A_55 : memref<1x128xi32, #tpu.memory_space<vmem>> -> memref<128xi32, #tpu.memory_space<vmem>>
      %dma_start3A_57 = arith.constant 0 : i32
      %dma_start3A_58 = arith.constant 0 : i32
      %dma_start3A_59 = tpu.memref_slice %arg2[%dma_start3A_57, %dma_start3A_58] : memref<10000x16xf32, #tpu.memory_space<hbm>> -> memref<10000x16xf32, #tpu.memory_space<hbm>>
      tpu.enqueue_indirect_dma source(%dma_start3A_59 : memref<10000x16xf32, #tpu.memory_space<hbm>>) target(%dma_start3A_53 : memref<128x16xf32, #tpu.memory_space<vmem>>) offsets(%dma_start3A_56 : memref<128xi32, #tpu.memory_space<vmem>>) semaphore(%arg11 : memref<!tpu.dma_semaphore, #tpu.memory_space<semaphore_mem>>)
      %mul3A_60 = arith.constant 20 : i32
      %mul3A_61 = arith.muli %while3A_34, %mul3A_60 : i32
      %add3A_62 = arith.constant 2 : i32
      %add3A_63 = arith.addi %mul3A_61, %add3A_62 : i32
      %dma_start3A_64 = arith.constant 256 : i32
      %dma_start3A_65 = arith.constant 0 : i32
      %dma_start3A_66 = tpu.memref_slice %arg10[%dma_start3A_64, %dma_start3A_65] : memref<2560x16xf32, #tpu.memory_space<vmem>> -> memref<128x16xf32, #tpu.memory_space<vmem>>
      %dma_start3A_67 = arith.constant 0 : i32
      %dma_start3A_68 = tpu.memref_slice %arg8[%add3A_63, %dma_start3A_67] : memref<80x128xi32, #tpu.memory_space<vmem>> -> memref<1x128xi32, #tpu.memory_space<vmem>>
      %dma_start3A_69 = tpu.memref_squeeze %dma_start3A_68 : memref<1x128xi32, #tpu.memory_space<vmem>> -> memref<128xi32, #tpu.memory_space<vmem>>
      %dma_start3A_70 = arith.constant 0 : i32
      %dma_start3A_71 = arith.constant 0 : i32
      %dma_start3A_72 = tpu.memref_slice %arg2[%dma_start3A_70, %dma_start3A_71] : memref<10000x16xf32, #tpu.memory_space<hbm>> -> memref<10000x16xf32, #tpu.memory_space<hbm>>
      tpu.enqueue_indirect_dma source(%dma_start3A_72 : memref<10000x16xf32, #tpu.memory_space<hbm>>) target(%dma_start3A_66 : memref<128x16xf32, #tpu.memory_space<vmem>>) offsets(%dma_start3A_69 : memref<128xi32, #tpu.memory_space<vmem>>) semaphore(%arg11 : memref<!tpu.dma_semaphore, #tpu.memory_space<semaphore_mem>>)
      %mul3A_73 = arith.constant 20 : i32
      %mul3A_74 = arith.muli %while3A_34, %mul3A_73 : i32
      %add3A_75 = arith.constant 3 : i32
      %add3A_76 = arith.addi %mul3A_74, %add3A_75 : i32
      %dma_start3A_77 = arith.constant 384 : i32
      %dma_start3A_78 = arith.constant 0 : i32
      %dma_start3A_79 = tpu.memref_slice %arg10[%dma_start3A_77, %dma_start3A_78] : memref<2560x16xf32, #tpu.memory_space<vmem>> -> memref<128x16xf32, #tpu.memory_space<vmem>>
      %dma_start3A_80 = arith.constant 0 : i32
      %dma_start3A_81 = tpu.memref_slice %arg8[%add3A_76, %dma_start3A_80] : memref<80x128xi32, #tpu.memory_space<vmem>> -> memref<1x128xi32, #tpu.memory_space<vmem>>
      %dma_start3A_82 = tpu.memref_squeeze %dma_start3A_81 : memref<1x128xi32, #tpu.memory_space<vmem>> -> memref<128xi32, #tpu.memory_space<vmem>>
      %dma_start3A_83 = arith.constant 0 : i32
      %dma_start3A_84 = arith.constant 0 : i32
      %dma_start3A_85 = tpu.memref_slice %arg2[%dma_start3A_83, %dma_start3A_84] : memref<10000x16xf32, #tpu.memory_space<hbm>> -> memref<10000x16xf32, #tpu.memory_space<hbm>>
      tpu.enqueue_indirect_dma source(%dma_start3A_85 : memref<10000x16xf32, #tpu.memory_space<hbm>>) target(%dma_start3A_79 : memref<128x16xf32, #tpu.memory_space<vmem>>) offsets(%dma_start3A_82 : memref<128xi32, #tpu.memory_space<vmem>>) semaphore(%arg11 : memref<!tpu.dma_semaphore, #tpu.memory_space<semaphore_mem>>)
      %mul3A_86 = arith.constant 20 : i32
      %mul3A_87 = arith.muli %while3A_34, %mul3A_86 : i32
      %add3A_88 = arith.constant 4 : i32
      %add3A_89 = arith.addi %mul3A_87, %add3A_88 : i32
      %dma_start3A_90 = arith.constant 512 : i32
      %dma_start3A_91 = arith.constant 0 : i32
      %dma_start3A_92 = tpu.memref_slice %arg10[%dma_start3A_90, %dma_start3A_91] : memref<2560x16xf32, #tpu.memory_space<vmem>> -> memref<128x16xf32, #tpu.memory_space<vmem>>
      %dma_start3A_93 = arith.constant 0 : i32
      %dma_start3A_94 = tpu.memref_slice %arg8[%add3A_89, %dma_start3A_93] : memref<80x128xi32, #tpu.memory_space<vmem>> -> memref<1x128xi32, #tpu.memory_space<vmem>>
      %dma_start3A_95 = tpu.memref_squeeze %dma_start3A_94 : memref<1x128xi32, #tpu.memory_space<vmem>> -> memref<128xi32, #tpu.memory_space<vmem>>
      %dma_start3A_96 = arith.constant 0 : i32
      %dma_start3A_97 = arith.constant 0 : i32
      %dma_start3A_98 = tpu.memref_slice %arg2[%dma_start3A_96, %dma_start3A_97] : memref<10000x16xf32, #tpu.memory_space<hbm>> -> memref<10000x16xf32, #tpu.memory_space<hbm>>
      tpu.enqueue_indirect_dma source(%dma_start3A_98 : memref<10000x16xf32, #tpu.memory_space<hbm>>) target(%dma_start3A_92 : memref<128x16xf32, #tpu.memory_space<vmem>>) offsets(%dma_start3A_95 : memref<128xi32, #tpu.memory_space<vmem>>) semaphore(%arg11 : memref<!tpu.dma_semaphore, #tpu.memory_space<semaphore_mem>>)
      %mul3A_99 = arith.constant 20 : i32
      %mul3A_100 = arith.muli %while3A_34, %mul3A_99 : i32
      %add3A_101 = arith.constant 5 : i32
      %add3A_102 = arith.addi %mul3A_100, %add3A_101 : i32
      %dma_start3A_103 = arith.constant 640 : i32
      %dma_start3A_104 = arith.constant 0 : i32
      %dma_start3A_105 = tpu.memref_slice %arg10[%dma_start3A_103, %dma_start3A_104] : memref<2560x16xf32, #tpu.memory_space<vmem>> -> memref<128x16xf32, #tpu.memory_space<vmem>>
      %dma_start3A_106 = arith.constant 0 : i32
      %dma_start3A_107 = tpu.memref_slice %arg8[%add3A_102, %dma_start3A_106] : memref<80x128xi32, #tpu.memory_space<vmem>> -> memref<1x128xi32, #tpu.memory_space<vmem>>
      %dma_start3A_108 = tpu.memref_squeeze %dma_start3A_107 : memref<1x128xi32, #tpu.memory_space<vmem>> -> memref<128xi32, #tpu.memory_space<vmem>>
      %dma_start3A_109 = arith.constant 0 : i32
      %dma_start3A_110 = arith.constant 0 : i32
      %dma_start3A_111 = tpu.memref_slice %arg2[%dma_start3A_109, %dma_start3A_110] : memref<10000x16xf32, #tpu.memory_space<hbm>> -> memref<10000x16xf32, #tpu.memory_space<hbm>>
      tpu.enqueue_indirect_dma source(%dma_start3A_111 : memref<10000x16xf32, #tpu.memory_space<hbm>>) target(%dma_start3A_105 : memref<128x16xf32, #tpu.memory_space<vmem>>) offsets(%dma_start3A_108 : memref<128xi32, #tpu.memory_space<vmem>>) semaphore(%arg11 : memref<!tpu.dma_semaphore, #tpu.memory_space<semaphore_mem>>)
      %mul3A_112 = arith.constant 20 : i32
      %mul3A_113 = arith.muli %while3A_34, %mul3A_112 : i32
      %add3A_114 = arith.constant 6 : i32
      %add3A_115 = arith.addi %mul3A_113, %add3A_114 : i32
      %dma_start3A_116 = arith.constant 768 : i32
      %dma_start3A_117 = arith.constant 0 : i32
      %dma_start3A_118 = tpu.memref_slice %arg10[%dma_start3A_116, %dma_start3A_117] : memref<2560x16xf32, #tpu.memory_space<vmem>> -> memref<128x16xf32, #tpu.memory_space<vmem>>
      %dma_start3A_119 = arith.constant 0 : i32
      %dma_start3A_120 = tpu.memref_slice %arg8[%add3A_115, %dma_start3A_119] : memref<80x128xi32, #tpu.memory_space<vmem>> -> memref<1x128xi32, #tpu.memory_space<vmem>>
      %dma_start3A_121 = tpu.memref_squeeze %dma_start3A_120 : memref<1x128xi32, #tpu.memory_space<vmem>> -> memref<128xi32, #tpu.memory_space<vmem>>
      %dma_start3A_122 = arith.constant 0 : i32
      %dma_start3A_123 = arith.constant 0 : i32
      %dma_start3A_124 = tpu.memref_slice %arg2[%dma_start3A_122, %dma_start3A_123] : memref<10000x16xf32, #tpu.memory_space<hbm>> -> memref<10000x16xf32, #tpu.memory_space<hbm>>
      tpu.enqueue_indirect_dma source(%dma_start3A_124 : memref<10000x16xf32, #tpu.memory_space<hbm>>) target(%dma_start3A_118 : memref<128x16xf32, #tpu.memory_space<vmem>>) offsets(%dma_start3A_121 : memref<128xi32, #tpu.memory_space<vmem>>) semaphore(%arg11 : memref<!tpu.dma_semaphore, #tpu.memory_space<semaphore_mem>>)
      %mul3A_125 = arith.constant 20 : i32
      %mul3A_126 = arith.muli %while3A_34, %mul3A_125 : i32
      %add3A_127 = arith.constant 7 : i32
      %add3A_128 = arith.addi %mul3A_126, %add3A_127 : i32
      %dma_start3A_129 = arith.constant 896 : i32
      %dma_start3A_130 = arith.constant 0 : i32
      %dma_start3A_131 = tpu.memref_slice %arg10[%dma_start3A_129, %dma_start3A_130] : memref<2560x16xf32, #tpu.memory_space<vmem>> -> memref<128x16xf32, #tpu.memory_space<vmem>>
      %dma_start3A_132 = arith.constant 0 : i32
      %dma_start3A_133 = tpu.memref_slice %arg8[%add3A_128, %dma_start3A_132] : memref<80x128xi32, #tpu.memory_space<vmem>> -> memref<1x128xi32, #tpu.memory_space<vmem>>
      %dma_start3A_134 = tpu.memref_squeeze %dma_start3A_133 : memref<1x128xi32, #tpu.memory_space<vmem>> -> memref<128xi32, #tpu.memory_space<vmem>>
      %dma_start3A_135 = arith.constant 0 : i32
      %dma_start3A_136 = arith.constant 0 : i32
      %dma_start3A_137 = tpu.memref_slice %arg2[%dma_start3A_135, %dma_start3A_136] : memref<10000x16xf32, #tpu.memory_space<hbm>> -> memref<10000x16xf32, #tpu.memory_space<hbm>>
      tpu.enqueue_indirect_dma source(%dma_start3A_137 : memref<10000x16xf32, #tpu.memory_space<hbm>>) target(%dma_start3A_131 : memref<128x16xf32, #tpu.memory_space<vmem>>) offsets(%dma_start3A_134 : memref<128xi32, #tpu.memory_space<vmem>>) semaphore(%arg11 : memref<!tpu.dma_semaphore, #tpu.memory_space<semaphore_mem>>)
      %mul3A_138 = arith.constant 20 : i32
      %mul3A_139 = arith.muli %while3A_34, %mul3A_138 : i32
      %add3A_140 = arith.constant 8 : i32
      %add3A_141 = arith.addi %mul3A_139, %add3A_140 : i32
      %dma_start3A_142 = arith.constant 1024 : i32
      %dma_start3A_143 = arith.constant 0 : i32
      %dma_start3A_144 = tpu.memref_slice %arg10[%dma_start3A_142, %dma_start3A_143] : memref<2560x16xf32, #tpu.memory_space<vmem>> -> memref<128x16xf32, #tpu.memory_space<vmem>>
      %dma_start3A_145 = arith.constant 0 : i32
      %dma_start3A_146 = tpu.memref_slice %arg8[%add3A_141, %dma_start3A_145] : memref<80x128xi32, #tpu.memory_space<vmem>> -> memref<1x128xi32, #tpu.memory_space<vmem>>
      %dma_start3A_147 = tpu.memref_squeeze %dma_start3A_146 : memref<1x128xi32, #tpu.memory_space<vmem>> -> memref<128xi32, #tpu.memory_space<vmem>>
      %dma_start3A_148 = arith.constant 0 : i32
      %dma_start3A_149 = arith.constant 0 : i32
      %dma_start3A_150 = tpu.memref_slice %arg2[%dma_start3A_148, %dma_start3A_149] : memref<10000x16xf32, #tpu.memory_space<hbm>> -> memref<10000x16xf32, #tpu.memory_space<hbm>>
      tpu.enqueue_indirect_dma source(%dma_start3A_150 : memref<10000x16xf32, #tpu.memory_space<hbm>>) target(%dma_start3A_144 : memref<128x16xf32, #tpu.memory_space<vmem>>) offsets(%dma_start3A_147 : memref<128xi32, #tpu.memory_space<vmem>>) semaphore(%arg11 : memref<!tpu.dma_semaphore, #tpu.memory_space<semaphore_mem>>)
      %mul3A_151 = arith.constant 20 : i32
      %mul3A_152 = arith.muli %while3A_34, %mul3A_151 : i32
      %add3A_153 = arith.constant 9 : i32
      %add3A_154 = arith.addi %mul3A_152, %add3A_153 : i32
      %dma_start3A_155 = arith.constant 1152 : i32
      %dma_start3A_156 = arith.constant 0 : i32
      %dma_start3A_157 = tpu.memref_slice %arg10[%dma_start3A_155, %dma_start3A_156] : memref<2560x16xf32, #tpu.memory_space<vmem>> -> memref<128x16xf32, #tpu.memory_space<vmem>>
      %dma_start3A_158 = arith.constant 0 : i32
      %dma_start3A_159 = tpu.memref_slice %arg8[%add3A_154, %dma_start3A_158] : memref<80x128xi32, #tpu.memory_space<vmem>> -> memref<1x128xi32, #tpu.memory_space<vmem>>
      %dma_start3A_160 = tpu.memref_squeeze %dma_start3A_159 : memref<1x128xi32, #tpu.memory_space<vmem>> -> memref<128xi32, #tpu.memory_space<vmem>>
      %dma_start3A_161 = arith.constant 0 : i32
      %dma_start3A_162 = arith.constant 0 : i32
      %dma_start3A_163 = tpu.memref_slice %arg2[%dma_start3A_161, %dma_start3A_162] : memref<10000x16xf32, #tpu.memory_space<hbm>> -> memref<10000x16xf32, #tpu.memory_space<hbm>>
      tpu.enqueue_indirect_dma source(%dma_start3A_163 : memref<10000x16xf32, #tpu.memory_space<hbm>>) target(%dma_start3A_157 : memref<128x16xf32, #tpu.memory_space<vmem>>) offsets(%dma_start3A_160 : memref<128xi32, #tpu.memory_space<vmem>>) semaphore(%arg11 : memref<!tpu.dma_semaphore, #tpu.memory_space<semaphore_mem>>)
      %mul3A_164 = arith.constant 20 : i32
      %mul3A_165 = arith.muli %while3A_34, %mul3A_164 : i32
      %add3A_166 = arith.constant 10 : i32
      %add3A_167 = arith.addi %mul3A_165, %add3A_166 : i32
      %dma_start3A_168 = arith.constant 1280 : i32
      %dma_start3A_169 = arith.constant 0 : i32
      %dma_start3A_170 = tpu.memref_slice %arg10[%dma_start3A_168, %dma_start3A_169] : memref<2560x16xf32, #tpu.memory_space<vmem>> -> memref<128x16xf32, #tpu.memory_space<vmem>>
      %dma_start3A_171 = arith.constant 0 : i32
      %dma_start3A_172 = tpu.memref_slice %arg8[%add3A_167, %dma_start3A_171] : memref<80x128xi32, #tpu.memory_space<vmem>> -> memref<1x128xi32, #tpu.memory_space<vmem>>
      %dma_start3A_173 = tpu.memref_squeeze %dma_start3A_172 : memref<1x128xi32, #tpu.memory_space<vmem>> -> memref<128xi32, #tpu.memory_space<vmem>>
      %dma_start3A_174 = arith.constant 0 : i32
      %dma_start3A_175 = arith.constant 0 : i32
      %dma_start3A_176 = tpu.memref_slice %arg2[%dma_start3A_174, %dma_start3A_175] : memref<10000x16xf32, #tpu.memory_space<hbm>> -> memref<10000x16xf32, #tpu.memory_space<hbm>>
      tpu.enqueue_indirect_dma source(%dma_start3A_176 : memref<10000x16xf32, #tpu.memory_space<hbm>>) target(%dma_start3A_170 : memref<128x16xf32, #tpu.memory_space<vmem>>) offsets(%dma_start3A_173 : memref<128xi32, #tpu.memory_space<vmem>>) semaphore(%arg11 : memref<!tpu.dma_semaphore, #tpu.memory_space<semaphore_mem>>)
      %mul3A_177 = arith.constant 20 : i32
      %mul3A_178 = arith.muli %while3A_34, %mul3A_177 : i32
      %add3A_179 = arith.constant 11 : i32
      %add3A_180 = arith.addi %mul3A_178, %add3A_179 : i32
      %dma_start3A_181 = arith.constant 1408 : i32
      %dma_start3A_182 = arith.constant 0 : i32
      %dma_start3A_183 = tpu.memref_slice %arg10[%dma_start3A_181, %dma_start3A_182] : memref<2560x16xf32, #tpu.memory_space<vmem>> -> memref<128x16xf32, #tpu.memory_space<vmem>>
      %dma_start3A_184 = arith.constant 0 : i32
      %dma_start3A_185 = tpu.memref_slice %arg8[%add3A_180, %dma_start3A_184] : memref<80x128xi32, #tpu.memory_space<vmem>> -> memref<1x128xi32, #tpu.memory_space<vmem>>
      %dma_start3A_186 = tpu.memref_squeeze %dma_start3A_185 : memref<1x128xi32, #tpu.memory_space<vmem>> -> memref<128xi32, #tpu.memory_space<vmem>>
      %dma_start3A_187 = arith.constant 0 : i32
      %dma_start3A_188 = arith.constant 0 : i32
      %dma_start3A_189 = tpu.memref_slice %arg2[%dma_start3A_187, %dma_start3A_188] : memref<10000x16xf32, #tpu.memory_space<hbm>> -> memref<10000x16xf32, #tpu.memory_space<hbm>>
      tpu.enqueue_indirect_dma source(%dma_start3A_189 : memref<10000x16xf32, #tpu.memory_space<hbm>>) target(%dma_start3A_183 : memref<128x16xf32, #tpu.memory_space<vmem>>) offsets(%dma_start3A_186 : memref<128xi32, #tpu.memory_space<vmem>>) semaphore(%arg11 : memref<!tpu.dma_semaphore, #tpu.memory_space<semaphore_mem>>)
      %mul3A_190 = arith.constant 20 : i32
      %mul3A_191 = arith.muli %while3A_34, %mul3A_190 : i32
      %add3A_192 = arith.constant 12 : i32
      %add3A_193 = arith.addi %mul3A_191, %add3A_192 : i32
      %dma_start3A_194 = arith.constant 1536 : i32
      %dma_start3A_195 = arith.constant 0 : i32
      %dma_start3A_196 = tpu.memref_slice %arg10[%dma_start3A_194, %dma_start3A_195] : memref<2560x16xf32, #tpu.memory_space<vmem>> -> memref<128x16xf32, #tpu.memory_space<vmem>>
      %dma_start3A_197 = arith.constant 0 : i32
      %dma_start3A_198 = tpu.memref_slice %arg8[%add3A_193, %dma_start3A_197] : memref<80x128xi32, #tpu.memory_space<vmem>> -> memref<1x128xi32, #tpu.memory_space<vmem>>
      %dma_start3A_199 = tpu.memref_squeeze %dma_start3A_198 : memref<1x128xi32, #tpu.memory_space<vmem>> -> memref<128xi32, #tpu.memory_space<vmem>>
      %dma_start3A_200 = arith.constant 0 : i32
      %dma_start3A_201 = arith.constant 0 : i32
      %dma_start3A_202 = tpu.memref_slice %arg2[%dma_start3A_200, %dma_start3A_201] : memref<10000x16xf32, #tpu.memory_space<hbm>> -> memref<10000x16xf32, #tpu.memory_space<hbm>>
      tpu.enqueue_indirect_dma source(%dma_start3A_202 : memref<10000x16xf32, #tpu.memory_space<hbm>>) target(%dma_start3A_196 : memref<128x16xf32, #tpu.memory_space<vmem>>) offsets(%dma_start3A_199 : memref<128xi32, #tpu.memory_space<vmem>>) semaphore(%arg11 : memref<!tpu.dma_semaphore, #tpu.memory_space<semaphore_mem>>)
      %mul3A_203 = arith.constant 20 : i32
      %mul3A_204 = arith.muli %while3A_34, %mul3A_203 : i32
      %add3A_205 = arith.constant 13 : i32
      %add3A_206 = arith.addi %mul3A_204, %add3A_205 : i32
      %dma_start3A_207 = arith.constant 1664 : i32
      %dma_start3A_208 = arith.constant 0 : i32
      %dma_start3A_209 = tpu.memref_slice %arg10[%dma_start3A_207, %dma_start3A_208] : memref<2560x16xf32, #tpu.memory_space<vmem>> -> memref<128x16xf32, #tpu.memory_space<vmem>>
      %dma_start3A_210 = arith.constant 0 : i32
      %dma_start3A_211 = tpu.memref_slice %arg8[%add3A_206, %dma_start3A_210] : memref<80x128xi32, #tpu.memory_space<vmem>> -> memref<1x128xi32, #tpu.memory_space<vmem>>
      %dma_start3A_212 = tpu.memref_squeeze %dma_start3A_211 : memref<1x128xi32, #tpu.memory_space<vmem>> -> memref<128xi32, #tpu.memory_space<vmem>>
      %dma_start3A_213 = arith.constant 0 : i32
      %dma_start3A_214 = arith.constant 0 : i32
      %dma_start3A_215 = tpu.memref_slice %arg2[%dma_start3A_213, %dma_start3A_214] : memref<10000x16xf32, #tpu.memory_space<hbm>> -> memref<10000x16xf32, #tpu.memory_space<hbm>>
      tpu.enqueue_indirect_dma source(%dma_start3A_215 : memref<10000x16xf32, #tpu.memory_space<hbm>>) target(%dma_start3A_209 : memref<128x16xf32, #tpu.memory_space<vmem>>) offsets(%dma_start3A_212 : memref<128xi32, #tpu.memory_space<vmem>>) semaphore(%arg11 : memref<!tpu.dma_semaphore, #tpu.memory_space<semaphore_mem>>)
      %mul3A_216 = arith.constant 20 : i32
      %mul3A_217 = arith.muli %while3A_34, %mul3A_216 : i32
      %add3A_218 = arith.constant 14 : i32
      %add3A_219 = arith.addi %mul3A_217, %add3A_218 : i32
      %dma_start3A_220 = arith.constant 1792 : i32
      %dma_start3A_221 = arith.constant 0 : i32
      %dma_start3A_222 = tpu.memref_slice %arg10[%dma_start3A_220, %dma_start3A_221] : memref<2560x16xf32, #tpu.memory_space<vmem>> -> memref<128x16xf32, #tpu.memory_space<vmem>>
      %dma_start3A_223 = arith.constant 0 : i32
      %dma_start3A_224 = tpu.memref_slice %arg8[%add3A_219, %dma_start3A_223] : memref<80x128xi32, #tpu.memory_space<vmem>> -> memref<1x128xi32, #tpu.memory_space<vmem>>
      %dma_start3A_225 = tpu.memref_squeeze %dma_start3A_224 : memref<1x128xi32, #tpu.memory_space<vmem>> -> memref<128xi32, #tpu.memory_space<vmem>>
      %dma_start3A_226 = arith.constant 0 : i32
      %dma_start3A_227 = arith.constant 0 : i32
      %dma_start3A_228 = tpu.memref_slice %arg2[%dma_start3A_226, %dma_start3A_227] : memref<10000x16xf32, #tpu.memory_space<hbm>> -> memref<10000x16xf32, #tpu.memory_space<hbm>>
      tpu.enqueue_indirect_dma source(%dma_start3A_228 : memref<10000x16xf32, #tpu.memory_space<hbm>>) target(%dma_start3A_222 : memref<128x16xf32, #tpu.memory_space<vmem>>) offsets(%dma_start3A_225 : memref<128xi32, #tpu.memory_space<vmem>>) semaphore(%arg11 : memref<!tpu.dma_semaphore, #tpu.memory_space<semaphore_mem>>)
      %mul3A_229 = arith.constant 20 : i32
      %mul3A_230 = arith.muli %while3A_34, %mul3A_229 : i32
      %add3A_231 = arith.constant 15 : i32
      %add3A_232 = arith.addi %mul3A_230, %add3A_231 : i32
      %dma_start3A_233 = arith.constant 1920 : i32
      %dma_start3A_234 = arith.constant 0 : i32
      %dma_start3A_235 = tpu.memref_slice %arg10[%dma_start3A_233, %dma_start3A_234] : memref<2560x16xf32, #tpu.memory_space<vmem>> -> memref<128x16xf32, #tpu.memory_space<vmem>>
      %dma_start3A_236 = arith.constant 0 : i32
      %dma_start3A_237 = tpu.memref_slice %arg8[%add3A_232, %dma_start3A_236] : memref<80x128xi32, #tpu.memory_space<vmem>> -> memref<1x128xi32, #tpu.memory_space<vmem>>
      %dma_start3A_238 = tpu.memref_squeeze %dma_start3A_237 : memref<1x128xi32, #tpu.memory_space<vmem>> -> memref<128xi32, #tpu.memory_space<vmem>>
      %dma_start3A_239 = arith.constant 0 : i32
      %dma_start3A_240 = arith.constant 0 : i32
      %dma_start3A_241 = tpu.memref_slice %arg2[%dma_start3A_239, %dma_start3A_240] : memref<10000x16xf32, #tpu.memory_space<hbm>> -> memref<10000x16xf32, #tpu.memory_space<hbm>>
      tpu.enqueue_indirect_dma source(%dma_start3A_241 : memref<10000x16xf32, #tpu.memory_space<hbm>>) target(%dma_start3A_235 : memref<128x16xf32, #tpu.memory_space<vmem>>) offsets(%dma_start3A_238 : memref<128xi32, #tpu.memory_space<vmem>>) semaphore(%arg11 : memref<!tpu.dma_semaphore, #tpu.memory_space<semaphore_mem>>)
      %mul3A_242 = arith.constant 20 : i32
      %mul3A_243 = arith.muli %while3A_34, %mul3A_242 : i32
      %add3A_244 = arith.constant 16 : i32
      %add3A_245 = arith.addi %mul3A_243, %add3A_244 : i32
      %dma_start3A_246 = arith.constant 2048 : i32
      %dma_start3A_247 = arith.constant 0 : i32
      %dma_start3A_248 = tpu.memref_slice %arg10[%dma_start3A_246, %dma_start3A_247] : memref<2560x16xf32, #tpu.memory_space<vmem>> -> memref<128x16xf32, #tpu.memory_space<vmem>>
      %dma_start3A_249 = arith.constant 0 : i32
      %dma_start3A_250 = tpu.memref_slice %arg8[%add3A_245, %dma_start3A_249] : memref<80x128xi32, #tpu.memory_space<vmem>> -> memref<1x128xi32, #tpu.memory_space<vmem>>
      %dma_start3A_251 = tpu.memref_squeeze %dma_start3A_250 : memref<1x128xi32, #tpu.memory_space<vmem>> -> memref<128xi32, #tpu.memory_space<vmem>>
      %dma_start3A_252 = arith.constant 0 : i32
      %dma_start3A_253 = arith.constant 0 : i32
      %dma_start3A_254 = tpu.memref_slice %arg2[%dma_start3A_252, %dma_start3A_253] : memref<10000x16xf32, #tpu.memory_space<hbm>> -> memref<10000x16xf32, #tpu.memory_space<hbm>>
      tpu.enqueue_indirect_dma source(%dma_start3A_254 : memref<10000x16xf32, #tpu.memory_space<hbm>>) target(%dma_start3A_248 : memref<128x16xf32, #tpu.memory_space<vmem>>) offsets(%dma_start3A_251 : memref<128xi32, #tpu.memory_space<vmem>>) semaphore(%arg11 : memref<!tpu.dma_semaphore, #tpu.memory_space<semaphore_mem>>)
      %mul3A_255 = arith.constant 20 : i32
      %mul3A_256 = arith.muli %while3A_34, %mul3A_255 : i32
      %add3A_257 = arith.constant 17 : i32
      %add3A_258 = arith.addi %mul3A_256, %add3A_257 : i32
      %dma_start3A_259 = arith.constant 2176 : i32
      %dma_start3A_260 = arith.constant 0 : i32
      %dma_start3A_261 = tpu.memref_slice %arg10[%dma_start3A_259, %dma_start3A_260] : memref<2560x16xf32, #tpu.memory_space<vmem>> -> memref<128x16xf32, #tpu.memory_space<vmem>>
      %dma_start3A_262 = arith.constant 0 : i32
      %dma_start3A_263 = tpu.memref_slice %arg8[%add3A_258, %dma_start3A_262] : memref<80x128xi32, #tpu.memory_space<vmem>> -> memref<1x128xi32, #tpu.memory_space<vmem>>
      %dma_start3A_264 = tpu.memref_squeeze %dma_start3A_263 : memref<1x128xi32, #tpu.memory_space<vmem>> -> memref<128xi32, #tpu.memory_space<vmem>>
      %dma_start3A_265 = arith.constant 0 : i32
      %dma_start3A_266 = arith.constant 0 : i32
      %dma_start3A_267 = tpu.memref_slice %arg2[%dma_start3A_265, %dma_start3A_266] : memref<10000x16xf32, #tpu.memory_space<hbm>> -> memref<10000x16xf32, #tpu.memory_space<hbm>>
      tpu.enqueue_indirect_dma source(%dma_start3A_267 : memref<10000x16xf32, #tpu.memory_space<hbm>>) target(%dma_start3A_261 : memref<128x16xf32, #tpu.memory_space<vmem>>) offsets(%dma_start3A_264 : memref<128xi32, #tpu.memory_space<vmem>>) semaphore(%arg11 : memref<!tpu.dma_semaphore, #tpu.memory_space<semaphore_mem>>)
      %mul3A_268 = arith.constant 20 : i32
      %mul3A_269 = arith.muli %while3A_34, %mul3A_268 : i32
      %add3A_270 = arith.constant 18 : i32
      %add3A_271 = arith.addi %mul3A_269, %add3A_270 : i32
      %dma_start3A_272 = arith.constant 2304 : i32
      %dma_start3A_273 = arith.constant 0 : i32
      %dma_start3A_274 = tpu.memref_slice %arg10[%dma_start3A_272, %dma_start3A_273] : memref<2560x16xf32, #tpu.memory_space<vmem>> -> memref<128x16xf32, #tpu.memory_space<vmem>>
      %dma_start3A_275 = arith.constant 0 : i32
      %dma_start3A_276 = tpu.memref_slice %arg8[%add3A_271, %dma_start3A_275] : memref<80x128xi32, #tpu.memory_space<vmem>> -> memref<1x128xi32, #tpu.memory_space<vmem>>
      %dma_start3A_277 = tpu.memref_squeeze %dma_start3A_276 : memref<1x128xi32, #tpu.memory_space<vmem>> -> memref<128xi32, #tpu.memory_space<vmem>>
      %dma_start3A_278 = arith.constant 0 : i32
      %dma_start3A_279 = arith.constant 0 : i32
      %dma_start3A_280 = tpu.memref_slice %arg2[%dma_start3A_278, %dma_start3A_279] : memref<10000x16xf32, #tpu.memory_space<hbm>> -> memref<10000x16xf32, #tpu.memory_space<hbm>>
      tpu.enqueue_indirect_dma source(%dma_start3A_280 : memref<10000x16xf32, #tpu.memory_space<hbm>>) target(%dma_start3A_274 : memref<128x16xf32, #tpu.memory_space<vmem>>) offsets(%dma_start3A_277 : memref<128xi32, #tpu.memory_space<vmem>>) semaphore(%arg11 : memref<!tpu.dma_semaphore, #tpu.memory_space<semaphore_mem>>)
      %mul3A_281 = arith.constant 20 : i32
      %mul3A_282 = arith.muli %while3A_34, %mul3A_281 : i32
      %add3A_283 = arith.constant 19 : i32
      %add3A_284 = arith.addi %mul3A_282, %add3A_283 : i32
      %dma_start3A_285 = arith.constant 2432 : i32
      %dma_start3A_286 = arith.constant 0 : i32
      %dma_start3A_287 = tpu.memref_slice %arg10[%dma_start3A_285, %dma_start3A_286] : memref<2560x16xf32, #tpu.memory_space<vmem>> -> memref<128x16xf32, #tpu.memory_space<vmem>>
      %dma_start3A_288 = arith.constant 0 : i32
      %dma_start3A_289 = tpu.memref_slice %arg8[%add3A_284, %dma_start3A_288] : memref<80x128xi32, #tpu.memory_space<vmem>> -> memref<1x128xi32, #tpu.memory_space<vmem>>
      %dma_start3A_290 = tpu.memref_squeeze %dma_start3A_289 : memref<1x128xi32, #tpu.memory_space<vmem>> -> memref<128xi32, #tpu.memory_space<vmem>>
      %dma_start3A_291 = arith.constant 0 : i32
      %dma_start3A_292 = arith.constant 0 : i32
      %dma_start3A_293 = tpu.memref_slice %arg2[%dma_start3A_291, %dma_start3A_292] : memref<10000x16xf32, #tpu.memory_space<hbm>> -> memref<10000x16xf32, #tpu.memory_space<hbm>>
      tpu.enqueue_indirect_dma source(%dma_start3A_293 : memref<10000x16xf32, #tpu.memory_space<hbm>>) target(%dma_start3A_287 : memref<128x16xf32, #tpu.memory_space<vmem>>) offsets(%dma_start3A_290 : memref<128xi32, #tpu.memory_space<vmem>>) semaphore(%arg11 : memref<!tpu.dma_semaphore, #tpu.memory_space<semaphore_mem>>)
      %dma_wait3A = arith.constant 0 : i32
      %dma_wait3A_294 = arith.constant 0 : i32
      %dma_wait3A_295 = tpu.memref_slice %arg10[%dma_wait3A, %dma_wait3A_294] : memref<2560x16xf32, #tpu.memory_space<vmem>> -> memref<128x16xf32, #tpu.memory_space<vmem>>
      %dma_wait3A_296 = arith.constant 0 : i32
      %dma_wait3A_297 = tpu.memref_slice %arg8[%add3A_38, %dma_wait3A_296] : memref<80x128xi32, #tpu.memory_space<vmem>> -> memref<1x128xi32, #tpu.memory_space<vmem>>
      %dma_wait3A_298 = tpu.memref_squeeze %dma_wait3A_297 : memref<1x128xi32, #tpu.memory_space<vmem>> -> memref<128xi32, #tpu.memory_space<vmem>>
      %dma_wait3A_299 = arith.constant 0 : i32
      %dma_wait3A_300 = arith.constant 0 : i32
      %dma_wait3A_301 = tpu.memref_slice %arg2[%dma_wait3A_299, %dma_wait3A_300] : memref<10000x16xf32, #tpu.memory_space<hbm>> -> memref<10000x16xf32, #tpu.memory_space<hbm>>
      tpu.wait_indirect_dma semaphore(%arg11 : memref<!tpu.dma_semaphore, #tpu.memory_space<semaphore_mem>>) src(%dma_wait3A_301 : memref<10000x16xf32, #tpu.memory_space<hbm>>) dst(%dma_wait3A_295 : memref<128x16xf32, #tpu.memory_space<vmem>>)
      %dma_wait3A_302 = arith.constant 128 : i32
      %dma_wait3A_303 = arith.constant 0 : i32
      %dma_wait3A_304 = tpu.memref_slice %arg10[%dma_wait3A_302, %dma_wait3A_303] : memref<2560x16xf32, #tpu.memory_space<vmem>> -> memref<128x16xf32, #tpu.memory_space<vmem>>
      %dma_wait3A_305 = arith.constant 0 : i32
      %dma_wait3A_306 = tpu.memref_slice %arg8[%add3A_50, %dma_wait3A_305] : memref<80x128xi32, #tpu.memory_space<vmem>> -> memref<1x128xi32, #tpu.memory_space<vmem>>
      %dma_wait3A_307 = tpu.memref_squeeze %dma_wait3A_306 : memref<1x128xi32, #tpu.memory_space<vmem>> -> memref<128xi32, #tpu.memory_space<vmem>>
      %dma_wait3A_308 = arith.constant 0 : i32
      %dma_wait3A_309 = arith.constant 0 : i32
      %dma_wait3A_310 = tpu.memref_slice %arg2[%dma_wait3A_308, %dma_wait3A_309] : memref<10000x16xf32, #tpu.memory_space<hbm>> -> memref<10000x16xf32, #tpu.memory_space<hbm>>
      tpu.wait_indirect_dma semaphore(%arg11 : memref<!tpu.dma_semaphore, #tpu.memory_space<semaphore_mem>>) src(%dma_wait3A_310 : memref<10000x16xf32, #tpu.memory_space<hbm>>) dst(%dma_wait3A_304 : memref<128x16xf32, #tpu.memory_space<vmem>>)
      %dma_wait3A_311 = arith.constant 256 : i32
      %dma_wait3A_312 = arith.constant 0 : i32
      %dma_wait3A_313 = tpu.memref_slice %arg10[%dma_wait3A_311, %dma_wait3A_312] : memref<2560x16xf32, #tpu.memory_space<vmem>> -> memref<128x16xf32, #tpu.memory_space<vmem>>
      %dma_wait3A_314 = arith.constant 0 : i32
      %dma_wait3A_315 = tpu.memref_slice %arg8[%add3A_63, %dma_wait3A_314] : memref<80x128xi32, #tpu.memory_space<vmem>> -> memref<1x128xi32, #tpu.memory_space<vmem>>
      %dma_wait3A_316 = tpu.memref_squeeze %dma_wait3A_315 : memref<1x128xi32, #tpu.memory_space<vmem>> -> memref<128xi32, #tpu.memory_space<vmem>>
      %dma_wait3A_317 = arith.constant 0 : i32
      %dma_wait3A_318 = arith.constant 0 : i32
      %dma_wait3A_319 = tpu.memref_slice %arg2[%dma_wait3A_317, %dma_wait3A_318] : memref<10000x16xf32, #tpu.memory_space<hbm>> -> memref<10000x16xf32, #tpu.memory_space<hbm>>
      tpu.wait_indirect_dma semaphore(%arg11 : memref<!tpu.dma_semaphore, #tpu.memory_space<semaphore_mem>>) src(%dma_wait3A_319 : memref<10000x16xf32, #tpu.memory_space<hbm>>) dst(%dma_wait3A_313 : memref<128x16xf32, #tpu.memory_space<vmem>>)
      %dma_wait3A_320 = arith.constant 384 : i32
      %dma_wait3A_321 = arith.constant 0 : i32
      %dma_wait3A_322 = tpu.memref_slice %arg10[%dma_wait3A_320, %dma_wait3A_321] : memref<2560x16xf32, #tpu.memory_space<vmem>> -> memref<128x16xf32, #tpu.memory_space<vmem>>
      %dma_wait3A_323 = arith.constant 0 : i32
      %dma_wait3A_324 = tpu.memref_slice %arg8[%add3A_76, %dma_wait3A_323] : memref<80x128xi32, #tpu.memory_space<vmem>> -> memref<1x128xi32, #tpu.memory_space<vmem>>
      %dma_wait3A_325 = tpu.memref_squeeze %dma_wait3A_324 : memref<1x128xi32, #tpu.memory_space<vmem>> -> memref<128xi32, #tpu.memory_space<vmem>>
      %dma_wait3A_326 = arith.constant 0 : i32
      %dma_wait3A_327 = arith.constant 0 : i32
      %dma_wait3A_328 = tpu.memref_slice %arg2[%dma_wait3A_326, %dma_wait3A_327] : memref<10000x16xf32, #tpu.memory_space<hbm>> -> memref<10000x16xf32, #tpu.memory_space<hbm>>
      tpu.wait_indirect_dma semaphore(%arg11 : memref<!tpu.dma_semaphore, #tpu.memory_space<semaphore_mem>>) src(%dma_wait3A_328 : memref<10000x16xf32, #tpu.memory_space<hbm>>) dst(%dma_wait3A_322 : memref<128x16xf32, #tpu.memory_space<vmem>>)
      %dma_wait3A_329 = arith.constant 512 : i32
      %dma_wait3A_330 = arith.constant 0 : i32
      %dma_wait3A_331 = tpu.memref_slice %arg10[%dma_wait3A_329, %dma_wait3A_330] : memref<2560x16xf32, #tpu.memory_space<vmem>> -> memref<128x16xf32, #tpu.memory_space<vmem>>
      %dma_wait3A_332 = arith.constant 0 : i32
      %dma_wait3A_333 = tpu.memref_slice %arg8[%add3A_89, %dma_wait3A_332] : memref<80x128xi32, #tpu.memory_space<vmem>> -> memref<1x128xi32, #tpu.memory_space<vmem>>
      %dma_wait3A_334 = tpu.memref_squeeze %dma_wait3A_333 : memref<1x128xi32, #tpu.memory_space<vmem>> -> memref<128xi32, #tpu.memory_space<vmem>>
      %dma_wait3A_335 = arith.constant 0 : i32
      %dma_wait3A_336 = arith.constant 0 : i32
      %dma_wait3A_337 = tpu.memref_slice %arg2[%dma_wait3A_335, %dma_wait3A_336] : memref<10000x16xf32, #tpu.memory_space<hbm>> -> memref<10000x16xf32, #tpu.memory_space<hbm>>
      tpu.wait_indirect_dma semaphore(%arg11 : memref<!tpu.dma_semaphore, #tpu.memory_space<semaphore_mem>>) src(%dma_wait3A_337 : memref<10000x16xf32, #tpu.memory_space<hbm>>) dst(%dma_wait3A_331 : memref<128x16xf32, #tpu.memory_space<vmem>>)
      %dma_wait3A_338 = arith.constant 640 : i32
      %dma_wait3A_339 = arith.constant 0 : i32
      %dma_wait3A_340 = tpu.memref_slice %arg10[%dma_wait3A_338, %dma_wait3A_339] : memref<2560x16xf32, #tpu.memory_space<vmem>> -> memref<128x16xf32, #tpu.memory_space<vmem>>
      %dma_wait3A_341 = arith.constant 0 : i32
      %dma_wait3A_342 = tpu.memref_slice %arg8[%add3A_102, %dma_wait3A_341] : memref<80x128xi32, #tpu.memory_space<vmem>> -> memref<1x128xi32, #tpu.memory_space<vmem>>
      %dma_wait3A_343 = tpu.memref_squeeze %dma_wait3A_342 : memref<1x128xi32, #tpu.memory_space<vmem>> -> memref<128xi32, #tpu.memory_space<vmem>>
      %dma_wait3A_344 = arith.constant 0 : i32
      %dma_wait3A_345 = arith.constant 0 : i32
      %dma_wait3A_346 = tpu.memref_slice %arg2[%dma_wait3A_344, %dma_wait3A_345] : memref<10000x16xf32, #tpu.memory_space<hbm>> -> memref<10000x16xf32, #tpu.memory_space<hbm>>
      tpu.wait_indirect_dma semaphore(%arg11 : memref<!tpu.dma_semaphore, #tpu.memory_space<semaphore_mem>>) src(%dma_wait3A_346 : memref<10000x16xf32, #tpu.memory_space<hbm>>) dst(%dma_wait3A_340 : memref<128x16xf32, #tpu.memory_space<vmem>>)
      %dma_wait3A_347 = arith.constant 768 : i32
      %dma_wait3A_348 = arith.constant 0 : i32
      %dma_wait3A_349 = tpu.memref_slice %arg10[%dma_wait3A_347, %dma_wait3A_348] : memref<2560x16xf32, #tpu.memory_space<vmem>> -> memref<128x16xf32, #tpu.memory_space<vmem>>
      %dma_wait3A_350 = arith.constant 0 : i32
      %dma_wait3A_351 = tpu.memref_slice %arg8[%add3A_115, %dma_wait3A_350] : memref<80x128xi32, #tpu.memory_space<vmem>> -> memref<1x128xi32, #tpu.memory_space<vmem>>
      %dma_wait3A_352 = tpu.memref_squeeze %dma_wait3A_351 : memref<1x128xi32, #tpu.memory_space<vmem>> -> memref<128xi32, #tpu.memory_space<vmem>>
      %dma_wait3A_353 = arith.constant 0 : i32
      %dma_wait3A_354 = arith.constant 0 : i32
      %dma_wait3A_355 = tpu.memref_slice %arg2[%dma_wait3A_353, %dma_wait3A_354] : memref<10000x16xf32, #tpu.memory_space<hbm>> -> memref<10000x16xf32, #tpu.memory_space<hbm>>
      tpu.wait_indirect_dma semaphore(%arg11 : memref<!tpu.dma_semaphore, #tpu.memory_space<semaphore_mem>>) src(%dma_wait3A_355 : memref<10000x16xf32, #tpu.memory_space<hbm>>) dst(%dma_wait3A_349 : memref<128x16xf32, #tpu.memory_space<vmem>>)
      %dma_wait3A_356 = arith.constant 896 : i32
      %dma_wait3A_357 = arith.constant 0 : i32
      %dma_wait3A_358 = tpu.memref_slice %arg10[%dma_wait3A_356, %dma_wait3A_357] : memref<2560x16xf32, #tpu.memory_space<vmem>> -> memref<128x16xf32, #tpu.memory_space<vmem>>
      %dma_wait3A_359 = arith.constant 0 : i32
      %dma_wait3A_360 = tpu.memref_slice %arg8[%add3A_128, %dma_wait3A_359] : memref<80x128xi32, #tpu.memory_space<vmem>> -> memref<1x128xi32, #tpu.memory_space<vmem>>
      %dma_wait3A_361 = tpu.memref_squeeze %dma_wait3A_360 : memref<1x128xi32, #tpu.memory_space<vmem>> -> memref<128xi32, #tpu.memory_space<vmem>>
      %dma_wait3A_362 = arith.constant 0 : i32
      %dma_wait3A_363 = arith.constant 0 : i32
      %dma_wait3A_364 = tpu.memref_slice %arg2[%dma_wait3A_362, %dma_wait3A_363] : memref<10000x16xf32, #tpu.memory_space<hbm>> -> memref<10000x16xf32, #tpu.memory_space<hbm>>
      tpu.wait_indirect_dma semaphore(%arg11 : memref<!tpu.dma_semaphore, #tpu.memory_space<semaphore_mem>>) src(%dma_wait3A_364 : memref<10000x16xf32, #tpu.memory_space<hbm>>) dst(%dma_wait3A_358 : memref<128x16xf32, #tpu.memory_space<vmem>>)
      %dma_wait3A_365 = arith.constant 1024 : i32
      %dma_wait3A_366 = arith.constant 0 : i32
      %dma_wait3A_367 = tpu.memref_slice %arg10[%dma_wait3A_365, %dma_wait3A_366] : memref<2560x16xf32, #tpu.memory_space<vmem>> -> memref<128x16xf32, #tpu.memory_space<vmem>>
      %dma_wait3A_368 = arith.constant 0 : i32
      %dma_wait3A_369 = tpu.memref_slice %arg8[%add3A_141, %dma_wait3A_368] : memref<80x128xi32, #tpu.memory_space<vmem>> -> memref<1x128xi32, #tpu.memory_space<vmem>>
      %dma_wait3A_370 = tpu.memref_squeeze %dma_wait3A_369 : memref<1x128xi32, #tpu.memory_space<vmem>> -> memref<128xi32, #tpu.memory_space<vmem>>
      %dma_wait3A_371 = arith.constant 0 : i32
      %dma_wait3A_372 = arith.constant 0 : i32
      %dma_wait3A_373 = tpu.memref_slice %arg2[%dma_wait3A_371, %dma_wait3A_372] : memref<10000x16xf32, #tpu.memory_space<hbm>> -> memref<10000x16xf32, #tpu.memory_space<hbm>>
      tpu.wait_indirect_dma semaphore(%arg11 : memref<!tpu.dma_semaphore, #tpu.memory_space<semaphore_mem>>) src(%dma_wait3A_373 : memref<10000x16xf32, #tpu.memory_space<hbm>>) dst(%dma_wait3A_367 : memref<128x16xf32, #tpu.memory_space<vmem>>)
      %dma_wait3A_374 = arith.constant 1152 : i32
      %dma_wait3A_375 = arith.constant 0 : i32
      %dma_wait3A_376 = tpu.memref_slice %arg10[%dma_wait3A_374, %dma_wait3A_375] : memref<2560x16xf32, #tpu.memory_space<vmem>> -> memref<128x16xf32, #tpu.memory_space<vmem>>
      %dma_wait3A_377 = arith.constant 0 : i32
      %dma_wait3A_378 = tpu.memref_slice %arg8[%add3A_154, %dma_wait3A_377] : memref<80x128xi32, #tpu.memory_space<vmem>> -> memref<1x128xi32, #tpu.memory_space<vmem>>
      %dma_wait3A_379 = tpu.memref_squeeze %dma_wait3A_378 : memref<1x128xi32, #tpu.memory_space<vmem>> -> memref<128xi32, #tpu.memory_space<vmem>>
      %dma_wait3A_380 = arith.constant 0 : i32
      %dma_wait3A_381 = arith.constant 0 : i32
      %dma_wait3A_382 = tpu.memref_slice %arg2[%dma_wait3A_380, %dma_wait3A_381] : memref<10000x16xf32, #tpu.memory_space<hbm>> -> memref<10000x16xf32, #tpu.memory_space<hbm>>
      tpu.wait_indirect_dma semaphore(%arg11 : memref<!tpu.dma_semaphore, #tpu.memory_space<semaphore_mem>>) src(%dma_wait3A_382 : memref<10000x16xf32, #tpu.memory_space<hbm>>) dst(%dma_wait3A_376 : memref<128x16xf32, #tpu.memory_space<vmem>>)
      %dma_wait3A_383 = arith.constant 1280 : i32
      %dma_wait3A_384 = arith.constant 0 : i32
      %dma_wait3A_385 = tpu.memref_slice %arg10[%dma_wait3A_383, %dma_wait3A_384] : memref<2560x16xf32, #tpu.memory_space<vmem>> -> memref<128x16xf32, #tpu.memory_space<vmem>>
      %dma_wait3A_386 = arith.constant 0 : i32
      %dma_wait3A_387 = tpu.memref_slice %arg8[%add3A_167, %dma_wait3A_386] : memref<80x128xi32, #tpu.memory_space<vmem>> -> memref<1x128xi32, #tpu.memory_space<vmem>>
      %dma_wait3A_388 = tpu.memref_squeeze %dma_wait3A_387 : memref<1x128xi32, #tpu.memory_space<vmem>> -> memref<128xi32, #tpu.memory_space<vmem>>
      %dma_wait3A_389 = arith.constant 0 : i32
      %dma_wait3A_390 = arith.constant 0 : i32
      %dma_wait3A_391 = tpu.memref_slice %arg2[%dma_wait3A_389, %dma_wait3A_390] : memref<10000x16xf32, #tpu.memory_space<hbm>> -> memref<10000x16xf32, #tpu.memory_space<hbm>>
      tpu.wait_indirect_dma semaphore(%arg11 : memref<!tpu.dma_semaphore, #tpu.memory_space<semaphore_mem>>) src(%dma_wait3A_391 : memref<10000x16xf32, #tpu.memory_space<hbm>>) dst(%dma_wait3A_385 : memref<128x16xf32, #tpu.memory_space<vmem>>)
      %dma_wait3A_392 = arith.constant 1408 : i32
      %dma_wait3A_393 = arith.constant 0 : i32
      %dma_wait3A_394 = tpu.memref_slice %arg10[%dma_wait3A_392, %dma_wait3A_393] : memref<2560x16xf32, #tpu.memory_space<vmem>> -> memref<128x16xf32, #tpu.memory_space<vmem>>
      %dma_wait3A_395 = arith.constant 0 : i32
      %dma_wait3A_396 = tpu.memref_slice %arg8[%add3A_180, %dma_wait3A_395] : memref<80x128xi32, #tpu.memory_space<vmem>> -> memref<1x128xi32, #tpu.memory_space<vmem>>
      %dma_wait3A_397 = tpu.memref_squeeze %dma_wait3A_396 : memref<1x128xi32, #tpu.memory_space<vmem>> -> memref<128xi32, #tpu.memory_space<vmem>>
      %dma_wait3A_398 = arith.constant 0 : i32
      %dma_wait3A_399 = arith.constant 0 : i32
      %dma_wait3A_400 = tpu.memref_slice %arg2[%dma_wait3A_398, %dma_wait3A_399] : memref<10000x16xf32, #tpu.memory_space<hbm>> -> memref<10000x16xf32, #tpu.memory_space<hbm>>
      tpu.wait_indirect_dma semaphore(%arg11 : memref<!tpu.dma_semaphore, #tpu.memory_space<semaphore_mem>>) src(%dma_wait3A_400 : memref<10000x16xf32, #tpu.memory_space<hbm>>) dst(%dma_wait3A_394 : memref<128x16xf32, #tpu.memory_space<vmem>>)
      %dma_wait3A_401 = arith.constant 1536 : i32
      %dma_wait3A_402 = arith.constant 0 : i32
      %dma_wait3A_403 = tpu.memref_slice %arg10[%dma_wait3A_401, %dma_wait3A_402] : memref<2560x16xf32, #tpu.memory_space<vmem>> -> memref<128x16xf32, #tpu.memory_space<vmem>>
      %dma_wait3A_404 = arith.constant 0 : i32
      %dma_wait3A_405 = tpu.memref_slice %arg8[%add3A_193, %dma_wait3A_404] : memref<80x128xi32, #tpu.memory_space<vmem>> -> memref<1x128xi32, #tpu.memory_space<vmem>>
      %dma_wait3A_406 = tpu.memref_squeeze %dma_wait3A_405 : memref<1x128xi32, #tpu.memory_space<vmem>> -> memref<128xi32, #tpu.memory_space<vmem>>
      %dma_wait3A_407 = arith.constant 0 : i32
      %dma_wait3A_408 = arith.constant 0 : i32
      %dma_wait3A_409 = tpu.memref_slice %arg2[%dma_wait3A_407, %dma_wait3A_408] : memref<10000x16xf32, #tpu.memory_space<hbm>> -> memref<10000x16xf32, #tpu.memory_space<hbm>>
      tpu.wait_indirect_dma semaphore(%arg11 : memref<!tpu.dma_semaphore, #tpu.memory_space<semaphore_mem>>) src(%dma_wait3A_409 : memref<10000x16xf32, #tpu.memory_space<hbm>>) dst(%dma_wait3A_403 : memref<128x16xf32, #tpu.memory_space<vmem>>)
      %dma_wait3A_410 = arith.constant 1664 : i32
      %dma_wait3A_411 = arith.constant 0 : i32
      %dma_wait3A_412 = tpu.memref_slice %arg10[%dma_wait3A_410, %dma_wait3A_411] : memref<2560x16xf32, #tpu.memory_space<vmem>> -> memref<128x16xf32, #tpu.memory_space<vmem>>
      %dma_wait3A_413 = arith.constant 0 : i32
      %dma_wait3A_414 = tpu.memref_slice %arg8[%add3A_206, %dma_wait3A_413] : memref<80x128xi32, #tpu.memory_space<vmem>> -> memref<1x128xi32, #tpu.memory_space<vmem>>
      %dma_wait3A_415 = tpu.memref_squeeze %dma_wait3A_414 : memref<1x128xi32, #tpu.memory_space<vmem>> -> memref<128xi32, #tpu.memory_space<vmem>>
      %dma_wait3A_416 = arith.constant 0 : i32
      %dma_wait3A_417 = arith.constant 0 : i32
      %dma_wait3A_418 = tpu.memref_slice %arg2[%dma_wait3A_416, %dma_wait3A_417] : memref<10000x16xf32, #tpu.memory_space<hbm>> -> memref<10000x16xf32, #tpu.memory_space<hbm>>
      tpu.wait_indirect_dma semaphore(%arg11 : memref<!tpu.dma_semaphore, #tpu.memory_space<semaphore_mem>>) src(%dma_wait3A_418 : memref<10000x16xf32, #tpu.memory_space<hbm>>) dst(%dma_wait3A_412 : memref<128x16xf32, #tpu.memory_space<vmem>>)
      %dma_wait3A_419 = arith.constant 1792 : i32
      %dma_wait3A_420 = arith.constant 0 : i32
      %dma_wait3A_421 = tpu.memref_slice %arg10[%dma_wait3A_419, %dma_wait3A_420] : memref<2560x16xf32, #tpu.memory_space<vmem>> -> memref<128x16xf32, #tpu.memory_space<vmem>>
      %dma_wait3A_422 = arith.constant 0 : i32
      %dma_wait3A_423 = tpu.memref_slice %arg8[%add3A_219, %dma_wait3A_422] : memref<80x128xi32, #tpu.memory_space<vmem>> -> memref<1x128xi32, #tpu.memory_space<vmem>>
      %dma_wait3A_424 = tpu.memref_squeeze %dma_wait3A_423 : memref<1x128xi32, #tpu.memory_space<vmem>> -> memref<128xi32, #tpu.memory_space<vmem>>
      %dma_wait3A_425 = arith.constant 0 : i32
      %dma_wait3A_426 = arith.constant 0 : i32
      %dma_wait3A_427 = tpu.memref_slice %arg2[%dma_wait3A_425, %dma_wait3A_426] : memref<10000x16xf32, #tpu.memory_space<hbm>> -> memref<10000x16xf32, #tpu.memory_space<hbm>>
      tpu.wait_indirect_dma semaphore(%arg11 : memref<!tpu.dma_semaphore, #tpu.memory_space<semaphore_mem>>) src(%dma_wait3A_427 : memref<10000x16xf32, #tpu.memory_space<hbm>>) dst(%dma_wait3A_421 : memref<128x16xf32, #tpu.memory_space<vmem>>)
      %dma_wait3A_428 = arith.constant 1920 : i32
      %dma_wait3A_429 = arith.constant 0 : i32
      %dma_wait3A_430 = tpu.memref_slice %arg10[%dma_wait3A_428, %dma_wait3A_429] : memref<2560x16xf32, #tpu.memory_space<vmem>> -> memref<128x16xf32, #tpu.memory_space<vmem>>
      %dma_wait3A_431 = arith.constant 0 : i32
      %dma_wait3A_432 = tpu.memref_slice %arg8[%add3A_232, %dma_wait3A_431] : memref<80x128xi32, #tpu.memory_space<vmem>> -> memref<1x128xi32, #tpu.memory_space<vmem>>
      %dma_wait3A_433 = tpu.memref_squeeze %dma_wait3A_432 : memref<1x128xi32, #tpu.memory_space<vmem>> -> memref<128xi32, #tpu.memory_space<vmem>>
      %dma_wait3A_434 = arith.constant 0 : i32
      %dma_wait3A_435 = arith.constant 0 : i32
      %dma_wait3A_436 = tpu.memref_slice %arg2[%dma_wait3A_434, %dma_wait3A_435] : memref<10000x16xf32, #tpu.memory_space<hbm>> -> memref<10000x16xf32, #tpu.memory_space<hbm>>
      tpu.wait_indirect_dma semaphore(%arg11 : memref<!tpu.dma_semaphore, #tpu.memory_space<semaphore_mem>>) src(%dma_wait3A_436 : memref<10000x16xf32, #tpu.memory_space<hbm>>) dst(%dma_wait3A_430 : memref<128x16xf32, #tpu.memory_space<vmem>>)
      %dma_wait3A_437 = arith.constant 2048 : i32
      %dma_wait3A_438 = arith.constant 0 : i32
      %dma_wait3A_439 = tpu.memref_slice %arg10[%dma_wait3A_437, %dma_wait3A_438] : memref<2560x16xf32, #tpu.memory_space<vmem>> -> memref<128x16xf32, #tpu.memory_space<vmem>>
      %dma_wait3A_440 = arith.constant 0 : i32
      %dma_wait3A_441 = tpu.memref_slice %arg8[%add3A_245, %dma_wait3A_440] : memref<80x128xi32, #tpu.memory_space<vmem>> -> memref<1x128xi32, #tpu.memory_space<vmem>>
      %dma_wait3A_442 = tpu.memref_squeeze %dma_wait3A_441 : memref<1x128xi32, #tpu.memory_space<vmem>> -> memref<128xi32, #tpu.memory_space<vmem>>
      %dma_wait3A_443 = arith.constant 0 : i32
      %dma_wait3A_444 = arith.constant 0 : i32
      %dma_wait3A_445 = tpu.memref_slice %arg2[%dma_wait3A_443, %dma_wait3A_444] : memref<10000x16xf32, #tpu.memory_space<hbm>> -> memref<10000x16xf32, #tpu.memory_space<hbm>>
      tpu.wait_indirect_dma semaphore(%arg11 : memref<!tpu.dma_semaphore, #tpu.memory_space<semaphore_mem>>) src(%dma_wait3A_445 : memref<10000x16xf32, #tpu.memory_space<hbm>>) dst(%dma_wait3A_439 : memref<128x16xf32, #tpu.memory_space<vmem>>)
      %dma_wait3A_446 = arith.constant 2176 : i32
      %dma_wait3A_447 = arith.constant 0 : i32
      %dma_wait3A_448 = tpu.memref_slice %arg10[%dma_wait3A_446, %dma_wait3A_447] : memref<2560x16xf32, #tpu.memory_space<vmem>> -> memref<128x16xf32, #tpu.memory_space<vmem>>
      %dma_wait3A_449 = arith.constant 0 : i32
      %dma_wait3A_450 = tpu.memref_slice %arg8[%add3A_258, %dma_wait3A_449] : memref<80x128xi32, #tpu.memory_space<vmem>> -> memref<1x128xi32, #tpu.memory_space<vmem>>
      %dma_wait3A_451 = tpu.memref_squeeze %dma_wait3A_450 : memref<1x128xi32, #tpu.memory_space<vmem>> -> memref<128xi32, #tpu.memory_space<vmem>>
      %dma_wait3A_452 = arith.constant 0 : i32
      %dma_wait3A_453 = arith.constant 0 : i32
      %dma_wait3A_454 = tpu.memref_slice %arg2[%dma_wait3A_452, %dma_wait3A_453] : memref<10000x16xf32, #tpu.memory_space<hbm>> -> memref<10000x16xf32, #tpu.memory_space<hbm>>
      tpu.wait_indirect_dma semaphore(%arg11 : memref<!tpu.dma_semaphore, #tpu.memory_space<semaphore_mem>>) src(%dma_wait3A_454 : memref<10000x16xf32, #tpu.memory_space<hbm>>) dst(%dma_wait3A_448 : memref<128x16xf32, #tpu.memory_space<vmem>>)
      %dma_wait3A_455 = arith.constant 2304 : i32
      %dma_wait3A_456 = arith.constant 0 : i32
      %dma_wait3A_457 = tpu.memref_slice %arg10[%dma_wait3A_455, %dma_wait3A_456] : memref<2560x16xf32, #tpu.memory_space<vmem>> -> memref<128x16xf32, #tpu.memory_space<vmem>>
      %dma_wait3A_458 = arith.constant 0 : i32
      %dma_wait3A_459 = tpu.memref_slice %arg8[%add3A_271, %dma_wait3A_458] : memref<80x128xi32, #tpu.memory_space<vmem>> -> memref<1x128xi32, #tpu.memory_space<vmem>>
      %dma_wait3A_460 = tpu.memref_squeeze %dma_wait3A_459 : memref<1x128xi32, #tpu.memory_space<vmem>> -> memref<128xi32, #tpu.memory_space<vmem>>
      %dma_wait3A_461 = arith.constant 0 : i32
      %dma_wait3A_462 = arith.constant 0 : i32
      %dma_wait3A_463 = tpu.memref_slice %arg2[%dma_wait3A_461, %dma_wait3A_462] : memref<10000x16xf32, #tpu.memory_space<hbm>> -> memref<10000x16xf32, #tpu.memory_space<hbm>>
      tpu.wait_indirect_dma semaphore(%arg11 : memref<!tpu.dma_semaphore, #tpu.memory_space<semaphore_mem>>) src(%dma_wait3A_463 : memref<10000x16xf32, #tpu.memory_space<hbm>>) dst(%dma_wait3A_457 : memref<128x16xf32, #tpu.memory_space<vmem>>)
      %dma_wait3A_464 = arith.constant 2432 : i32
      %dma_wait3A_465 = arith.constant 0 : i32
      %dma_wait3A_466 = tpu.memref_slice %arg10[%dma_wait3A_464, %dma_wait3A_465] : memref<2560x16xf32, #tpu.memory_space<vmem>> -> memref<128x16xf32, #tpu.memory_space<vmem>>
      %dma_wait3A_467 = arith.constant 0 : i32
      %dma_wait3A_468 = tpu.memref_slice %arg8[%add3A_284, %dma_wait3A_467] : memref<80x128xi32, #tpu.memory_space<vmem>> -> memref<1x128xi32, #tpu.memory_space<vmem>>
      %dma_wait3A_469 = tpu.memref_squeeze %dma_wait3A_468 : memref<1x128xi32, #tpu.memory_space<vmem>> -> memref<128xi32, #tpu.memory_space<vmem>>
      %dma_wait3A_470 = arith.constant 0 : i32
      %dma_wait3A_471 = arith.constant 0 : i32
      %dma_wait3A_472 = tpu.memref_slice %arg2[%dma_wait3A_470, %dma_wait3A_471] : memref<10000x16xf32, #tpu.memory_space<hbm>> -> memref<10000x16xf32, #tpu.memory_space<hbm>>
      tpu.wait_indirect_dma semaphore(%arg11 : memref<!tpu.dma_semaphore, #tpu.memory_space<semaphore_mem>>) src(%dma_wait3A_472 : memref<10000x16xf32, #tpu.memory_space<hbm>>) dst(%dma_wait3A_466 : memref<128x16xf32, #tpu.memory_space<vmem>>)
      %add3A_473 = arith.addi %select_n3A_12, %while3A_34 : i32
      %mul3A_474 = arith.constant 2560 : i32
      %mul3A_475 = arith.muli %add3A_473, %mul3A_474 : i32
      "tpu.region"() ({
        %run_scoped3A = tpu.sem_alloc : memref<!tpu.dma_semaphore, #tpu.memory_space<semaphore_mem>>
        %dma_start3A_476 = arith.constant 0 : i32
        %dma_start3A_477 = tpu.memref_slice %arg6[%mul3A_475, %dma_start3A_476] : memref<320000x16xf32, #tpu.memory_space<hbm>> -> memref<2560x16xf32, #tpu.memory_space<hbm>>
        %dma_start3A_478 = arith.constant 0 : i32
        %dma_start3A_479 = tpu.memref_slice %arg6[%mul3A_475, %dma_start3A_478] : memref<320000x16xf32, #tpu.memory_space<hbm>> -> memref<2560x16xf32, #tpu.memory_space<hbm>>
        tpu.enqueue_dma source(%arg10 : memref<2560x16xf32, #tpu.memory_space<vmem>>) target(%dma_start3A_479 : memref<2560x16xf32, #tpu.memory_space<hbm>>) target_semaphore(%run_scoped3A : memref<!tpu.dma_semaphore, #tpu.memory_space<semaphore_mem>>)
        %dma_wait3A_480 = arith.constant 0 : i32
        %dma_wait3A_481 = tpu.memref_slice %arg6[%mul3A_475, %dma_wait3A_480] : memref<320000x16xf32, #tpu.memory_space<hbm>> -> memref<2560x16xf32, #tpu.memory_space<hbm>>
        %dma_wait3A_482 = arith.constant 0 : i32
        %dma_wait3A_483 = tpu.memref_slice %arg6[%mul3A_475, %dma_wait3A_482] : memref<320000x16xf32, #tpu.memory_space<hbm>> -> memref<2560x16xf32, #tpu.memory_space<hbm>>
        tpu.wait_dma2 semaphore(%run_scoped3A : memref<!tpu.dma_semaphore, #tpu.memory_space<semaphore_mem>>) src(%arg10 : memref<2560x16xf32, #tpu.memory_space<vmem>>) dst(%dma_wait3A_483 : memref<2560x16xf32, #tpu.memory_space<hbm>>)
        tpu.yield
      }) : () -> ()
    }
    %while3A_24 = arith.constant 0 : i32
    %while3A_25 = arith.constant 0 : i32
    %while3A_26 = arith.subi %select_n3A, %while3A_25 : i32
    %while3A_27 = arith.addi %while3A_25, %while3A_26 : i32
    %while3A_28 = arith.constant 1 : i32
    %while3A_29 = arith.divsi %while3A_26, %while3A_28 : i32
    %while3A_30 = arith.muli %while3A_29, %while3A_28 : i32
    %while3A_31 = arith.addi %while3A_25, %while3A_30 : i32
    %while3A_32 = arith.constant 1 : i32
    scf.for %while3A_34 = %while3A_25 to %while3A_31 step %while3A_32  : i32 {
      %mul3A_35 = arith.constant 20 : i32
      %mul3A_36 = arith.muli %while3A_34, %mul3A_35 : i32
      %add3A_37 = arith.constant 0 : i32
      %add3A_38 = arith.addi %mul3A_36, %add3A_37 : i32
      %dma_start3A = arith.constant 0 : i32
      %dma_start3A_39 = arith.constant 0 : i32
      %dma_start3A_40 = tpu.memref_slice %arg10[%dma_start3A, %dma_start3A_39] : memref<2560x16xf32, #tpu.memory_space<vmem>> -> memref<128x16xf32, #tpu.memory_space<vmem>>
      %dma_start3A_41 = arith.constant 0 : i32
      %dma_start3A_42 = tpu.memref_slice %arg9[%add3A_38, %dma_start3A_41] : memref<80x128xi32, #tpu.memory_space<vmem>> -> memref<1x128xi32, #tpu.memory_space<vmem>>
      %dma_start3A_43 = tpu.memref_squeeze %dma_start3A_42 : memref<1x128xi32, #tpu.memory_space<vmem>> -> memref<128xi32, #tpu.memory_space<vmem>>
      %dma_start3A_44 = arith.constant 0 : i32
      %dma_start3A_45 = arith.constant 0 : i32
      %dma_start3A_46 = tpu.memref_slice %arg3[%dma_start3A_44, %dma_start3A_45] : memref<10000x16xf32, #tpu.memory_space<hbm>> -> memref<10000x16xf32, #tpu.memory_space<hbm>>
      tpu.enqueue_indirect_dma source(%dma_start3A_46 : memref<10000x16xf32, #tpu.memory_space<hbm>>) target(%dma_start3A_40 : memref<128x16xf32, #tpu.memory_space<vmem>>) offsets(%dma_start3A_43 : memref<128xi32, #tpu.memory_space<vmem>>) semaphore(%arg11 : memref<!tpu.dma_semaphore, #tpu.memory_space<semaphore_mem>>)
      %mul3A_47 = arith.constant 20 : i32
      %mul3A_48 = arith.muli %while3A_34, %mul3A_47 : i32
      %add3A_49 = arith.constant 1 : i32
      %add3A_50 = arith.addi %mul3A_48, %add3A_49 : i32
      %dma_start3A_51 = arith.constant 128 : i32
      %dma_start3A_52 = arith.constant 0 : i32
      %dma_start3A_53 = tpu.memref_slice %arg10[%dma_start3A_51, %dma_start3A_52] : memref<2560x16xf32, #tpu.memory_space<vmem>> -> memref<128x16xf32, #tpu.memory_space<vmem>>
      %dma_start3A_54 = arith.constant 0 : i32
      %dma_start3A_55 = tpu.memref_slice %arg9[%add3A_50, %dma_start3A_54] : memref<80x128xi32, #tpu.memory_space<vmem>> -> memref<1x128xi32, #tpu.memory_space<vmem>>
      %dma_start3A_56 = tpu.memref_squeeze %dma_start3A_55 : memref<1x128xi32, #tpu.memory_space<vmem>> -> memref<128xi32, #tpu.memory_space<vmem>>
      %dma_start3A_57 = arith.constant 0 : i32
      %dma_start3A_58 = arith.constant 0 : i32
      %dma_start3A_59 = tpu.memref_slice %arg3[%dma_start3A_57, %dma_start3A_58] : memref<10000x16xf32, #tpu.memory_space<hbm>> -> memref<10000x16xf32, #tpu.memory_space<hbm>>
      tpu.enqueue_indirect_dma source(%dma_start3A_59 : memref<10000x16xf32, #tpu.memory_space<hbm>>) target(%dma_start3A_53 : memref<128x16xf32, #tpu.memory_space<vmem>>) offsets(%dma_start3A_56 : memref<128xi32, #tpu.memory_space<vmem>>) semaphore(%arg11 : memref<!tpu.dma_semaphore, #tpu.memory_space<semaphore_mem>>)
      %mul3A_60 = arith.constant 20 : i32
      %mul3A_61 = arith.muli %while3A_34, %mul3A_60 : i32
      %add3A_62 = arith.constant 2 : i32
      %add3A_63 = arith.addi %mul3A_61, %add3A_62 : i32
      %dma_start3A_64 = arith.constant 256 : i32
      %dma_start3A_65 = arith.constant 0 : i32
      %dma_start3A_66 = tpu.memref_slice %arg10[%dma_start3A_64, %dma_start3A_65] : memref<2560x16xf32, #tpu.memory_space<vmem>> -> memref<128x16xf32, #tpu.memory_space<vmem>>
      %dma_start3A_67 = arith.constant 0 : i32
      %dma_start3A_68 = tpu.memref_slice %arg9[%add3A_63, %dma_start3A_67] : memref<80x128xi32, #tpu.memory_space<vmem>> -> memref<1x128xi32, #tpu.memory_space<vmem>>
      %dma_start3A_69 = tpu.memref_squeeze %dma_start3A_68 : memref<1x128xi32, #tpu.memory_space<vmem>> -> memref<128xi32, #tpu.memory_space<vmem>>
      %dma_start3A_70 = arith.constant 0 : i32
      %dma_start3A_71 = arith.constant 0 : i32
      %dma_start3A_72 = tpu.memref_slice %arg3[%dma_start3A_70, %dma_start3A_71] : memref<10000x16xf32, #tpu.memory_space<hbm>> -> memref<10000x16xf32, #tpu.memory_space<hbm>>
      tpu.enqueue_indirect_dma source(%dma_start3A_72 : memref<10000x16xf32, #tpu.memory_space<hbm>>) target(%dma_start3A_66 : memref<128x16xf32, #tpu.memory_space<vmem>>) offsets(%dma_start3A_69 : memref<128xi32, #tpu.memory_space<vmem>>) semaphore(%arg11 : memref<!tpu.dma_semaphore, #tpu.memory_space<semaphore_mem>>)
      %mul3A_73 = arith.constant 20 : i32
      %mul3A_74 = arith.muli %while3A_34, %mul3A_73 : i32
      %add3A_75 = arith.constant 3 : i32
      %add3A_76 = arith.addi %mul3A_74, %add3A_75 : i32
      %dma_start3A_77 = arith.constant 384 : i32
      %dma_start3A_78 = arith.constant 0 : i32
      %dma_start3A_79 = tpu.memref_slice %arg10[%dma_start3A_77, %dma_start3A_78] : memref<2560x16xf32, #tpu.memory_space<vmem>> -> memref<128x16xf32, #tpu.memory_space<vmem>>
      %dma_start3A_80 = arith.constant 0 : i32
      %dma_start3A_81 = tpu.memref_slice %arg9[%add3A_76, %dma_start3A_80] : memref<80x128xi32, #tpu.memory_space<vmem>> -> memref<1x128xi32, #tpu.memory_space<vmem>>
      %dma_start3A_82 = tpu.memref_squeeze %dma_start3A_81 : memref<1x128xi32, #tpu.memory_space<vmem>> -> memref<128xi32, #tpu.memory_space<vmem>>
      %dma_start3A_83 = arith.constant 0 : i32
      %dma_start3A_84 = arith.constant 0 : i32
      %dma_start3A_85 = tpu.memref_slice %arg3[%dma_start3A_83, %dma_start3A_84] : memref<10000x16xf32, #tpu.memory_space<hbm>> -> memref<10000x16xf32, #tpu.memory_space<hbm>>
      tpu.enqueue_indirect_dma source(%dma_start3A_85 : memref<10000x16xf32, #tpu.memory_space<hbm>>) target(%dma_start3A_79 : memref<128x16xf32, #tpu.memory_space<vmem>>) offsets(%dma_start3A_82 : memref<128xi32, #tpu.memory_space<vmem>>) semaphore(%arg11 : memref<!tpu.dma_semaphore, #tpu.memory_space<semaphore_mem>>)
      %mul3A_86 = arith.constant 20 : i32
      %mul3A_87 = arith.muli %while3A_34, %mul3A_86 : i32
      %add3A_88 = arith.constant 4 : i32
      %add3A_89 = arith.addi %mul3A_87, %add3A_88 : i32
      %dma_start3A_90 = arith.constant 512 : i32
      %dma_start3A_91 = arith.constant 0 : i32
      %dma_start3A_92 = tpu.memref_slice %arg10[%dma_start3A_90, %dma_start3A_91] : memref<2560x16xf32, #tpu.memory_space<vmem>> -> memref<128x16xf32, #tpu.memory_space<vmem>>
      %dma_start3A_93 = arith.constant 0 : i32
      %dma_start3A_94 = tpu.memref_slice %arg9[%add3A_89, %dma_start3A_93] : memref<80x128xi32, #tpu.memory_space<vmem>> -> memref<1x128xi32, #tpu.memory_space<vmem>>
      %dma_start3A_95 = tpu.memref_squeeze %dma_start3A_94 : memref<1x128xi32, #tpu.memory_space<vmem>> -> memref<128xi32, #tpu.memory_space<vmem>>
      %dma_start3A_96 = arith.constant 0 : i32
      %dma_start3A_97 = arith.constant 0 : i32
      %dma_start3A_98 = tpu.memref_slice %arg3[%dma_start3A_96, %dma_start3A_97] : memref<10000x16xf32, #tpu.memory_space<hbm>> -> memref<10000x16xf32, #tpu.memory_space<hbm>>
      tpu.enqueue_indirect_dma source(%dma_start3A_98 : memref<10000x16xf32, #tpu.memory_space<hbm>>) target(%dma_start3A_92 : memref<128x16xf32, #tpu.memory_space<vmem>>) offsets(%dma_start3A_95 : memref<128xi32, #tpu.memory_space<vmem>>) semaphore(%arg11 : memref<!tpu.dma_semaphore, #tpu.memory_space<semaphore_mem>>)
      %mul3A_99 = arith.constant 20 : i32
      %mul3A_100 = arith.muli %while3A_34, %mul3A_99 : i32
      %add3A_101 = arith.constant 5 : i32
      %add3A_102 = arith.addi %mul3A_100, %add3A_101 : i32
      %dma_start3A_103 = arith.constant 640 : i32
      %dma_start3A_104 = arith.constant 0 : i32
      %dma_start3A_105 = tpu.memref_slice %arg10[%dma_start3A_103, %dma_start3A_104] : memref<2560x16xf32, #tpu.memory_space<vmem>> -> memref<128x16xf32, #tpu.memory_space<vmem>>
      %dma_start3A_106 = arith.constant 0 : i32
      %dma_start3A_107 = tpu.memref_slice %arg9[%add3A_102, %dma_start3A_106] : memref<80x128xi32, #tpu.memory_space<vmem>> -> memref<1x128xi32, #tpu.memory_space<vmem>>
      %dma_start3A_108 = tpu.memref_squeeze %dma_start3A_107 : memref<1x128xi32, #tpu.memory_space<vmem>> -> memref<128xi32, #tpu.memory_space<vmem>>
      %dma_start3A_109 = arith.constant 0 : i32
      %dma_start3A_110 = arith.constant 0 : i32
      %dma_start3A_111 = tpu.memref_slice %arg3[%dma_start3A_109, %dma_start3A_110] : memref<10000x16xf32, #tpu.memory_space<hbm>> -> memref<10000x16xf32, #tpu.memory_space<hbm>>
      tpu.enqueue_indirect_dma source(%dma_start3A_111 : memref<10000x16xf32, #tpu.memory_space<hbm>>) target(%dma_start3A_105 : memref<128x16xf32, #tpu.memory_space<vmem>>) offsets(%dma_start3A_108 : memref<128xi32, #tpu.memory_space<vmem>>) semaphore(%arg11 : memref<!tpu.dma_semaphore, #tpu.memory_space<semaphore_mem>>)
      %mul3A_112 = arith.constant 20 : i32
      %mul3A_113 = arith.muli %while3A_34, %mul3A_112 : i32
      %add3A_114 = arith.constant 6 : i32
      %add3A_115 = arith.addi %mul3A_113, %add3A_114 : i32
      %dma_start3A_116 = arith.constant 768 : i32
      %dma_start3A_117 = arith.constant 0 : i32
      %dma_start3A_118 = tpu.memref_slice %arg10[%dma_start3A_116, %dma_start3A_117] : memref<2560x16xf32, #tpu.memory_space<vmem>> -> memref<128x16xf32, #tpu.memory_space<vmem>>
      %dma_start3A_119 = arith.constant 0 : i32
      %dma_start3A_120 = tpu.memref_slice %arg9[%add3A_115, %dma_start3A_119] : memref<80x128xi32, #tpu.memory_space<vmem>> -> memref<1x128xi32, #tpu.memory_space<vmem>>
      %dma_start3A_121 = tpu.memref_squeeze %dma_start3A_120 : memref<1x128xi32, #tpu.memory_space<vmem>> -> memref<128xi32, #tpu.memory_space<vmem>>
      %dma_start3A_122 = arith.constant 0 : i32
      %dma_start3A_123 = arith.constant 0 : i32
      %dma_start3A_124 = tpu.memref_slice %arg3[%dma_start3A_122, %dma_start3A_123] : memref<10000x16xf32, #tpu.memory_space<hbm>> -> memref<10000x16xf32, #tpu.memory_space<hbm>>
      tpu.enqueue_indirect_dma source(%dma_start3A_124 : memref<10000x16xf32, #tpu.memory_space<hbm>>) target(%dma_start3A_118 : memref<128x16xf32, #tpu.memory_space<vmem>>) offsets(%dma_start3A_121 : memref<128xi32, #tpu.memory_space<vmem>>) semaphore(%arg11 : memref<!tpu.dma_semaphore, #tpu.memory_space<semaphore_mem>>)
      %mul3A_125 = arith.constant 20 : i32
      %mul3A_126 = arith.muli %while3A_34, %mul3A_125 : i32
      %add3A_127 = arith.constant 7 : i32
      %add3A_128 = arith.addi %mul3A_126, %add3A_127 : i32
      %dma_start3A_129 = arith.constant 896 : i32
      %dma_start3A_130 = arith.constant 0 : i32
      %dma_start3A_131 = tpu.memref_slice %arg10[%dma_start3A_129, %dma_start3A_130] : memref<2560x16xf32, #tpu.memory_space<vmem>> -> memref<128x16xf32, #tpu.memory_space<vmem>>
      %dma_start3A_132 = arith.constant 0 : i32
      %dma_start3A_133 = tpu.memref_slice %arg9[%add3A_128, %dma_start3A_132] : memref<80x128xi32, #tpu.memory_space<vmem>> -> memref<1x128xi32, #tpu.memory_space<vmem>>
      %dma_start3A_134 = tpu.memref_squeeze %dma_start3A_133 : memref<1x128xi32, #tpu.memory_space<vmem>> -> memref<128xi32, #tpu.memory_space<vmem>>
      %dma_start3A_135 = arith.constant 0 : i32
      %dma_start3A_136 = arith.constant 0 : i32
      %dma_start3A_137 = tpu.memref_slice %arg3[%dma_start3A_135, %dma_start3A_136] : memref<10000x16xf32, #tpu.memory_space<hbm>> -> memref<10000x16xf32, #tpu.memory_space<hbm>>
      tpu.enqueue_indirect_dma source(%dma_start3A_137 : memref<10000x16xf32, #tpu.memory_space<hbm>>) target(%dma_start3A_131 : memref<128x16xf32, #tpu.memory_space<vmem>>) offsets(%dma_start3A_134 : memref<128xi32, #tpu.memory_space<vmem>>) semaphore(%arg11 : memref<!tpu.dma_semaphore, #tpu.memory_space<semaphore_mem>>)
      %mul3A_138 = arith.constant 20 : i32
      %mul3A_139 = arith.muli %while3A_34, %mul3A_138 : i32
      %add3A_140 = arith.constant 8 : i32
      %add3A_141 = arith.addi %mul3A_139, %add3A_140 : i32
      %dma_start3A_142 = arith.constant 1024 : i32
      %dma_start3A_143 = arith.constant 0 : i32
      %dma_start3A_144 = tpu.memref_slice %arg10[%dma_start3A_142, %dma_start3A_143] : memref<2560x16xf32, #tpu.memory_space<vmem>> -> memref<128x16xf32, #tpu.memory_space<vmem>>
      %dma_start3A_145 = arith.constant 0 : i32
      %dma_start3A_146 = tpu.memref_slice %arg9[%add3A_141, %dma_start3A_145] : memref<80x128xi32, #tpu.memory_space<vmem>> -> memref<1x128xi32, #tpu.memory_space<vmem>>
      %dma_start3A_147 = tpu.memref_squeeze %dma_start3A_146 : memref<1x128xi32, #tpu.memory_space<vmem>> -> memref<128xi32, #tpu.memory_space<vmem>>
      %dma_start3A_148 = arith.constant 0 : i32
      %dma_start3A_149 = arith.constant 0 : i32
      %dma_start3A_150 = tpu.memref_slice %arg3[%dma_start3A_148, %dma_start3A_149] : memref<10000x16xf32, #tpu.memory_space<hbm>> -> memref<10000x16xf32, #tpu.memory_space<hbm>>
      tpu.enqueue_indirect_dma source(%dma_start3A_150 : memref<10000x16xf32, #tpu.memory_space<hbm>>) target(%dma_start3A_144 : memref<128x16xf32, #tpu.memory_space<vmem>>) offsets(%dma_start3A_147 : memref<128xi32, #tpu.memory_space<vmem>>) semaphore(%arg11 : memref<!tpu.dma_semaphore, #tpu.memory_space<semaphore_mem>>)
      %mul3A_151 = arith.constant 20 : i32
      %mul3A_152 = arith.muli %while3A_34, %mul3A_151 : i32
      %add3A_153 = arith.constant 9 : i32
      %add3A_154 = arith.addi %mul3A_152, %add3A_153 : i32
      %dma_start3A_155 = arith.constant 1152 : i32
      %dma_start3A_156 = arith.constant 0 : i32
      %dma_start3A_157 = tpu.memref_slice %arg10[%dma_start3A_155, %dma_start3A_156] : memref<2560x16xf32, #tpu.memory_space<vmem>> -> memref<128x16xf32, #tpu.memory_space<vmem>>
      %dma_start3A_158 = arith.constant 0 : i32
      %dma_start3A_159 = tpu.memref_slice %arg9[%add3A_154, %dma_start3A_158] : memref<80x128xi32, #tpu.memory_space<vmem>> -> memref<1x128xi32, #tpu.memory_space<vmem>>
      %dma_start3A_160 = tpu.memref_squeeze %dma_start3A_159 : memref<1x128xi32, #tpu.memory_space<vmem>> -> memref<128xi32, #tpu.memory_space<vmem>>
      %dma_start3A_161 = arith.constant 0 : i32
      %dma_start3A_162 = arith.constant 0 : i32
      %dma_start3A_163 = tpu.memref_slice %arg3[%dma_start3A_161, %dma_start3A_162] : memref<10000x16xf32, #tpu.memory_space<hbm>> -> memref<10000x16xf32, #tpu.memory_space<hbm>>
      tpu.enqueue_indirect_dma source(%dma_start3A_163 : memref<10000x16xf32, #tpu.memory_space<hbm>>) target(%dma_start3A_157 : memref<128x16xf32, #tpu.memory_space<vmem>>) offsets(%dma_start3A_160 : memref<128xi32, #tpu.memory_space<vmem>>) semaphore(%arg11 : memref<!tpu.dma_semaphore, #tpu.memory_space<semaphore_mem>>)
      %mul3A_164 = arith.constant 20 : i32
      %mul3A_165 = arith.muli %while3A_34, %mul3A_164 : i32
      %add3A_166 = arith.constant 10 : i32
      %add3A_167 = arith.addi %mul3A_165, %add3A_166 : i32
      %dma_start3A_168 = arith.constant 1280 : i32
      %dma_start3A_169 = arith.constant 0 : i32
      %dma_start3A_170 = tpu.memref_slice %arg10[%dma_start3A_168, %dma_start3A_169] : memref<2560x16xf32, #tpu.memory_space<vmem>> -> memref<128x16xf32, #tpu.memory_space<vmem>>
      %dma_start3A_171 = arith.constant 0 : i32
      %dma_start3A_172 = tpu.memref_slice %arg9[%add3A_167, %dma_start3A_171] : memref<80x128xi32, #tpu.memory_space<vmem>> -> memref<1x128xi32, #tpu.memory_space<vmem>>
      %dma_start3A_173 = tpu.memref_squeeze %dma_start3A_172 : memref<1x128xi32, #tpu.memory_space<vmem>> -> memref<128xi32, #tpu.memory_space<vmem>>
      %dma_start3A_174 = arith.constant 0 : i32
      %dma_start3A_175 = arith.constant 0 : i32
      %dma_start3A_176 = tpu.memref_slice %arg3[%dma_start3A_174, %dma_start3A_175] : memref<10000x16xf32, #tpu.memory_space<hbm>> -> memref<10000x16xf32, #tpu.memory_space<hbm>>
      tpu.enqueue_indirect_dma source(%dma_start3A_176 : memref<10000x16xf32, #tpu.memory_space<hbm>>) target(%dma_start3A_170 : memref<128x16xf32, #tpu.memory_space<vmem>>) offsets(%dma_start3A_173 : memref<128xi32, #tpu.memory_space<vmem>>) semaphore(%arg11 : memref<!tpu.dma_semaphore, #tpu.memory_space<semaphore_mem>>)
      %mul3A_177 = arith.constant 20 : i32
      %mul3A_178 = arith.muli %while3A_34, %mul3A_177 : i32
      %add3A_179 = arith.constant 11 : i32
      %add3A_180 = arith.addi %mul3A_178, %add3A_179 : i32
      %dma_start3A_181 = arith.constant 1408 : i32
      %dma_start3A_182 = arith.constant 0 : i32
      %dma_start3A_183 = tpu.memref_slice %arg10[%dma_start3A_181, %dma_start3A_182] : memref<2560x16xf32, #tpu.memory_space<vmem>> -> memref<128x16xf32, #tpu.memory_space<vmem>>
      %dma_start3A_184 = arith.constant 0 : i32
      %dma_start3A_185 = tpu.memref_slice %arg9[%add3A_180, %dma_start3A_184] : memref<80x128xi32, #tpu.memory_space<vmem>> -> memref<1x128xi32, #tpu.memory_space<vmem>>
      %dma_start3A_186 = tpu.memref_squeeze %dma_start3A_185 : memref<1x128xi32, #tpu.memory_space<vmem>> -> memref<128xi32, #tpu.memory_space<vmem>>
      %dma_start3A_187 = arith.constant 0 : i32
      %dma_start3A_188 = arith.constant 0 : i32
      %dma_start3A_189 = tpu.memref_slice %arg3[%dma_start3A_187, %dma_start3A_188] : memref<10000x16xf32, #tpu.memory_space<hbm>> -> memref<10000x16xf32, #tpu.memory_space<hbm>>
      tpu.enqueue_indirect_dma source(%dma_start3A_189 : memref<10000x16xf32, #tpu.memory_space<hbm>>) target(%dma_start3A_183 : memref<128x16xf32, #tpu.memory_space<vmem>>) offsets(%dma_start3A_186 : memref<128xi32, #tpu.memory_space<vmem>>) semaphore(%arg11 : memref<!tpu.dma_semaphore, #tpu.memory_space<semaphore_mem>>)
      %mul3A_190 = arith.constant 20 : i32
      %mul3A_191 = arith.muli %while3A_34, %mul3A_190 : i32
      %add3A_192 = arith.constant 12 : i32
      %add3A_193 = arith.addi %mul3A_191, %add3A_192 : i32
      %dma_start3A_194 = arith.constant 1536 : i32
      %dma_start3A_195 = arith.constant 0 : i32
      %dma_start3A_196 = tpu.memref_slice %arg10[%dma_start3A_194, %dma_start3A_195] : memref<2560x16xf32, #tpu.memory_space<vmem>> -> memref<128x16xf32, #tpu.memory_space<vmem>>
      %dma_start3A_197 = arith.constant 0 : i32
      %dma_start3A_198 = tpu.memref_slice %arg9[%add3A_193, %dma_start3A_197] : memref<80x128xi32, #tpu.memory_space<vmem>> -> memref<1x128xi32, #tpu.memory_space<vmem>>
      %dma_start3A_199 = tpu.memref_squeeze %dma_start3A_198 : memref<1x128xi32, #tpu.memory_space<vmem>> -> memref<128xi32, #tpu.memory_space<vmem>>
      %dma_start3A_200 = arith.constant 0 : i32
      %dma_start3A_201 = arith.constant 0 : i32
      %dma_start3A_202 = tpu.memref_slice %arg3[%dma_start3A_200, %dma_start3A_201] : memref<10000x16xf32, #tpu.memory_space<hbm>> -> memref<10000x16xf32, #tpu.memory_space<hbm>>
      tpu.enqueue_indirect_dma source(%dma_start3A_202 : memref<10000x16xf32, #tpu.memory_space<hbm>>) target(%dma_start3A_196 : memref<128x16xf32, #tpu.memory_space<vmem>>) offsets(%dma_start3A_199 : memref<128xi32, #tpu.memory_space<vmem>>) semaphore(%arg11 : memref<!tpu.dma_semaphore, #tpu.memory_space<semaphore_mem>>)
      %mul3A_203 = arith.constant 20 : i32
      %mul3A_204 = arith.muli %while3A_34, %mul3A_203 : i32
      %add3A_205 = arith.constant 13 : i32
      %add3A_206 = arith.addi %mul3A_204, %add3A_205 : i32
      %dma_start3A_207 = arith.constant 1664 : i32
      %dma_start3A_208 = arith.constant 0 : i32
      %dma_start3A_209 = tpu.memref_slice %arg10[%dma_start3A_207, %dma_start3A_208] : memref<2560x16xf32, #tpu.memory_space<vmem>> -> memref<128x16xf32, #tpu.memory_space<vmem>>
      %dma_start3A_210 = arith.constant 0 : i32
      %dma_start3A_211 = tpu.memref_slice %arg9[%add3A_206, %dma_start3A_210] : memref<80x128xi32, #tpu.memory_space<vmem>> -> memref<1x128xi32, #tpu.memory_space<vmem>>
      %dma_start3A_212 = tpu.memref_squeeze %dma_start3A_211 : memref<1x128xi32, #tpu.memory_space<vmem>> -> memref<128xi32, #tpu.memory_space<vmem>>
      %dma_start3A_213 = arith.constant 0 : i32
      %dma_start3A_214 = arith.constant 0 : i32
      %dma_start3A_215 = tpu.memref_slice %arg3[%dma_start3A_213, %dma_start3A_214] : memref<10000x16xf32, #tpu.memory_space<hbm>> -> memref<10000x16xf32, #tpu.memory_space<hbm>>
      tpu.enqueue_indirect_dma source(%dma_start3A_215 : memref<10000x16xf32, #tpu.memory_space<hbm>>) target(%dma_start3A_209 : memref<128x16xf32, #tpu.memory_space<vmem>>) offsets(%dma_start3A_212 : memref<128xi32, #tpu.memory_space<vmem>>) semaphore(%arg11 : memref<!tpu.dma_semaphore, #tpu.memory_space<semaphore_mem>>)
      %mul3A_216 = arith.constant 20 : i32
      %mul3A_217 = arith.muli %while3A_34, %mul3A_216 : i32
      %add3A_218 = arith.constant 14 : i32
      %add3A_219 = arith.addi %mul3A_217, %add3A_218 : i32
      %dma_start3A_220 = arith.constant 1792 : i32
      %dma_start3A_221 = arith.constant 0 : i32
      %dma_start3A_222 = tpu.memref_slice %arg10[%dma_start3A_220, %dma_start3A_221] : memref<2560x16xf32, #tpu.memory_space<vmem>> -> memref<128x16xf32, #tpu.memory_space<vmem>>
      %dma_start3A_223 = arith.constant 0 : i32
      %dma_start3A_224 = tpu.memref_slice %arg9[%add3A_219, %dma_start3A_223] : memref<80x128xi32, #tpu.memory_space<vmem>> -> memref<1x128xi32, #tpu.memory_space<vmem>>
      %dma_start3A_225 = tpu.memref_squeeze %dma_start3A_224 : memref<1x128xi32, #tpu.memory_space<vmem>> -> memref<128xi32, #tpu.memory_space<vmem>>
      %dma_start3A_226 = arith.constant 0 : i32
      %dma_start3A_227 = arith.constant 0 : i32
      %dma_start3A_228 = tpu.memref_slice %arg3[%dma_start3A_226, %dma_start3A_227] : memref<10000x16xf32, #tpu.memory_space<hbm>> -> memref<10000x16xf32, #tpu.memory_space<hbm>>
      tpu.enqueue_indirect_dma source(%dma_start3A_228 : memref<10000x16xf32, #tpu.memory_space<hbm>>) target(%dma_start3A_222 : memref<128x16xf32, #tpu.memory_space<vmem>>) offsets(%dma_start3A_225 : memref<128xi32, #tpu.memory_space<vmem>>) semaphore(%arg11 : memref<!tpu.dma_semaphore, #tpu.memory_space<semaphore_mem>>)
      %mul3A_229 = arith.constant 20 : i32
      %mul3A_230 = arith.muli %while3A_34, %mul3A_229 : i32
      %add3A_231 = arith.constant 15 : i32
      %add3A_232 = arith.addi %mul3A_230, %add3A_231 : i32
      %dma_start3A_233 = arith.constant 1920 : i32
      %dma_start3A_234 = arith.constant 0 : i32
      %dma_start3A_235 = tpu.memref_slice %arg10[%dma_start3A_233, %dma_start3A_234] : memref<2560x16xf32, #tpu.memory_space<vmem>> -> memref<128x16xf32, #tpu.memory_space<vmem>>
      %dma_start3A_236 = arith.constant 0 : i32
      %dma_start3A_237 = tpu.memref_slice %arg9[%add3A_232, %dma_start3A_236] : memref<80x128xi32, #tpu.memory_space<vmem>> -> memref<1x128xi32, #tpu.memory_space<vmem>>
      %dma_start3A_238 = tpu.memref_squeeze %dma_start3A_237 : memref<1x128xi32, #tpu.memory_space<vmem>> -> memref<128xi32, #tpu.memory_space<vmem>>
      %dma_start3A_239 = arith.constant 0 : i32
      %dma_start3A_240 = arith.constant 0 : i32
      %dma_start3A_241 = tpu.memref_slice %arg3[%dma_start3A_239, %dma_start3A_240] : memref<10000x16xf32, #tpu.memory_space<hbm>> -> memref<10000x16xf32, #tpu.memory_space<hbm>>
      tpu.enqueue_indirect_dma source(%dma_start3A_241 : memref<10000x16xf32, #tpu.memory_space<hbm>>) target(%dma_start3A_235 : memref<128x16xf32, #tpu.memory_space<vmem>>) offsets(%dma_start3A_238 : memref<128xi32, #tpu.memory_space<vmem>>) semaphore(%arg11 : memref<!tpu.dma_semaphore, #tpu.memory_space<semaphore_mem>>)
      %mul3A_242 = arith.constant 20 : i32
      %mul3A_243 = arith.muli %while3A_34, %mul3A_242 : i32
      %add3A_244 = arith.constant 16 : i32
      %add3A_245 = arith.addi %mul3A_243, %add3A_244 : i32
      %dma_start3A_246 = arith.constant 2048 : i32
      %dma_start3A_247 = arith.constant 0 : i32
      %dma_start3A_248 = tpu.memref_slice %arg10[%dma_start3A_246, %dma_start3A_247] : memref<2560x16xf32, #tpu.memory_space<vmem>> -> memref<128x16xf32, #tpu.memory_space<vmem>>
      %dma_start3A_249 = arith.constant 0 : i32
      %dma_start3A_250 = tpu.memref_slice %arg9[%add3A_245, %dma_start3A_249] : memref<80x128xi32, #tpu.memory_space<vmem>> -> memref<1x128xi32, #tpu.memory_space<vmem>>
      %dma_start3A_251 = tpu.memref_squeeze %dma_start3A_250 : memref<1x128xi32, #tpu.memory_space<vmem>> -> memref<128xi32, #tpu.memory_space<vmem>>
      %dma_start3A_252 = arith.constant 0 : i32
      %dma_start3A_253 = arith.constant 0 : i32
      %dma_start3A_254 = tpu.memref_slice %arg3[%dma_start3A_252, %dma_start3A_253] : memref<10000x16xf32, #tpu.memory_space<hbm>> -> memref<10000x16xf32, #tpu.memory_space<hbm>>
      tpu.enqueue_indirect_dma source(%dma_start3A_254 : memref<10000x16xf32, #tpu.memory_space<hbm>>) target(%dma_start3A_248 : memref<128x16xf32, #tpu.memory_space<vmem>>) offsets(%dma_start3A_251 : memref<128xi32, #tpu.memory_space<vmem>>) semaphore(%arg11 : memref<!tpu.dma_semaphore, #tpu.memory_space<semaphore_mem>>)
      %mul3A_255 = arith.constant 20 : i32
      %mul3A_256 = arith.muli %while3A_34, %mul3A_255 : i32
      %add3A_257 = arith.constant 17 : i32
      %add3A_258 = arith.addi %mul3A_256, %add3A_257 : i32
      %dma_start3A_259 = arith.constant 2176 : i32
      %dma_start3A_260 = arith.constant 0 : i32
      %dma_start3A_261 = tpu.memref_slice %arg10[%dma_start3A_259, %dma_start3A_260] : memref<2560x16xf32, #tpu.memory_space<vmem>> -> memref<128x16xf32, #tpu.memory_space<vmem>>
      %dma_start3A_262 = arith.constant 0 : i32
      %dma_start3A_263 = tpu.memref_slice %arg9[%add3A_258, %dma_start3A_262] : memref<80x128xi32, #tpu.memory_space<vmem>> -> memref<1x128xi32, #tpu.memory_space<vmem>>
      %dma_start3A_264 = tpu.memref_squeeze %dma_start3A_263 : memref<1x128xi32, #tpu.memory_space<vmem>> -> memref<128xi32, #tpu.memory_space<vmem>>
      %dma_start3A_265 = arith.constant 0 : i32
      %dma_start3A_266 = arith.constant 0 : i32
      %dma_start3A_267 = tpu.memref_slice %arg3[%dma_start3A_265, %dma_start3A_266] : memref<10000x16xf32, #tpu.memory_space<hbm>> -> memref<10000x16xf32, #tpu.memory_space<hbm>>
      tpu.enqueue_indirect_dma source(%dma_start3A_267 : memref<10000x16xf32, #tpu.memory_space<hbm>>) target(%dma_start3A_261 : memref<128x16xf32, #tpu.memory_space<vmem>>) offsets(%dma_start3A_264 : memref<128xi32, #tpu.memory_space<vmem>>) semaphore(%arg11 : memref<!tpu.dma_semaphore, #tpu.memory_space<semaphore_mem>>)
      %mul3A_268 = arith.constant 20 : i32
      %mul3A_269 = arith.muli %while3A_34, %mul3A_268 : i32
      %add3A_270 = arith.constant 18 : i32
      %add3A_271 = arith.addi %mul3A_269, %add3A_270 : i32
      %dma_start3A_272 = arith.constant 2304 : i32
      %dma_start3A_273 = arith.constant 0 : i32
      %dma_start3A_274 = tpu.memref_slice %arg10[%dma_start3A_272, %dma_start3A_273] : memref<2560x16xf32, #tpu.memory_space<vmem>> -> memref<128x16xf32, #tpu.memory_space<vmem>>
      %dma_start3A_275 = arith.constant 0 : i32
      %dma_start3A_276 = tpu.memref_slice %arg9[%add3A_271, %dma_start3A_275] : memref<80x128xi32, #tpu.memory_space<vmem>> -> memref<1x128xi32, #tpu.memory_space<vmem>>
      %dma_start3A_277 = tpu.memref_squeeze %dma_start3A_276 : memref<1x128xi32, #tpu.memory_space<vmem>> -> memref<128xi32, #tpu.memory_space<vmem>>
      %dma_start3A_278 = arith.constant 0 : i32
      %dma_start3A_279 = arith.constant 0 : i32
      %dma_start3A_280 = tpu.memref_slice %arg3[%dma_start3A_278, %dma_start3A_279] : memref<10000x16xf32, #tpu.memory_space<hbm>> -> memref<10000x16xf32, #tpu.memory_space<hbm>>
      tpu.enqueue_indirect_dma source(%dma_start3A_280 : memref<10000x16xf32, #tpu.memory_space<hbm>>) target(%dma_start3A_274 : memref<128x16xf32, #tpu.memory_space<vmem>>) offsets(%dma_start3A_277 : memref<128xi32, #tpu.memory_space<vmem>>) semaphore(%arg11 : memref<!tpu.dma_semaphore, #tpu.memory_space<semaphore_mem>>)
      %mul3A_281 = arith.constant 20 : i32
      %mul3A_282 = arith.muli %while3A_34, %mul3A_281 : i32
      %add3A_283 = arith.constant 19 : i32
      %add3A_284 = arith.addi %mul3A_282, %add3A_283 : i32
      %dma_start3A_285 = arith.constant 2432 : i32
      %dma_start3A_286 = arith.constant 0 : i32
      %dma_start3A_287 = tpu.memref_slice %arg10[%dma_start3A_285, %dma_start3A_286] : memref<2560x16xf32, #tpu.memory_space<vmem>> -> memref<128x16xf32, #tpu.memory_space<vmem>>
      %dma_start3A_288 = arith.constant 0 : i32
      %dma_start3A_289 = tpu.memref_slice %arg9[%add3A_284, %dma_start3A_288] : memref<80x128xi32, #tpu.memory_space<vmem>> -> memref<1x128xi32, #tpu.memory_space<vmem>>
      %dma_start3A_290 = tpu.memref_squeeze %dma_start3A_289 : memref<1x128xi32, #tpu.memory_space<vmem>> -> memref<128xi32, #tpu.memory_space<vmem>>
      %dma_start3A_291 = arith.constant 0 : i32
      %dma_start3A_292 = arith.constant 0 : i32
      %dma_start3A_293 = tpu.memref_slice %arg3[%dma_start3A_291, %dma_start3A_292] : memref<10000x16xf32, #tpu.memory_space<hbm>> -> memref<10000x16xf32, #tpu.memory_space<hbm>>
      tpu.enqueue_indirect_dma source(%dma_start3A_293 : memref<10000x16xf32, #tpu.memory_space<hbm>>) target(%dma_start3A_287 : memref<128x16xf32, #tpu.memory_space<vmem>>) offsets(%dma_start3A_290 : memref<128xi32, #tpu.memory_space<vmem>>) semaphore(%arg11 : memref<!tpu.dma_semaphore, #tpu.memory_space<semaphore_mem>>)
      %dma_wait3A = arith.constant 0 : i32
      %dma_wait3A_294 = arith.constant 0 : i32
      %dma_wait3A_295 = tpu.memref_slice %arg10[%dma_wait3A, %dma_wait3A_294] : memref<2560x16xf32, #tpu.memory_space<vmem>> -> memref<128x16xf32, #tpu.memory_space<vmem>>
      %dma_wait3A_296 = arith.constant 0 : i32
      %dma_wait3A_297 = tpu.memref_slice %arg9[%add3A_38, %dma_wait3A_296] : memref<80x128xi32, #tpu.memory_space<vmem>> -> memref<1x128xi32, #tpu.memory_space<vmem>>
      %dma_wait3A_298 = tpu.memref_squeeze %dma_wait3A_297 : memref<1x128xi32, #tpu.memory_space<vmem>> -> memref<128xi32, #tpu.memory_space<vmem>>
      %dma_wait3A_299 = arith.constant 0 : i32
      %dma_wait3A_300 = arith.constant 0 : i32
      %dma_wait3A_301 = tpu.memref_slice %arg3[%dma_wait3A_299, %dma_wait3A_300] : memref<10000x16xf32, #tpu.memory_space<hbm>> -> memref<10000x16xf32, #tpu.memory_space<hbm>>
      tpu.wait_indirect_dma semaphore(%arg11 : memref<!tpu.dma_semaphore, #tpu.memory_space<semaphore_mem>>) src(%dma_wait3A_301 : memref<10000x16xf32, #tpu.memory_space<hbm>>) dst(%dma_wait3A_295 : memref<128x16xf32, #tpu.memory_space<vmem>>)
      %dma_wait3A_302 = arith.constant 128 : i32
      %dma_wait3A_303 = arith.constant 0 : i32
      %dma_wait3A_304 = tpu.memref_slice %arg10[%dma_wait3A_302, %dma_wait3A_303] : memref<2560x16xf32, #tpu.memory_space<vmem>> -> memref<128x16xf32, #tpu.memory_space<vmem>>
      %dma_wait3A_305 = arith.constant 0 : i32
      %dma_wait3A_306 = tpu.memref_slice %arg9[%add3A_50, %dma_wait3A_305] : memref<80x128xi32, #tpu.memory_space<vmem>> -> memref<1x128xi32, #tpu.memory_space<vmem>>
      %dma_wait3A_307 = tpu.memref_squeeze %dma_wait3A_306 : memref<1x128xi32, #tpu.memory_space<vmem>> -> memref<128xi32, #tpu.memory_space<vmem>>
      %dma_wait3A_308 = arith.constant 0 : i32
      %dma_wait3A_309 = arith.constant 0 : i32
      %dma_wait3A_310 = tpu.memref_slice %arg3[%dma_wait3A_308, %dma_wait3A_309] : memref<10000x16xf32, #tpu.memory_space<hbm>> -> memref<10000x16xf32, #tpu.memory_space<hbm>>
      tpu.wait_indirect_dma semaphore(%arg11 : memref<!tpu.dma_semaphore, #tpu.memory_space<semaphore_mem>>) src(%dma_wait3A_310 : memref<10000x16xf32, #tpu.memory_space<hbm>>) dst(%dma_wait3A_304 : memref<128x16xf32, #tpu.memory_space<vmem>>)
      %dma_wait3A_311 = arith.constant 256 : i32
      %dma_wait3A_312 = arith.constant 0 : i32
      %dma_wait3A_313 = tpu.memref_slice %arg10[%dma_wait3A_311, %dma_wait3A_312] : memref<2560x16xf32, #tpu.memory_space<vmem>> -> memref<128x16xf32, #tpu.memory_space<vmem>>
      %dma_wait3A_314 = arith.constant 0 : i32
      %dma_wait3A_315 = tpu.memref_slice %arg9[%add3A_63, %dma_wait3A_314] : memref<80x128xi32, #tpu.memory_space<vmem>> -> memref<1x128xi32, #tpu.memory_space<vmem>>
      %dma_wait3A_316 = tpu.memref_squeeze %dma_wait3A_315 : memref<1x128xi32, #tpu.memory_space<vmem>> -> memref<128xi32, #tpu.memory_space<vmem>>
      %dma_wait3A_317 = arith.constant 0 : i32
      %dma_wait3A_318 = arith.constant 0 : i32
      %dma_wait3A_319 = tpu.memref_slice %arg3[%dma_wait3A_317, %dma_wait3A_318] : memref<10000x16xf32, #tpu.memory_space<hbm>> -> memref<10000x16xf32, #tpu.memory_space<hbm>>
      tpu.wait_indirect_dma semaphore(%arg11 : memref<!tpu.dma_semaphore, #tpu.memory_space<semaphore_mem>>) src(%dma_wait3A_319 : memref<10000x16xf32, #tpu.memory_space<hbm>>) dst(%dma_wait3A_313 : memref<128x16xf32, #tpu.memory_space<vmem>>)
      %dma_wait3A_320 = arith.constant 384 : i32
      %dma_wait3A_321 = arith.constant 0 : i32
      %dma_wait3A_322 = tpu.memref_slice %arg10[%dma_wait3A_320, %dma_wait3A_321] : memref<2560x16xf32, #tpu.memory_space<vmem>> -> memref<128x16xf32, #tpu.memory_space<vmem>>
      %dma_wait3A_323 = arith.constant 0 : i32
      %dma_wait3A_324 = tpu.memref_slice %arg9[%add3A_76, %dma_wait3A_323] : memref<80x128xi32, #tpu.memory_space<vmem>> -> memref<1x128xi32, #tpu.memory_space<vmem>>
      %dma_wait3A_325 = tpu.memref_squeeze %dma_wait3A_324 : memref<1x128xi32, #tpu.memory_space<vmem>> -> memref<128xi32, #tpu.memory_space<vmem>>
      %dma_wait3A_326 = arith.constant 0 : i32
      %dma_wait3A_327 = arith.constant 0 : i32
      %dma_wait3A_328 = tpu.memref_slice %arg3[%dma_wait3A_326, %dma_wait3A_327] : memref<10000x16xf32, #tpu.memory_space<hbm>> -> memref<10000x16xf32, #tpu.memory_space<hbm>>
      tpu.wait_indirect_dma semaphore(%arg11 : memref<!tpu.dma_semaphore, #tpu.memory_space<semaphore_mem>>) src(%dma_wait3A_328 : memref<10000x16xf32, #tpu.memory_space<hbm>>) dst(%dma_wait3A_322 : memref<128x16xf32, #tpu.memory_space<vmem>>)
      %dma_wait3A_329 = arith.constant 512 : i32
      %dma_wait3A_330 = arith.constant 0 : i32
      %dma_wait3A_331 = tpu.memref_slice %arg10[%dma_wait3A_329, %dma_wait3A_330] : memref<2560x16xf32, #tpu.memory_space<vmem>> -> memref<128x16xf32, #tpu.memory_space<vmem>>
      %dma_wait3A_332 = arith.constant 0 : i32
      %dma_wait3A_333 = tpu.memref_slice %arg9[%add3A_89, %dma_wait3A_332] : memref<80x128xi32, #tpu.memory_space<vmem>> -> memref<1x128xi32, #tpu.memory_space<vmem>>
      %dma_wait3A_334 = tpu.memref_squeeze %dma_wait3A_333 : memref<1x128xi32, #tpu.memory_space<vmem>> -> memref<128xi32, #tpu.memory_space<vmem>>
      %dma_wait3A_335 = arith.constant 0 : i32
      %dma_wait3A_336 = arith.constant 0 : i32
      %dma_wait3A_337 = tpu.memref_slice %arg3[%dma_wait3A_335, %dma_wait3A_336] : memref<10000x16xf32, #tpu.memory_space<hbm>> -> memref<10000x16xf32, #tpu.memory_space<hbm>>
      tpu.wait_indirect_dma semaphore(%arg11 : memref<!tpu.dma_semaphore, #tpu.memory_space<semaphore_mem>>) src(%dma_wait3A_337 : memref<10000x16xf32, #tpu.memory_space<hbm>>) dst(%dma_wait3A_331 : memref<128x16xf32, #tpu.memory_space<vmem>>)
      %dma_wait3A_338 = arith.constant 640 : i32
      %dma_wait3A_339 = arith.constant 0 : i32
      %dma_wait3A_340 = tpu.memref_slice %arg10[%dma_wait3A_338, %dma_wait3A_339] : memref<2560x16xf32, #tpu.memory_space<vmem>> -> memref<128x16xf32, #tpu.memory_space<vmem>>
      %dma_wait3A_341 = arith.constant 0 : i32
      %dma_wait3A_342 = tpu.memref_slice %arg9[%add3A_102, %dma_wait3A_341] : memref<80x128xi32, #tpu.memory_space<vmem>> -> memref<1x128xi32, #tpu.memory_space<vmem>>
      %dma_wait3A_343 = tpu.memref_squeeze %dma_wait3A_342 : memref<1x128xi32, #tpu.memory_space<vmem>> -> memref<128xi32, #tpu.memory_space<vmem>>
      %dma_wait3A_344 = arith.constant 0 : i32
      %dma_wait3A_345 = arith.constant 0 : i32
      %dma_wait3A_346 = tpu.memref_slice %arg3[%dma_wait3A_344, %dma_wait3A_345] : memref<10000x16xf32, #tpu.memory_space<hbm>> -> memref<10000x16xf32, #tpu.memory_space<hbm>>
      tpu.wait_indirect_dma semaphore(%arg11 : memref<!tpu.dma_semaphore, #tpu.memory_space<semaphore_mem>>) src(%dma_wait3A_346 : memref<10000x16xf32, #tpu.memory_space<hbm>>) dst(%dma_wait3A_340 : memref<128x16xf32, #tpu.memory_space<vmem>>)
      %dma_wait3A_347 = arith.constant 768 : i32
      %dma_wait3A_348 = arith.constant 0 : i32
      %dma_wait3A_349 = tpu.memref_slice %arg10[%dma_wait3A_347, %dma_wait3A_348] : memref<2560x16xf32, #tpu.memory_space<vmem>> -> memref<128x16xf32, #tpu.memory_space<vmem>>
      %dma_wait3A_350 = arith.constant 0 : i32
      %dma_wait3A_351 = tpu.memref_slice %arg9[%add3A_115, %dma_wait3A_350] : memref<80x128xi32, #tpu.memory_space<vmem>> -> memref<1x128xi32, #tpu.memory_space<vmem>>
      %dma_wait3A_352 = tpu.memref_squeeze %dma_wait3A_351 : memref<1x128xi32, #tpu.memory_space<vmem>> -> memref<128xi32, #tpu.memory_space<vmem>>
      %dma_wait3A_353 = arith.constant 0 : i32
      %dma_wait3A_354 = arith.constant 0 : i32
      %dma_wait3A_355 = tpu.memref_slice %arg3[%dma_wait3A_353, %dma_wait3A_354] : memref<10000x16xf32, #tpu.memory_space<hbm>> -> memref<10000x16xf32, #tpu.memory_space<hbm>>
      tpu.wait_indirect_dma semaphore(%arg11 : memref<!tpu.dma_semaphore, #tpu.memory_space<semaphore_mem>>) src(%dma_wait3A_355 : memref<10000x16xf32, #tpu.memory_space<hbm>>) dst(%dma_wait3A_349 : memref<128x16xf32, #tpu.memory_space<vmem>>)
      %dma_wait3A_356 = arith.constant 896 : i32
      %dma_wait3A_357 = arith.constant 0 : i32
      %dma_wait3A_358 = tpu.memref_slice %arg10[%dma_wait3A_356, %dma_wait3A_357] : memref<2560x16xf32, #tpu.memory_space<vmem>> -> memref<128x16xf32, #tpu.memory_space<vmem>>
      %dma_wait3A_359 = arith.constant 0 : i32
      %dma_wait3A_360 = tpu.memref_slice %arg9[%add3A_128, %dma_wait3A_359] : memref<80x128xi32, #tpu.memory_space<vmem>> -> memref<1x128xi32, #tpu.memory_space<vmem>>
      %dma_wait3A_361 = tpu.memref_squeeze %dma_wait3A_360 : memref<1x128xi32, #tpu.memory_space<vmem>> -> memref<128xi32, #tpu.memory_space<vmem>>
      %dma_wait3A_362 = arith.constant 0 : i32
      %dma_wait3A_363 = arith.constant 0 : i32
      %dma_wait3A_364 = tpu.memref_slice %arg3[%dma_wait3A_362, %dma_wait3A_363] : memref<10000x16xf32, #tpu.memory_space<hbm>> -> memref<10000x16xf32, #tpu.memory_space<hbm>>
      tpu.wait_indirect_dma semaphore(%arg11 : memref<!tpu.dma_semaphore, #tpu.memory_space<semaphore_mem>>) src(%dma_wait3A_364 : memref<10000x16xf32, #tpu.memory_space<hbm>>) dst(%dma_wait3A_358 : memref<128x16xf32, #tpu.memory_space<vmem>>)
      %dma_wait3A_365 = arith.constant 1024 : i32
      %dma_wait3A_366 = arith.constant 0 : i32
      %dma_wait3A_367 = tpu.memref_slice %arg10[%dma_wait3A_365, %dma_wait3A_366] : memref<2560x16xf32, #tpu.memory_space<vmem>> -> memref<128x16xf32, #tpu.memory_space<vmem>>
      %dma_wait3A_368 = arith.constant 0 : i32
      %dma_wait3A_369 = tpu.memref_slice %arg9[%add3A_141, %dma_wait3A_368] : memref<80x128xi32, #tpu.memory_space<vmem>> -> memref<1x128xi32, #tpu.memory_space<vmem>>
      %dma_wait3A_370 = tpu.memref_squeeze %dma_wait3A_369 : memref<1x128xi32, #tpu.memory_space<vmem>> -> memref<128xi32, #tpu.memory_space<vmem>>
      %dma_wait3A_371 = arith.constant 0 : i32
      %dma_wait3A_372 = arith.constant 0 : i32
      %dma_wait3A_373 = tpu.memref_slice %arg3[%dma_wait3A_371, %dma_wait3A_372] : memref<10000x16xf32, #tpu.memory_space<hbm>> -> memref<10000x16xf32, #tpu.memory_space<hbm>>
      tpu.wait_indirect_dma semaphore(%arg11 : memref<!tpu.dma_semaphore, #tpu.memory_space<semaphore_mem>>) src(%dma_wait3A_373 : memref<10000x16xf32, #tpu.memory_space<hbm>>) dst(%dma_wait3A_367 : memref<128x16xf32, #tpu.memory_space<vmem>>)
      %dma_wait3A_374 = arith.constant 1152 : i32
      %dma_wait3A_375 = arith.constant 0 : i32
      %dma_wait3A_376 = tpu.memref_slice %arg10[%dma_wait3A_374, %dma_wait3A_375] : memref<2560x16xf32, #tpu.memory_space<vmem>> -> memref<128x16xf32, #tpu.memory_space<vmem>>
      %dma_wait3A_377 = arith.constant 0 : i32
      %dma_wait3A_378 = tpu.memref_slice %arg9[%add3A_154, %dma_wait3A_377] : memref<80x128xi32, #tpu.memory_space<vmem>> -> memref<1x128xi32, #tpu.memory_space<vmem>>
      %dma_wait3A_379 = tpu.memref_squeeze %dma_wait3A_378 : memref<1x128xi32, #tpu.memory_space<vmem>> -> memref<128xi32, #tpu.memory_space<vmem>>
      %dma_wait3A_380 = arith.constant 0 : i32
      %dma_wait3A_381 = arith.constant 0 : i32
      %dma_wait3A_382 = tpu.memref_slice %arg3[%dma_wait3A_380, %dma_wait3A_381] : memref<10000x16xf32, #tpu.memory_space<hbm>> -> memref<10000x16xf32, #tpu.memory_space<hbm>>
      tpu.wait_indirect_dma semaphore(%arg11 : memref<!tpu.dma_semaphore, #tpu.memory_space<semaphore_mem>>) src(%dma_wait3A_382 : memref<10000x16xf32, #tpu.memory_space<hbm>>) dst(%dma_wait3A_376 : memref<128x16xf32, #tpu.memory_space<vmem>>)
      %dma_wait3A_383 = arith.constant 1280 : i32
      %dma_wait3A_384 = arith.constant 0 : i32
      %dma_wait3A_385 = tpu.memref_slice %arg10[%dma_wait3A_383, %dma_wait3A_384] : memref<2560x16xf32, #tpu.memory_space<vmem>> -> memref<128x16xf32, #tpu.memory_space<vmem>>
      %dma_wait3A_386 = arith.constant 0 : i32
      %dma_wait3A_387 = tpu.memref_slice %arg9[%add3A_167, %dma_wait3A_386] : memref<80x128xi32, #tpu.memory_space<vmem>> -> memref<1x128xi32, #tpu.memory_space<vmem>>
      %dma_wait3A_388 = tpu.memref_squeeze %dma_wait3A_387 : memref<1x128xi32, #tpu.memory_space<vmem>> -> memref<128xi32, #tpu.memory_space<vmem>>
      %dma_wait3A_389 = arith.constant 0 : i32
      %dma_wait3A_390 = arith.constant 0 : i32
      %dma_wait3A_391 = tpu.memref_slice %arg3[%dma_wait3A_389, %dma_wait3A_390] : memref<10000x16xf32, #tpu.memory_space<hbm>> -> memref<10000x16xf32, #tpu.memory_space<hbm>>
      tpu.wait_indirect_dma semaphore(%arg11 : memref<!tpu.dma_semaphore, #tpu.memory_space<semaphore_mem>>) src(%dma_wait3A_391 : memref<10000x16xf32, #tpu.memory_space<hbm>>) dst(%dma_wait3A_385 : memref<128x16xf32, #tpu.memory_space<vmem>>)
      %dma_wait3A_392 = arith.constant 1408 : i32
      %dma_wait3A_393 = arith.constant 0 : i32
      %dma_wait3A_394 = tpu.memref_slice %arg10[%dma_wait3A_392, %dma_wait3A_393] : memref<2560x16xf32, #tpu.memory_space<vmem>> -> memref<128x16xf32, #tpu.memory_space<vmem>>
      %dma_wait3A_395 = arith.constant 0 : i32
      %dma_wait3A_396 = tpu.memref_slice %arg9[%add3A_180, %dma_wait3A_395] : memref<80x128xi32, #tpu.memory_space<vmem>> -> memref<1x128xi32, #tpu.memory_space<vmem>>
      %dma_wait3A_397 = tpu.memref_squeeze %dma_wait3A_396 : memref<1x128xi32, #tpu.memory_space<vmem>> -> memref<128xi32, #tpu.memory_space<vmem>>
      %dma_wait3A_398 = arith.constant 0 : i32
      %dma_wait3A_399 = arith.constant 0 : i32
      %dma_wait3A_400 = tpu.memref_slice %arg3[%dma_wait3A_398, %dma_wait3A_399] : memref<10000x16xf32, #tpu.memory_space<hbm>> -> memref<10000x16xf32, #tpu.memory_space<hbm>>
      tpu.wait_indirect_dma semaphore(%arg11 : memref<!tpu.dma_semaphore, #tpu.memory_space<semaphore_mem>>) src(%dma_wait3A_400 : memref<10000x16xf32, #tpu.memory_space<hbm>>) dst(%dma_wait3A_394 : memref<128x16xf32, #tpu.memory_space<vmem>>)
      %dma_wait3A_401 = arith.constant 1536 : i32
      %dma_wait3A_402 = arith.constant 0 : i32
      %dma_wait3A_403 = tpu.memref_slice %arg10[%dma_wait3A_401, %dma_wait3A_402] : memref<2560x16xf32, #tpu.memory_space<vmem>> -> memref<128x16xf32, #tpu.memory_space<vmem>>
      %dma_wait3A_404 = arith.constant 0 : i32
      %dma_wait3A_405 = tpu.memref_slice %arg9[%add3A_193, %dma_wait3A_404] : memref<80x128xi32, #tpu.memory_space<vmem>> -> memref<1x128xi32, #tpu.memory_space<vmem>>
      %dma_wait3A_406 = tpu.memref_squeeze %dma_wait3A_405 : memref<1x128xi32, #tpu.memory_space<vmem>> -> memref<128xi32, #tpu.memory_space<vmem>>
      %dma_wait3A_407 = arith.constant 0 : i32
      %dma_wait3A_408 = arith.constant 0 : i32
      %dma_wait3A_409 = tpu.memref_slice %arg3[%dma_wait3A_407, %dma_wait3A_408] : memref<10000x16xf32, #tpu.memory_space<hbm>> -> memref<10000x16xf32, #tpu.memory_space<hbm>>
      tpu.wait_indirect_dma semaphore(%arg11 : memref<!tpu.dma_semaphore, #tpu.memory_space<semaphore_mem>>) src(%dma_wait3A_409 : memref<10000x16xf32, #tpu.memory_space<hbm>>) dst(%dma_wait3A_403 : memref<128x16xf32, #tpu.memory_space<vmem>>)
      %dma_wait3A_410 = arith.constant 1664 : i32
      %dma_wait3A_411 = arith.constant 0 : i32
      %dma_wait3A_412 = tpu.memref_slice %arg10[%dma_wait3A_410, %dma_wait3A_411] : memref<2560x16xf32, #tpu.memory_space<vmem>> -> memref<128x16xf32, #tpu.memory_space<vmem>>
      %dma_wait3A_413 = arith.constant 0 : i32
      %dma_wait3A_414 = tpu.memref_slice %arg9[%add3A_206, %dma_wait3A_413] : memref<80x128xi32, #tpu.memory_space<vmem>> -> memref<1x128xi32, #tpu.memory_space<vmem>>
      %dma_wait3A_415 = tpu.memref_squeeze %dma_wait3A_414 : memref<1x128xi32, #tpu.memory_space<vmem>> -> memref<128xi32, #tpu.memory_space<vmem>>
      %dma_wait3A_416 = arith.constant 0 : i32
      %dma_wait3A_417 = arith.constant 0 : i32
      %dma_wait3A_418 = tpu.memref_slice %arg3[%dma_wait3A_416, %dma_wait3A_417] : memref<10000x16xf32, #tpu.memory_space<hbm>> -> memref<10000x16xf32, #tpu.memory_space<hbm>>
      tpu.wait_indirect_dma semaphore(%arg11 : memref<!tpu.dma_semaphore, #tpu.memory_space<semaphore_mem>>) src(%dma_wait3A_418 : memref<10000x16xf32, #tpu.memory_space<hbm>>) dst(%dma_wait3A_412 : memref<128x16xf32, #tpu.memory_space<vmem>>)
      %dma_wait3A_419 = arith.constant 1792 : i32
      %dma_wait3A_420 = arith.constant 0 : i32
      %dma_wait3A_421 = tpu.memref_slice %arg10[%dma_wait3A_419, %dma_wait3A_420] : memref<2560x16xf32, #tpu.memory_space<vmem>> -> memref<128x16xf32, #tpu.memory_space<vmem>>
      %dma_wait3A_422 = arith.constant 0 : i32
      %dma_wait3A_423 = tpu.memref_slice %arg9[%add3A_219, %dma_wait3A_422] : memref<80x128xi32, #tpu.memory_space<vmem>> -> memref<1x128xi32, #tpu.memory_space<vmem>>
      %dma_wait3A_424 = tpu.memref_squeeze %dma_wait3A_423 : memref<1x128xi32, #tpu.memory_space<vmem>> -> memref<128xi32, #tpu.memory_space<vmem>>
      %dma_wait3A_425 = arith.constant 0 : i32
      %dma_wait3A_426 = arith.constant 0 : i32
      %dma_wait3A_427 = tpu.memref_slice %arg3[%dma_wait3A_425, %dma_wait3A_426] : memref<10000x16xf32, #tpu.memory_space<hbm>> -> memref<10000x16xf32, #tpu.memory_space<hbm>>
      tpu.wait_indirect_dma semaphore(%arg11 : memref<!tpu.dma_semaphore, #tpu.memory_space<semaphore_mem>>) src(%dma_wait3A_427 : memref<10000x16xf32, #tpu.memory_space<hbm>>) dst(%dma_wait3A_421 : memref<128x16xf32, #tpu.memory_space<vmem>>)
      %dma_wait3A_428 = arith.constant 1920 : i32
      %dma_wait3A_429 = arith.constant 0 : i32
      %dma_wait3A_430 = tpu.memref_slice %arg10[%dma_wait3A_428, %dma_wait3A_429] : memref<2560x16xf32, #tpu.memory_space<vmem>> -> memref<128x16xf32, #tpu.memory_space<vmem>>
      %dma_wait3A_431 = arith.constant 0 : i32
      %dma_wait3A_432 = tpu.memref_slice %arg9[%add3A_232, %dma_wait3A_431] : memref<80x128xi32, #tpu.memory_space<vmem>> -> memref<1x128xi32, #tpu.memory_space<vmem>>
      %dma_wait3A_433 = tpu.memref_squeeze %dma_wait3A_432 : memref<1x128xi32, #tpu.memory_space<vmem>> -> memref<128xi32, #tpu.memory_space<vmem>>
      %dma_wait3A_434 = arith.constant 0 : i32
      %dma_wait3A_435 = arith.constant 0 : i32
      %dma_wait3A_436 = tpu.memref_slice %arg3[%dma_wait3A_434, %dma_wait3A_435] : memref<10000x16xf32, #tpu.memory_space<hbm>> -> memref<10000x16xf32, #tpu.memory_space<hbm>>
      tpu.wait_indirect_dma semaphore(%arg11 : memref<!tpu.dma_semaphore, #tpu.memory_space<semaphore_mem>>) src(%dma_wait3A_436 : memref<10000x16xf32, #tpu.memory_space<hbm>>) dst(%dma_wait3A_430 : memref<128x16xf32, #tpu.memory_space<vmem>>)
      %dma_wait3A_437 = arith.constant 2048 : i32
      %dma_wait3A_438 = arith.constant 0 : i32
      %dma_wait3A_439 = tpu.memref_slice %arg10[%dma_wait3A_437, %dma_wait3A_438] : memref<2560x16xf32, #tpu.memory_space<vmem>> -> memref<128x16xf32, #tpu.memory_space<vmem>>
      %dma_wait3A_440 = arith.constant 0 : i32
      %dma_wait3A_441 = tpu.memref_slice %arg9[%add3A_245, %dma_wait3A_440] : memref<80x128xi32, #tpu.memory_space<vmem>> -> memref<1x128xi32, #tpu.memory_space<vmem>>
      %dma_wait3A_442 = tpu.memref_squeeze %dma_wait3A_441 : memref<1x128xi32, #tpu.memory_space<vmem>> -> memref<128xi32, #tpu.memory_space<vmem>>
      %dma_wait3A_443 = arith.constant 0 : i32
      %dma_wait3A_444 = arith.constant 0 : i32
      %dma_wait3A_445 = tpu.memref_slice %arg3[%dma_wait3A_443, %dma_wait3A_444] : memref<10000x16xf32, #tpu.memory_space<hbm>> -> memref<10000x16xf32, #tpu.memory_space<hbm>>
      tpu.wait_indirect_dma semaphore(%arg11 : memref<!tpu.dma_semaphore, #tpu.memory_space<semaphore_mem>>) src(%dma_wait3A_445 : memref<10000x16xf32, #tpu.memory_space<hbm>>) dst(%dma_wait3A_439 : memref<128x16xf32, #tpu.memory_space<vmem>>)
      %dma_wait3A_446 = arith.constant 2176 : i32
      %dma_wait3A_447 = arith.constant 0 : i32
      %dma_wait3A_448 = tpu.memref_slice %arg10[%dma_wait3A_446, %dma_wait3A_447] : memref<2560x16xf32, #tpu.memory_space<vmem>> -> memref<128x16xf32, #tpu.memory_space<vmem>>
      %dma_wait3A_449 = arith.constant 0 : i32
      %dma_wait3A_450 = tpu.memref_slice %arg9[%add3A_258, %dma_wait3A_449] : memref<80x128xi32, #tpu.memory_space<vmem>> -> memref<1x128xi32, #tpu.memory_space<vmem>>
      %dma_wait3A_451 = tpu.memref_squeeze %dma_wait3A_450 : memref<1x128xi32, #tpu.memory_space<vmem>> -> memref<128xi32, #tpu.memory_space<vmem>>
      %dma_wait3A_452 = arith.constant 0 : i32
      %dma_wait3A_453 = arith.constant 0 : i32
      %dma_wait3A_454 = tpu.memref_slice %arg3[%dma_wait3A_452, %dma_wait3A_453] : memref<10000x16xf32, #tpu.memory_space<hbm>> -> memref<10000x16xf32, #tpu.memory_space<hbm>>
      tpu.wait_indirect_dma semaphore(%arg11 : memref<!tpu.dma_semaphore, #tpu.memory_space<semaphore_mem>>) src(%dma_wait3A_454 : memref<10000x16xf32, #tpu.memory_space<hbm>>) dst(%dma_wait3A_448 : memref<128x16xf32, #tpu.memory_space<vmem>>)
      %dma_wait3A_455 = arith.constant 2304 : i32
      %dma_wait3A_456 = arith.constant 0 : i32
      %dma_wait3A_457 = tpu.memref_slice %arg10[%dma_wait3A_455, %dma_wait3A_456] : memref<2560x16xf32, #tpu.memory_space<vmem>> -> memref<128x16xf32, #tpu.memory_space<vmem>>
      %dma_wait3A_458 = arith.constant 0 : i32
      %dma_wait3A_459 = tpu.memref_slice %arg9[%add3A_271, %dma_wait3A_458] : memref<80x128xi32, #tpu.memory_space<vmem>> -> memref<1x128xi32, #tpu.memory_space<vmem>>
      %dma_wait3A_460 = tpu.memref_squeeze %dma_wait3A_459 : memref<1x128xi32, #tpu.memory_space<vmem>> -> memref<128xi32, #tpu.memory_space<vmem>>
      %dma_wait3A_461 = arith.constant 0 : i32
      %dma_wait3A_462 = arith.constant 0 : i32
      %dma_wait3A_463 = tpu.memref_slice %arg3[%dma_wait3A_461, %dma_wait3A_462] : memref<10000x16xf32, #tpu.memory_space<hbm>> -> memref<10000x16xf32, #tpu.memory_space<hbm>>
      tpu.wait_indirect_dma semaphore(%arg11 : memref<!tpu.dma_semaphore, #tpu.memory_space<semaphore_mem>>) src(%dma_wait3A_463 : memref<10000x16xf32, #tpu.memory_space<hbm>>) dst(%dma_wait3A_457 : memref<128x16xf32, #tpu.memory_space<vmem>>)
      %dma_wait3A_464 = arith.constant 2432 : i32
      %dma_wait3A_465 = arith.constant 0 : i32
      %dma_wait3A_466 = tpu.memref_slice %arg10[%dma_wait3A_464, %dma_wait3A_465] : memref<2560x16xf32, #tpu.memory_space<vmem>> -> memref<128x16xf32, #tpu.memory_space<vmem>>
      %dma_wait3A_467 = arith.constant 0 : i32
      %dma_wait3A_468 = tpu.memref_slice %arg9[%add3A_284, %dma_wait3A_467] : memref<80x128xi32, #tpu.memory_space<vmem>> -> memref<1x128xi32, #tpu.memory_space<vmem>>
      %dma_wait3A_469 = tpu.memref_squeeze %dma_wait3A_468 : memref<1x128xi32, #tpu.memory_space<vmem>> -> memref<128xi32, #tpu.memory_space<vmem>>
      %dma_wait3A_470 = arith.constant 0 : i32
      %dma_wait3A_471 = arith.constant 0 : i32
      %dma_wait3A_472 = tpu.memref_slice %arg3[%dma_wait3A_470, %dma_wait3A_471] : memref<10000x16xf32, #tpu.memory_space<hbm>> -> memref<10000x16xf32, #tpu.memory_space<hbm>>
      tpu.wait_indirect_dma semaphore(%arg11 : memref<!tpu.dma_semaphore, #tpu.memory_space<semaphore_mem>>) src(%dma_wait3A_472 : memref<10000x16xf32, #tpu.memory_space<hbm>>) dst(%dma_wait3A_466 : memref<128x16xf32, #tpu.memory_space<vmem>>)
      %add3A_473 = arith.addi %select_n3A_12, %while3A_34 : i32
      %mul3A_474 = arith.constant 2560 : i32
      %mul3A_475 = arith.muli %add3A_473, %mul3A_474 : i32
      "tpu.region"() ({
        %run_scoped3A = tpu.sem_alloc : memref<!tpu.dma_semaphore, #tpu.memory_space<semaphore_mem>>
        %dma_start3A_476 = arith.constant 0 : i32
        %dma_start3A_477 = tpu.memref_slice %arg7[%mul3A_475, %dma_start3A_476] : memref<320000x16xf32, #tpu.memory_space<hbm>> -> memref<2560x16xf32, #tpu.memory_space<hbm>>
        %dma_start3A_478 = arith.constant 0 : i32
        %dma_start3A_479 = tpu.memref_slice %arg7[%mul3A_475, %dma_start3A_478] : memref<320000x16xf32, #tpu.memory_space<hbm>> -> memref<2560x16xf32, #tpu.memory_space<hbm>>
        tpu.enqueue_dma source(%arg10 : memref<2560x16xf32, #tpu.memory_space<vmem>>) target(%dma_start3A_479 : memref<2560x16xf32, #tpu.memory_space<hbm>>) target_semaphore(%run_scoped3A : memref<!tpu.dma_semaphore, #tpu.memory_space<semaphore_mem>>)
        %dma_wait3A_480 = arith.constant 0 : i32
        %dma_wait3A_481 = tpu.memref_slice %arg7[%mul3A_475, %dma_wait3A_480] : memref<320000x16xf32, #tpu.memory_space<hbm>> -> memref<2560x16xf32, #tpu.memory_space<hbm>>
        %dma_wait3A_482 = arith.constant 0 : i32
        %dma_wait3A_483 = tpu.memref_slice %arg7[%mul3A_475, %dma_wait3A_482] : memref<320000x16xf32, #tpu.memory_space<hbm>> -> memref<2560x16xf32, #tpu.memory_space<hbm>>
        tpu.wait_dma2 semaphore(%run_scoped3A : memref<!tpu.dma_semaphore, #tpu.memory_space<semaphore_mem>>) src(%arg10 : memref<2560x16xf32, #tpu.memory_space<vmem>>) dst(%dma_wait3A_483 : memref<2560x16xf32, #tpu.memory_space<hbm>>)
        tpu.yield
      }) : () -> ()
    }
    %while3A_33 = arith.constant 1 : i32
    scf.for %while3A_34 = %while3A_31 to %while3A_27 step %while3A_33  : i32 {
      %mul3A_35 = arith.constant 20 : i32
      %mul3A_36 = arith.muli %while3A_34, %mul3A_35 : i32
      %add3A_37 = arith.constant 0 : i32
      %add3A_38 = arith.addi %mul3A_36, %add3A_37 : i32
      %dma_start3A = arith.constant 0 : i32
      %dma_start3A_39 = arith.constant 0 : i32
      %dma_start3A_40 = tpu.memref_slice %arg10[%dma_start3A, %dma_start3A_39] : memref<2560x16xf32, #tpu.memory_space<vmem>> -> memref<128x16xf32, #tpu.memory_space<vmem>>
      %dma_start3A_41 = arith.constant 0 : i32
      %dma_start3A_42 = tpu.memref_slice %arg9[%add3A_38, %dma_start3A_41] : memref<80x128xi32, #tpu.memory_space<vmem>> -> memref<1x128xi32, #tpu.memory_space<vmem>>
      %dma_start3A_43 = tpu.memref_squeeze %dma_start3A_42 : memref<1x128xi32, #tpu.memory_space<vmem>> -> memref<128xi32, #tpu.memory_space<vmem>>
      %dma_start3A_44 = arith.constant 0 : i32
      %dma_start3A_45 = arith.constant 0 : i32
      %dma_start3A_46 = tpu.memref_slice %arg3[%dma_start3A_44, %dma_start3A_45] : memref<10000x16xf32, #tpu.memory_space<hbm>> -> memref<10000x16xf32, #tpu.memory_space<hbm>>
      tpu.enqueue_indirect_dma source(%dma_start3A_46 : memref<10000x16xf32, #tpu.memory_space<hbm>>) target(%dma_start3A_40 : memref<128x16xf32, #tpu.memory_space<vmem>>) offsets(%dma_start3A_43 : memref<128xi32, #tpu.memory_space<vmem>>) semaphore(%arg11 : memref<!tpu.dma_semaphore, #tpu.memory_space<semaphore_mem>>)
      %mul3A_47 = arith.constant 20 : i32
      %mul3A_48 = arith.muli %while3A_34, %mul3A_47 : i32
      %add3A_49 = arith.constant 1 : i32
      %add3A_50 = arith.addi %mul3A_48, %add3A_49 : i32
      %dma_start3A_51 = arith.constant 128 : i32
      %dma_start3A_52 = arith.constant 0 : i32
      %dma_start3A_53 = tpu.memref_slice %arg10[%dma_start3A_51, %dma_start3A_52] : memref<2560x16xf32, #tpu.memory_space<vmem>> -> memref<128x16xf32, #tpu.memory_space<vmem>>
      %dma_start3A_54 = arith.constant 0 : i32
      %dma_start3A_55 = tpu.memref_slice %arg9[%add3A_50, %dma_start3A_54] : memref<80x128xi32, #tpu.memory_space<vmem>> -> memref<1x128xi32, #tpu.memory_space<vmem>>
      %dma_start3A_56 = tpu.memref_squeeze %dma_start3A_55 : memref<1x128xi32, #tpu.memory_space<vmem>> -> memref<128xi32, #tpu.memory_space<vmem>>
      %dma_start3A_57 = arith.constant 0 : i32
      %dma_start3A_58 = arith.constant 0 : i32
      %dma_start3A_59 = tpu.memref_slice %arg3[%dma_start3A_57, %dma_start3A_58] : memref<10000x16xf32, #tpu.memory_space<hbm>> -> memref<10000x16xf32, #tpu.memory_space<hbm>>
      tpu.enqueue_indirect_dma source(%dma_start3A_59 : memref<10000x16xf32, #tpu.memory_space<hbm>>) target(%dma_start3A_53 : memref<128x16xf32, #tpu.memory_space<vmem>>) offsets(%dma_start3A_56 : memref<128xi32, #tpu.memory_space<vmem>>) semaphore(%arg11 : memref<!tpu.dma_semaphore, #tpu.memory_space<semaphore_mem>>)
      %mul3A_60 = arith.constant 20 : i32
      %mul3A_61 = arith.muli %while3A_34, %mul3A_60 : i32
      %add3A_62 = arith.constant 2 : i32
      %add3A_63 = arith.addi %mul3A_61, %add3A_62 : i32
      %dma_start3A_64 = arith.constant 256 : i32
      %dma_start3A_65 = arith.constant 0 : i32
      %dma_start3A_66 = tpu.memref_slice %arg10[%dma_start3A_64, %dma_start3A_65] : memref<2560x16xf32, #tpu.memory_space<vmem>> -> memref<128x16xf32, #tpu.memory_space<vmem>>
      %dma_start3A_67 = arith.constant 0 : i32
      %dma_start3A_68 = tpu.memref_slice %arg9[%add3A_63, %dma_start3A_67] : memref<80x128xi32, #tpu.memory_space<vmem>> -> memref<1x128xi32, #tpu.memory_space<vmem>>
      %dma_start3A_69 = tpu.memref_squeeze %dma_start3A_68 : memref<1x128xi32, #tpu.memory_space<vmem>> -> memref<128xi32, #tpu.memory_space<vmem>>
      %dma_start3A_70 = arith.constant 0 : i32
      %dma_start3A_71 = arith.constant 0 : i32
      %dma_start3A_72 = tpu.memref_slice %arg3[%dma_start3A_70, %dma_start3A_71] : memref<10000x16xf32, #tpu.memory_space<hbm>> -> memref<10000x16xf32, #tpu.memory_space<hbm>>
      tpu.enqueue_indirect_dma source(%dma_start3A_72 : memref<10000x16xf32, #tpu.memory_space<hbm>>) target(%dma_start3A_66 : memref<128x16xf32, #tpu.memory_space<vmem>>) offsets(%dma_start3A_69 : memref<128xi32, #tpu.memory_space<vmem>>) semaphore(%arg11 : memref<!tpu.dma_semaphore, #tpu.memory_space<semaphore_mem>>)
      %mul3A_73 = arith.constant 20 : i32
      %mul3A_74 = arith.muli %while3A_34, %mul3A_73 : i32
      %add3A_75 = arith.constant 3 : i32
      %add3A_76 = arith.addi %mul3A_74, %add3A_75 : i32
      %dma_start3A_77 = arith.constant 384 : i32
      %dma_start3A_78 = arith.constant 0 : i32
      %dma_start3A_79 = tpu.memref_slice %arg10[%dma_start3A_77, %dma_start3A_78] : memref<2560x16xf32, #tpu.memory_space<vmem>> -> memref<128x16xf32, #tpu.memory_space<vmem>>
      %dma_start3A_80 = arith.constant 0 : i32
      %dma_start3A_81 = tpu.memref_slice %arg9[%add3A_76, %dma_start3A_80] : memref<80x128xi32, #tpu.memory_space<vmem>> -> memref<1x128xi32, #tpu.memory_space<vmem>>
      %dma_start3A_82 = tpu.memref_squeeze %dma_start3A_81 : memref<1x128xi32, #tpu.memory_space<vmem>> -> memref<128xi32, #tpu.memory_space<vmem>>
      %dma_start3A_83 = arith.constant 0 : i32
      %dma_start3A_84 = arith.constant 0 : i32
      %dma_start3A_85 = tpu.memref_slice %arg3[%dma_start3A_83, %dma_start3A_84] : memref<10000x16xf32, #tpu.memory_space<hbm>> -> memref<10000x16xf32, #tpu.memory_space<hbm>>
      tpu.enqueue_indirect_dma source(%dma_start3A_85 : memref<10000x16xf32, #tpu.memory_space<hbm>>) target(%dma_start3A_79 : memref<128x16xf32, #tpu.memory_space<vmem>>) offsets(%dma_start3A_82 : memref<128xi32, #tpu.memory_space<vmem>>) semaphore(%arg11 : memref<!tpu.dma_semaphore, #tpu.memory_space<semaphore_mem>>)
      %mul3A_86 = arith.constant 20 : i32
      %mul3A_87 = arith.muli %while3A_34, %mul3A_86 : i32
      %add3A_88 = arith.constant 4 : i32
      %add3A_89 = arith.addi %mul3A_87, %add3A_88 : i32
      %dma_start3A_90 = arith.constant 512 : i32
      %dma_start3A_91 = arith.constant 0 : i32
      %dma_start3A_92 = tpu.memref_slice %arg10[%dma_start3A_90, %dma_start3A_91] : memref<2560x16xf32, #tpu.memory_space<vmem>> -> memref<128x16xf32, #tpu.memory_space<vmem>>
      %dma_start3A_93 = arith.constant 0 : i32
      %dma_start3A_94 = tpu.memref_slice %arg9[%add3A_89, %dma_start3A_93] : memref<80x128xi32, #tpu.memory_space<vmem>> -> memref<1x128xi32, #tpu.memory_space<vmem>>
      %dma_start3A_95 = tpu.memref_squeeze %dma_start3A_94 : memref<1x128xi32, #tpu.memory_space<vmem>> -> memref<128xi32, #tpu.memory_space<vmem>>
      %dma_start3A_96 = arith.constant 0 : i32
      %dma_start3A_97 = arith.constant 0 : i32
      %dma_start3A_98 = tpu.memref_slice %arg3[%dma_start3A_96, %dma_start3A_97] : memref<10000x16xf32, #tpu.memory_space<hbm>> -> memref<10000x16xf32, #tpu.memory_space<hbm>>
      tpu.enqueue_indirect_dma source(%dma_start3A_98 : memref<10000x16xf32, #tpu.memory_space<hbm>>) target(%dma_start3A_92 : memref<128x16xf32, #tpu.memory_space<vmem>>) offsets(%dma_start3A_95 : memref<128xi32, #tpu.memory_space<vmem>>) semaphore(%arg11 : memref<!tpu.dma_semaphore, #tpu.memory_space<semaphore_mem>>)
      %mul3A_99 = arith.constant 20 : i32
      %mul3A_100 = arith.muli %while3A_34, %mul3A_99 : i32
      %add3A_101 = arith.constant 5 : i32
      %add3A_102 = arith.addi %mul3A_100, %add3A_101 : i32
      %dma_start3A_103 = arith.constant 640 : i32
      %dma_start3A_104 = arith.constant 0 : i32
      %dma_start3A_105 = tpu.memref_slice %arg10[%dma_start3A_103, %dma_start3A_104] : memref<2560x16xf32, #tpu.memory_space<vmem>> -> memref<128x16xf32, #tpu.memory_space<vmem>>
      %dma_start3A_106 = arith.constant 0 : i32
      %dma_start3A_107 = tpu.memref_slice %arg9[%add3A_102, %dma_start3A_106] : memref<80x128xi32, #tpu.memory_space<vmem>> -> memref<1x128xi32, #tpu.memory_space<vmem>>
      %dma_start3A_108 = tpu.memref_squeeze %dma_start3A_107 : memref<1x128xi32, #tpu.memory_space<vmem>> -> memref<128xi32, #tpu.memory_space<vmem>>
      %dma_start3A_109 = arith.constant 0 : i32
      %dma_start3A_110 = arith.constant 0 : i32
      %dma_start3A_111 = tpu.memref_slice %arg3[%dma_start3A_109, %dma_start3A_110] : memref<10000x16xf32, #tpu.memory_space<hbm>> -> memref<10000x16xf32, #tpu.memory_space<hbm>>
      tpu.enqueue_indirect_dma source(%dma_start3A_111 : memref<10000x16xf32, #tpu.memory_space<hbm>>) target(%dma_start3A_105 : memref<128x16xf32, #tpu.memory_space<vmem>>) offsets(%dma_start3A_108 : memref<128xi32, #tpu.memory_space<vmem>>) semaphore(%arg11 : memref<!tpu.dma_semaphore, #tpu.memory_space<semaphore_mem>>)
      %mul3A_112 = arith.constant 20 : i32
      %mul3A_113 = arith.muli %while3A_34, %mul3A_112 : i32
      %add3A_114 = arith.constant 6 : i32
      %add3A_115 = arith.addi %mul3A_113, %add3A_114 : i32
      %dma_start3A_116 = arith.constant 768 : i32
      %dma_start3A_117 = arith.constant 0 : i32
      %dma_start3A_118 = tpu.memref_slice %arg10[%dma_start3A_116, %dma_start3A_117] : memref<2560x16xf32, #tpu.memory_space<vmem>> -> memref<128x16xf32, #tpu.memory_space<vmem>>
      %dma_start3A_119 = arith.constant 0 : i32
      %dma_start3A_120 = tpu.memref_slice %arg9[%add3A_115, %dma_start3A_119] : memref<80x128xi32, #tpu.memory_space<vmem>> -> memref<1x128xi32, #tpu.memory_space<vmem>>
      %dma_start3A_121 = tpu.memref_squeeze %dma_start3A_120 : memref<1x128xi32, #tpu.memory_space<vmem>> -> memref<128xi32, #tpu.memory_space<vmem>>
      %dma_start3A_122 = arith.constant 0 : i32
      %dma_start3A_123 = arith.constant 0 : i32
      %dma_start3A_124 = tpu.memref_slice %arg3[%dma_start3A_122, %dma_start3A_123] : memref<10000x16xf32, #tpu.memory_space<hbm>> -> memref<10000x16xf32, #tpu.memory_space<hbm>>
      tpu.enqueue_indirect_dma source(%dma_start3A_124 : memref<10000x16xf32, #tpu.memory_space<hbm>>) target(%dma_start3A_118 : memref<128x16xf32, #tpu.memory_space<vmem>>) offsets(%dma_start3A_121 : memref<128xi32, #tpu.memory_space<vmem>>) semaphore(%arg11 : memref<!tpu.dma_semaphore, #tpu.memory_space<semaphore_mem>>)
      %mul3A_125 = arith.constant 20 : i32
      %mul3A_126 = arith.muli %while3A_34, %mul3A_125 : i32
      %add3A_127 = arith.constant 7 : i32
      %add3A_128 = arith.addi %mul3A_126, %add3A_127 : i32
      %dma_start3A_129 = arith.constant 896 : i32
      %dma_start3A_130 = arith.constant 0 : i32
      %dma_start3A_131 = tpu.memref_slice %arg10[%dma_start3A_129, %dma_start3A_130] : memref<2560x16xf32, #tpu.memory_space<vmem>> -> memref<128x16xf32, #tpu.memory_space<vmem>>
      %dma_start3A_132 = arith.constant 0 : i32
      %dma_start3A_133 = tpu.memref_slice %arg9[%add3A_128, %dma_start3A_132] : memref<80x128xi32, #tpu.memory_space<vmem>> -> memref<1x128xi32, #tpu.memory_space<vmem>>
      %dma_start3A_134 = tpu.memref_squeeze %dma_start3A_133 : memref<1x128xi32, #tpu.memory_space<vmem>> -> memref<128xi32, #tpu.memory_space<vmem>>
      %dma_start3A_135 = arith.constant 0 : i32
      %dma_start3A_136 = arith.constant 0 : i32
      %dma_start3A_137 = tpu.memref_slice %arg3[%dma_start3A_135, %dma_start3A_136] : memref<10000x16xf32, #tpu.memory_space<hbm>> -> memref<10000x16xf32, #tpu.memory_space<hbm>>
      tpu.enqueue_indirect_dma source(%dma_start3A_137 : memref<10000x16xf32, #tpu.memory_space<hbm>>) target(%dma_start3A_131 : memref<128x16xf32, #tpu.memory_space<vmem>>) offsets(%dma_start3A_134 : memref<128xi32, #tpu.memory_space<vmem>>) semaphore(%arg11 : memref<!tpu.dma_semaphore, #tpu.memory_space<semaphore_mem>>)
      %mul3A_138 = arith.constant 20 : i32
      %mul3A_139 = arith.muli %while3A_34, %mul3A_138 : i32
      %add3A_140 = arith.constant 8 : i32
      %add3A_141 = arith.addi %mul3A_139, %add3A_140 : i32
      %dma_start3A_142 = arith.constant 1024 : i32
      %dma_start3A_143 = arith.constant 0 : i32
      %dma_start3A_144 = tpu.memref_slice %arg10[%dma_start3A_142, %dma_start3A_143] : memref<2560x16xf32, #tpu.memory_space<vmem>> -> memref<128x16xf32, #tpu.memory_space<vmem>>
      %dma_start3A_145 = arith.constant 0 : i32
      %dma_start3A_146 = tpu.memref_slice %arg9[%add3A_141, %dma_start3A_145] : memref<80x128xi32, #tpu.memory_space<vmem>> -> memref<1x128xi32, #tpu.memory_space<vmem>>
      %dma_start3A_147 = tpu.memref_squeeze %dma_start3A_146 : memref<1x128xi32, #tpu.memory_space<vmem>> -> memref<128xi32, #tpu.memory_space<vmem>>
      %dma_start3A_148 = arith.constant 0 : i32
      %dma_start3A_149 = arith.constant 0 : i32
      %dma_start3A_150 = tpu.memref_slice %arg3[%dma_start3A_148, %dma_start3A_149] : memref<10000x16xf32, #tpu.memory_space<hbm>> -> memref<10000x16xf32, #tpu.memory_space<hbm>>
      tpu.enqueue_indirect_dma source(%dma_start3A_150 : memref<10000x16xf32, #tpu.memory_space<hbm>>) target(%dma_start3A_144 : memref<128x16xf32, #tpu.memory_space<vmem>>) offsets(%dma_start3A_147 : memref<128xi32, #tpu.memory_space<vmem>>) semaphore(%arg11 : memref<!tpu.dma_semaphore, #tpu.memory_space<semaphore_mem>>)
      %mul3A_151 = arith.constant 20 : i32
      %mul3A_152 = arith.muli %while3A_34, %mul3A_151 : i32
      %add3A_153 = arith.constant 9 : i32
      %add3A_154 = arith.addi %mul3A_152, %add3A_153 : i32
      %dma_start3A_155 = arith.constant 1152 : i32
      %dma_start3A_156 = arith.constant 0 : i32
      %dma_start3A_157 = tpu.memref_slice %arg10[%dma_start3A_155, %dma_start3A_156] : memref<2560x16xf32, #tpu.memory_space<vmem>> -> memref<128x16xf32, #tpu.memory_space<vmem>>
      %dma_start3A_158 = arith.constant 0 : i32
      %dma_start3A_159 = tpu.memref_slice %arg9[%add3A_154, %dma_start3A_158] : memref<80x128xi32, #tpu.memory_space<vmem>> -> memref<1x128xi32, #tpu.memory_space<vmem>>
      %dma_start3A_160 = tpu.memref_squeeze %dma_start3A_159 : memref<1x128xi32, #tpu.memory_space<vmem>> -> memref<128xi32, #tpu.memory_space<vmem>>
      %dma_start3A_161 = arith.constant 0 : i32
      %dma_start3A_162 = arith.constant 0 : i32
      %dma_start3A_163 = tpu.memref_slice %arg3[%dma_start3A_161, %dma_start3A_162] : memref<10000x16xf32, #tpu.memory_space<hbm>> -> memref<10000x16xf32, #tpu.memory_space<hbm>>
      tpu.enqueue_indirect_dma source(%dma_start3A_163 : memref<10000x16xf32, #tpu.memory_space<hbm>>) target(%dma_start3A_157 : memref<128x16xf32, #tpu.memory_space<vmem>>) offsets(%dma_start3A_160 : memref<128xi32, #tpu.memory_space<vmem>>) semaphore(%arg11 : memref<!tpu.dma_semaphore, #tpu.memory_space<semaphore_mem>>)
      %mul3A_164 = arith.constant 20 : i32
      %mul3A_165 = arith.muli %while3A_34, %mul3A_164 : i32
      %add3A_166 = arith.constant 10 : i32
      %add3A_167 = arith.addi %mul3A_165, %add3A_166 : i32
      %dma_start3A_168 = arith.constant 1280 : i32
      %dma_start3A_169 = arith.constant 0 : i32
      %dma_start3A_170 = tpu.memref_slice %arg10[%dma_start3A_168, %dma_start3A_169] : memref<2560x16xf32, #tpu.memory_space<vmem>> -> memref<128x16xf32, #tpu.memory_space<vmem>>
      %dma_start3A_171 = arith.constant 0 : i32
      %dma_start3A_172 = tpu.memref_slice %arg9[%add3A_167, %dma_start3A_171] : memref<80x128xi32, #tpu.memory_space<vmem>> -> memref<1x128xi32, #tpu.memory_space<vmem>>
      %dma_start3A_173 = tpu.memref_squeeze %dma_start3A_172 : memref<1x128xi32, #tpu.memory_space<vmem>> -> memref<128xi32, #tpu.memory_space<vmem>>
      %dma_start3A_174 = arith.constant 0 : i32
      %dma_start3A_175 = arith.constant 0 : i32
      %dma_start3A_176 = tpu.memref_slice %arg3[%dma_start3A_174, %dma_start3A_175] : memref<10000x16xf32, #tpu.memory_space<hbm>> -> memref<10000x16xf32, #tpu.memory_space<hbm>>
      tpu.enqueue_indirect_dma source(%dma_start3A_176 : memref<10000x16xf32, #tpu.memory_space<hbm>>) target(%dma_start3A_170 : memref<128x16xf32, #tpu.memory_space<vmem>>) offsets(%dma_start3A_173 : memref<128xi32, #tpu.memory_space<vmem>>) semaphore(%arg11 : memref<!tpu.dma_semaphore, #tpu.memory_space<semaphore_mem>>)
      %mul3A_177 = arith.constant 20 : i32
      %mul3A_178 = arith.muli %while3A_34, %mul3A_177 : i32
      %add3A_179 = arith.constant 11 : i32
      %add3A_180 = arith.addi %mul3A_178, %add3A_179 : i32
      %dma_start3A_181 = arith.constant 1408 : i32
      %dma_start3A_182 = arith.constant 0 : i32
      %dma_start3A_183 = tpu.memref_slice %arg10[%dma_start3A_181, %dma_start3A_182] : memref<2560x16xf32, #tpu.memory_space<vmem>> -> memref<128x16xf32, #tpu.memory_space<vmem>>
      %dma_start3A_184 = arith.constant 0 : i32
      %dma_start3A_185 = tpu.memref_slice %arg9[%add3A_180, %dma_start3A_184] : memref<80x128xi32, #tpu.memory_space<vmem>> -> memref<1x128xi32, #tpu.memory_space<vmem>>
      %dma_start3A_186 = tpu.memref_squeeze %dma_start3A_185 : memref<1x128xi32, #tpu.memory_space<vmem>> -> memref<128xi32, #tpu.memory_space<vmem>>
      %dma_start3A_187 = arith.constant 0 : i32
      %dma_start3A_188 = arith.constant 0 : i32
      %dma_start3A_189 = tpu.memref_slice %arg3[%dma_start3A_187, %dma_start3A_188] : memref<10000x16xf32, #tpu.memory_space<hbm>> -> memref<10000x16xf32, #tpu.memory_space<hbm>>
      tpu.enqueue_indirect_dma source(%dma_start3A_189 : memref<10000x16xf32, #tpu.memory_space<hbm>>) target(%dma_start3A_183 : memref<128x16xf32, #tpu.memory_space<vmem>>) offsets(%dma_start3A_186 : memref<128xi32, #tpu.memory_space<vmem>>) semaphore(%arg11 : memref<!tpu.dma_semaphore, #tpu.memory_space<semaphore_mem>>)
      %mul3A_190 = arith.constant 20 : i32
      %mul3A_191 = arith.muli %while3A_34, %mul3A_190 : i32
      %add3A_192 = arith.constant 12 : i32
      %add3A_193 = arith.addi %mul3A_191, %add3A_192 : i32
      %dma_start3A_194 = arith.constant 1536 : i32
      %dma_start3A_195 = arith.constant 0 : i32
      %dma_start3A_196 = tpu.memref_slice %arg10[%dma_start3A_194, %dma_start3A_195] : memref<2560x16xf32, #tpu.memory_space<vmem>> -> memref<128x16xf32, #tpu.memory_space<vmem>>
      %dma_start3A_197 = arith.constant 0 : i32
      %dma_start3A_198 = tpu.memref_slice %arg9[%add3A_193, %dma_start3A_197] : memref<80x128xi32, #tpu.memory_space<vmem>> -> memref<1x128xi32, #tpu.memory_space<vmem>>
      %dma_start3A_199 = tpu.memref_squeeze %dma_start3A_198 : memref<1x128xi32, #tpu.memory_space<vmem>> -> memref<128xi32, #tpu.memory_space<vmem>>
      %dma_start3A_200 = arith.constant 0 : i32
      %dma_start3A_201 = arith.constant 0 : i32
      %dma_start3A_202 = tpu.memref_slice %arg3[%dma_start3A_200, %dma_start3A_201] : memref<10000x16xf32, #tpu.memory_space<hbm>> -> memref<10000x16xf32, #tpu.memory_space<hbm>>
      tpu.enqueue_indirect_dma source(%dma_start3A_202 : memref<10000x16xf32, #tpu.memory_space<hbm>>) target(%dma_start3A_196 : memref<128x16xf32, #tpu.memory_space<vmem>>) offsets(%dma_start3A_199 : memref<128xi32, #tpu.memory_space<vmem>>) semaphore(%arg11 : memref<!tpu.dma_semaphore, #tpu.memory_space<semaphore_mem>>)
      %mul3A_203 = arith.constant 20 : i32
      %mul3A_204 = arith.muli %while3A_34, %mul3A_203 : i32
      %add3A_205 = arith.constant 13 : i32
      %add3A_206 = arith.addi %mul3A_204, %add3A_205 : i32
      %dma_start3A_207 = arith.constant 1664 : i32
      %dma_start3A_208 = arith.constant 0 : i32
      %dma_start3A_209 = tpu.memref_slice %arg10[%dma_start3A_207, %dma_start3A_208] : memref<2560x16xf32, #tpu.memory_space<vmem>> -> memref<128x16xf32, #tpu.memory_space<vmem>>
      %dma_start3A_210 = arith.constant 0 : i32
      %dma_start3A_211 = tpu.memref_slice %arg9[%add3A_206, %dma_start3A_210] : memref<80x128xi32, #tpu.memory_space<vmem>> -> memref<1x128xi32, #tpu.memory_space<vmem>>
      %dma_start3A_212 = tpu.memref_squeeze %dma_start3A_211 : memref<1x128xi32, #tpu.memory_space<vmem>> -> memref<128xi32, #tpu.memory_space<vmem>>
      %dma_start3A_213 = arith.constant 0 : i32
      %dma_start3A_214 = arith.constant 0 : i32
      %dma_start3A_215 = tpu.memref_slice %arg3[%dma_start3A_213, %dma_start3A_214] : memref<10000x16xf32, #tpu.memory_space<hbm>> -> memref<10000x16xf32, #tpu.memory_space<hbm>>
      tpu.enqueue_indirect_dma source(%dma_start3A_215 : memref<10000x16xf32, #tpu.memory_space<hbm>>) target(%dma_start3A_209 : memref<128x16xf32, #tpu.memory_space<vmem>>) offsets(%dma_start3A_212 : memref<128xi32, #tpu.memory_space<vmem>>) semaphore(%arg11 : memref<!tpu.dma_semaphore, #tpu.memory_space<semaphore_mem>>)
      %mul3A_216 = arith.constant 20 : i32
      %mul3A_217 = arith.muli %while3A_34, %mul3A_216 : i32
      %add3A_218 = arith.constant 14 : i32
      %add3A_219 = arith.addi %mul3A_217, %add3A_218 : i32
      %dma_start3A_220 = arith.constant 1792 : i32
      %dma_start3A_221 = arith.constant 0 : i32
      %dma_start3A_222 = tpu.memref_slice %arg10[%dma_start3A_220, %dma_start3A_221] : memref<2560x16xf32, #tpu.memory_space<vmem>> -> memref<128x16xf32, #tpu.memory_space<vmem>>
      %dma_start3A_223 = arith.constant 0 : i32
      %dma_start3A_224 = tpu.memref_slice %arg9[%add3A_219, %dma_start3A_223] : memref<80x128xi32, #tpu.memory_space<vmem>> -> memref<1x128xi32, #tpu.memory_space<vmem>>
      %dma_start3A_225 = tpu.memref_squeeze %dma_start3A_224 : memref<1x128xi32, #tpu.memory_space<vmem>> -> memref<128xi32, #tpu.memory_space<vmem>>
      %dma_start3A_226 = arith.constant 0 : i32
      %dma_start3A_227 = arith.constant 0 : i32
      %dma_start3A_228 = tpu.memref_slice %arg3[%dma_start3A_226, %dma_start3A_227] : memref<10000x16xf32, #tpu.memory_space<hbm>> -> memref<10000x16xf32, #tpu.memory_space<hbm>>
      tpu.enqueue_indirect_dma source(%dma_start3A_228 : memref<10000x16xf32, #tpu.memory_space<hbm>>) target(%dma_start3A_222 : memref<128x16xf32, #tpu.memory_space<vmem>>) offsets(%dma_start3A_225 : memref<128xi32, #tpu.memory_space<vmem>>) semaphore(%arg11 : memref<!tpu.dma_semaphore, #tpu.memory_space<semaphore_mem>>)
      %mul3A_229 = arith.constant 20 : i32
      %mul3A_230 = arith.muli %while3A_34, %mul3A_229 : i32
      %add3A_231 = arith.constant 15 : i32
      %add3A_232 = arith.addi %mul3A_230, %add3A_231 : i32
      %dma_start3A_233 = arith.constant 1920 : i32
      %dma_start3A_234 = arith.constant 0 : i32
      %dma_start3A_235 = tpu.memref_slice %arg10[%dma_start3A_233, %dma_start3A_234] : memref<2560x16xf32, #tpu.memory_space<vmem>> -> memref<128x16xf32, #tpu.memory_space<vmem>>
      %dma_start3A_236 = arith.constant 0 : i32
      %dma_start3A_237 = tpu.memref_slice %arg9[%add3A_232, %dma_start3A_236] : memref<80x128xi32, #tpu.memory_space<vmem>> -> memref<1x128xi32, #tpu.memory_space<vmem>>
      %dma_start3A_238 = tpu.memref_squeeze %dma_start3A_237 : memref<1x128xi32, #tpu.memory_space<vmem>> -> memref<128xi32, #tpu.memory_space<vmem>>
      %dma_start3A_239 = arith.constant 0 : i32
      %dma_start3A_240 = arith.constant 0 : i32
      %dma_start3A_241 = tpu.memref_slice %arg3[%dma_start3A_239, %dma_start3A_240] : memref<10000x16xf32, #tpu.memory_space<hbm>> -> memref<10000x16xf32, #tpu.memory_space<hbm>>
      tpu.enqueue_indirect_dma source(%dma_start3A_241 : memref<10000x16xf32, #tpu.memory_space<hbm>>) target(%dma_start3A_235 : memref<128x16xf32, #tpu.memory_space<vmem>>) offsets(%dma_start3A_238 : memref<128xi32, #tpu.memory_space<vmem>>) semaphore(%arg11 : memref<!tpu.dma_semaphore, #tpu.memory_space<semaphore_mem>>)
      %mul3A_242 = arith.constant 20 : i32
      %mul3A_243 = arith.muli %while3A_34, %mul3A_242 : i32
      %add3A_244 = arith.constant 16 : i32
      %add3A_245 = arith.addi %mul3A_243, %add3A_244 : i32
      %dma_start3A_246 = arith.constant 2048 : i32
      %dma_start3A_247 = arith.constant 0 : i32
      %dma_start3A_248 = tpu.memref_slice %arg10[%dma_start3A_246, %dma_start3A_247] : memref<2560x16xf32, #tpu.memory_space<vmem>> -> memref<128x16xf32, #tpu.memory_space<vmem>>
      %dma_start3A_249 = arith.constant 0 : i32
      %dma_start3A_250 = tpu.memref_slice %arg9[%add3A_245, %dma_start3A_249] : memref<80x128xi32, #tpu.memory_space<vmem>> -> memref<1x128xi32, #tpu.memory_space<vmem>>
      %dma_start3A_251 = tpu.memref_squeeze %dma_start3A_250 : memref<1x128xi32, #tpu.memory_space<vmem>> -> memref<128xi32, #tpu.memory_space<vmem>>
      %dma_start3A_252 = arith.constant 0 : i32
      %dma_start3A_253 = arith.constant 0 : i32
      %dma_start3A_254 = tpu.memref_slice %arg3[%dma_start3A_252, %dma_start3A_253] : memref<10000x16xf32, #tpu.memory_space<hbm>> -> memref<10000x16xf32, #tpu.memory_space<hbm>>
      tpu.enqueue_indirect_dma source(%dma_start3A_254 : memref<10000x16xf32, #tpu.memory_space<hbm>>) target(%dma_start3A_248 : memref<128x16xf32, #tpu.memory_space<vmem>>) offsets(%dma_start3A_251 : memref<128xi32, #tpu.memory_space<vmem>>) semaphore(%arg11 : memref<!tpu.dma_semaphore, #tpu.memory_space<semaphore_mem>>)
      %mul3A_255 = arith.constant 20 : i32
      %mul3A_256 = arith.muli %while3A_34, %mul3A_255 : i32
      %add3A_257 = arith.constant 17 : i32
      %add3A_258 = arith.addi %mul3A_256, %add3A_257 : i32
      %dma_start3A_259 = arith.constant 2176 : i32
      %dma_start3A_260 = arith.constant 0 : i32
      %dma_start3A_261 = tpu.memref_slice %arg10[%dma_start3A_259, %dma_start3A_260] : memref<2560x16xf32, #tpu.memory_space<vmem>> -> memref<128x16xf32, #tpu.memory_space<vmem>>
      %dma_start3A_262 = arith.constant 0 : i32
      %dma_start3A_263 = tpu.memref_slice %arg9[%add3A_258, %dma_start3A_262] : memref<80x128xi32, #tpu.memory_space<vmem>> -> memref<1x128xi32, #tpu.memory_space<vmem>>
      %dma_start3A_264 = tpu.memref_squeeze %dma_start3A_263 : memref<1x128xi32, #tpu.memory_space<vmem>> -> memref<128xi32, #tpu.memory_space<vmem>>
      %dma_start3A_265 = arith.constant 0 : i32
      %dma_start3A_266 = arith.constant 0 : i32
      %dma_start3A_267 = tpu.memref_slice %arg3[%dma_start3A_265, %dma_start3A_266] : memref<10000x16xf32, #tpu.memory_space<hbm>> -> memref<10000x16xf32, #tpu.memory_space<hbm>>
      tpu.enqueue_indirect_dma source(%dma_start3A_267 : memref<10000x16xf32, #tpu.memory_space<hbm>>) target(%dma_start3A_261 : memref<128x16xf32, #tpu.memory_space<vmem>>) offsets(%dma_start3A_264 : memref<128xi32, #tpu.memory_space<vmem>>) semaphore(%arg11 : memref<!tpu.dma_semaphore, #tpu.memory_space<semaphore_mem>>)
      %mul3A_268 = arith.constant 20 : i32
      %mul3A_269 = arith.muli %while3A_34, %mul3A_268 : i32
      %add3A_270 = arith.constant 18 : i32
      %add3A_271 = arith.addi %mul3A_269, %add3A_270 : i32
      %dma_start3A_272 = arith.constant 2304 : i32
      %dma_start3A_273 = arith.constant 0 : i32
      %dma_start3A_274 = tpu.memref_slice %arg10[%dma_start3A_272, %dma_start3A_273] : memref<2560x16xf32, #tpu.memory_space<vmem>> -> memref<128x16xf32, #tpu.memory_space<vmem>>
      %dma_start3A_275 = arith.constant 0 : i32
      %dma_start3A_276 = tpu.memref_slice %arg9[%add3A_271, %dma_start3A_275] : memref<80x128xi32, #tpu.memory_space<vmem>> -> memref<1x128xi32, #tpu.memory_space<vmem>>
      %dma_start3A_277 = tpu.memref_squeeze %dma_start3A_276 : memref<1x128xi32, #tpu.memory_space<vmem>> -> memref<128xi32, #tpu.memory_space<vmem>>
      %dma_start3A_278 = arith.constant 0 : i32
      %dma_start3A_279 = arith.constant 0 : i32
      %dma_start3A_280 = tpu.memref_slice %arg3[%dma_start3A_278, %dma_start3A_279] : memref<10000x16xf32, #tpu.memory_space<hbm>> -> memref<10000x16xf32, #tpu.memory_space<hbm>>
      tpu.enqueue_indirect_dma source(%dma_start3A_280 : memref<10000x16xf32, #tpu.memory_space<hbm>>) target(%dma_start3A_274 : memref<128x16xf32, #tpu.memory_space<vmem>>) offsets(%dma_start3A_277 : memref<128xi32, #tpu.memory_space<vmem>>) semaphore(%arg11 : memref<!tpu.dma_semaphore, #tpu.memory_space<semaphore_mem>>)
      %mul3A_281 = arith.constant 20 : i32
      %mul3A_282 = arith.muli %while3A_34, %mul3A_281 : i32
      %add3A_283 = arith.constant 19 : i32
      %add3A_284 = arith.addi %mul3A_282, %add3A_283 : i32
      %dma_start3A_285 = arith.constant 2432 : i32
      %dma_start3A_286 = arith.constant 0 : i32
      %dma_start3A_287 = tpu.memref_slice %arg10[%dma_start3A_285, %dma_start3A_286] : memref<2560x16xf32, #tpu.memory_space<vmem>> -> memref<128x16xf32, #tpu.memory_space<vmem>>
      %dma_start3A_288 = arith.constant 0 : i32
      %dma_start3A_289 = tpu.memref_slice %arg9[%add3A_284, %dma_start3A_288] : memref<80x128xi32, #tpu.memory_space<vmem>> -> memref<1x128xi32, #tpu.memory_space<vmem>>
      %dma_start3A_290 = tpu.memref_squeeze %dma_start3A_289 : memref<1x128xi32, #tpu.memory_space<vmem>> -> memref<128xi32, #tpu.memory_space<vmem>>
      %dma_start3A_291 = arith.constant 0 : i32
      %dma_start3A_292 = arith.constant 0 : i32
      %dma_start3A_293 = tpu.memref_slice %arg3[%dma_start3A_291, %dma_start3A_292] : memref<10000x16xf32, #tpu.memory_space<hbm>> -> memref<10000x16xf32, #tpu.memory_space<hbm>>
      tpu.enqueue_indirect_dma source(%dma_start3A_293 : memref<10000x16xf32, #tpu.memory_space<hbm>>) target(%dma_start3A_287 : memref<128x16xf32, #tpu.memory_space<vmem>>) offsets(%dma_start3A_290 : memref<128xi32, #tpu.memory_space<vmem>>) semaphore(%arg11 : memref<!tpu.dma_semaphore, #tpu.memory_space<semaphore_mem>>)
      %dma_wait3A = arith.constant 0 : i32
      %dma_wait3A_294 = arith.constant 0 : i32
      %dma_wait3A_295 = tpu.memref_slice %arg10[%dma_wait3A, %dma_wait3A_294] : memref<2560x16xf32, #tpu.memory_space<vmem>> -> memref<128x16xf32, #tpu.memory_space<vmem>>
      %dma_wait3A_296 = arith.constant 0 : i32
      %dma_wait3A_297 = tpu.memref_slice %arg9[%add3A_38, %dma_wait3A_296] : memref<80x128xi32, #tpu.memory_space<vmem>> -> memref<1x128xi32, #tpu.memory_space<vmem>>
      %dma_wait3A_298 = tpu.memref_squeeze %dma_wait3A_297 : memref<1x128xi32, #tpu.memory_space<vmem>> -> memref<128xi32, #tpu.memory_space<vmem>>
      %dma_wait3A_299 = arith.constant 0 : i32
      %dma_wait3A_300 = arith.constant 0 : i32
      %dma_wait3A_301 = tpu.memref_slice %arg3[%dma_wait3A_299, %dma_wait3A_300] : memref<10000x16xf32, #tpu.memory_space<hbm>> -> memref<10000x16xf32, #tpu.memory_space<hbm>>
      tpu.wait_indirect_dma semaphore(%arg11 : memref<!tpu.dma_semaphore, #tpu.memory_space<semaphore_mem>>) src(%dma_wait3A_301 : memref<10000x16xf32, #tpu.memory_space<hbm>>) dst(%dma_wait3A_295 : memref<128x16xf32, #tpu.memory_space<vmem>>)
      %dma_wait3A_302 = arith.constant 128 : i32
      %dma_wait3A_303 = arith.constant 0 : i32
      %dma_wait3A_304 = tpu.memref_slice %arg10[%dma_wait3A_302, %dma_wait3A_303] : memref<2560x16xf32, #tpu.memory_space<vmem>> -> memref<128x16xf32, #tpu.memory_space<vmem>>
      %dma_wait3A_305 = arith.constant 0 : i32
      %dma_wait3A_306 = tpu.memref_slice %arg9[%add3A_50, %dma_wait3A_305] : memref<80x128xi32, #tpu.memory_space<vmem>> -> memref<1x128xi32, #tpu.memory_space<vmem>>
      %dma_wait3A_307 = tpu.memref_squeeze %dma_wait3A_306 : memref<1x128xi32, #tpu.memory_space<vmem>> -> memref<128xi32, #tpu.memory_space<vmem>>
      %dma_wait3A_308 = arith.constant 0 : i32
      %dma_wait3A_309 = arith.constant 0 : i32
      %dma_wait3A_310 = tpu.memref_slice %arg3[%dma_wait3A_308, %dma_wait3A_309] : memref<10000x16xf32, #tpu.memory_space<hbm>> -> memref<10000x16xf32, #tpu.memory_space<hbm>>
      tpu.wait_indirect_dma semaphore(%arg11 : memref<!tpu.dma_semaphore, #tpu.memory_space<semaphore_mem>>) src(%dma_wait3A_310 : memref<10000x16xf32, #tpu.memory_space<hbm>>) dst(%dma_wait3A_304 : memref<128x16xf32, #tpu.memory_space<vmem>>)
      %dma_wait3A_311 = arith.constant 256 : i32
      %dma_wait3A_312 = arith.constant 0 : i32
      %dma_wait3A_313 = tpu.memref_slice %arg10[%dma_wait3A_311, %dma_wait3A_312] : memref<2560x16xf32, #tpu.memory_space<vmem>> -> memref<128x16xf32, #tpu.memory_space<vmem>>
      %dma_wait3A_314 = arith.constant 0 : i32
      %dma_wait3A_315 = tpu.memref_slice %arg9[%add3A_63, %dma_wait3A_314] : memref<80x128xi32, #tpu.memory_space<vmem>> -> memref<1x128xi32, #tpu.memory_space<vmem>>
      %dma_wait3A_316 = tpu.memref_squeeze %dma_wait3A_315 : memref<1x128xi32, #tpu.memory_space<vmem>> -> memref<128xi32, #tpu.memory_space<vmem>>
      %dma_wait3A_317 = arith.constant 0 : i32
      %dma_wait3A_318 = arith.constant 0 : i32
      %dma_wait3A_319 = tpu.memref_slice %arg3[%dma_wait3A_317, %dma_wait3A_318] : memref<10000x16xf32, #tpu.memory_space<hbm>> -> memref<10000x16xf32, #tpu.memory_space<hbm>>
      tpu.wait_indirect_dma semaphore(%arg11 : memref<!tpu.dma_semaphore, #tpu.memory_space<semaphore_mem>>) src(%dma_wait3A_319 : memref<10000x16xf32, #tpu.memory_space<hbm>>) dst(%dma_wait3A_313 : memref<128x16xf32, #tpu.memory_space<vmem>>)
      %dma_wait3A_320 = arith.constant 384 : i32
      %dma_wait3A_321 = arith.constant 0 : i32
      %dma_wait3A_322 = tpu.memref_slice %arg10[%dma_wait3A_320, %dma_wait3A_321] : memref<2560x16xf32, #tpu.memory_space<vmem>> -> memref<128x16xf32, #tpu.memory_space<vmem>>
      %dma_wait3A_323 = arith.constant 0 : i32
      %dma_wait3A_324 = tpu.memref_slice %arg9[%add3A_76, %dma_wait3A_323] : memref<80x128xi32, #tpu.memory_space<vmem>> -> memref<1x128xi32, #tpu.memory_space<vmem>>
      %dma_wait3A_325 = tpu.memref_squeeze %dma_wait3A_324 : memref<1x128xi32, #tpu.memory_space<vmem>> -> memref<128xi32, #tpu.memory_space<vmem>>
      %dma_wait3A_326 = arith.constant 0 : i32
      %dma_wait3A_327 = arith.constant 0 : i32
      %dma_wait3A_328 = tpu.memref_slice %arg3[%dma_wait3A_326, %dma_wait3A_327] : memref<10000x16xf32, #tpu.memory_space<hbm>> -> memref<10000x16xf32, #tpu.memory_space<hbm>>
      tpu.wait_indirect_dma semaphore(%arg11 : memref<!tpu.dma_semaphore, #tpu.memory_space<semaphore_mem>>) src(%dma_wait3A_328 : memref<10000x16xf32, #tpu.memory_space<hbm>>) dst(%dma_wait3A_322 : memref<128x16xf32, #tpu.memory_space<vmem>>)
      %dma_wait3A_329 = arith.constant 512 : i32
      %dma_wait3A_330 = arith.constant 0 : i32
      %dma_wait3A_331 = tpu.memref_slice %arg10[%dma_wait3A_329, %dma_wait3A_330] : memref<2560x16xf32, #tpu.memory_space<vmem>> -> memref<128x16xf32, #tpu.memory_space<vmem>>
      %dma_wait3A_332 = arith.constant 0 : i32
      %dma_wait3A_333 = tpu.memref_slice %arg9[%add3A_89, %dma_wait3A_332] : memref<80x128xi32, #tpu.memory_space<vmem>> -> memref<1x128xi32, #tpu.memory_space<vmem>>
      %dma_wait3A_334 = tpu.memref_squeeze %dma_wait3A_333 : memref<1x128xi32, #tpu.memory_space<vmem>> -> memref<128xi32, #tpu.memory_space<vmem>>
      %dma_wait3A_335 = arith.constant 0 : i32
      %dma_wait3A_336 = arith.constant 0 : i32
      %dma_wait3A_337 = tpu.memref_slice %arg3[%dma_wait3A_335, %dma_wait3A_336] : memref<10000x16xf32, #tpu.memory_space<hbm>> -> memref<10000x16xf32, #tpu.memory_space<hbm>>
      tpu.wait_indirect_dma semaphore(%arg11 : memref<!tpu.dma_semaphore, #tpu.memory_space<semaphore_mem>>) src(%dma_wait3A_337 : memref<10000x16xf32, #tpu.memory_space<hbm>>) dst(%dma_wait3A_331 : memref<128x16xf32, #tpu.memory_space<vmem>>)
      %dma_wait3A_338 = arith.constant 640 : i32
      %dma_wait3A_339 = arith.constant 0 : i32
      %dma_wait3A_340 = tpu.memref_slice %arg10[%dma_wait3A_338, %dma_wait3A_339] : memref<2560x16xf32, #tpu.memory_space<vmem>> -> memref<128x16xf32, #tpu.memory_space<vmem>>
      %dma_wait3A_341 = arith.constant 0 : i32
      %dma_wait3A_342 = tpu.memref_slice %arg9[%add3A_102, %dma_wait3A_341] : memref<80x128xi32, #tpu.memory_space<vmem>> -> memref<1x128xi32, #tpu.memory_space<vmem>>
      %dma_wait3A_343 = tpu.memref_squeeze %dma_wait3A_342 : memref<1x128xi32, #tpu.memory_space<vmem>> -> memref<128xi32, #tpu.memory_space<vmem>>
      %dma_wait3A_344 = arith.constant 0 : i32
      %dma_wait3A_345 = arith.constant 0 : i32
      %dma_wait3A_346 = tpu.memref_slice %arg3[%dma_wait3A_344, %dma_wait3A_345] : memref<10000x16xf32, #tpu.memory_space<hbm>> -> memref<10000x16xf32, #tpu.memory_space<hbm>>
      tpu.wait_indirect_dma semaphore(%arg11 : memref<!tpu.dma_semaphore, #tpu.memory_space<semaphore_mem>>) src(%dma_wait3A_346 : memref<10000x16xf32, #tpu.memory_space<hbm>>) dst(%dma_wait3A_340 : memref<128x16xf32, #tpu.memory_space<vmem>>)
      %dma_wait3A_347 = arith.constant 768 : i32
      %dma_wait3A_348 = arith.constant 0 : i32
      %dma_wait3A_349 = tpu.memref_slice %arg10[%dma_wait3A_347, %dma_wait3A_348] : memref<2560x16xf32, #tpu.memory_space<vmem>> -> memref<128x16xf32, #tpu.memory_space<vmem>>
      %dma_wait3A_350 = arith.constant 0 : i32
      %dma_wait3A_351 = tpu.memref_slice %arg9[%add3A_115, %dma_wait3A_350] : memref<80x128xi32, #tpu.memory_space<vmem>> -> memref<1x128xi32, #tpu.memory_space<vmem>>
      %dma_wait3A_352 = tpu.memref_squeeze %dma_wait3A_351 : memref<1x128xi32, #tpu.memory_space<vmem>> -> memref<128xi32, #tpu.memory_space<vmem>>
      %dma_wait3A_353 = arith.constant 0 : i32
      %dma_wait3A_354 = arith.constant 0 : i32
      %dma_wait3A_355 = tpu.memref_slice %arg3[%dma_wait3A_353, %dma_wait3A_354] : memref<10000x16xf32, #tpu.memory_space<hbm>> -> memref<10000x16xf32, #tpu.memory_space<hbm>>
      tpu.wait_indirect_dma semaphore(%arg11 : memref<!tpu.dma_semaphore, #tpu.memory_space<semaphore_mem>>) src(%dma_wait3A_355 : memref<10000x16xf32, #tpu.memory_space<hbm>>) dst(%dma_wait3A_349 : memref<128x16xf32, #tpu.memory_space<vmem>>)
      %dma_wait3A_356 = arith.constant 896 : i32
      %dma_wait3A_357 = arith.constant 0 : i32
      %dma_wait3A_358 = tpu.memref_slice %arg10[%dma_wait3A_356, %dma_wait3A_357] : memref<2560x16xf32, #tpu.memory_space<vmem>> -> memref<128x16xf32, #tpu.memory_space<vmem>>
      %dma_wait3A_359 = arith.constant 0 : i32
      %dma_wait3A_360 = tpu.memref_slice %arg9[%add3A_128, %dma_wait3A_359] : memref<80x128xi32, #tpu.memory_space<vmem>> -> memref<1x128xi32, #tpu.memory_space<vmem>>
      %dma_wait3A_361 = tpu.memref_squeeze %dma_wait3A_360 : memref<1x128xi32, #tpu.memory_space<vmem>> -> memref<128xi32, #tpu.memory_space<vmem>>
      %dma_wait3A_362 = arith.constant 0 : i32
      %dma_wait3A_363 = arith.constant 0 : i32
      %dma_wait3A_364 = tpu.memref_slice %arg3[%dma_wait3A_362, %dma_wait3A_363] : memref<10000x16xf32, #tpu.memory_space<hbm>> -> memref<10000x16xf32, #tpu.memory_space<hbm>>
      tpu.wait_indirect_dma semaphore(%arg11 : memref<!tpu.dma_semaphore, #tpu.memory_space<semaphore_mem>>) src(%dma_wait3A_364 : memref<10000x16xf32, #tpu.memory_space<hbm>>) dst(%dma_wait3A_358 : memref<128x16xf32, #tpu.memory_space<vmem>>)
      %dma_wait3A_365 = arith.constant 1024 : i32
      %dma_wait3A_366 = arith.constant 0 : i32
      %dma_wait3A_367 = tpu.memref_slice %arg10[%dma_wait3A_365, %dma_wait3A_366] : memref<2560x16xf32, #tpu.memory_space<vmem>> -> memref<128x16xf32, #tpu.memory_space<vmem>>
      %dma_wait3A_368 = arith.constant 0 : i32
      %dma_wait3A_369 = tpu.memref_slice %arg9[%add3A_141, %dma_wait3A_368] : memref<80x128xi32, #tpu.memory_space<vmem>> -> memref<1x128xi32, #tpu.memory_space<vmem>>
      %dma_wait3A_370 = tpu.memref_squeeze %dma_wait3A_369 : memref<1x128xi32, #tpu.memory_space<vmem>> -> memref<128xi32, #tpu.memory_space<vmem>>
      %dma_wait3A_371 = arith.constant 0 : i32
      %dma_wait3A_372 = arith.constant 0 : i32
      %dma_wait3A_373 = tpu.memref_slice %arg3[%dma_wait3A_371, %dma_wait3A_372] : memref<10000x16xf32, #tpu.memory_space<hbm>> -> memref<10000x16xf32, #tpu.memory_space<hbm>>
      tpu.wait_indirect_dma semaphore(%arg11 : memref<!tpu.dma_semaphore, #tpu.memory_space<semaphore_mem>>) src(%dma_wait3A_373 : memref<10000x16xf32, #tpu.memory_space<hbm>>) dst(%dma_wait3A_367 : memref<128x16xf32, #tpu.memory_space<vmem>>)
      %dma_wait3A_374 = arith.constant 1152 : i32
      %dma_wait3A_375 = arith.constant 0 : i32
      %dma_wait3A_376 = tpu.memref_slice %arg10[%dma_wait3A_374, %dma_wait3A_375] : memref<2560x16xf32, #tpu.memory_space<vmem>> -> memref<128x16xf32, #tpu.memory_space<vmem>>
      %dma_wait3A_377 = arith.constant 0 : i32
      %dma_wait3A_378 = tpu.memref_slice %arg9[%add3A_154, %dma_wait3A_377] : memref<80x128xi32, #tpu.memory_space<vmem>> -> memref<1x128xi32, #tpu.memory_space<vmem>>
      %dma_wait3A_379 = tpu.memref_squeeze %dma_wait3A_378 : memref<1x128xi32, #tpu.memory_space<vmem>> -> memref<128xi32, #tpu.memory_space<vmem>>
      %dma_wait3A_380 = arith.constant 0 : i32
      %dma_wait3A_381 = arith.constant 0 : i32
      %dma_wait3A_382 = tpu.memref_slice %arg3[%dma_wait3A_380, %dma_wait3A_381] : memref<10000x16xf32, #tpu.memory_space<hbm>> -> memref<10000x16xf32, #tpu.memory_space<hbm>>
      tpu.wait_indirect_dma semaphore(%arg11 : memref<!tpu.dma_semaphore, #tpu.memory_space<semaphore_mem>>) src(%dma_wait3A_382 : memref<10000x16xf32, #tpu.memory_space<hbm>>) dst(%dma_wait3A_376 : memref<128x16xf32, #tpu.memory_space<vmem>>)
      %dma_wait3A_383 = arith.constant 1280 : i32
      %dma_wait3A_384 = arith.constant 0 : i32
      %dma_wait3A_385 = tpu.memref_slice %arg10[%dma_wait3A_383, %dma_wait3A_384] : memref<2560x16xf32, #tpu.memory_space<vmem>> -> memref<128x16xf32, #tpu.memory_space<vmem>>
      %dma_wait3A_386 = arith.constant 0 : i32
      %dma_wait3A_387 = tpu.memref_slice %arg9[%add3A_167, %dma_wait3A_386] : memref<80x128xi32, #tpu.memory_space<vmem>> -> memref<1x128xi32, #tpu.memory_space<vmem>>
      %dma_wait3A_388 = tpu.memref_squeeze %dma_wait3A_387 : memref<1x128xi32, #tpu.memory_space<vmem>> -> memref<128xi32, #tpu.memory_space<vmem>>
      %dma_wait3A_389 = arith.constant 0 : i32
      %dma_wait3A_390 = arith.constant 0 : i32
      %dma_wait3A_391 = tpu.memref_slice %arg3[%dma_wait3A_389, %dma_wait3A_390] : memref<10000x16xf32, #tpu.memory_space<hbm>> -> memref<10000x16xf32, #tpu.memory_space<hbm>>
      tpu.wait_indirect_dma semaphore(%arg11 : memref<!tpu.dma_semaphore, #tpu.memory_space<semaphore_mem>>) src(%dma_wait3A_391 : memref<10000x16xf32, #tpu.memory_space<hbm>>) dst(%dma_wait3A_385 : memref<128x16xf32, #tpu.memory_space<vmem>>)
      %dma_wait3A_392 = arith.constant 1408 : i32
      %dma_wait3A_393 = arith.constant 0 : i32
      %dma_wait3A_394 = tpu.memref_slice %arg10[%dma_wait3A_392, %dma_wait3A_393] : memref<2560x16xf32, #tpu.memory_space<vmem>> -> memref<128x16xf32, #tpu.memory_space<vmem>>
      %dma_wait3A_395 = arith.constant 0 : i32
      %dma_wait3A_396 = tpu.memref_slice %arg9[%add3A_180, %dma_wait3A_395] : memref<80x128xi32, #tpu.memory_space<vmem>> -> memref<1x128xi32, #tpu.memory_space<vmem>>
      %dma_wait3A_397 = tpu.memref_squeeze %dma_wait3A_396 : memref<1x128xi32, #tpu.memory_space<vmem>> -> memref<128xi32, #tpu.memory_space<vmem>>
      %dma_wait3A_398 = arith.constant 0 : i32
      %dma_wait3A_399 = arith.constant 0 : i32
      %dma_wait3A_400 = tpu.memref_slice %arg3[%dma_wait3A_398, %dma_wait3A_399] : memref<10000x16xf32, #tpu.memory_space<hbm>> -> memref<10000x16xf32, #tpu.memory_space<hbm>>
      tpu.wait_indirect_dma semaphore(%arg11 : memref<!tpu.dma_semaphore, #tpu.memory_space<semaphore_mem>>) src(%dma_wait3A_400 : memref<10000x16xf32, #tpu.memory_space<hbm>>) dst(%dma_wait3A_394 : memref<128x16xf32, #tpu.memory_space<vmem>>)
      %dma_wait3A_401 = arith.constant 1536 : i32
      %dma_wait3A_402 = arith.constant 0 : i32
      %dma_wait3A_403 = tpu.memref_slice %arg10[%dma_wait3A_401, %dma_wait3A_402] : memref<2560x16xf32, #tpu.memory_space<vmem>> -> memref<128x16xf32, #tpu.memory_space<vmem>>
      %dma_wait3A_404 = arith.constant 0 : i32
      %dma_wait3A_405 = tpu.memref_slice %arg9[%add3A_193, %dma_wait3A_404] : memref<80x128xi32, #tpu.memory_space<vmem>> -> memref<1x128xi32, #tpu.memory_space<vmem>>
      %dma_wait3A_406 = tpu.memref_squeeze %dma_wait3A_405 : memref<1x128xi32, #tpu.memory_space<vmem>> -> memref<128xi32, #tpu.memory_space<vmem>>
      %dma_wait3A_407 = arith.constant 0 : i32
      %dma_wait3A_408 = arith.constant 0 : i32
      %dma_wait3A_409 = tpu.memref_slice %arg3[%dma_wait3A_407, %dma_wait3A_408] : memref<10000x16xf32, #tpu.memory_space<hbm>> -> memref<10000x16xf32, #tpu.memory_space<hbm>>
      tpu.wait_indirect_dma semaphore(%arg11 : memref<!tpu.dma_semaphore, #tpu.memory_space<semaphore_mem>>) src(%dma_wait3A_409 : memref<10000x16xf32, #tpu.memory_space<hbm>>) dst(%dma_wait3A_403 : memref<128x16xf32, #tpu.memory_space<vmem>>)
      %dma_wait3A_410 = arith.constant 1664 : i32
      %dma_wait3A_411 = arith.constant 0 : i32
      %dma_wait3A_412 = tpu.memref_slice %arg10[%dma_wait3A_410, %dma_wait3A_411] : memref<2560x16xf32, #tpu.memory_space<vmem>> -> memref<128x16xf32, #tpu.memory_space<vmem>>
      %dma_wait3A_413 = arith.constant 0 : i32
      %dma_wait3A_414 = tpu.memref_slice %arg9[%add3A_206, %dma_wait3A_413] : memref<80x128xi32, #tpu.memory_space<vmem>> -> memref<1x128xi32, #tpu.memory_space<vmem>>
      %dma_wait3A_415 = tpu.memref_squeeze %dma_wait3A_414 : memref<1x128xi32, #tpu.memory_space<vmem>> -> memref<128xi32, #tpu.memory_space<vmem>>
      %dma_wait3A_416 = arith.constant 0 : i32
      %dma_wait3A_417 = arith.constant 0 : i32
      %dma_wait3A_418 = tpu.memref_slice %arg3[%dma_wait3A_416, %dma_wait3A_417] : memref<10000x16xf32, #tpu.memory_space<hbm>> -> memref<10000x16xf32, #tpu.memory_space<hbm>>
      tpu.wait_indirect_dma semaphore(%arg11 : memref<!tpu.dma_semaphore, #tpu.memory_space<semaphore_mem>>) src(%dma_wait3A_418 : memref<10000x16xf32, #tpu.memory_space<hbm>>) dst(%dma_wait3A_412 : memref<128x16xf32, #tpu.memory_space<vmem>>)
      %dma_wait3A_419 = arith.constant 1792 : i32
      %dma_wait3A_420 = arith.constant 0 : i32
      %dma_wait3A_421 = tpu.memref_slice %arg10[%dma_wait3A_419, %dma_wait3A_420] : memref<2560x16xf32, #tpu.memory_space<vmem>> -> memref<128x16xf32, #tpu.memory_space<vmem>>
      %dma_wait3A_422 = arith.constant 0 : i32
      %dma_wait3A_423 = tpu.memref_slice %arg9[%add3A_219, %dma_wait3A_422] : memref<80x128xi32, #tpu.memory_space<vmem>> -> memref<1x128xi32, #tpu.memory_space<vmem>>
      %dma_wait3A_424 = tpu.memref_squeeze %dma_wait3A_423 : memref<1x128xi32, #tpu.memory_space<vmem>> -> memref<128xi32, #tpu.memory_space<vmem>>
      %dma_wait3A_425 = arith.constant 0 : i32
      %dma_wait3A_426 = arith.constant 0 : i32
      %dma_wait3A_427 = tpu.memref_slice %arg3[%dma_wait3A_425, %dma_wait3A_426] : memref<10000x16xf32, #tpu.memory_space<hbm>> -> memref<10000x16xf32, #tpu.memory_space<hbm>>
      tpu.wait_indirect_dma semaphore(%arg11 : memref<!tpu.dma_semaphore, #tpu.memory_space<semaphore_mem>>) src(%dma_wait3A_427 : memref<10000x16xf32, #tpu.memory_space<hbm>>) dst(%dma_wait3A_421 : memref<128x16xf32, #tpu.memory_space<vmem>>)
      %dma_wait3A_428 = arith.constant 1920 : i32
      %dma_wait3A_429 = arith.constant 0 : i32
      %dma_wait3A_430 = tpu.memref_slice %arg10[%dma_wait3A_428, %dma_wait3A_429] : memref<2560x16xf32, #tpu.memory_space<vmem>> -> memref<128x16xf32, #tpu.memory_space<vmem>>
      %dma_wait3A_431 = arith.constant 0 : i32
      %dma_wait3A_432 = tpu.memref_slice %arg9[%add3A_232, %dma_wait3A_431] : memref<80x128xi32, #tpu.memory_space<vmem>> -> memref<1x128xi32, #tpu.memory_space<vmem>>
      %dma_wait3A_433 = tpu.memref_squeeze %dma_wait3A_432 : memref<1x128xi32, #tpu.memory_space<vmem>> -> memref<128xi32, #tpu.memory_space<vmem>>
      %dma_wait3A_434 = arith.constant 0 : i32
      %dma_wait3A_435 = arith.constant 0 : i32
      %dma_wait3A_436 = tpu.memref_slice %arg3[%dma_wait3A_434, %dma_wait3A_435] : memref<10000x16xf32, #tpu.memory_space<hbm>> -> memref<10000x16xf32, #tpu.memory_space<hbm>>
      tpu.wait_indirect_dma semaphore(%arg11 : memref<!tpu.dma_semaphore, #tpu.memory_space<semaphore_mem>>) src(%dma_wait3A_436 : memref<10000x16xf32, #tpu.memory_space<hbm>>) dst(%dma_wait3A_430 : memref<128x16xf32, #tpu.memory_space<vmem>>)
      %dma_wait3A_437 = arith.constant 2048 : i32
      %dma_wait3A_438 = arith.constant 0 : i32
      %dma_wait3A_439 = tpu.memref_slice %arg10[%dma_wait3A_437, %dma_wait3A_438] : memref<2560x16xf32, #tpu.memory_space<vmem>> -> memref<128x16xf32, #tpu.memory_space<vmem>>
      %dma_wait3A_440 = arith.constant 0 : i32
      %dma_wait3A_441 = tpu.memref_slice %arg9[%add3A_245, %dma_wait3A_440] : memref<80x128xi32, #tpu.memory_space<vmem>> -> memref<1x128xi32, #tpu.memory_space<vmem>>
      %dma_wait3A_442 = tpu.memref_squeeze %dma_wait3A_441 : memref<1x128xi32, #tpu.memory_space<vmem>> -> memref<128xi32, #tpu.memory_space<vmem>>
      %dma_wait3A_443 = arith.constant 0 : i32
      %dma_wait3A_444 = arith.constant 0 : i32
      %dma_wait3A_445 = tpu.memref_slice %arg3[%dma_wait3A_443, %dma_wait3A_444] : memref<10000x16xf32, #tpu.memory_space<hbm>> -> memref<10000x16xf32, #tpu.memory_space<hbm>>
      tpu.wait_indirect_dma semaphore(%arg11 : memref<!tpu.dma_semaphore, #tpu.memory_space<semaphore_mem>>) src(%dma_wait3A_445 : memref<10000x16xf32, #tpu.memory_space<hbm>>) dst(%dma_wait3A_439 : memref<128x16xf32, #tpu.memory_space<vmem>>)
      %dma_wait3A_446 = arith.constant 2176 : i32
      %dma_wait3A_447 = arith.constant 0 : i32
      %dma_wait3A_448 = tpu.memref_slice %arg10[%dma_wait3A_446, %dma_wait3A_447] : memref<2560x16xf32, #tpu.memory_space<vmem>> -> memref<128x16xf32, #tpu.memory_space<vmem>>
      %dma_wait3A_449 = arith.constant 0 : i32
      %dma_wait3A_450 = tpu.memref_slice %arg9[%add3A_258, %dma_wait3A_449] : memref<80x128xi32, #tpu.memory_space<vmem>> -> memref<1x128xi32, #tpu.memory_space<vmem>>
      %dma_wait3A_451 = tpu.memref_squeeze %dma_wait3A_450 : memref<1x128xi32, #tpu.memory_space<vmem>> -> memref<128xi32, #tpu.memory_space<vmem>>
      %dma_wait3A_452 = arith.constant 0 : i32
      %dma_wait3A_453 = arith.constant 0 : i32
      %dma_wait3A_454 = tpu.memref_slice %arg3[%dma_wait3A_452, %dma_wait3A_453] : memref<10000x16xf32, #tpu.memory_space<hbm>> -> memref<10000x16xf32, #tpu.memory_space<hbm>>
      tpu.wait_indirect_dma semaphore(%arg11 : memref<!tpu.dma_semaphore, #tpu.memory_space<semaphore_mem>>) src(%dma_wait3A_454 : memref<10000x16xf32, #tpu.memory_space<hbm>>) dst(%dma_wait3A_448 : memref<128x16xf32, #tpu.memory_space<vmem>>)
      %dma_wait3A_455 = arith.constant 2304 : i32
      %dma_wait3A_456 = arith.constant 0 : i32
      %dma_wait3A_457 = tpu.memref_slice %arg10[%dma_wait3A_455, %dma_wait3A_456] : memref<2560x16xf32, #tpu.memory_space<vmem>> -> memref<128x16xf32, #tpu.memory_space<vmem>>
      %dma_wait3A_458 = arith.constant 0 : i32
      %dma_wait3A_459 = tpu.memref_slice %arg9[%add3A_271, %dma_wait3A_458] : memref<80x128xi32, #tpu.memory_space<vmem>> -> memref<1x128xi32, #tpu.memory_space<vmem>>
      %dma_wait3A_460 = tpu.memref_squeeze %dma_wait3A_459 : memref<1x128xi32, #tpu.memory_space<vmem>> -> memref<128xi32, #tpu.memory_space<vmem>>
      %dma_wait3A_461 = arith.constant 0 : i32
      %dma_wait3A_462 = arith.constant 0 : i32
      %dma_wait3A_463 = tpu.memref_slice %arg3[%dma_wait3A_461, %dma_wait3A_462] : memref<10000x16xf32, #tpu.memory_space<hbm>> -> memref<10000x16xf32, #tpu.memory_space<hbm>>
      tpu.wait_indirect_dma semaphore(%arg11 : memref<!tpu.dma_semaphore, #tpu.memory_space<semaphore_mem>>) src(%dma_wait3A_463 : memref<10000x16xf32, #tpu.memory_space<hbm>>) dst(%dma_wait3A_457 : memref<128x16xf32, #tpu.memory_space<vmem>>)
      %dma_wait3A_464 = arith.constant 2432 : i32
      %dma_wait3A_465 = arith.constant 0 : i32
      %dma_wait3A_466 = tpu.memref_slice %arg10[%dma_wait3A_464, %dma_wait3A_465] : memref<2560x16xf32, #tpu.memory_space<vmem>> -> memref<128x16xf32, #tpu.memory_space<vmem>>
      %dma_wait3A_467 = arith.constant 0 : i32
      %dma_wait3A_468 = tpu.memref_slice %arg9[%add3A_284, %dma_wait3A_467] : memref<80x128xi32, #tpu.memory_space<vmem>> -> memref<1x128xi32, #tpu.memory_space<vmem>>
      %dma_wait3A_469 = tpu.memref_squeeze %dma_wait3A_468 : memref<1x128xi32, #tpu.memory_space<vmem>> -> memref<128xi32, #tpu.memory_space<vmem>>
      %dma_wait3A_470 = arith.constant 0 : i32
      %dma_wait3A_471 = arith.constant 0 : i32
      %dma_wait3A_472 = tpu.memref_slice %arg3[%dma_wait3A_470, %dma_wait3A_471] : memref<10000x16xf32, #tpu.memory_space<hbm>> -> memref<10000x16xf32, #tpu.memory_space<hbm>>
      tpu.wait_indirect_dma semaphore(%arg11 : memref<!tpu.dma_semaphore, #tpu.memory_space<semaphore_mem>>) src(%dma_wait3A_472 : memref<10000x16xf32, #tpu.memory_space<hbm>>) dst(%dma_wait3A_466 : memref<128x16xf32, #tpu.memory_space<vmem>>)
      %add3A_473 = arith.addi %select_n3A_12, %while3A_34 : i32
      %mul3A_474 = arith.constant 2560 : i32
      %mul3A_475 = arith.muli %add3A_473, %mul3A_474 : i32
      "tpu.region"() ({
        %run_scoped3A = tpu.sem_alloc : memref<!tpu.dma_semaphore, #tpu.memory_space<semaphore_mem>>
        %dma_start3A_476 = arith.constant 0 : i32
        %dma_start3A_477 = tpu.memref_slice %arg7[%mul3A_475, %dma_start3A_476] : memref<320000x16xf32, #tpu.memory_space<hbm>> -> memref<2560x16xf32, #tpu.memory_space<hbm>>
        %dma_start3A_478 = arith.constant 0 : i32
        %dma_start3A_479 = tpu.memref_slice %arg7[%mul3A_475, %dma_start3A_478] : memref<320000x16xf32, #tpu.memory_space<hbm>> -> memref<2560x16xf32, #tpu.memory_space<hbm>>
        tpu.enqueue_dma source(%arg10 : memref<2560x16xf32, #tpu.memory_space<vmem>>) target(%dma_start3A_479 : memref<2560x16xf32, #tpu.memory_space<hbm>>) target_semaphore(%run_scoped3A : memref<!tpu.dma_semaphore, #tpu.memory_space<semaphore_mem>>)
        %dma_wait3A_480 = arith.constant 0 : i32
        %dma_wait3A_481 = tpu.memref_slice %arg7[%mul3A_475, %dma_wait3A_480] : memref<320000x16xf32, #tpu.memory_space<hbm>> -> memref<2560x16xf32, #tpu.memory_space<hbm>>
        %dma_wait3A_482 = arith.constant 0 : i32
        %dma_wait3A_483 = tpu.memref_slice %arg7[%mul3A_475, %dma_wait3A_482] : memref<320000x16xf32, #tpu.memory_space<hbm>> -> memref<2560x16xf32, #tpu.memory_space<hbm>>
        tpu.wait_dma2 semaphore(%run_scoped3A : memref<!tpu.dma_semaphore, #tpu.memory_space<semaphore_mem>>) src(%arg10 : memref<2560x16xf32, #tpu.memory_space<vmem>>) dst(%dma_wait3A_483 : memref<2560x16xf32, #tpu.memory_space<hbm>>)
        tpu.yield
      }) : () -> ()
    }
    return
  }
}

module attributes {stable_mosaic.version = 14 : i64} {
  func.func @_proj_body(%arg0: i32, %arg1: memref<1000x128xf32, #tpu.memory_space<vmem>>, %arg2: memref<128x16xf32, #tpu.memory_space<vmem>>, %arg3: memref<128x16xf32, #tpu.memory_space<vmem>>, %arg4: memref<1000x16xf32, #tpu.memory_space<vmem>>, %arg5: memref<1000x16xf32, #tpu.memory_space<vmem>>) attributes {dimension_semantics = [#tpu.dimension_semantics<arbitrary>], iteration_bounds = array<i64: 10>, scalar_prefetch = 0 : i64, scratch_operands = 0 : i64, tpu.core_type = #tpu.core_type<tc>, window_params = [{transform_indices = @transform_0, window_bounds = array<i64: 1000, 128>}, {pipeline_mode = #tpu.pipeline_mode<synchronous>, transform_indices = @transform_1, window_bounds = array<i64: 128, 16>}, {pipeline_mode = #tpu.pipeline_mode<synchronous>, transform_indices = @transform_2, window_bounds = array<i64: 128, 16>}, {transform_indices = @transform_3, window_bounds = array<i64: 1000, 16>}, {transform_indices = @transform_4, window_bounds = array<i64: 1000, 16>}]} {
    %get3A = arith.constant 0 : index
    %get3A_0 = arith.constant 0 : index
    %get3A_1 = vector.load %arg1[%get3A, %get3A_0] : memref<1000x128xf32, #tpu.memory_space<vmem>>, vector<1000x128xf32>
    %get3A_2 = arith.constant 0 : index
    %get3A_3 = arith.constant 0 : index
    %get3A_4 = vector.load %arg2[%get3A_2, %get3A_3] : memref<128x16xf32, #tpu.memory_space<vmem>>, vector<128x16xf32>
    %dot_general3A = arith.constant dense<0.000000e+00> : vector<1000x16xf32>
    %dot_general3A_5 = tpu.matmul %get3A_1, %get3A_4, %dot_general3A {dimension_numbers = #tpu.dot_dimension_numbers<[1], [0], [0], [1], [0, 0, 1, 1], [], []>, transpose_lhs_hint = false} : vector<1000x128xf32>, vector<128x16xf32>, vector<1000x16xf32> -> vector<1000x16xf32>
    %swap3A = arith.constant 0 : index
    %swap3A_6 = arith.constant 0 : index
    %swap3A_7 = vector.load %arg4[%swap3A, %swap3A_6] : memref<1000x16xf32, #tpu.memory_space<vmem>>, vector<1000x16xf32>
    tpu.vector_store %arg4[%swap3A, %swap3A_6], %dot_general3A_5 {strides = array<i32>} : memref<1000x16xf32, #tpu.memory_space<vmem>>, vector<1000x16xf32>,
    %get3A_8 = arith.constant 0 : index
    %get3A_9 = arith.constant 0 : index
    %get3A_10 = vector.load %arg3[%get3A_8, %get3A_9] : memref<128x16xf32, #tpu.memory_space<vmem>>, vector<128x16xf32>
    %dot_general3A_11 = arith.constant dense<0.000000e+00> : vector<1000x16xf32>
    %dot_general3A_12 = tpu.matmul %get3A_1, %get3A_10, %dot_general3A_11 {dimension_numbers = #tpu.dot_dimension_numbers<[1], [0], [0], [1], [0, 0, 1, 1], [], []>, transpose_lhs_hint = false} : vector<1000x128xf32>, vector<128x16xf32>, vector<1000x16xf32> -> vector<1000x16xf32>
    %swap3A_13 = arith.constant 0 : index
    %swap3A_14 = arith.constant 0 : index
    %swap3A_15 = vector.load %arg5[%swap3A_13, %swap3A_14] : memref<1000x16xf32, #tpu.memory_space<vmem>>, vector<1000x16xf32>
    tpu.vector_store %arg5[%swap3A_13, %swap3A_14], %dot_general3A_12 {strides = array<i32>} : memref<1000x16xf32, #tpu.memory_space<vmem>>, vector<1000x16xf32>,
    return
  }
  func.func @transform_0(%arg0: i32) -> (i32, i32) {
    %c0_i32 = arith.constant 0 : i32
    %c0_i32_0 = arith.constant 0 : i32
    return %arg0, %c0_i32 : i32, i32
  }
  func.func @transform_1(%arg0: i32) -> (i32, i32) {
    %c0_i32 = arith.constant 0 : i32
    %c0_i32_0 = arith.constant 0 : i32
    %c0_i32_1 = arith.constant 0 : i32
    return %c0_i32, %c0_i32_0 : i32, i32
  }
  func.func @transform_2(%arg0: i32) -> (i32, i32) {
    %c0_i32 = arith.constant 0 : i32
    %c0_i32_0 = arith.constant 0 : i32
    %c0_i32_1 = arith.constant 0 : i32
    return %c0_i32, %c0_i32_0 : i32, i32
  }
  func.func @transform_3(%arg0: i32) -> (i32, i32) {
    %c0_i32 = arith.constant 0 : i32
    %c0_i32_0 = arith.constant 0 : i32
    return %arg0, %c0_i32 : i32, i32
  }
  func.func @transform_4(%arg0: i32) -> (i32, i32) {
    %c0_i32 = arith.constant 0 : i32
    %c0_i32_0 = arith.constant 0 : i32
    return %arg0, %c0_i32 : i32, i32
  }
}

module attributes {stable_mosaic.version = 14 : i64} {
  func.func @_edge_body(%arg0: i32, %arg1: memref<2000x128xf32, #tpu.memory_space<vmem>>, %arg2: memref<2000x128xf32, #tpu.memory_space<vmem>>, %arg3: memref<2000x128xf32, #tpu.memory_space<vmem>>, %arg4: memref<128x128xf32, #tpu.memory_space<vmem>>, %arg5: memref<128x128xf32, #tpu.memory_space<vmem>>, %arg6: memref<128x128xf32, #tpu.memory_space<vmem>>, %arg7: memref<1x128xf32, #tpu.memory_space<vmem>>, %arg8: memref<1x128xf32, #tpu.memory_space<vmem>>, %arg9: memref<1x128xf32, #tpu.memory_space<vmem>>, %arg10: memref<1x128xf32, #tpu.memory_space<vmem>>, %arg11: memref<2000x128xf32, #tpu.memory_space<vmem>>) attributes {dimension_semantics = [#tpu.dimension_semantics<arbitrary>], iteration_bounds = array<i64: 20>, scalar_prefetch = 0 : i64, scratch_operands = 0 : i64, tpu.core_type = #tpu.core_type<tc>, window_params = [{transform_indices = @transform_0, window_bounds = array<i64: 2000, 128>}, {transform_indices = @transform_1, window_bounds = array<i64: 2000, 128>}, {transform_indices = @transform_2, window_bounds = array<i64: 2000, 128>}, {pipeline_mode = #tpu.pipeline_mode<synchronous>, transform_indices = @transform_3, window_bounds = array<i64: 128, 128>}, {pipeline_mode = #tpu.pipeline_mode<synchronous>, transform_indices = @transform_4, window_bounds = array<i64: 128, 128>}, {pipeline_mode = #tpu.pipeline_mode<synchronous>, transform_indices = @transform_5, window_bounds = array<i64: 128, 128>}, {pipeline_mode = #tpu.pipeline_mode<synchronous>, transform_indices = @transform_6, window_bounds = array<i64: 1, 128>}, {pipeline_mode = #tpu.pipeline_mode<synchronous>, transform_indices = @transform_7, window_bounds = array<i64: 1, 128>}, {pipeline_mode = #tpu.pipeline_mode<synchronous>, transform_indices = @transform_8, window_bounds = array<i64: 1, 128>}, {pipeline_mode = #tpu.pipeline_mode<synchronous>, transform_indices = @transform_9, window_bounds = array<i64: 1, 128>}, {transform_indices = @transform_10, window_bounds = array<i64: 2000, 128>}]} {
    %get3A = arith.constant 0 : index
    %get3A_0 = arith.constant 0 : index
    %get3A_1 = vector.load %arg3[%get3A, %get3A_0] : memref<2000x128xf32, #tpu.memory_space<vmem>>, vector<2000x128xf32>
    %get3A_2 = arith.constant 0 : index
    %get3A_3 = arith.constant 0 : index
    %get3A_4 = vector.load %arg1[%get3A_2, %get3A_3] : memref<2000x128xf32, #tpu.memory_space<vmem>>, vector<2000x128xf32>
    %get3A_5 = arith.constant 0 : index
    %get3A_6 = arith.constant 0 : index
    %get3A_7 = vector.load %arg2[%get3A_5, %get3A_6] : memref<2000x128xf32, #tpu.memory_space<vmem>>, vector<2000x128xf32>
    %add3A = arith.addf %get3A_4, %get3A_7 : vector<2000x128xf32>
    %get3A_8 = arith.constant 0 : index
    %get3A_9 = arith.constant 0 : index
    %get3A_10 = vector.load %arg4[%get3A_8, %get3A_9] : memref<128x128xf32, #tpu.memory_space<vmem>>, vector<128x128xf32>
    %dot_general3A = arith.constant dense<0.000000e+00> : vector<2000x128xf32>
    %dot_general3A_11 = tpu.matmul %get3A_1, %get3A_10, %dot_general3A {dimension_numbers = #tpu.dot_dimension_numbers<[1], [0], [0], [1], [0, 0, 1, 1], [], []>, transpose_lhs_hint = false} : vector<2000x128xf32>, vector<128x128xf32>, vector<2000x128xf32> -> vector<2000x128xf32>
    %add3A_12 = arith.addf %add3A, %dot_general3A_11 : vector<2000x128xf32>
    %get3A_13 = arith.constant 0 : index
    %get3A_14 = arith.constant 0 : index
    %get3A_15 = vector.load %arg7[%get3A_13, %get3A_14] : memref<1x128xf32, #tpu.memory_space<vmem>>, vector<1x128xf32>
    %add3A_16 = vector.broadcast %get3A_15 : vector<1x128xf32> to vector<2000x128xf32>
    %add3A_17 = arith.addf %add3A_12, %add3A_16 : vector<2000x128xf32>
    %max3A = arith.constant 0.000000e+00 : f32
    %max3A_18 = vector.broadcast %max3A : f32 to vector<2000x128xf32>
    %max3A_19 = arith.maximumf %add3A_17, %max3A_18 : vector<2000x128xf32>
    %get3A_20 = arith.constant 0 : index
    %get3A_21 = arith.constant 0 : index
    %get3A_22 = vector.load %arg5[%get3A_20, %get3A_21] : memref<128x128xf32, #tpu.memory_space<vmem>>, vector<128x128xf32>
    %dot_general3A_23 = arith.constant dense<0.000000e+00> : vector<2000x128xf32>
    %dot_general3A_24 = tpu.matmul %max3A_19, %get3A_22, %dot_general3A_23 {dimension_numbers = #tpu.dot_dimension_numbers<[1], [0], [0], [1], [0, 0, 1, 1], [], []>, transpose_lhs_hint = false} : vector<2000x128xf32>, vector<128x128xf32>, vector<2000x128xf32> -> vector<2000x128xf32>
    %get3A_25 = arith.constant 0 : index
    %get3A_26 = arith.constant 0 : index
    %get3A_27 = vector.load %arg8[%get3A_25, %get3A_26] : memref<1x128xf32, #tpu.memory_space<vmem>>, vector<1x128xf32>
    %add3A_28 = vector.broadcast %get3A_27 : vector<1x128xf32> to vector<2000x128xf32>
    %add3A_29 = arith.addf %dot_general3A_24, %add3A_28 : vector<2000x128xf32>
    %get3A_30 = arith.constant 0 : index
    %get3A_31 = arith.constant 0 : index
    %get3A_32 = vector.load %arg6[%get3A_30, %get3A_31] : memref<128x128xf32, #tpu.memory_space<vmem>>, vector<128x128xf32>
    %dot_general3A_33 = arith.constant dense<0.000000e+00> : vector<2000x128xf32>
    %dot_general3A_34 = tpu.matmul %add3A_29, %get3A_32, %dot_general3A_33 {dimension_numbers = #tpu.dot_dimension_numbers<[1], [0], [0], [1], [0, 0, 1, 1], [], []>, transpose_lhs_hint = false} : vector<2000x128xf32>, vector<128x128xf32>, vector<2000x128xf32> -> vector<2000x128xf32>
    %sub3A = arith.subf %add3A_29, %dot_general3A_34 : vector<2000x128xf32>
    %mul3A = arith.mulf %sub3A, %sub3A : vector<2000x128xf32>
    %get3A_35 = arith.constant 0 : index
    %get3A_36 = arith.constant 0 : index
    %get3A_37 = vector.load %arg6[%get3A_35, %get3A_36] : memref<128x128xf32, #tpu.memory_space<vmem>>, vector<128x128xf32>
    %dot_general3A_38 = arith.constant dense<0.000000e+00> : vector<2000x128xf32>
    %dot_general3A_39 = tpu.matmul %mul3A, %get3A_37, %dot_general3A_38 {dimension_numbers = #tpu.dot_dimension_numbers<[1], [0], [0], [1], [0, 0, 1, 1], [], []>, transpose_lhs_hint = false} : vector<2000x128xf32>, vector<128x128xf32>, vector<2000x128xf32> -> vector<2000x128xf32>
    %add3A_40 = arith.constant 9.99999974E-6 : f32
    %add3A_41 = vector.broadcast %add3A_40 : f32 to vector<2000x128xf32>
    %add3A_42 = arith.addf %dot_general3A_39, %add3A_41 : vector<2000x128xf32>
    %rsqrt3A = math.rsqrt %add3A_42 : vector<2000x128xf32>
    %mul3A_43 = arith.mulf %sub3A, %rsqrt3A : vector<2000x128xf32>
    %get3A_44 = arith.constant 0 : index
    %get3A_45 = arith.constant 0 : index
    %get3A_46 = vector.load %arg9[%get3A_44, %get3A_45] : memref<1x128xf32, #tpu.memory_space<vmem>>, vector<1x128xf32>
    %mul3A_47 = vector.broadcast %get3A_46 : vector<1x128xf32> to vector<2000x128xf32>
    %mul3A_48 = arith.mulf %mul3A_43, %mul3A_47 : vector<2000x128xf32>
    %add3A_49 = arith.addf %get3A_1, %mul3A_48 : vector<2000x128xf32>
    %get3A_50 = arith.constant 0 : index
    %get3A_51 = arith.constant 0 : index
    %get3A_52 = vector.load %arg10[%get3A_50, %get3A_51] : memref<1x128xf32, #tpu.memory_space<vmem>>, vector<1x128xf32>
    %add3A_53 = vector.broadcast %get3A_52 : vector<1x128xf32> to vector<2000x128xf32>
    %add3A_54 = arith.addf %add3A_49, %add3A_53 : vector<2000x128xf32>
    %swap3A = arith.constant 0 : index
    %swap3A_55 = arith.constant 0 : index
    %swap3A_56 = vector.load %arg11[%swap3A, %swap3A_55] : memref<2000x128xf32, #tpu.memory_space<vmem>>, vector<2000x128xf32>
    tpu.vector_store %arg11[%swap3A, %swap3A_55], %add3A_54 {strides = array<i32>} : memref<2000x128xf32, #tpu.memory_space<vmem>>, vector<2000x128xf32>,
    return
  }
  func.func @transform_0(%arg0: i32) -> (i32, i32) {
    %c0_i32 = arith.constant 0 : i32
    %c0_i32_0 = arith.constant 0 : i32
    return %arg0, %c0_i32 : i32, i32
  }
  func.func @transform_1(%arg0: i32) -> (i32, i32) {
    %c0_i32 = arith.constant 0 : i32
    %c0_i32_0 = arith.constant 0 : i32
    return %arg0, %c0_i32 : i32, i32
  }
  func.func @transform_2(%arg0: i32) -> (i32, i32) {
    %c0_i32 = arith.constant 0 : i32
    %c0_i32_0 = arith.constant 0 : i32
    return %arg0, %c0_i32 : i32, i32
  }
  func.func @transform_3(%arg0: i32) -> (i32, i32) {
    %c0_i32 = arith.constant 0 : i32
    %c0_i32_0 = arith.constant 0 : i32
    %c0_i32_1 = arith.constant 0 : i32
    return %c0_i32, %c0_i32_0 : i32, i32
  }
  func.func @transform_4(%arg0: i32) -> (i32, i32) {
    %c0_i32 = arith.constant 0 : i32
    %c0_i32_0 = arith.constant 0 : i32
    %c0_i32_1 = arith.constant 0 : i32
    return %c0_i32, %c0_i32_0 : i32, i32
  }
  func.func @transform_5(%arg0: i32) -> (i32, i32) {
    %c0_i32 = arith.constant 0 : i32
    %c0_i32_0 = arith.constant 0 : i32
    %c0_i32_1 = arith.constant 0 : i32
    return %c0_i32, %c0_i32_0 : i32, i32
  }
  func.func @transform_6(%arg0: i32) -> (i32, i32) {
    %c0_i32 = arith.constant 0 : i32
    %c0_i32_0 = arith.constant 0 : i32
    %c0_i32_1 = arith.constant 0 : i32
    return %c0_i32, %c0_i32_0 : i32, i32
  }
  func.func @transform_7(%arg0: i32) -> (i32, i32) {
    %c0_i32 = arith.constant 0 : i32
    %c0_i32_0 = arith.constant 0 : i32
    %c0_i32_1 = arith.constant 0 : i32
    return %c0_i32, %c0_i32_0 : i32, i32
  }
  func.func @transform_8(%arg0: i32) -> (i32, i32) {
    %c0_i32 = arith.constant 0 : i32
    %c0_i32_0 = arith.constant 0 : i32
    %c0_i32_1 = arith.constant 0 : i32
    return %c0_i32, %c0_i32_0 : i32, i32
  }
  func.func @transform_9(%arg0: i32) -> (i32, i32) {
    %c0_i32 = arith.constant 0 : i32
    %c0_i32_0 = arith.constant 0 : i32
    %c0_i32_1 = arith.constant 0 : i32
    return %c0_i32, %c0_i32_0 : i32, i32
  }
  func.func @transform_10(%arg0: i32) -> (i32, i32) {
    %c0_i32 = arith.constant 0 : i32
    %c0_i32_0 = arith.constant 0 : i32
    return %arg0, %c0_i32 : i32, i32
  }
}

module attributes {stable_mosaic.version = 14 : i64} {
  func.func @_node_body(%arg0: i32, %arg1: memref<1000x128xf32, #tpu.memory_space<vmem>>, %arg2: memref<1000x16xf32, #tpu.memory_space<vmem>>, %arg3: memref<1000x16xf32, #tpu.memory_space<vmem>>, %arg4: memref<128x16xf32, #tpu.memory_space<vmem>>, %arg5: memref<16x16xf32, #tpu.memory_space<vmem>>, %arg6: memref<16x128xf32, #tpu.memory_space<vmem>>, %arg7: memref<1x16xf32, #tpu.memory_space<vmem>>, %arg8: memref<1x128xf32, #tpu.memory_space<vmem>>, %arg9: memref<1x128xf32, #tpu.memory_space<vmem>>, %arg10: memref<1x128xf32, #tpu.memory_space<vmem>>, %arg11: memref<1000x128xf32, #tpu.memory_space<vmem>>) attributes {dimension_semantics = [#tpu.dimension_semantics<arbitrary>], iteration_bounds = array<i64: 10>, scalar_prefetch = 0 : i64, scratch_operands = 0 : i64, tpu.core_type = #tpu.core_type<tc>, window_params = [{transform_indices = @transform_0, window_bounds = array<i64: 1000, 128>}, {transform_indices = @transform_1, window_bounds = array<i64: 1000, 16>}, {transform_indices = @transform_2, window_bounds = array<i64: 1000, 16>}, {pipeline_mode = #tpu.pipeline_mode<synchronous>, transform_indices = @transform_3, window_bounds = array<i64: 128, 16>}, {pipeline_mode = #tpu.pipeline_mode<synchronous>, transform_indices = @transform_4, window_bounds = array<i64: 16, 16>}, {pipeline_mode = #tpu.pipeline_mode<synchronous>, transform_indices = @transform_5, window_bounds = array<i64: 16, 128>}, {pipeline_mode = #tpu.pipeline_mode<synchronous>, transform_indices = @transform_6, window_bounds = array<i64: 1, 16>}, {pipeline_mode = #tpu.pipeline_mode<synchronous>, transform_indices = @transform_7, window_bounds = array<i64: 1, 128>}, {pipeline_mode = #tpu.pipeline_mode<synchronous>, transform_indices = @transform_8, window_bounds = array<i64: 1, 128>}, {pipeline_mode = #tpu.pipeline_mode<synchronous>, transform_indices = @transform_9, window_bounds = array<i64: 1, 128>}, {transform_indices = @transform_10, window_bounds = array<i64: 1000, 128>}]} {
    %get3A = arith.constant 0 : index
    %get3A_0 = arith.constant 0 : index
    %get3A_1 = vector.load %arg1[%get3A, %get3A_0] : memref<1000x128xf32, #tpu.memory_space<vmem>>, vector<1000x128xf32>
    %get3A_2 = arith.constant 0 : index
    %get3A_3 = arith.constant 0 : index
    %get3A_4 = vector.load %arg2[%get3A_2, %get3A_3] : memref<1000x16xf32, #tpu.memory_space<vmem>>, vector<1000x16xf32>
    %get3A_5 = arith.constant 0 : index
    %get3A_6 = arith.constant 0 : index
    %get3A_7 = vector.load %arg3[%get3A_5, %get3A_6] : memref<1000x16xf32, #tpu.memory_space<vmem>>, vector<1000x16xf32>
    %add3A = arith.addf %get3A_4, %get3A_7 : vector<1000x16xf32>
    %get3A_8 = arith.constant 0 : index
    %get3A_9 = arith.constant 0 : index
    %get3A_10 = vector.load %arg4[%get3A_8, %get3A_9] : memref<128x16xf32, #tpu.memory_space<vmem>>, vector<128x16xf32>
    %dot_general3A = arith.constant dense<0.000000e+00> : vector<1000x16xf32>
    %dot_general3A_11 = tpu.matmul %get3A_1, %get3A_10, %dot_general3A {dimension_numbers = #tpu.dot_dimension_numbers<[1], [0], [0], [1], [0, 0, 1, 1], [], []>, transpose_lhs_hint = false} : vector<1000x128xf32>, vector<128x16xf32>, vector<1000x16xf32> -> vector<1000x16xf32>
    %get3A_12 = arith.constant 0 : index
    %get3A_13 = arith.constant 0 : index
    %get3A_14 = vector.load %arg5[%get3A_12, %get3A_13] : memref<16x16xf32, #tpu.memory_space<vmem>>, vector<16x16xf32>
    %dot_general3A_15 = arith.constant dense<0.000000e+00> : vector<1000x16xf32>
    %dot_general3A_16 = tpu.matmul %add3A, %get3A_14, %dot_general3A_15 {dimension_numbers = #tpu.dot_dimension_numbers<[1], [0], [0], [1], [0, 0, 1, 1], [], []>, transpose_lhs_hint = false} : vector<1000x16xf32>, vector<16x16xf32>, vector<1000x16xf32> -> vector<1000x16xf32>
    %add3A_17 = arith.addf %dot_general3A_11, %dot_general3A_16 : vector<1000x16xf32>
    %get3A_18 = arith.constant 0 : index
    %get3A_19 = arith.constant 0 : index
    %get3A_20 = vector.load %arg7[%get3A_18, %get3A_19] : memref<1x16xf32, #tpu.memory_space<vmem>>, vector<1x16xf32>
    %add3A_21 = vector.broadcast %get3A_20 : vector<1x16xf32> to vector<1000x16xf32>
    %add3A_22 = arith.addf %add3A_17, %add3A_21 : vector<1000x16xf32>
    %max3A = arith.constant 0.000000e+00 : f32
    %max3A_23 = vector.broadcast %max3A : f32 to vector<1000x16xf32>
    %max3A_24 = arith.maximumf %add3A_22, %max3A_23 : vector<1000x16xf32>
    %get3A_25 = arith.constant 0 : index
    %get3A_26 = arith.constant 0 : index
    %get3A_27 = vector.load %arg6[%get3A_25, %get3A_26] : memref<16x128xf32, #tpu.memory_space<vmem>>, vector<16x128xf32>
    %dot_general3A_28 = arith.constant dense<0.000000e+00> : vector<1000x128xf32>
    %dot_general3A_29 = tpu.matmul %max3A_24, %get3A_27, %dot_general3A_28 {dimension_numbers = #tpu.dot_dimension_numbers<[1], [0], [0], [1], [0, 0, 1, 1], [], []>, transpose_lhs_hint = false} : vector<1000x16xf32>, vector<16x128xf32>, vector<1000x128xf32> -> vector<1000x128xf32>
    %get3A_30 = arith.constant 0 : index
    %get3A_31 = arith.constant 0 : index
    %get3A_32 = vector.load %arg8[%get3A_30, %get3A_31] : memref<1x128xf32, #tpu.memory_space<vmem>>, vector<1x128xf32>
    %add3A_33 = vector.broadcast %get3A_32 : vector<1x128xf32> to vector<1000x128xf32>
    %add3A_34 = arith.addf %dot_general3A_29, %add3A_33 : vector<1000x128xf32>
    %reduce_sum3A = arith.constant dense<0.000000e+00> : vector<1000xf32>
    %reduce_sum3A_35 = vector.multi_reduction <add>, %add3A_34, %reduce_sum3A [1] : vector<1000x128xf32> to vector<1000xf32>
    %broadcast_in_dim3A = vector.shape_cast %reduce_sum3A_35 : vector<1000xf32> to vector<1000x1xf32>
    %div3A = arith.constant 1.280000e+02 : f32
    %div3A_36 = vector.broadcast %div3A : f32 to vector<1000x1xf32>
    %div3A_37 = arith.divf %broadcast_in_dim3A, %div3A_36 : vector<1000x1xf32>
    %sub3A = vector.broadcast %div3A_37 : vector<1000x1xf32> to vector<1000x128xf32>
    %sub3A_38 = arith.subf %add3A_34, %sub3A : vector<1000x128xf32>
    %mul3A = arith.mulf %sub3A_38, %sub3A_38 : vector<1000x128xf32>
    %reduce_sum3A_39 = arith.constant dense<0.000000e+00> : vector<1000xf32>
    %reduce_sum3A_40 = vector.multi_reduction <add>, %mul3A, %reduce_sum3A_39 [1] : vector<1000x128xf32> to vector<1000xf32>
    %broadcast_in_dim3A_41 = vector.shape_cast %reduce_sum3A_40 : vector<1000xf32> to vector<1000x1xf32>
    %div3A_42 = arith.constant 1.280000e+02 : f32
    %div3A_43 = vector.broadcast %div3A_42 : f32 to vector<1000x1xf32>
    %div3A_44 = arith.divf %broadcast_in_dim3A_41, %div3A_43 : vector<1000x1xf32>
    %add3A_45 = arith.constant 9.99999974E-6 : f32
    %add3A_46 = vector.broadcast %add3A_45 : f32 to vector<1000x1xf32>
    %add3A_47 = arith.addf %div3A_44, %add3A_46 : vector<1000x1xf32>
    %rsqrt3A = math.rsqrt %add3A_47 : vector<1000x1xf32>
    %mul3A_48 = vector.broadcast %rsqrt3A : vector<1000x1xf32> to vector<1000x128xf32>
    %mul3A_49 = arith.mulf %sub3A_38, %mul3A_48 : vector<1000x128xf32>
    %get3A_50 = arith.constant 0 : index
    %get3A_51 = arith.constant 0 : index
    %get3A_52 = vector.load %arg9[%get3A_50, %get3A_51] : memref<1x128xf32, #tpu.memory_space<vmem>>, vector<1x128xf32>
    %mul3A_53 = vector.broadcast %get3A_52 : vector<1x128xf32> to vector<1000x128xf32>
    %mul3A_54 = arith.mulf %mul3A_49, %mul3A_53 : vector<1000x128xf32>
    %add3A_55 = arith.addf %get3A_1, %mul3A_54 : vector<1000x128xf32>
    %get3A_56 = arith.constant 0 : index
    %get3A_57 = arith.constant 0 : index
    %get3A_58 = vector.load %arg10[%get3A_56, %get3A_57] : memref<1x128xf32, #tpu.memory_space<vmem>>, vector<1x128xf32>
    %add3A_59 = vector.broadcast %get3A_58 : vector<1x128xf32> to vector<1000x128xf32>
    %add3A_60 = arith.addf %add3A_55, %add3A_59 : vector<1000x128xf32>
    %swap3A = arith.constant 0 : index
    %swap3A_61 = arith.constant 0 : index
    %swap3A_62 = vector.load %arg11[%swap3A, %swap3A_61] : memref<1000x128xf32, #tpu.memory_space<vmem>>, vector<1000x128xf32>
    tpu.vector_store %arg11[%swap3A, %swap3A_61], %add3A_60 {strides = array<i32>} : memref<1000x128xf32, #tpu.memory_space<vmem>>, vector<1000x128xf32>,
    return
  }
  func.func @transform_0(%arg0: i32) -> (i32, i32) {
    %c0_i32 = arith.constant 0 : i32
    %c0_i32_0 = arith.constant 0 : i32
    return %arg0, %c0_i32 : i32, i32
  }
  func.func @transform_1(%arg0: i32) -> (i32, i32) {
    %c0_i32 = arith.constant 0 : i32
    %c0_i32_0 = arith.constant 0 : i32
    return %arg0, %c0_i32 : i32, i32
  }
  func.func @transform_2(%arg0: i32) -> (i32, i32) {
    %c0_i32 = arith.constant 0 : i32
    %c0_i32_0 = arith.constant 0 : i32
    return %arg0, %c0_i32 : i32, i32
  }
  func.func @transform_3(%arg0: i32) -> (i32, i32) {
    %c0_i32 = arith.constant 0 : i32
    %c0_i32_0 = arith.constant 0 : i32
    %c0_i32_1 = arith.constant 0 : i32
    return %c0_i32, %c0_i32_0 : i32, i32
  }
  func.func @transform_4(%arg0: i32) -> (i32, i32) {
    %c0_i32 = arith.constant 0 : i32
    %c0_i32_0 = arith.constant 0 : i32
    %c0_i32_1 = arith.constant 0 : i32
    return %c0_i32, %c0_i32_0 : i32, i32
  }
  func.func @transform_5(%arg0: i32) -> (i32, i32) {
    %c0_i32 = arith.constant 0 : i32
    %c0_i32_0 = arith.constant 0 : i32
    %c0_i32_1 = arith.constant 0 : i32
    return %c0_i32, %c0_i32_0 : i32, i32
  }
  func.func @transform_6(%arg0: i32) -> (i32, i32) {
    %c0_i32 = arith.constant 0 : i32
    %c0_i32_0 = arith.constant 0 : i32
    %c0_i32_1 = arith.constant 0 : i32
    return %c0_i32, %c0_i32_0 : i32, i32
  }
  func.func @transform_7(%arg0: i32) -> (i32, i32) {
    %c0_i32 = arith.constant 0 : i32
    %c0_i32_0 = arith.constant 0 : i32
    %c0_i32_1 = arith.constant 0 : i32
    return %c0_i32, %c0_i32_0 : i32, i32
  }
  func.func @transform_8(%arg0: i32) -> (i32, i32) {
    %c0_i32 = arith.constant 0 : i32
    %c0_i32_0 = arith.constant 0 : i32
    %c0_i32_1 = arith.constant 0 : i32
    return %c0_i32, %c0_i32_0 : i32, i32
  }
  func.func @transform_9(%arg0: i32) -> (i32, i32) {
    %c0_i32 = arith.constant 0 : i32
    %c0_i32_0 = arith.constant 0 : i32
    %c0_i32_1 = arith.constant 0 : i32
    return %c0_i32, %c0_i32_0 : i32, i32
  }
  func.func @transform_10(%arg0: i32) -> (i32, i32) {
    %c0_i32 = arith.constant 0 : i32
    %c0_i32_0 = arith.constant 0 : i32
    return %arg0, %c0_i32 : i32, i32
  }
}

</mosaic_0001>

<sc_bundles>
// kernel: kernel.10.cloned.1.call-start
scs
__scs_entry_jumppad:
0x0: {  	(pc) =	sbr.rel $0x88, $3  }
0x1: {  	(tag) =	ssettag $0x0;
	lr =	simm.s32 $0x1  }
0x2: {  	[smem:$0x3F92] =	sst lr;
	_ =	strace $0xD0000000  }
0x3: {  	_ = 	snop  }
0x4: {  	_ = 	snop  }
0x5: {  	_ = 	snop  }
0x6: {  	_ = 	snop  }
0x7: {  	_ = 	snop  }
__scs_overlays_trampoline_lowered:
0x8: {  	[smem:$0x3FA1] =	sst s0  }
0x9: {  	[smem:$0x3FA2] =	sst s1  }
0xa: {  	[smem:$0x3FA3] =	sst s2  }
0xb: {  	[smem:$0x3FA4] =	sst s3  }
0xc: {  	[smem:$0x3FA5] =	sst s4  }
0xd: {  	[smem:$0x3FA6] =	sst s5  }
0xe: {  	[smem:$0x3FA7] =	sst s6  }
0xf: {  	[smem:$0x3FA8] =	sst s7  }
0x10: {  	[smem:$0x3FA9] =	sst s8  }
0x11: {  	[smem:$0x3FAA] =	sst s9;
	s0 =	simm.s32 @!p0 $0x0  }
0x12: {  	s1 =	sld [smem:$0x3F90];
	s0 =	simm.s32 @p0 $0x1  }
0x13: {  	[smem:$0x3FAB] =	sst s0;
	s0 =	simm.s32 @!p1 $0x0  }
0x14: {  	s2 =	sld [smem:$0x3F8F];
	s0 =	simm.s32 @p1 $0x1  }
0x15: {  	[smem:$0x3FAC] =	sst s0;
	s0 =	simm.s32 @!p2 $0x0  }
0x16: {  	s3 =	sld [smem:$0x3FDB];
	s0 =	simm.s32 @p2 $0x1  }
0x17: {  	s4 =	simm.s32 $0x1BF5;
	[smem:$0x3FAE] =	sst s0  }
0x18: {  	s0 =	sld [smem:$0x3F91];
	_ =	swait.ge [sflag:s4], $0x0  }
0x19: {  	s7 =	sld [smem:$0x3F92]  }
0x1a: {  	s8 =	sadd.s32 $0xFFFFE003, lr  }
0x1b: {  	s9 =	sadd.s32 $0xFFFFFEF7, lr;
	s5 =	simm.s32 $0xFFFFFFFF;
	p2 =	slt.u32 s8, $0xFFFFF086  }
0x1c: {  	p1 =	slt.u32 s9, $0xF7A;
	s5 =	simm.s32 @!p2 $0x0  }
0x1d: {  	s5 =	simm.s32 @p1 $0x1;
	p0 =	seq.s32 s7, s2  }
0x1e: {  	s7 =	smul.u32 @!p0 $0xF7A, s2;
	p2 =	seq.s32 @!p0 s5, $0x0  }
0x1f: {  	s9 =	smul.u32 $0xF7A, s1;
	s8 =	simm.s32 @!p0 $0x1BF5;
	p2 =	por !p2, p0  }
0x20: {  	[sflag:s8] =	ssyncset.s32 @!p0 $0xFFFFF086;
	s6 =	sadd.s32 @!p0 s3, s7;
	s7 =	simm.s32 @!p0 $0x108  }
0x21: {  	s3 =	sadd.s32 s3, s9;
	s6 =	sadd.s32 @!p0 $0x88, s6;
	s7 =	simm.s32 @p2 $0x1082  }
0x22: {  	[simem:s7], [sflag:s8] =	dma.local @!p0 [hbm:s6], $0xF7A  }
0x23: {  	s9 =	sor.u32 $0xD0000000, s2;
	s6 =	simm.s32 $0x108;
	_ =	swait.ge @!p0 [sflag:s8], $0x0  }
0x24: {  	s3 =	sadd.s32 $0x88, s3;
	s6 =	simm.s32 @!p1 $0x1082;
	[sflag:s4] =	ssyncset.s32 $0xFFFFF086  }
0x25: {  	[simem:s6], [sflag:s4] =	dma.local [hbm:s3], $0xF7A  }
0x26: {  	[smem:$0x3F92] =	sst s1;
	(tag) =	ssettag s2;
	_ =	strace s9  }
0x27: {  	s1 =	sld [smem:$0x3FA2]  }
0x28: {  	s2 =	sld [smem:$0x3FA3]  }
0x29: {  	s4 =	sld [smem:$0x3FA5]  }
0x2a: {  	p0 =	seq.s32 s5, $0x0;
	s5 =	sld [smem:$0x3FA6]  }
0x2b: {  	s6 =	sld [smem:$0x3FA7]  }
0x2c: {  	s7 =	sld [smem:$0x3FA8]  }
0x2d: {  	s3 =	simm.s32 $0x108;
	s8 =	sld [smem:$0x3FA9]  }
0x2e: {  	s3 =	simm.s32 @!p0 $0x1082;
	s9 =	sld [smem:$0x3FAA]  }
0x2f: {  	lr =	sadd.s32 s0, s3;
	s0 =	sld [smem:$0x3FA1]  }
0x30: {  	s3 =	sld [smem:$0x3FA4]  }
0x31: {  	[smem:$0x3FAD] =	sst s10  }
0x32: {  	s10 =	sld [smem:$0x3FAB];
	_ =	sdelay $0x3  }
0x33: {  	p0 =	seq.s32 s10, $0x1;
	s10 =	sld [smem:$0x3FAD];
	_ =	sdelay $0x3  }
0x34: {  	[smem:$0x3FAD] =	sst s10  }
0x35: {  	s10 =	sld [smem:$0x3FAC];
	_ =	sdelay $0x3  }
0x36: {  	p1 =	seq.s32 s10, $0x1;
	s10 =	sld [smem:$0x3FAD];
	_ =	sdelay $0x3  }
0x37: {  	[smem:$0x3FAD] =	sst s10  }
0x38: {  	s10 =	sld [smem:$0x3FAE]  }
0x39: {  	_ = 	snop;
	(pc) =	sbr.ind lr, $3  }
0x3a: {  	_ = 	snop  }
0x3b: {  	_ = 	snop  }
0x3c: {  	p2 =	seq.s32 s10, $0x1;
	s10 =	sld [smem:$0x3FAD]  }
0x3d: {  	_ =	shalt  }
0x3e: {  	_ =	shalt  }
0x3f: {  	_ =	shalt  }
0x40: {  	_ =	shalt  }
0x41: {  	_ =	shalt  }
0x42: {  	_ =	shalt  }
0x43: {  	_ =	shalt  }
0x44: {  	_ =	shalt  }
0x45: {  	_ =	shalt  }
0x46: {  	_ =	shalt  }
0x47: {  	_ =	shalt  }
0x48: {  	_ =	shalt  }
0x49: {  	_ =	shalt  }
0x4a: {  	_ =	shalt  }
0x4b: {  	_ =	shalt  }
0x4c: {  	_ =	shalt  }
0x4d: {  	_ =	shalt  }
0x4e: {  	_ =	shalt  }
0x4f: {  	_ =	shalt  }
0x50: {  	_ =	shalt  }
0x51: {  	_ =	shalt  }
0x52: {  	_ =	shalt  }
0x53: {  	_ =	shalt  }
0x54: {  	_ =	shalt  }
0x55: {  	_ =	shalt  }
0x56: {  	_ =	shalt  }
0x57: {  	_ =	shalt  }
0x58: {  	_ =	shalt  }
0x59: {  	_ =	shalt  }
0x5a: {  	_ =	shalt  }
0x5b: {  	_ =	shalt  }
0x5c: {  	_ =	shalt  }
0x5d: {  	_ =	shalt  }
0x5e: {  	_ =	shalt  }
0x5f: {  	_ =	shalt  }
0x60: {  	_ =	shalt  }
0x61: {  	_ =	shalt  }
0x62: {  	_ =	shalt  }
0x63: {  	_ =	shalt  }
0x64: {  	_ =	shalt  }
0x65: {  	_ =	shalt  }
0x66: {  	_ =	shalt  }
0x67: {  	_ =	shalt  }
0x68: {  	_ =	shalt  }
0x69: {  	_ =	shalt  }
0x6a: {  	_ =	shalt  }
0x6b: {  	_ =	shalt  }
0x6c: {  	_ =	shalt  }
0x6d: {  	_ =	shalt  }
0x6e: {  	_ =	shalt  }
0x6f: {  	_ =	shalt  }
0x70: {  	_ =	shalt  }
0x71: {  	_ =	shalt  }
0x72: {  	_ =	shalt  }
0x73: {  	_ =	shalt  }
0x74: {  	_ =	shalt  }
0x75: {  	_ =	shalt  }
0x76: {  	_ =	shalt  }
0x77: {  	_ =	shalt  }
0x78: {  	_ =	shalt  }
0x79: {  	_ =	shalt  }
0x7a: {  	_ =	shalt  }
0x7b: {  	_ =	shalt  }
0x7c: {  	_ =	shalt  }
0x7d: {  	_ =	shalt  }
0x7e: {  	_ =	shalt  }
0x7f: {  	_ =	shalt  }
0x80: {  	_ =	shalt  }
0x81: {  	_ =	shalt  }
0x82: {  	_ =	shalt  }
0x83: {  	_ =	shalt  }
0x84: {  	_ =	shalt  }
0x85: {  	_ =	shalt  }
0x86: {  	_ =	shalt  }
0x87: {  	_ =	shalt  }
.Lfunc_end0:
.L_simem_size_0:
called_computation.1_lowered:
.L_overlay_start_0:
0x88: {  	s2 =	sld [smem:$0x3FD9]  }
0x89: {  	s3 =	sld [smem:$0x3FFE];
	_ =	sdelay $0x1  }
0x8a: {  	s1 =	srdreg.scid  }
0x8b: {  	s0 =	sand.u32 $0x1, s1  }
0x8c: {  	s14 =	sshll.u32 s0, $0xA;
	s2 =	sadd.s32 s3, s2  }
0x8d: {  	s2 =	sadd.s32 s2, s14  }
0x8e: {  	[smem:$0x3FB9] =	sst s2  }
0x8f: {  	_ = 	snop  }
0x90: {  	s2 =	sld [smem:$0x3FD0];
	_ =	sdelay $0x2  }
0x91: {  	s15 =	simm.s32 $0xA;
	s4 =	simm.s32 $0x10  }
0x92: {  	[smem:s4], [sflag:s15] =	dma.local [hbm:s2], $0x1  }
0x93: {  	_ =	swait.eq [sflag:s15], $0x1  }
0x94: {  	[sflag:s15] =	ssyncset.done $0x0  }
0x95: {  	[sflag:s15] =	ssyncadd.s32 $0xFFFFFFFF  }
0x96: {  	s16 =	sld [smem:$0x10];
	(tm) =	ssettm $0x1  }
0x97: {  	s17 =	sld [smem:$0x3FFB];
	_ =	sdelay $0x3  }
0x98: {  	_ =	strace s17  }
0x99: {  	s3 =	sld [smem:$0x3FFC];
	_ =	sdelay $0x3  }
0x9a: {  	_ =	strace s3  }
0x9b: {  	s3 =	sld [smem:$0x3FFD];
	_ =	sdelay $0x3  }
0x9c: {  	_ =	strace s3  }
0x9d: {  	_ =	strace $0x8FFFFFFF  }
0x9e: {  	s18 =	sld [smem:$0x3FDB];
	_ =	sdelay $0x1  }
0x9f: {  	s19 =	simm.s32 $_scs_section_size  }
0xa0: {  	s5 =	simm.s32 $_size__tile_overlayer_lowered;
	s6 =	simm.s32 $_tile_overlayer_lowered  }
0xa1: {  	s22 =	simm.s32 $0x1BFF;
	s21 =	sshll.u32 s6, $0x1;
	s3 =	sadd.s32 s19, s18  }
0xa2: {  	s7 =	simm.s32 $0x0;
	s20 =	sshll.u32 s5, $0x1;
	s5 =	sadd.s32 s21, s3  }
0xa3: {  	[timem:s7], [sflag:s22] =	dma.local [hbm:s5], s20  }
0xa4: {  	_ =	swait.ge [sflag:s22], s20  }
0xa5: {  	s4 =	ssub.s32 $0x0, s20;
	[sflag:s22] =	ssyncset.done $0x0  }
0xa6: {  	[sflag:s22] =	ssyncadd.s32 s4;
	_ =	sdelay $0x1  }
0xa7: {  	s23 =	simm.s32 $0x1B8B  }
0xa8: {  	_ =	swait.ge [sflag:s23], $0x1  }
0xa9: {  	[sflag:s23] =	ssyncset.done $0x0  }
0xaa: {  	s25 =	simm.s32 $0x1B8E;
	s24 =	sld [smem:$0x3FFE];
	[sflag:s23] =	ssyncadd.s32 $0xFFFFFFFF  }
0xab: {  	s26 =	simm.s32 $execute0_lowered;
	[smem:$0x3FD2] =	sst s25  }
0xac: {  	s5 =	sshll.u32 s26, $0x1;
	_ =	strace $0x80000049;
	[dreg:$0x1] =	wrdreg $0xFFFFFFFF  }
0xad: {  	s28 =	simm.s32 $_size_execute0_lowered;
	s3 =	sadd.s32 s3, s5;
	[dreg:$0x0] =	wrdreg $0x0  }
0xae: {  	s5 =	sshll.u32 s28, $0x1;
	[dreg:$0x2] =	wrdreg s3  }
0xaf: {  	[dreg:$0x3] =	wrdreg s5  }
0xb0: {  	[dreg:$0x4] =	wrdreg $0xC0  }
0xb1: {  	_ =	task [dreg:s7], $0x5FFFF  }
0xb2: {  	[dreg:$0x1] =	wrdreg $0xFFFFFFFF  }
0xb3: {  	[dreg:$0x0] =	wrdreg $0x60  }
0xb4: {  	[dreg:$0x2] =	wrdreg s24  }
0xb5: {  	[dreg:$0x3] =	wrdreg s16  }
0xb6: {  	[dreg:$0x4] =	wrdreg $0xC8000  }
0xb7: {  	[dreg:$0x5] =	wrdreg $0x9  }
0xb8: {  	_ =	task.clear_ibuf [dreg:s7], $0x6FFFF;
	_ =	strace $0x90000049  }
0xb9: {  	s29 =	simm.s32 $0x9;
	_ =	strace $0x8000004B  }
0xba: {  	_ =	swait.ge [sflag:s29], $0x1  }
0xbb: {  	[sflag:s29] =	ssyncadd.s32 $0xFFFFFFFF  }
0xbc: {  	_ =	strace $0x9000004B  }
0xbd: {  	_ =	sfence  }
0xbe: {  	s30 =	sld [smem:$0x0];
	_ =	sdelay $0x2  }
0xbf: {  	s31 =	sshll.u32 s1, $0xD;
	s1 =	sshrl.u32 s1, $0x2  }
0xc0: {  	s3 =	sand.u32 $0x4000, s31;
	s1 =	sadd.s32 s1, s30  }
0xc1: {  	s0 =	sor.u32 s3, s0;
	s1 =	sshll.u32 s1, $0x11  }
0xc2: {  	s0 =	sor.u32 s1, s0  }
0xc3: {  	s0 =	sadd.s32 $0x8F2B, s0  }
0xc4: {  	[sflag:s0] =	ssyncadd.remote.s32 $0x1  }
0xc5: {  	_ =	sfence.sel $0xFFFF  }
0xc6: {  	[dreg:$0x0] =	wrdreg $0xFFFFFFFF;
	(pc) =	sbr.abs _section_cstart, $3  }
0xc7: {  	[dreg:$0x1] =	wrdreg $0xFFFFFFFF  }
0xc8: {  	_ =	task.clear_ibuf [dreg:s7], $0x2FFFF;
	_ =	strace $0x9FFFFFFF  }
0xc9: {  	(tm) =	ssettm $0x7FFFFFFF  }
tec
execute0_lowered:
.L_overlay_start_1:
0x0: {  	(tag) =	ssettag $0x1  }
0x1: {  	s1 =	srdreg.scid;
	s0 =	stileid.u32  }
0x2: {  	s4 =	rddreg [dreg:$0x0];
	s7 =	sand.u32 $0x1, s1;
	s12 =	sshll.u32 s0, $0x1  }
0x3: {  	s8 =	rddreg [dreg:$0x1];
	s13 =	smul.u32 $0x6, s0;
	s2 =	sor.u32 s7, s12  }
0x4: {  	s17 =	simm.s32 $0x3000;
	s5 =	smul.u32 $0x3, s7;
	s3 =	smin.u32 s2, $0x1D  }
0x5: {  	s18 =	simm.s32 $0x3800;
	s6 =	smul.u32 $0x3, s2;
	s3 =	sadd.s32 s13, s3  }
0x6: {  	s1 =	rddreg [dreg:$0x2];
	p0 =	slt.u32 s2, $0x1D;
	s3 =	sadd.s32 s5, s3  }
0x7: {  	s2 =	sshll.u32 s2, $0x2;
	s5 =	sadd.s32 $0x1D, s6;
	s14 =	smul.u32 $0x1400, s3  }
0x8: {  	s5 =	smov.u32 @p0 s2;
	s2 =	rddreg [dreg:$0x3];
	s3 =	simm.s32 $0x0  }
0x9: {  	s19 =	simm.s32 $0x4000;
	s20 =	simm.s32 $0x5000;
	[smem:$0x7FF] =	sst s3  }
0xa: {  	s22 =	simm.s32 $0x5800;
	_ =	strace $0x8000004A;
	[dreg:$0x4] =	wrdreg s17  }
0xb: {  	s23 =	simm.s32 $0x6000;
	s24 =	simm.s32 $0x6800;
	[dreg:$0x5] =	wrdreg s18  }
0xc: {  	s25 =	simm.s32 $0x7000;
	s26 =	simm.s32 $0x7800;
	[dreg:$0x6] =	wrdreg s19  }
0xd: {  	s28 =	simm.s32 $0x8000;
	s29 =	simm.s32 $0x8800;
	[dreg:$0x8] =	wrdreg s20  }
0xe: {  	s30 =	simm.s32 $0x9000;
	s31 =	simm.s32 $0x9800;
	[dreg:$0x9] =	wrdreg s22  }
0xf: {  	s9 =	smul.u32 $0x2710, s0;
	s16 =	ssub.s32 $0x2, s7;
	[dreg:$0xa] =	wrdreg s23  }
0x10: {  	s21 =	smul.u32 $0x27100, s7;
	s12 =	sshrl.u32 s16, $0x1;
	[dreg:$0xb] =	wrdreg s24  }
0x11: {  	s15 =	sshrl.u32 s9, $0x3;
	s12 =	ssub.s32 s16, s12;
	[dreg:$0xc] =	wrdreg s25  }
0x12: {  	s13 =	sadd.s32 s9, s1;
	s9 =	sadd.s32 s9, s21;
	[dreg:$0xd] =	wrdreg s26  }
0x13: {  	s16 =	simm.s32 $0xA800;
	s9 =	sshrl.u32 s9, $0x3;
	[dreg:$0xe] =	wrdreg s28  }
0x14: {  	s8 =	sadd.s32 s8, s9;
	s9 =	smax.u32 s12, $0x1;
	[dreg:$0xf] =	wrdreg s29  }
0x15: {  	s12 =	simm.s32 $0x1;
	s5 =	smul.u32 $0x140, s5;
	[dreg:$0x10] =	wrdreg s30  }
0x16: {  	s10 =	sadd.s32 s14, s4;
	s14 =	sshll.u32 s0, $0x6;
	[dreg:$0x11] =	wrdreg s31  }
0x17: {  	s17 =	simm.s32 $0xB000;
	s18 =	simm.s32 $0xB800;
	s19 =	simm.s32 $0xC000  }
0x18: {  	s20 =	simm.s32 $0x0;
	s11 =	sadd.s32 s5, s4;
	s5 =	sadd.s32 s15, s4  }
0x19: {  	s4 =	simm.s32 $0x4;
	s15 =	simm.s32 $0x4800;
	s6 =	sor.u32 $0x1C01, s14  }
0x1a: {  	s10 =	sadd.s32 $0x1A000, s10;
	s14 =	simm.s32 $0x80;
	s4 =	simm.s32 @!p0 $0x3  }
0x1b: {  	s5 =	sadd.s32 $0x6200, s5;
	[dreg:$0x7] =	wrdreg s15;
	s7 =	sadd.s32 $0x10200, s11  }
0x1c: {  	s11 =	sshrl.u32 s13, $0x3;
	s13 =	simm.s32 $0x2800;
	s15 =	simm.s32 $0xA000  }
.LBB2_1:
0x1d: {  	[spmem:s11], [sflag:s6] =	dma.local [hbm:s5], $0x4E2  }
0x1e: {  	_ =	swait.ge [sflag:s12], $0x4E2  }
0x1f: {  	[sflag:s12] =	ssyncset.done $0x0  }
0x20: {  	[sflag:s12] =	ssyncadd.s32 $0xFFFFFB1E  }
0x21: {  	[tilespmem:s3], [sflag:$0x1] =	stream.linear.gather [hbm4b:s7+s3], $0x2800, $0x38;
	[tilespmem:$0xEF10] =	vst v63  }
0x22: {  	_ =	swait.ge [sflag:s12], $0x2800  }
0x23: {  	[sflag:s12] =	ssyncset.done $0x0  }
0x24: {  	[sflag:s12] =	ssyncadd.s32 $0xFFFFD800  }
0x25: {  	[bflag:$0x0] =	sbarrier.arrive $0xFFFF  }
0x26: {  	[tilespmem:s13], [sflag:$0x1] =	stream.linear.gather [hbm4b:s10+s3], $0xA000, $0x38;
	[tilespmem:$0xEF10] =	vst v63  }
0x27: {  	_ =	swait.ge [sflag:s12], $0xA000  }
0x28: {  	[sflag:s12] =	ssyncset.done $0x0  }
0x29: {  	s21 =	simm.s32 $0x0;
	[sflag:s12] =	ssyncadd.s32 $0xFFFF6000  }
0x2a: {  	[spmem:s1] =	stream.indirect.scatter.add.f32 [tilespmem:s13], [sflag:$0x1], $0x10, s21, s14, $0xb8;
	[tilespmem:$0xEF10] =	vst v63  }
0x2b: {  	_ =	swait.ge [sflag:s12], $0x800  }
0x2c: {  	[sflag:s12] =	ssyncset.done $0x0  }
0x2d: {  	s22 =	simm.s32 $0x80;
	s24 =	rddreg [dreg:$0x4];
	[sflag:s12] =	ssyncadd.s32 $0xFFFFF800  }
0x2e: {  	[spmem:s1] =	stream.indirect.scatter.add.f32 [tilespmem:s24], [sflag:$0x1], $0x10, s22, s14, $0xb8;
	[tilespmem:$0xEF10] =	vst v63  }
0x2f: {  	_ =	swait.ge [sflag:s12], $0x800  }
0x30: {  	[sflag:s12] =	ssyncset.done $0x0  }
0x31: {  	s26 =	simm.s32 $0x100;
	s25 =	rddreg [dreg:$0x5];
	[sflag:s12] =	ssyncadd.s32 $0xFFFFF800  }
0x32: {  	[spmem:s1] =	stream.indirect.scatter.add.f32 [tilespmem:s25], [sflag:$0x1], $0x10, s26, s14, $0xb8;
	[tilespmem:$0xEF10] =	vst v63  }
0x33: {  	_ =	swait.ge [sflag:s12], $0x800  }
0x34: {  	[sflag:s12] =	ssyncset.done $0x0  }
0x35: {  	s29 =	simm.s32 $0x180;
	s28 =	rddreg [dreg:$0x6];
	[sflag:s12] =	ssyncadd.s32 $0xFFFFF800  }
0x36: {  	[spmem:s1] =	stream.indirect.scatter.add.f32 [tilespmem:s28], [sflag:$0x1], $0x10, s29, s14, $0xb8;
	[tilespmem:$0xEF10] =	vst v63  }
0x37: {  	_ =	swait.ge [sflag:s12], $0x800  }
0x38: {  	[sflag:s12] =	ssyncset.done $0x0  }
0x39: {  	s31 =	simm.s32 $0x200;
	s30 =	rddreg [dreg:$0x7];
	[sflag:s12] =	ssyncadd.s32 $0xFFFFF800  }
0x3a: {  	[spmem:s1] =	stream.indirect.scatter.add.f32 [tilespmem:s30], [sflag:$0x1], $0x10, s31, s14, $0xb8;
	[tilespmem:$0xEF10] =	vst v63  }
0x3b: {  	_ =	swait.ge [sflag:s12], $0x800  }
0x3c: {  	[sflag:s12] =	ssyncset.done $0x0  }
0x3d: {  	s24 =	simm.s32 $0x280;
	s23 =	rddreg [dreg:$0x8];
	[sflag:s12] =	ssyncadd.s32 $0xFFFFF800  }
0x3e: {  	[spmem:s1] =	stream.indirect.scatter.add.f32 [tilespmem:s23], [sflag:$0x1], $0x10, s24, s14, $0xb8;
	[tilespmem:$0xEF10] =	vst v63  }
0x3f: {  	_ =	swait.ge [sflag:s12], $0x800  }
0x40: {  	[sflag:s12] =	ssyncset.done $0x0  }
0x41: {  	s26 =	simm.s32 $0x300;
	s25 =	rddreg [dreg:$0x9];
	[sflag:s12] =	ssyncadd.s32 $0xFFFFF800  }
0x42: {  	[spmem:s1] =	stream.indirect.scatter.add.f32 [tilespmem:s25], [sflag:$0x1], $0x10, s26, s14, $0xb8;
	[tilespmem:$0xEF10] =	vst v63  }
0x43: {  	_ =	swait.ge [sflag:s12], $0x800  }
0x44: {  	[sflag:s12] =	ssyncset.done $0x0  }
0x45: {  	s29 =	simm.s32 $0x380;
	s28 =	rddreg [dreg:$0xa];
	[sflag:s12] =	ssyncadd.s32 $0xFFFFF800  }
0x46: {  	[spmem:s1] =	stream.indirect.scatter.add.f32 [tilespmem:s28], [sflag:$0x1], $0x10, s29, s14, $0xb8;
	[tilespmem:$0xEF10] =	vst v63  }
0x47: {  	_ =	swait.ge [sflag:s12], $0x800  }
0x48: {  	[sflag:s12] =	ssyncset.done $0x0  }
0x49: {  	s31 =	simm.s32 $0x400;
	s30 =	rddreg [dreg:$0xb];
	[sflag:s12] =	ssyncadd.s32 $0xFFFFF800  }
0x4a: {  	[spmem:s1] =	stream.indirect.scatter.add.f32 [tilespmem:s30], [sflag:$0x1], $0x10, s31, s14, $0xb8;
	[tilespmem:$0xEF10] =	vst v63  }
0x4b: {  	_ =	swait.ge [sflag:s12], $0x800  }
0x4c: {  	[sflag:s12] =	ssyncset.done $0x0  }
0x4d: {  	s24 =	simm.s32 $0x480;
	s23 =	rddreg [dreg:$0xc];
	[sflag:s12] =	ssyncadd.s32 $0xFFFFF800  }
0x4e: {  	[spmem:s1] =	stream.indirect.scatter.add.f32 [tilespmem:s23], [sflag:$0x1], $0x10, s24, s14, $0xb8;
	[tilespmem:$0xEF10] =	vst v63  }
0x4f: {  	_ =	swait.ge [sflag:s12], $0x800  }
0x50: {  	[sflag:s12] =	ssyncset.done $0x0  }
0x51: {  	s26 =	simm.s32 $0x500;
	s25 =	rddreg [dreg:$0xd];
	[sflag:s12] =	ssyncadd.s32 $0xFFFFF800  }
0x52: {  	[spmem:s1] =	stream.indirect.scatter.add.f32 [tilespmem:s25], [sflag:$0x1], $0x10, s26, s14, $0xb8;
	[tilespmem:$0xEF10] =	vst v63  }
0x53: {  	_ =	swait.ge [sflag:s12], $0x800  }
0x54: {  	[sflag:s12] =	ssyncset.done $0x0  }
0x55: {  	s29 =	simm.s32 $0x580;
	s28 =	rddreg [dreg:$0xe];
	[sflag:s12] =	ssyncadd.s32 $0xFFFFF800  }
0x56: {  	[spmem:s1] =	stream.indirect.scatter.add.f32 [tilespmem:s28], [sflag:$0x1], $0x10, s29, s14, $0xb8;
	[tilespmem:$0xEF10] =	vst v63  }
0x57: {  	_ =	swait.ge [sflag:s12], $0x800  }
0x58: {  	[sflag:s12] =	ssyncset.done $0x0  }
0x59: {  	s31 =	simm.s32 $0x600;
	s30 =	rddreg [dreg:$0xf];
	[sflag:s12] =	ssyncadd.s32 $0xFFFFF800  }
0x5a: {  	[spmem:s1] =	stream.indirect.scatter.add.f32 [tilespmem:s30], [sflag:$0x1], $0x10, s31, s14, $0xb8;
	[tilespmem:$0xEF10] =	vst v63  }
0x5b: {  	_ =	swait.ge [sflag:s12], $0x800  }
0x5c: {  	[sflag:s12] =	ssyncset.done $0x0  }
0x5d: {  	s24 =	simm.s32 $0x680;
	s23 =	rddreg [dreg:$0x10];
	[sflag:s12] =	ssyncadd.s32 $0xFFFFF800  }
0x5e: {  	[spmem:s1] =	stream.indirect.scatter.add.f32 [tilespmem:s23], [sflag:$0x1], $0x10, s24, s14, $0xb8;
	[tilespmem:$0xEF10] =	vst v63  }
0x5f: {  	_ =	swait.ge [sflag:s12], $0x800  }
0x60: {  	[sflag:s12] =	ssyncset.done $0x0  }
0x61: {  	s26 =	simm.s32 $0x700;
	s25 =	rddreg [dreg:$0x11];
	[sflag:s12] =	ssyncadd.s32 $0xFFFFF800  }
0x62: {  	[spmem:s1] =	stream.indirect.scatter.add.f32 [tilespmem:s25], [sflag:$0x1], $0x10, s26, s14, $0xb8;
	[tilespmem:$0xEF10] =	vst v63  }
0x63: {  	_ =	swait.ge [sflag:s12], $0x800  }
0x64: {  	[sflag:s12] =	ssyncset.done $0x0  }
0x65: {  	s28 =	simm.s32 $0x780;
	[sflag:s12] =	ssyncadd.s32 $0xFFFFF800  }
0x66: {  	[spmem:s1] =	stream.indirect.scatter.add.f32 [tilespmem:s15], [sflag:$0x1], $0x10, s28, s14, $0xb8;
	[tilespmem:$0xEF10] =	vst v63  }
0x67: {  	_ =	swait.ge [sflag:s12], $0x800  }
0x68: {  	[sflag:s12] =	ssyncset.done $0x0  }
0x69: {  	s29 =	simm.s32 $0x800;
	[sflag:s12] =	ssyncadd.s32 $0xFFFFF800  }
0x6a: {  	[spmem:s1] =	stream.indirect.scatter.add.f32 [tilespmem:s16], [sflag:$0x1], $0x10, s29, s14, $0xb8;
	[tilespmem:$0xEF10] =	vst v63  }
0x6b: {  	_ =	swait.ge [sflag:s12], $0x800  }
0x6c: {  	[sflag:s12] =	ssyncset.done $0x0  }
0x6d: {  	s30 =	simm.s32 $0x880;
	[sflag:s12] =	ssyncadd.s32 $0xFFFFF800  }
0x6e: {  	[spmem:s1] =	stream.indirect.scatter.add.f32 [tilespmem:s17], [sflag:$0x1], $0x10, s30, s14, $0xb8;
	[tilespmem:$0xEF10] =	vst v63  }
0x6f: {  	_ =	swait.ge [sflag:s12], $0x800  }
0x70: {  	[sflag:s12] =	ssyncset.done $0x0  }
0x71: {  	s31 =	simm.s32 $0x900;
	[sflag:s12] =	ssyncadd.s32 $0xFFFFF800  }
0x72: {  	[spmem:s1] =	stream.indirect.scatter.add.f32 [tilespmem:s18], [sflag:$0x1], $0x10, s31, s14, $0xb8;
	[tilespmem:$0xEF10] =	vst v63  }
0x73: {  	p0 =	sne.s32 s4, $0x1;
	_ =	swait.ge [sflag:s12], $0x800  }
.Ltmp0:
0x74: {  	[sflag:s12] =	ssyncset.done $0x0;
	(pc) =	sbr.rel @!p0 .LBB2_3-.Ltmp0, $4  }
0x75: {  	s21 =	simm.s32 $0x980;
	[sflag:s12] =	ssyncadd.s32 $0xFFFFF800  }
0x76: {  	[spmem:s1] =	stream.indirect.scatter.add.f32 [tilespmem:s19], [sflag:$0x1], $0x10, s21, s14, $0xb8;
	[tilespmem:$0xEF10] =	vst v63  }
0x77: {  	_ =	swait.ge [sflag:s12], $0x800  }
0x78: {  	s22 =	sadd.s32 $0xFFFFFFFF, s4;
	s23 =	smov.u32 s10;
	[sflag:s12] =	ssyncset.done $0x0  }
.LBB2_2:
0x79: {  	[sflag:s12] =	ssyncadd.s32 $0xFFFFF800;
	s23 =	sadd.s32 $0x1400, s23  }
0x7a: {  	[tilespmem:s13], [sflag:$0x1] =	stream.linear.gather [hbm4b:s23+s3], $0xA000, $0x38;
	[tilespmem:$0xEF10] =	vst v63  }
0x7b: {  	_ =	swait.ge [sflag:s12], $0xA000  }
0x7c: {  	s21 =	sadd.s32 $0xA00, s21;
	[sflag:s12] =	ssyncset.done $0x0  }
0x7d: {  	s24 =	sadd.s32 $0xFFFFF680, s21;
	[sflag:s12] =	ssyncadd.s32 $0xFFFF6000  }
0x7e: {  	[spmem:s1] =	stream.indirect.scatter.add.f32 [tilespmem:s13], [sflag:$0x1], $0x10, s24, s14, $0xb8;
	[tilespmem:$0xEF10] =	vst v63  }
0x7f: {  	_ =	swait.ge [sflag:s12], $0x800  }
0x80: {  	[sflag:s12] =	ssyncset.done $0x0  }
0x81: {  	s25 =	sadd.s32 $0xFFFFF700, s21;
	s31 =	rddreg [dreg:$0x4];
	[sflag:s12] =	ssyncadd.s32 $0xFFFFF800  }
0x82: {  	[spmem:s1] =	stream.indirect.scatter.add.f32 [tilespmem:s31], [sflag:$0x1], $0x10, s25, s14, $0xb8;
	[tilespmem:$0xEF10] =	vst v63  }
0x83: {  	_ =	swait.ge [sflag:s12], $0x800  }
0x84: {  	[sflag:s12] =	ssyncset.done $0x0  }
0x85: {  	s26 =	sadd.s32 $0xFFFFF780, s21;
	s25 =	rddreg [dreg:$0x5];
	[sflag:s12] =	ssyncadd.s32 $0xFFFFF800  }
0x86: {  	[spmem:s1] =	stream.indirect.scatter.add.f32 [tilespmem:s25], [sflag:$0x1], $0x10, s26, s14, $0xb8;
	[tilespmem:$0xEF10] =	vst v63  }
0x87: {  	_ =	swait.ge [sflag:s12], $0x800  }
0x88: {  	[sflag:s12] =	ssyncset.done $0x0  }
0x89: {  	s29 =	sadd.s32 $0xFFFFF800, s21;
	s28 =	rddreg [dreg:$0x6];
	[sflag:s12] =	ssyncadd.s32 $0xFFFFF800  }
0x8a: {  	[spmem:s1] =	stream.indirect.scatter.add.f32 [tilespmem:s28], [sflag:$0x1], $0x10, s29, s14, $0xb8;
	[tilespmem:$0xEF10] =	vst v63  }
0x8b: {  	_ =	swait.ge [sflag:s12], $0x800  }
0x8c: {  	[sflag:s12] =	ssyncset.done $0x0  }
0x8d: {  	s31 =	sadd.s32 $0xFFFFF880, s21;
	s30 =	rddreg [dreg:$0x7];
	[sflag:s12] =	ssyncadd.s32 $0xFFFFF800  }
0x8e: {  	[spmem:s1] =	stream.indirect.scatter.add.f32 [tilespmem:s30], [sflag:$0x1], $0x10, s31, s14, $0xb8;
	[tilespmem:$0xEF10] =	vst v63  }
0x8f: {  	_ =	swait.ge [sflag:s12], $0x800  }
0x90: {  	[sflag:s12] =	ssyncset.done $0x0  }
0x91: {  	s26 =	sadd.s32 $0xFFFFF900, s21;
	s25 =	rddreg [dreg:$0x8];
	[sflag:s12] =	ssyncadd.s32 $0xFFFFF800  }
0x92: {  	[spmem:s1] =	stream.indirect.scatter.add.f32 [tilespmem:s25], [sflag:$0x1], $0x10, s26, s14, $0xb8;
	[tilespmem:$0xEF10] =	vst v63  }
0x93: {  	_ =	swait.ge [sflag:s12], $0x800  }
0x94: {  	[sflag:s12] =	ssyncset.done $0x0  }
0x95: {  	s29 =	sadd.s32 $0xFFFFF980, s21;
	s28 =	rddreg [dreg:$0x9];
	[sflag:s12] =	ssyncadd.s32 $0xFFFFF800  }
0x96: {  	[spmem:s1] =	stream.indirect.scatter.add.f32 [tilespmem:s28], [sflag:$0x1], $0x10, s29, s14, $0xb8;
	[tilespmem:$0xEF10] =	vst v63  }
0x97: {  	_ =	swait.ge [sflag:s12], $0x800  }
0x98: {  	[sflag:s12] =	ssyncset.done $0x0  }
0x99: {  	s31 =	sadd.s32 $0xFFFFFA00, s21;
	s30 =	rddreg [dreg:$0xa];
	[sflag:s12] =	ssyncadd.s32 $0xFFFFF800  }
0x9a: {  	[spmem:s1] =	stream.indirect.scatter.add.f32 [tilespmem:s30], [sflag:$0x1], $0x10, s31, s14, $0xb8;
	[tilespmem:$0xEF10] =	vst v63  }
0x9b: {  	_ =	swait.ge [sflag:s12], $0x800  }
0x9c: {  	[sflag:s12] =	ssyncset.done $0x0  }
0x9d: {  	s26 =	sadd.s32 $0xFFFFFA80, s21;
	s25 =	rddreg [dreg:$0xb];
	[sflag:s12] =	ssyncadd.s32 $0xFFFFF800  }
0x9e: {  	[spmem:s1] =	stream.indirect.scatter.add.f32 [tilespmem:s25], [sflag:$0x1], $0x10, s26, s14, $0xb8;
	[tilespmem:$0xEF10] =	vst v63  }
0x9f: {  	_ =	swait.ge [sflag:s12], $0x800  }
0xa0: {  	[sflag:s12] =	ssyncset.done $0x0  }
0xa1: {  	s29 =	sadd.s32 $0xFFFFFB00, s21;
	s28 =	rddreg [dreg:$0xc];
	[sflag:s12] =	ssyncadd.s32 $0xFFFFF800  }
0xa2: {  	[spmem:s1] =	stream.indirect.scatter.add.f32 [tilespmem:s28], [sflag:$0x1], $0x10, s29, s14, $0xb8;
	[tilespmem:$0xEF10] =	vst v63  }
0xa3: {  	_ =	swait.ge [sflag:s12], $0x800  }
0xa4: {  	[sflag:s12] =	ssyncset.done $0x0  }
0xa5: {  	s31 =	sadd.s32 $0xFFFFFB80, s21;
	s30 =	rddreg [dreg:$0xd];
	[sflag:s12] =	ssyncadd.s32 $0xFFFFF800  }
0xa6: {  	[spmem:s1] =	stream.indirect.scatter.add.f32 [tilespmem:s30], [sflag:$0x1], $0x10, s31, s14, $0xb8;
	[tilespmem:$0xEF10] =	vst v63  }
0xa7: {  	_ =	swait.ge [sflag:s12], $0x800  }
0xa8: {  	[sflag:s12] =	ssyncset.done $0x0  }
0xa9: {  	s26 =	sadd.s32 $0xFFFFFC00, s21;
	s25 =	rddreg [dreg:$0xe];
	[sflag:s12] =	ssyncadd.s32 $0xFFFFF800  }
0xaa: {  	[spmem:s1] =	stream.indirect.scatter.add.f32 [tilespmem:s25], [sflag:$0x1], $0x10, s26, s14, $0xb8;
	[tilespmem:$0xEF10] =	vst v63  }
0xab: {  	_ =	swait.ge [sflag:s12], $0x800  }
0xac: {  	[sflag:s12] =	ssyncset.done $0x0  }
0xad: {  	s29 =	sadd.s32 $0xFFFFFC80, s21;
	s28 =	rddreg [dreg:$0xf];
	[sflag:s12] =	ssyncadd.s32 $0xFFFFF800  }
0xae: {  	[spmem:s1] =	stream.indirect.scatter.add.f32 [tilespmem:s28], [sflag:$0x1], $0x10, s29, s14, $0xb8;
	[tilespmem:$0xEF10] =	vst v63  }
0xaf: {  	_ =	swait.ge [sflag:s12], $0x800  }
0xb0: {  	[sflag:s12] =	ssyncset.done $0x0  }
0xb1: {  	s31 =	sadd.s32 $0xFFFFFD00, s21;
	s30 =	rddreg [dreg:$0x10];
	[sflag:s12] =	ssyncadd.s32 $0xFFFFF800  }
0xb2: {  	[spmem:s1] =	stream.indirect.scatter.add.f32 [tilespmem:s30], [sflag:$0x1], $0x10, s31, s14, $0xb8;
	[tilespmem:$0xEF10] =	vst v63  }
0xb3: {  	_ =	swait.ge [sflag:s12], $0x800  }
0xb4: {  	[sflag:s12] =	ssyncset.done $0x0  }
0xb5: {  	s26 =	sadd.s32 $0xFFFFFD80, s21;
	s25 =	rddreg [dreg:$0x11];
	[sflag:s12] =	ssyncadd.s32 $0xFFFFF800  }
0xb6: {  	[spmem:s1] =	stream.indirect.scatter.add.f32 [tilespmem:s25], [sflag:$0x1], $0x10, s26, s14, $0xb8;
	[tilespmem:$0xEF10] =	vst v63  }
0xb7: {  	_ =	swait.ge [sflag:s12], $0x800  }
0xb8: {  	[sflag:s12] =	ssyncset.done $0x0  }
0xb9: {  	s28 =	sadd.s32 $0xFFFFFE00, s21;
	[sflag:s12] =	ssyncadd.s32 $0xFFFFF800  }
0xba: {  	[spmem:s1] =	stream.indirect.scatter.add.f32 [tilespmem:s15], [sflag:$0x1], $0x10, s28, s14, $0xb8;
	[tilespmem:$0xEF10] =	vst v63  }
0xbb: {  	_ =	swait.ge [sflag:s12], $0x800  }
0xbc: {  	[sflag:s12] =	ssyncset.done $0x0  }
0xbd: {  	s29 =	sadd.s32 $0xFFFFFE80, s21;
	[sflag:s12] =	ssyncadd.s32 $0xFFFFF800  }
0xbe: {  	[spmem:s1] =	stream.indirect.scatter.add.f32 [tilespmem:s16], [sflag:$0x1], $0x10, s29, s14, $0xb8;
	[tilespmem:$0xEF10] =	vst v63  }
0xbf: {  	_ =	swait.ge [sflag:s12], $0x800  }
0xc0: {  	[sflag:s12] =	ssyncset.done $0x0  }
0xc1: {  	s30 =	sadd.s32 $0xFFFFFF00, s21;
	[sflag:s12] =	ssyncadd.s32 $0xFFFFF800  }
0xc2: {  	[spmem:s1] =	stream.indirect.scatter.add.f32 [tilespmem:s17], [sflag:$0x1], $0x10, s30, s14, $0xb8;
	[tilespmem:$0xEF10] =	vst v63  }
0xc3: {  	_ =	swait.ge [sflag:s12], $0x800  }
0xc4: {  	[sflag:s12] =	ssyncset.done $0x0  }
0xc5: {  	s31 =	sadd.s32 $0xFFFFFF80, s21;
	[sflag:s12] =	ssyncadd.s32 $0xFFFFF800  }
0xc6: {  	[spmem:s1] =	stream.indirect.scatter.add.f32 [tilespmem:s18], [sflag:$0x1], $0x10, s31, s14, $0xb8;
	[tilespmem:$0xEF10] =	vst v63  }
0xc7: {  	p0 =	sne.s32 s22, $0x1;
	_ =	swait.ge [sflag:s12], $0x800  }
.Ltmp1:
0xc8: {  	[sflag:s12] =	ssyncset.done $0x0;
	(pc) =	sbr.rel @p0 .LBB2_2-.Ltmp1, $4  }
0xc9: {  	[sflag:s12] =	ssyncadd.s32 $0xFFFFF800  }
0xca: {  	[spmem:s1] =	stream.indirect.scatter.add.f32 [tilespmem:s19], [sflag:$0x1], $0x10, s21, s14, $0xb8;
	[tilespmem:$0xEF10] =	vst v63  }
0xcb: {  	_ =	swait.ge [sflag:s12], $0x800  }
0xcc: {  	s22 =	sadd.s32 $0xFFFFFFFF, s22;
	[sflag:s12] =	ssyncset.done $0x0  }
.LBB2_3:
0xcd: {  	s20 =	sadd.s32 $0x1, s20  }
0xce: {  	[sflag:s12] =	ssyncadd.s32 $0xFFFFF800;
	p0 =	sne.s32 s20, s9  }
.Ltmp2:
0xcf: {  	[bflag:$0x0] =	sbarrier.arrive $0xFFFF;
	(pc) =	sbr.rel @p0 .LBB2_1-.Ltmp2, $4  }
0xd0: {  	[hbm:s8], [sflag:s6] =	dma.local [spmem:s11], $0x4E2  }
0xd1: {  	_ =	swait.ge [sflag:s12], $0x4E2  }
0xd2: {  	[sflag:s12] =	ssyncset.done $0x0  }
0xd3: {  	[sflag:s12] =	ssyncadd.s32 $0xFFFFFB1E  }
0xd4: {  	_ =	sfence.sel $0x180000  }
0xd5: {  	[bflag:$0x0] =	sbarrier.arrive $0xFFFF  }
0xd6: {  	p0 =	sne.s32 s0, $0x0;
	_ =	strace $0x9000004A  }
0xd7: {  	s0 =	sadd.s32 @!p0 $0x100000, s2;
	[bflag:$0x2] =	sbarrier.arrive $0xFFFF  }
0xd8: {  	[sflag:s0] =	ssyncadd.tile.s32 @!p0 $0x1;
	_ =	shalt  }
.Lfunc_end2:
_tile_overlayer_lowered:
.L_overlay_start_2:
0xd9: {  	(tag) =	ssettag $0x2  }
0xda: {  	s0 =	rddreg [dreg:$0x0];
	s2 =	stileid.u32  }
0xdb: {  	s1 =	rddreg [dreg:$0x1];
	p0 =	sne.s32 s2, $0x0  }
0xdc: {  	s3 =	rddreg [dreg:$0x2];
	[bflag:$0x3] =	sbarrier.arrive $0xFFFF;
	s2 =	simm.s32 @!p0 $0x1C01  }
0xdd: {  	[timem:s3], [sflag:s2] =	dma.local @!p0 [hbm:s0], s1  }
0xde: {  	s0 =	simm.s32 @!p0 $0x1  }
0xdf: {  	_ =	swait.ge @!p0 [sflag:s0], s1  }
0xe0: {  	s1 =	ssub.s32 @!p0 $0x0, s1;
	[sflag:s0] =	ssyncset.done @!p0 $0x0  }
0xe1: {  	[sflag:s0] =	ssyncadd.s32 @!p0 s1  }
0xe2: {  	[bflag:$0x3] =	sbarrier.arrive $0xFFFF  }
0xe3: {  	_ =	shalt  }

// kernel: kernel.7.cloned.1.call-start
scs
__scs_entry_jumppad:
0x0: {  	(pc) =	sbr.rel $0x88, $3  }
0x1: {  	(tag) =	ssettag $0x0;
	lr =	simm.s32 $0x1  }
0x2: {  	[smem:$0x3F92] =	sst lr;
	_ =	strace $0xD0000000  }
0x3: {  	_ = 	snop  }
0x4: {  	_ = 	snop  }
0x5: {  	_ = 	snop  }
0x6: {  	_ = 	snop  }
0x7: {  	_ = 	snop  }
__scs_overlays_trampoline_lowered:
0x8: {  	[smem:$0x3FA1] =	sst s0  }
0x9: {  	[smem:$0x3FA2] =	sst s1  }
0xa: {  	[smem:$0x3FA3] =	sst s2  }
0xb: {  	[smem:$0x3FA4] =	sst s3  }
0xc: {  	[smem:$0x3FA5] =	sst s4  }
0xd: {  	[smem:$0x3FA6] =	sst s5  }
0xe: {  	[smem:$0x3FA7] =	sst s6  }
0xf: {  	[smem:$0x3FA8] =	sst s7  }
0x10: {  	[smem:$0x3FA9] =	sst s8  }
0x11: {  	[smem:$0x3FAA] =	sst s9;
	s0 =	simm.s32 @!p0 $0x0  }
0x12: {  	s1 =	sld [smem:$0x3F90];
	s0 =	simm.s32 @p0 $0x1  }
0x13: {  	[smem:$0x3FAB] =	sst s0;
	s0 =	simm.s32 @!p1 $0x0  }
0x14: {  	s2 =	sld [smem:$0x3F8F];
	s0 =	simm.s32 @p1 $0x1  }
0x15: {  	[smem:$0x3FAC] =	sst s0;
	s0 =	simm.s32 @!p2 $0x0  }
0x16: {  	s3 =	sld [smem:$0x3FDB];
	s0 =	simm.s32 @p2 $0x1  }
0x17: {  	s4 =	simm.s32 $0x1BF5;
	[smem:$0x3FAE] =	sst s0  }
0x18: {  	s0 =	sld [smem:$0x3F91];
	_ =	swait.ge [sflag:s4], $0x0  }
0x19: {  	s7 =	sld [smem:$0x3F92]  }
0x1a: {  	s8 =	sadd.s32 $0xFFFFE003, lr  }
0x1b: {  	s9 =	sadd.s32 $0xFFFFFEF7, lr;
	s5 =	simm.s32 $0xFFFFFFFF;
	p2 =	slt.u32 s8, $0xFFFFF086  }
0x1c: {  	p1 =	slt.u32 s9, $0xF7A;
	s5 =	simm.s32 @!p2 $0x0  }
0x1d: {  	s5 =	simm.s32 @p1 $0x1;
	p0 =	seq.s32 s7, s2  }
0x1e: {  	s7 =	smul.u32 @!p0 $0xF7A, s2;
	p2 =	seq.s32 @!p0 s5, $0x0  }
0x1f: {  	s9 =	smul.u32 $0xF7A, s1;
	s8 =	simm.s32 @!p0 $0x1BF5;
	p2 =	por !p2, p0  }
0x20: {  	[sflag:s8] =	ssyncset.s32 @!p0 $0xFFFFF086;
	s6 =	sadd.s32 @!p0 s3, s7;
	s7 =	simm.s32 @!p0 $0x108  }
0x21: {  	s3 =	sadd.s32 s3, s9;
	s6 =	sadd.s32 @!p0 $0x88, s6;
	s7 =	simm.s32 @p2 $0x1082  }
0x22: {  	[simem:s7], [sflag:s8] =	dma.local @!p0 [hbm:s6], $0xF7A  }
0x23: {  	s9 =	sor.u32 $0xD0000000, s2;
	s6 =	simm.s32 $0x108;
	_ =	swait.ge @!p0 [sflag:s8], $0x0  }
0x24: {  	s3 =	sadd.s32 $0x88, s3;
	s6 =	simm.s32 @!p1 $0x1082;
	[sflag:s4] =	ssyncset.s32 $0xFFFFF086  }
0x25: {  	[simem:s6], [sflag:s4] =	dma.local [hbm:s3], $0xF7A  }
0x26: {  	[smem:$0x3F92] =	sst s1;
	(tag) =	ssettag s2;
	_ =	strace s9  }
0x27: {  	s1 =	sld [smem:$0x3FA2]  }
0x28: {  	s2 =	sld [smem:$0x3FA3]  }
0x29: {  	s4 =	sld [smem:$0x3FA5]  }
0x2a: {  	p0 =	seq.s32 s5, $0x0;
	s5 =	sld [smem:$0x3FA6]  }
0x2b: {  	s6 =	sld [smem:$0x3FA7]  }
0x2c: {  	s7 =	sld [smem:$0x3FA8]  }
0x2d: {  	s3 =	simm.s32 $0x108;
	s8 =	sld [smem:$0x3FA9]  }
0x2e: {  	s3 =	simm.s32 @!p0 $0x1082;
	s9 =	sld [smem:$0x3FAA]  }
0x2f: {  	lr =	sadd.s32 s0, s3;
	s0 =	sld [smem:$0x3FA1]  }
0x30: {  	s3 =	sld [smem:$0x3FA4]  }
0x31: {  	[smem:$0x3FAD] =	sst s10  }
0x32: {  	s10 =	sld [smem:$0x3FAB];
	_ =	sdelay $0x3  }
0x33: {  	p0 =	seq.s32 s10, $0x1;
	s10 =	sld [smem:$0x3FAD];
	_ =	sdelay $0x3  }
0x34: {  	[smem:$0x3FAD] =	sst s10  }
0x35: {  	s10 =	sld [smem:$0x3FAC];
	_ =	sdelay $0x3  }
0x36: {  	p1 =	seq.s32 s10, $0x1;
	s10 =	sld [smem:$0x3FAD];
	_ =	sdelay $0x3  }
0x37: {  	[smem:$0x3FAD] =	sst s10  }
0x38: {  	s10 =	sld [smem:$0x3FAE]  }
0x39: {  	_ = 	snop;
	(pc) =	sbr.ind lr, $3  }
0x3a: {  	_ = 	snop  }
0x3b: {  	_ = 	snop  }
0x3c: {  	p2 =	seq.s32 s10, $0x1;
	s10 =	sld [smem:$0x3FAD]  }
0x3d: {  	_ =	shalt  }
0x3e: {  	_ =	shalt  }
0x3f: {  	_ =	shalt  }
0x40: {  	_ =	shalt  }
0x41: {  	_ =	shalt  }
0x42: {  	_ =	shalt  }
0x43: {  	_ =	shalt  }
0x44: {  	_ =	shalt  }
0x45: {  	_ =	shalt  }
0x46: {  	_ =	shalt  }
0x47: {  	_ =	shalt  }
0x48: {  	_ =	shalt  }
0x49: {  	_ =	shalt  }
0x4a: {  	_ =	shalt  }
0x4b: {  	_ =	shalt  }
0x4c: {  	_ =	shalt  }
0x4d: {  	_ =	shalt  }
0x4e: {  	_ =	shalt  }
0x4f: {  	_ =	shalt  }
0x50: {  	_ =	shalt  }
0x51: {  	_ =	shalt  }
0x52: {  	_ =	shalt  }
0x53: {  	_ =	shalt  }
0x54: {  	_ =	shalt  }
0x55: {  	_ =	shalt  }
0x56: {  	_ =	shalt  }
0x57: {  	_ =	shalt  }
0x58: {  	_ =	shalt  }
0x59: {  	_ =	shalt  }
0x5a: {  	_ =	shalt  }
0x5b: {  	_ =	shalt  }
0x5c: {  	_ =	shalt  }
0x5d: {  	_ =	shalt  }
0x5e: {  	_ =	shalt  }
0x5f: {  	_ =	shalt  }
0x60: {  	_ =	shalt  }
0x61: {  	_ =	shalt  }
0x62: {  	_ =	shalt  }
0x63: {  	_ =	shalt  }
0x64: {  	_ =	shalt  }
0x65: {  	_ =	shalt  }
0x66: {  	_ =	shalt  }
0x67: {  	_ =	shalt  }
0x68: {  	_ =	shalt  }
0x69: {  	_ =	shalt  }
0x6a: {  	_ =	shalt  }
0x6b: {  	_ =	shalt  }
0x6c: {  	_ =	shalt  }
0x6d: {  	_ =	shalt  }
0x6e: {  	_ =	shalt  }
0x6f: {  	_ =	shalt  }
0x70: {  	_ =	shalt  }
0x71: {  	_ =	shalt  }
0x72: {  	_ =	shalt  }
0x73: {  	_ =	shalt  }
0x74: {  	_ =	shalt  }
0x75: {  	_ =	shalt  }
0x76: {  	_ =	shalt  }
0x77: {  	_ =	shalt  }
0x78: {  	_ =	shalt  }
0x79: {  	_ =	shalt  }
0x7a: {  	_ =	shalt  }
0x7b: {  	_ =	shalt  }
0x7c: {  	_ =	shalt  }
0x7d: {  	_ =	shalt  }
0x7e: {  	_ =	shalt  }
0x7f: {  	_ =	shalt  }
0x80: {  	_ =	shalt  }
0x81: {  	_ =	shalt  }
0x82: {  	_ =	shalt  }
0x83: {  	_ =	shalt  }
0x84: {  	_ =	shalt  }
0x85: {  	_ =	shalt  }
0x86: {  	_ =	shalt  }
0x87: {  	_ =	shalt  }
.Lfunc_end0:
.L_simem_size_0:
called_computation_lowered:
.L_overlay_start_0:
0x88: {  	s2 =	sld [smem:$0x3FD9]  }
0x89: {  	s3 =	sld [smem:$0x3FFE];
	_ =	sdelay $0x1  }
0x8a: {  	s1 =	srdreg.scid  }
0x8b: {  	s0 =	sand.u32 $0x1, s1  }
0x8c: {  	s14 =	sshll.u32 s0, $0xA;
	s2 =	sadd.s32 s3, s2  }
0x8d: {  	s2 =	sadd.s32 s2, s14  }
0x8e: {  	[smem:$0x3FB9] =	sst s2  }
0x8f: {  	_ = 	snop  }
0x90: {  	s2 =	sld [smem:$0x3FD0];
	_ =	sdelay $0x2  }
0x91: {  	s15 =	simm.s32 $0xA;
	s4 =	simm.s32 $0x10  }
0x92: {  	[smem:s4], [sflag:s15] =	dma.local [hbm:s2], $0x1  }
0x93: {  	_ =	swait.eq [sflag:s15], $0x1  }
0x94: {  	[sflag:s15] =	ssyncset.done $0x0  }
0x95: {  	[sflag:s15] =	ssyncadd.s32 $0xFFFFFFFF  }
0x96: {  	s16 =	sld [smem:$0x10];
	(tm) =	ssettm $0x1  }
0x97: {  	s17 =	sld [smem:$0x3FFB];
	_ =	sdelay $0x3  }
0x98: {  	_ =	strace s17  }
0x99: {  	s3 =	sld [smem:$0x3FFC];
	_ =	sdelay $0x3  }
0x9a: {  	_ =	strace s3  }
0x9b: {  	s3 =	sld [smem:$0x3FFD];
	_ =	sdelay $0x3  }
0x9c: {  	_ =	strace s3  }
0x9d: {  	_ =	strace $0x8FFFFFFF  }
0x9e: {  	s18 =	sld [smem:$0x3FDB];
	_ =	sdelay $0x1  }
0x9f: {  	s19 =	simm.s32 $_scs_section_size  }
0xa0: {  	s5 =	simm.s32 $_size__tile_overlayer_lowered;
	s6 =	simm.s32 $_tile_overlayer_lowered  }
0xa1: {  	s22 =	simm.s32 $0x1BFF;
	s21 =	sshll.u32 s6, $0x1;
	s3 =	sadd.s32 s19, s18  }
0xa2: {  	s7 =	simm.s32 $0x0;
	s20 =	sshll.u32 s5, $0x1;
	s5 =	sadd.s32 s21, s3  }
0xa3: {  	[timem:s7], [sflag:s22] =	dma.local [hbm:s5], s20  }
0xa4: {  	_ =	swait.ge [sflag:s22], s20  }
0xa5: {  	s4 =	ssub.s32 $0x0, s20;
	[sflag:s22] =	ssyncset.done $0x0  }
0xa6: {  	[sflag:s22] =	ssyncadd.s32 s4;
	_ =	sdelay $0x1  }
0xa7: {  	s23 =	simm.s32 $0x1B8B  }
0xa8: {  	_ =	swait.ge [sflag:s23], $0x1  }
0xa9: {  	[sflag:s23] =	ssyncset.done $0x0  }
0xaa: {  	s25 =	simm.s32 $0x1B8E;
	s24 =	sld [smem:$0x3FFE];
	[sflag:s23] =	ssyncadd.s32 $0xFFFFFFFF  }
0xab: {  	s26 =	simm.s32 $execute0_lowered;
	[smem:$0x3FD2] =	sst s25  }
0xac: {  	s5 =	sshll.u32 s26, $0x1;
	_ =	strace $0x80000046;
	[dreg:$0x1] =	wrdreg $0xFFFFFFFF  }
0xad: {  	s28 =	simm.s32 $_size_execute0_lowered;
	s3 =	sadd.s32 s3, s5;
	[dreg:$0x0] =	wrdreg $0x0  }
0xae: {  	s5 =	sshll.u32 s28, $0x1;
	[dreg:$0x2] =	wrdreg s3  }
0xaf: {  	[dreg:$0x3] =	wrdreg s5  }
0xb0: {  	[dreg:$0x4] =	wrdreg $0xC0  }
0xb1: {  	_ =	task [dreg:s7], $0x5FFFF  }
0xb2: {  	[dreg:$0x1] =	wrdreg $0xFFFFFFFF  }
0xb3: {  	[dreg:$0x0] =	wrdreg $0x60  }
0xb4: {  	[dreg:$0x2] =	wrdreg s24  }
0xb5: {  	[dreg:$0x3] =	wrdreg s16  }
0xb6: {  	[dreg:$0x4] =	wrdreg $0x9  }
0xb7: {  	_ =	task.clear_ibuf [dreg:s7], $0x5FFFF;
	_ =	strace $0x90000046  }
0xb8: {  	s29 =	simm.s32 $0x9;
	_ =	strace $0x80000048  }
0xb9: {  	_ =	swait.ge [sflag:s29], $0x1  }
0xba: {  	[sflag:s29] =	ssyncadd.s32 $0xFFFFFFFF  }
0xbb: {  	_ =	strace $0x90000048  }
0xbc: {  	_ =	sfence  }
0xbd: {  	s30 =	sld [smem:$0x0];
	_ =	sdelay $0x2  }
0xbe: {  	s31 =	sshll.u32 s1, $0xD;
	s1 =	sshrl.u32 s1, $0x2  }
0xbf: {  	s3 =	sand.u32 $0x4000, s31;
	s1 =	sadd.s32 s1, s30  }
0xc0: {  	s0 =	sor.u32 s3, s0;
	s1 =	sshll.u32 s1, $0x11  }
0xc1: {  	s0 =	sor.u32 s1, s0  }
0xc2: {  	s0 =	sadd.s32 $0x8F2B, s0  }
0xc3: {  	[sflag:s0] =	ssyncadd.remote.s32 $0x1  }
0xc4: {  	_ =	sfence.sel $0xFFFF  }
0xc5: {  	[dreg:$0x0] =	wrdreg $0xFFFFFFFF;
	(pc) =	sbr.abs _section_cstart, $3  }
0xc6: {  	[dreg:$0x1] =	wrdreg $0xFFFFFFFF  }
0xc7: {  	_ =	task.clear_ibuf [dreg:s7], $0x2FFFF;
	_ =	strace $0x9FFFFFFF  }
0xc8: {  	(tm) =	ssettm $0x7FFFFFFF  }
0xc9: {  	_ =	shalt  }
tec
execute0_lowered:
.L_overlay_start_1:
0x0: {  	(tag) =	ssettag $0x1  }
0x1: {  	s0 =	rddreg [dreg:$0x0]  }
0x2: {  	s1 =	srdreg.scid;
	s7 =	stileid.u32  }
0x3: {  	s5 =	rddreg [dreg:$0x1];
	s2 =	simm.s32 $0x0;
	s10 =	simm.s32 $0x4  }
0x4: {  	s11 =	simm.s32 $0x2;
	s13 =	simm.s32 $0x80;
	s14 =	simm.s32 $0x5000  }
0x5: {  	s15 =	simm.s32 $0x5800;
	s16 =	simm.s32 $0x6000;
	s17 =	simm.s32 $0x6800  }
0x6: {  	s18 =	simm.s32 $0x7000;
	s19 =	simm.s32 $0x7800;
	s20 =	simm.s32 $0x8000  }
0x7: {  	s21 =	simm.s32 $0x8800;
	s28 =	simm.s32 $0xB800;
	s29 =	simm.s32 $0xC000  }
0x8: {  	s30 =	simm.s32 $0xC800;
	s31 =	simm.s32 $0xD000;
	s12 =	simm.s32 $0xE800  }
0x9: {  	s1 =	sand.u32 $0x1, s1;
	s3 =	sshll.u32 s7, $0x1;
	s7 =	smul.u32 $0x6, s7  }
0xa: {  	[smem:$0x7FF] =	sst s2;
	s3 =	sor.u32 s1, s3;
	s8 =	smul.u32 $0x3, s1  }
0xb: {  	_ =	strace $0x80000047;
	s1 =	ssub.s32 $0x2, s1;
	s4 =	smul.u32 $0x3, s3  }
0xc: {  	p0 =	slt.u32 s3, $0x1D;
	s6 =	sshll.u32 s3, $0x2;
	s3 =	smin.u32 s3, $0x1D  }
0xd: {  	s9 =	sshrl.u32 s1, $0x1;
	s22 =	sadd.s32 s7, s3;
	s3 =	sadd.s32 $0x6200, s0  }
0xe: {  	s1 =	ssub.s32 s1, s9;
	s10 =	simm.s32 @!p0 $0x3;
	s4 =	sadd.s32 $0x1D, s4  }
0xf: {  	s9 =	simm.s32 $0x0;
	[dreg:$0x3] =	wrdreg s10;
	s4 =	smov.u32 @p0 s6  }
0x10: {  	s1 =	smax.u32 s1, $0x1;
	s6 =	sadd.s32 s8, s22;
	s23 =	smul.u32 $0x140, s4  }
0x11: {  	[dreg:$0x6] =	wrdreg s1;
	s22 =	simm.s32 $0x9000;
	s6 =	smul.u32 $0x1400, s6  }
0x12: {  	s1 =	simm.s32 $0xD800;
	s4 =	sadd.s32 $0xB200, s0;
	s24 =	sadd.s32 s23, s0  }
0x13: {  	s0 =	sadd.s32 s6, s0;
	s5 =	sadd.s32 s5, s23;
	s23 =	simm.s32 $0x9800  }
0x14: {  	s6 =	simm.s32 $0x1;
	[dreg:$0x4] =	wrdreg s5;
	s25 =	sadd.s32 $0x10200, s24  }
0x15: {  	s26 =	sadd.s32 $0x1A000, s0;
	s10 =	sadd.s32 $0xB6400, s0;
	[dreg:$0x5] =	wrdreg s25  }
0x16: {  	s24 =	simm.s32 $0xA000;
	s0 =	simm.s32 $0xE000;
	[dreg:$0x7] =	wrdreg s26  }
0x17: {  	s25 =	simm.s32 $0xA800;
	s26 =	simm.s32 $0xB000;
	[dreg:$0x8] =	wrdreg s10  }
.LBB2_1:
0x18: {  	[dreg:$0x9] =	wrdreg s9  }
0x19: {  	s5 =	rddreg [dreg:$0x4]  }
0x1a: {  	[tilespmem:s2], [sflag:$0x2] =	stream.linear.gather [hbm4b:s5+s2], $0x2800, $0x38;
	[tilespmem:$0xF000] =	vst v63  }
0x1b: {  	_ =	swait.ge [sflag:s11], $0x2800  }
0x1c: {  	[sflag:s11] =	ssyncset.done $0x0  }
0x1d: {  	s7 =	simm.s32 $0x2800;
	s8 =	rddreg [dreg:$0x5];
	[sflag:s11] =	ssyncadd.s32 $0xFFFFD800  }
0x1e: {  	[tilespmem:s7], [sflag:$0x2] =	stream.linear.gather [hbm4b:s8+s2], $0x2800, $0x38;
	[tilespmem:$0xF000] =	vst v63  }
0x1f: {  	_ =	swait.ge [sflag:s11], $0x2800  }
0x20: {  	s9 =	rddreg [dreg:$0x3]  }
0x21: {  	p1 =	sne.s32 s9, $0x1  }
.Ltmp0:
0x22: {  	_ = 	snop;
	(pc) =	sbr.rel @!p1 .LBB2_2-.Ltmp0, $3  }
0x23: {  	_ =	sdelay $0x1  }
0x24: {  	p0 =	por $0x0, $0x0;
	[sflag:s11] =	ssyncset.done $0x0  }
0x25: {  	s5 =	simm.s32 $0x980;
	[sflag:s11] =	ssyncadd.s32 $0xFFFFD800;
	s8 =	sadd.s32 $0xFFFFFFFF, s9  }
0x26: {  	s9 =	simm.s32 $0x0  }
0x27: {  	[tilespmem:s14], [sflag:$0x1] =	stream.indirect.gather [hbm4b:s3+s13], $0x10, s9, s13, $0xb8;
	[tilespmem:$0xF000] =	vst v63  }
0x28: {  	s7 =	simm.s32 $0x80  }
0x29: {  	[tilespmem:s15], [sflag:$0x1] =	stream.indirect.gather [hbm4b:s3+s13], $0x10, s7, s13, $0xb8;
	[tilespmem:$0xF000] =	vst v63  }
0x2a: {  	s10 =	simm.s32 $0x100  }
0x2b: {  	[tilespmem:s16], [sflag:$0x1] =	stream.indirect.gather [hbm4b:s3+s13], $0x10, s10, s13, $0xb8;
	[tilespmem:$0xF000] =	vst v63  }
0x2c: {  	s7 =	simm.s32 $0x180  }
0x2d: {  	[tilespmem:s17], [sflag:$0x1] =	stream.indirect.gather [hbm4b:s3+s13], $0x10, s7, s13, $0xb8;
	[tilespmem:$0xF000] =	vst v63  }
0x2e: {  	s10 =	simm.s32 $0x200  }
0x2f: {  	[tilespmem:s18], [sflag:$0x1] =	stream.indirect.gather [hbm4b:s3+s13], $0x10, s10, s13, $0xb8;
	[tilespmem:$0xF000] =	vst v63  }
0x30: {  	s7 =	simm.s32 $0x280  }
0x31: {  	[tilespmem:s19], [sflag:$0x1] =	stream.indirect.gather [hbm4b:s3+s13], $0x10, s7, s13, $0xb8;
	[tilespmem:$0xF000] =	vst v63  }
0x32: {  	s10 =	simm.s32 $0x300  }
0x33: {  	[tilespmem:s20], [sflag:$0x1] =	stream.indirect.gather [hbm4b:s3+s13], $0x10, s10, s13, $0xb8;
	[tilespmem:$0xF000] =	vst v63  }
0x34: {  	s7 =	simm.s32 $0x380  }
0x35: {  	[tilespmem:s21], [sflag:$0x1] =	stream.indirect.gather [hbm4b:s3+s13], $0x10, s7, s13, $0xb8;
	[tilespmem:$0xF000] =	vst v63  }
0x36: {  	s10 =	simm.s32 $0x400  }
0x37: {  	[tilespmem:s22], [sflag:$0x1] =	stream.indirect.gather [hbm4b:s3+s13], $0x10, s10, s13, $0xb8;
	[tilespmem:$0xF000] =	vst v63  }
0x38: {  	s7 =	simm.s32 $0x480  }
0x39: {  	[tilespmem:s23], [sflag:$0x1] =	stream.indirect.gather [hbm4b:s3+s13], $0x10, s7, s13, $0xb8;
	[tilespmem:$0xF000] =	vst v63  }
0x3a: {  	s10 =	simm.s32 $0x500  }
0x3b: {  	[tilespmem:s24], [sflag:$0x1] =	stream.indirect.gather [hbm4b:s3+s13], $0x10, s10, s13, $0xb8;
	[tilespmem:$0xF000] =	vst v63  }
0x3c: {  	s7 =	simm.s32 $0x580  }
0x3d: {  	[tilespmem:s25], [sflag:$0x1] =	stream.indirect.gather [hbm4b:s3+s13], $0x10, s7, s13, $0xb8;
	[tilespmem:$0xF000] =	vst v63  }
0x3e: {  	s10 =	simm.s32 $0x600  }
0x3f: {  	[tilespmem:s26], [sflag:$0x1] =	stream.indirect.gather [hbm4b:s3+s13], $0x10, s10, s13, $0xb8;
	[tilespmem:$0xF000] =	vst v63  }
0x40: {  	s7 =	simm.s32 $0x680  }
0x41: {  	[tilespmem:s28], [sflag:$0x1] =	stream.indirect.gather [hbm4b:s3+s13], $0x10, s7, s13, $0xb8;
	[tilespmem:$0xF000] =	vst v63  }
0x42: {  	s10 =	simm.s32 $0x700  }
0x43: {  	[tilespmem:s29], [sflag:$0x1] =	stream.indirect.gather [hbm4b:s3+s13], $0x10, s10, s13, $0xb8;
	[tilespmem:$0xF000] =	vst v63  }
0x44: {  	s7 =	simm.s32 $0x780  }
0x45: {  	[tilespmem:s30], [sflag:$0x1] =	stream.indirect.gather [hbm4b:s3+s13], $0x10, s7, s13, $0xb8;
	[tilespmem:$0xF000] =	vst v63  }
0x46: {  	s10 =	simm.s32 $0x800  }
0x47: {  	[tilespmem:s31], [sflag:$0x1] =	stream.indirect.gather [hbm4b:s3+s13], $0x10, s10, s13, $0xb8;
	[tilespmem:$0xF000] =	vst v63  }
0x48: {  	s7 =	simm.s32 $0x880  }
0x49: {  	[tilespmem:s1], [sflag:$0x1] =	stream.indirect.gather [hbm4b:s3+s13], $0x10, s7, s13, $0xb8;
	[tilespmem:$0xF000] =	vst v63  }
0x4a: {  	s10 =	simm.s32 $0x900  }
0x4b: {  	[tilespmem:s0], [sflag:$0x1] =	stream.indirect.gather [hbm4b:s3+s13], $0x10, s10, s13, $0xb8;
	[tilespmem:$0xF000] =	vst v63  }
0x4c: {  	_ = 	snop  }
0x4d: {  	[tilespmem:s12], [sflag:$0x1] =	stream.indirect.gather [hbm4b:s3+s13], $0x10, s5, s13, $0xb8;
	[tilespmem:$0xF000] =	vst v63  }
0x4e: {  	_ =	swait.ge [sflag:s6], $0x800  }
0x4f: {  	[sflag:s6] =	ssyncset.done $0x0  }
0x50: {  	[sflag:s6] =	ssyncadd.s32 $0xFFFFF800  }
0x51: {  	_ =	swait.ge [sflag:s6], $0x800  }
0x52: {  	[sflag:s6] =	ssyncset.done $0x0  }
0x53: {  	[sflag:s6] =	ssyncadd.s32 $0xFFFFF800  }
0x54: {  	_ =	swait.ge [sflag:s6], $0x800  }
0x55: {  	[sflag:s6] =	ssyncset.done $0x0  }
0x56: {  	[sflag:s6] =	ssyncadd.s32 $0xFFFFF800  }
0x57: {  	_ =	swait.ge [sflag:s6], $0x800  }
0x58: {  	[sflag:s6] =	ssyncset.done $0x0  }
0x59: {  	[sflag:s6] =	ssyncadd.s32 $0xFFFFF800  }
0x5a: {  	_ =	swait.ge [sflag:s6], $0x800  }
0x5b: {  	[sflag:s6] =	ssyncset.done $0x0  }
0x5c: {  	[sflag:s6] =	ssyncadd.s32 $0xFFFFF800  }
0x5d: {  	_ =	swait.ge [sflag:s6], $0x800  }
0x5e: {  	[sflag:s6] =	ssyncset.done $0x0  }
0x5f: {  	[sflag:s6] =	ssyncadd.s32 $0xFFFFF800  }
0x60: {  	_ =	swait.ge [sflag:s6], $0x800  }
0x61: {  	[sflag:s6] =	ssyncset.done $0x0  }
0x62: {  	[sflag:s6] =	ssyncadd.s32 $0xFFFFF800  }
0x63: {  	_ =	swait.ge [sflag:s6], $0x800  }
0x64: {  	[sflag:s6] =	ssyncset.done $0x0  }
0x65: {  	[sflag:s6] =	ssyncadd.s32 $0xFFFFF800  }
0x66: {  	_ =	swait.ge [sflag:s6], $0x800  }
0x67: {  	[sflag:s6] =	ssyncset.done $0x0  }
0x68: {  	[sflag:s6] =	ssyncadd.s32 $0xFFFFF800  }
0x69: {  	_ =	swait.ge [sflag:s6], $0x800  }
0x6a: {  	[sflag:s6] =	ssyncset.done $0x0  }
0x6b: {  	[sflag:s6] =	ssyncadd.s32 $0xFFFFF800  }
0x6c: {  	_ =	swait.ge [sflag:s6], $0x800  }
0x6d: {  	[sflag:s6] =	ssyncset.done $0x0  }
0x6e: {  	[sflag:s6] =	ssyncadd.s32 $0xFFFFF800  }
0x6f: {  	_ =	swait.ge [sflag:s6], $0x800  }
0x70: {  	[sflag:s6] =	ssyncset.done $0x0  }
0x71: {  	[sflag:s6] =	ssyncadd.s32 $0xFFFFF800  }
0x72: {  	_ =	swait.ge [sflag:s6], $0x800  }
0x73: {  	[sflag:s6] =	ssyncset.done $0x0  }
0x74: {  	[sflag:s6] =	ssyncadd.s32 $0xFFFFF800  }
0x75: {  	_ =	swait.ge [sflag:s6], $0x800  }
0x76: {  	[sflag:s6] =	ssyncset.done $0x0  }
0x77: {  	[sflag:s6] =	ssyncadd.s32 $0xFFFFF800  }
0x78: {  	_ =	swait.ge [sflag:s6], $0x800  }
0x79: {  	[sflag:s6] =	ssyncset.done $0x0  }
0x7a: {  	[sflag:s6] =	ssyncadd.s32 $0xFFFFF800  }
0x7b: {  	_ =	swait.ge [sflag:s6], $0x800  }
0x7c: {  	[sflag:s6] =	ssyncset.done $0x0  }
0x7d: {  	[sflag:s6] =	ssyncadd.s32 $0xFFFFF800  }
0x7e: {  	_ =	swait.ge [sflag:s6], $0x800  }
0x7f: {  	[sflag:s6] =	ssyncset.done $0x0  }
0x80: {  	[sflag:s6] =	ssyncadd.s32 $0xFFFFF800  }
0x81: {  	_ =	swait.ge [sflag:s6], $0x800  }
0x82: {  	[sflag:s6] =	ssyncset.done $0x0  }
0x83: {  	[sflag:s6] =	ssyncadd.s32 $0xFFFFF800  }
0x84: {  	_ =	swait.ge [sflag:s6], $0x800  }
0x85: {  	[sflag:s6] =	ssyncset.done $0x0  }
0x86: {  	[sflag:s6] =	ssyncadd.s32 $0xFFFFF800  }
0x87: {  	p3 =	sne.s32 s8, $0x1;
	_ =	swait.ge [sflag:s6], $0x800  }
.Ltmp1:
0x88: {  	[sflag:s6] =	ssyncset.done $0x0;
	(pc) =	sbr.rel @!p3 .LBB2_4-.Ltmp1, $4  }
0x89: {  	s9 =	rddreg [dreg:$0x7];
	[sflag:s6] =	ssyncadd.s32 $0xFFFFF800  }
0x8a: {  	[hbm4b:s9+s2] =	stream.linear.scatter [tilespmem:s14], [sflag:$0x2], $0xA000, $0x38;
	[tilespmem:$0xF000] =	vst v63  }
0x8b: {  	p2 =	por $0x1, $0x1;
	_ =	swait.ge [sflag:s11], $0xA000  }
0x8c: {  	s10 =	sadd.s32 $0xFFFFFFFF, s8;
	s5 =	simm.s32 $0x1380;
	[sflag:s11] =	ssyncset.done $0x0  }
.LBB2_5:
0x8d: {  	s7 =	sadd.s32 $0xFFFFF680, s5;
	[sflag:s11] =	ssyncadd.s32 $0xFFFF6000;
	s9 =	sadd.s32 $0x1400, s9  }
0x8e: {  	[tilespmem:s14], [sflag:$0x1] =	stream.indirect.gather [hbm4b:s3+s13], $0x10, s7, s13, $0xb8;
	[tilespmem:$0xF000] =	vst v63  }
0x8f: {  	p3 =	sne.s32 s10, $0x1;
	s10 =	sadd.s32 $0xFFFFFFFF, s10;
	s7 =	sadd.s32 $0xFFFFF700, s5  }
0x90: {  	[tilespmem:s15], [sflag:$0x1] =	stream.indirect.gather [hbm4b:s3+s13], $0x10, s7, s13, $0xb8;
	[tilespmem:$0xF000] =	vst v63  }
0x91: {  	s7 =	sadd.s32 $0xFFFFF780, s5  }
0x92: {  	[tilespmem:s16], [sflag:$0x1] =	stream.indirect.gather [hbm4b:s3+s13], $0x10, s7, s13, $0xb8;
	[tilespmem:$0xF000] =	vst v63  }
0x93: {  	s7 =	sadd.s32 $0xFFFFF800, s5  }
0x94: {  	[tilespmem:s17], [sflag:$0x1] =	stream.indirect.gather [hbm4b:s3+s13], $0x10, s7, s13, $0xb8;
	[tilespmem:$0xF000] =	vst v63  }
0x95: {  	s7 =	sadd.s32 $0xFFFFF880, s5  }
0x96: {  	[tilespmem:s18], [sflag:$0x1] =	stream.indirect.gather [hbm4b:s3+s13], $0x10, s7, s13, $0xb8;
	[tilespmem:$0xF000] =	vst v63  }
0x97: {  	s7 =	sadd.s32 $0xFFFFF900, s5  }
0x98: {  	[tilespmem:s19], [sflag:$0x1] =	stream.indirect.gather [hbm4b:s3+s13], $0x10, s7, s13, $0xb8;
	[tilespmem:$0xF000] =	vst v63  }
0x99: {  	s7 =	sadd.s32 $0xFFFFF980, s5  }
0x9a: {  	[tilespmem:s20], [sflag:$0x1] =	stream.indirect.gather [hbm4b:s3+s13], $0x10, s7, s13, $0xb8;
	[tilespmem:$0xF000] =	vst v63  }
0x9b: {  	s7 =	sadd.s32 $0xFFFFFA00, s5  }
0x9c: {  	[tilespmem:s21], [sflag:$0x1] =	stream.indirect.gather [hbm4b:s3+s13], $0x10, s7, s13, $0xb8;
	[tilespmem:$0xF000] =	vst v63  }
0x9d: {  	s7 =	sadd.s32 $0xFFFFFA80, s5  }
0x9e: {  	[tilespmem:s22], [sflag:$0x1] =	stream.indirect.gather [hbm4b:s3+s13], $0x10, s7, s13, $0xb8;
	[tilespmem:$0xF000] =	vst v63  }
0x9f: {  	s7 =	sadd.s32 $0xFFFFFB00, s5  }
0xa0: {  	[tilespmem:s23], [sflag:$0x1] =	stream.indirect.gather [hbm4b:s3+s13], $0x10, s7, s13, $0xb8;
	[tilespmem:$0xF000] =	vst v63  }
0xa1: {  	s7 =	sadd.s32 $0xFFFFFB80, s5  }
0xa2: {  	[tilespmem:s24], [sflag:$0x1] =	stream.indirect.gather [hbm4b:s3+s13], $0x10, s7, s13, $0xb8;
	[tilespmem:$0xF000] =	vst v63  }
0xa3: {  	s7 =	sadd.s32 $0xFFFFFC00, s5  }
0xa4: {  	[tilespmem:s25], [sflag:$0x1] =	stream.indirect.gather [hbm4b:s3+s13], $0x10, s7, s13, $0xb8;
	[tilespmem:$0xF000] =	vst v63  }
0xa5: {  	s7 =	sadd.s32 $0xFFFFFC80, s5  }
0xa6: {  	[tilespmem:s26], [sflag:$0x1] =	stream.indirect.gather [hbm4b:s3+s13], $0x10, s7, s13, $0xb8;
	[tilespmem:$0xF000] =	vst v63  }
0xa7: {  	s7 =	sadd.s32 $0xFFFFFD00, s5  }
0xa8: {  	[tilespmem:s28], [sflag:$0x1] =	stream.indirect.gather [hbm4b:s3+s13], $0x10, s7, s13, $0xb8;
	[tilespmem:$0xF000] =	vst v63  }
0xa9: {  	s7 =	sadd.s32 $0xFFFFFD80, s5  }
0xaa: {  	[tilespmem:s29], [sflag:$0x1] =	stream.indirect.gather [hbm4b:s3+s13], $0x10, s7, s13, $0xb8;
	[tilespmem:$0xF000] =	vst v63  }
0xab: {  	s7 =	sadd.s32 $0xFFFFFE00, s5  }
0xac: {  	[tilespmem:s30], [sflag:$0x1] =	stream.indirect.gather [hbm4b:s3+s13], $0x10, s7, s13, $0xb8;
	[tilespmem:$0xF000] =	vst v63  }
0xad: {  	s7 =	sadd.s32 $0xFFFFFE80, s5  }
0xae: {  	[tilespmem:s31], [sflag:$0x1] =	stream.indirect.gather [hbm4b:s3+s13], $0x10, s7, s13, $0xb8;
	[tilespmem:$0xF000] =	vst v63  }
0xaf: {  	s7 =	sadd.s32 $0xFFFFFF00, s5  }
0xb0: {  	[tilespmem:s1], [sflag:$0x1] =	stream.indirect.gather [hbm4b:s3+s13], $0x10, s7, s13, $0xb8;
	[tilespmem:$0xF000] =	vst v63  }
0xb1: {  	s7 =	sadd.s32 $0xFFFFFF80, s5  }
0xb2: {  	[tilespmem:s0], [sflag:$0x1] =	stream.indirect.gather [hbm4b:s3+s13], $0x10, s7, s13, $0xb8;
	[tilespmem:$0xF000] =	vst v63  }
0xb3: {  	_ = 	snop  }
0xb4: {  	[tilespmem:s12], [sflag:$0x1] =	stream.indirect.gather [hbm4b:s3+s13], $0x10, s5, s13, $0xb8;
	[tilespmem:$0xF000] =	vst v63  }
0xb5: {  	_ =	swait.ge [sflag:s6], $0x800  }
0xb6: {  	[sflag:s6] =	ssyncset.done $0x0  }
0xb7: {  	[sflag:s6] =	ssyncadd.s32 $0xFFFFF800  }
0xb8: {  	_ =	swait.ge [sflag:s6], $0x800  }
0xb9: {  	[sflag:s6] =	ssyncset.done $0x0  }
0xba: {  	[sflag:s6] =	ssyncadd.s32 $0xFFFFF800  }
0xbb: {  	_ =	swait.ge [sflag:s6], $0x800  }
0xbc: {  	[sflag:s6] =	ssyncset.done $0x0  }
0xbd: {  	[sflag:s6] =	ssyncadd.s32 $0xFFFFF800  }
0xbe: {  	_ =	swait.ge [sflag:s6], $0x800  }
0xbf: {  	[sflag:s6] =	ssyncset.done $0x0  }
0xc0: {  	[sflag:s6] =	ssyncadd.s32 $0xFFFFF800  }
0xc1: {  	_ =	swait.ge [sflag:s6], $0x800  }
0xc2: {  	[sflag:s6] =	ssyncset.done $0x0  }
0xc3: {  	[sflag:s6] =	ssyncadd.s32 $0xFFFFF800  }
0xc4: {  	_ =	swait.ge [sflag:s6], $0x800  }
0xc5: {  	[sflag:s6] =	ssyncset.done $0x0  }
0xc6: {  	[sflag:s6] =	ssyncadd.s32 $0xFFFFF800  }
0xc7: {  	_ =	swait.ge [sflag:s6], $0x800  }
0xc8: {  	[sflag:s6] =	ssyncset.done $0x0  }
0xc9: {  	[sflag:s6] =	ssyncadd.s32 $0xFFFFF800  }
0xca: {  	_ =	swait.ge [sflag:s6], $0x800  }
0xcb: {  	[sflag:s6] =	ssyncset.done $0x0  }
0xcc: {  	[sflag:s6] =	ssyncadd.s32 $0xFFFFF800  }
0xcd: {  	_ =	swait.ge [sflag:s6], $0x800  }
0xce: {  	[sflag:s6] =	ssyncset.done $0x0  }
0xcf: {  	[sflag:s6] =	ssyncadd.s32 $0xFFFFF800  }
0xd0: {  	_ =	swait.ge [sflag:s6], $0x800  }
0xd1: {  	[sflag:s6] =	ssyncset.done $0x0  }
0xd2: {  	[sflag:s6] =	ssyncadd.s32 $0xFFFFF800  }
0xd3: {  	_ =	swait.ge [sflag:s6], $0x800  }
0xd4: {  	[sflag:s6] =	ssyncset.done $0x0  }
0xd5: {  	[sflag:s6] =	ssyncadd.s32 $0xFFFFF800  }
0xd6: {  	_ =	swait.ge [sflag:s6], $0x800  }
0xd7: {  	[sflag:s6] =	ssyncset.done $0x0  }
0xd8: {  	[sflag:s6] =	ssyncadd.s32 $0xFFFFF800  }
0xd9: {  	_ =	swait.ge [sflag:s6], $0x800  }
0xda: {  	[sflag:s6] =	ssyncset.done $0x0  }
0xdb: {  	[sflag:s6] =	ssyncadd.s32 $0xFFFFF800  }
0xdc: {  	_ =	swait.ge [sflag:s6], $0x800  }
0xdd: {  	[sflag:s6] =	ssyncset.done $0x0  }
0xde: {  	[sflag:s6] =	ssyncadd.s32 $0xFFFFF800  }
0xdf: {  	_ =	swait.ge [sflag:s6], $0x800  }
0xe0: {  	[sflag:s6] =	ssyncset.done $0x0  }
0xe1: {  	[sflag:s6] =	ssyncadd.s32 $0xFFFFF800  }
0xe2: {  	_ =	swait.ge [sflag:s6], $0x800  }
0xe3: {  	[sflag:s6] =	ssyncset.done $0x0  }
0xe4: {  	[sflag:s6] =	ssyncadd.s32 $0xFFFFF800  }
0xe5: {  	_ =	swait.ge [sflag:s6], $0x800  }
0xe6: {  	[sflag:s6] =	ssyncset.done $0x0  }
0xe7: {  	[sflag:s6] =	ssyncadd.s32 $0xFFFFF800  }
0xe8: {  	_ =	swait.ge [sflag:s6], $0x800  }
0xe9: {  	[sflag:s6] =	ssyncset.done $0x0  }
0xea: {  	[sflag:s6] =	ssyncadd.s32 $0xFFFFF800  }
0xeb: {  	_ =	swait.ge [sflag:s6], $0x800  }
0xec: {  	[sflag:s6] =	ssyncset.done $0x0  }
0xed: {  	[sflag:s6] =	ssyncadd.s32 $0xFFFFF800  }
0xee: {  	_ =	swait.ge [sflag:s6], $0x800  }
.Ltmp2:
0xef: {  	[sflag:s6] =	ssyncset.done $0x0;
	(pc) =	sbr.rel @p3 .LBB2_5-.Ltmp2, $4  }
0xf0: {  	[sflag:s6] =	ssyncadd.s32 $0xFFFFF800  }
0xf1: {  	[hbm4b:s9+s2] =	stream.linear.scatter [tilespmem:s14], [sflag:$0x2], $0xA000, $0x38;
	[tilespmem:$0xF000] =	vst v63  }
0xf2: {  	_ =	swait.ge [sflag:s11], $0xA000  }
0xf3: {  	s5 =	sadd.s32 $0xA00, s5;
	[sflag:s11] =	ssyncset.done $0x0  }
0xf4: {  	s10 =	rddreg [dreg:$0x8]  }
.LBB2_7:
0xf5: {  	s7 =	sadd.s32 $0xFFFFF680, s5;
	[sflag:s11] =	ssyncadd.s32 @p2 $0xFFFF6000  }
0xf6: {  	[tilespmem:s14], [sflag:$0x1] =	stream.indirect.gather [hbm4b:s3+s13], $0x10, s7, s13, $0xb8;
	[tilespmem:$0xF000] =	vst v63  }
0xf7: {  	s7 =	sadd.s32 $0xFFFFF700, s5  }
0xf8: {  	[tilespmem:s15], [sflag:$0x1] =	stream.indirect.gather [hbm4b:s3+s13], $0x10, s7, s13, $0xb8;
	[tilespmem:$0xF000] =	vst v63  }
0xf9: {  	s7 =	sadd.s32 $0xFFFFF780, s5  }
0xfa: {  	[tilespmem:s16], [sflag:$0x1] =	stream.indirect.gather [hbm4b:s3+s13], $0x10, s7, s13, $0xb8;
	[tilespmem:$0xF000] =	vst v63  }
0xfb: {  	s7 =	sadd.s32 $0xFFFFF800, s5  }
0xfc: {  	[tilespmem:s17], [sflag:$0x1] =	stream.indirect.gather [hbm4b:s3+s13], $0x10, s7, s13, $0xb8;
	[tilespmem:$0xF000] =	vst v63  }
0xfd: {  	s7 =	sadd.s32 $0xFFFFF880, s5  }
0xfe: {  	[tilespmem:s18], [sflag:$0x1] =	stream.indirect.gather [hbm4b:s3+s13], $0x10, s7, s13, $0xb8;
	[tilespmem:$0xF000] =	vst v63  }
0xff: {  	s7 =	sadd.s32 $0xFFFFF900, s5  }
0x100: {  	[tilespmem:s19], [sflag:$0x1] =	stream.indirect.gather [hbm4b:s3+s13], $0x10, s7, s13, $0xb8;
	[tilespmem:$0xF000] =	vst v63  }
0x101: {  	s7 =	sadd.s32 $0xFFFFF980, s5  }
0x102: {  	[tilespmem:s20], [sflag:$0x1] =	stream.indirect.gather [hbm4b:s3+s13], $0x10, s7, s13, $0xb8;
	[tilespmem:$0xF000] =	vst v63  }
0x103: {  	s7 =	sadd.s32 $0xFFFFFA00, s5  }
0x104: {  	[tilespmem:s21], [sflag:$0x1] =	stream.indirect.gather [hbm4b:s3+s13], $0x10, s7, s13, $0xb8;
	[tilespmem:$0xF000] =	vst v63  }
0x105: {  	s7 =	sadd.s32 $0xFFFFFA80, s5  }
0x106: {  	[tilespmem:s22], [sflag:$0x1] =	stream.indirect.gather [hbm4b:s3+s13], $0x10, s7, s13, $0xb8;
	[tilespmem:$0xF000] =	vst v63  }
0x107: {  	s7 =	sadd.s32 $0xFFFFFB00, s5  }
0x108: {  	[tilespmem:s23], [sflag:$0x1] =	stream.indirect.gather [hbm4b:s3+s13], $0x10, s7, s13, $0xb8;
	[tilespmem:$0xF000] =	vst v63  }
0x109: {  	s7 =	sadd.s32 $0xFFFFFB80, s5  }
0x10a: {  	[tilespmem:s24], [sflag:$0x1] =	stream.indirect.gather [hbm4b:s3+s13], $0x10, s7, s13, $0xb8;
	[tilespmem:$0xF000] =	vst v63  }
0x10b: {  	s7 =	sadd.s32 $0xFFFFFC00, s5  }
0x10c: {  	[tilespmem:s25], [sflag:$0x1] =	stream.indirect.gather [hbm4b:s3+s13], $0x10, s7, s13, $0xb8;
	[tilespmem:$0xF000] =	vst v63  }
0x10d: {  	s7 =	sadd.s32 $0xFFFFFC80, s5  }
0x10e: {  	[tilespmem:s26], [sflag:$0x1] =	stream.indirect.gather [hbm4b:s3+s13], $0x10, s7, s13, $0xb8;
	[tilespmem:$0xF000] =	vst v63  }
0x10f: {  	s7 =	sadd.s32 $0xFFFFFD00, s5  }
0x110: {  	[tilespmem:s28], [sflag:$0x1] =	stream.indirect.gather [hbm4b:s3+s13], $0x10, s7, s13, $0xb8;
	[tilespmem:$0xF000] =	vst v63  }
0x111: {  	s7 =	sadd.s32 $0xFFFFFD80, s5  }
0x112: {  	[tilespmem:s29], [sflag:$0x1] =	stream.indirect.gather [hbm4b:s3+s13], $0x10, s7, s13, $0xb8;
	[tilespmem:$0xF000] =	vst v63  }
0x113: {  	s7 =	sadd.s32 $0xFFFFFE00, s5  }
0x114: {  	[tilespmem:s30], [sflag:$0x1] =	stream.indirect.gather [hbm4b:s3+s13], $0x10, s7, s13, $0xb8;
	[tilespmem:$0xF000] =	vst v63  }
0x115: {  	s7 =	sadd.s32 $0xFFFFFE80, s5  }
0x116: {  	[tilespmem:s31], [sflag:$0x1] =	stream.indirect.gather [hbm4b:s3+s13], $0x10, s7, s13, $0xb8;
	[tilespmem:$0xF000] =	vst v63  }
0x117: {  	s7 =	sadd.s32 $0xFFFFFF00, s5  }
0x118: {  	[tilespmem:s1], [sflag:$0x1] =	stream.indirect.gather [hbm4b:s3+s13], $0x10, s7, s13, $0xb8;
	[tilespmem:$0xF000] =	vst v63  }
0x119: {  	s7 =	sadd.s32 $0xFFFFFF80, s5  }
0x11a: {  	[tilespmem:s0], [sflag:$0x1] =	stream.indirect.gather [hbm4b:s3+s13], $0x10, s7, s13, $0xb8;
	[tilespmem:$0xF000] =	vst v63  }
0x11b: {  	_ = 	snop  }
0x11c: {  	[tilespmem:s12], [sflag:$0x1] =	stream.indirect.gather [hbm4b:s3+s13], $0x10, s5, s13, $0xb8;
	[tilespmem:$0xF000] =	vst v63  }
0x11d: {  	_ =	swait.ge [sflag:s6], $0x800  }
0x11e: {  	[sflag:s6] =	ssyncset.done $0x0  }
0x11f: {  	[sflag:s6] =	ssyncadd.s32 $0xFFFFF800  }
0x120: {  	_ =	swait.ge [sflag:s6], $0x800  }
0x121: {  	[sflag:s6] =	ssyncset.done $0x0  }
0x122: {  	[sflag:s6] =	ssyncadd.s32 $0xFFFFF800  }
0x123: {  	_ =	swait.ge [sflag:s6], $0x800  }
0x124: {  	[sflag:s6] =	ssyncset.done $0x0  }
0x125: {  	[sflag:s6] =	ssyncadd.s32 $0xFFFFF800  }
0x126: {  	_ =	swait.ge [sflag:s6], $0x800  }
0x127: {  	[sflag:s6] =	ssyncset.done $0x0  }
0x128: {  	[sflag:s6] =	ssyncadd.s32 $0xFFFFF800  }
0x129: {  	_ =	swait.ge [sflag:s6], $0x800  }
0x12a: {  	[sflag:s6] =	ssyncset.done $0x0  }
0x12b: {  	[sflag:s6] =	ssyncadd.s32 $0xFFFFF800  }
0x12c: {  	_ =	swait.ge [sflag:s6], $0x800  }
0x12d: {  	[sflag:s6] =	ssyncset.done $0x0  }
0x12e: {  	[sflag:s6] =	ssyncadd.s32 $0xFFFFF800  }
0x12f: {  	_ =	swait.ge [sflag:s6], $0x800  }
0x130: {  	[sflag:s6] =	ssyncset.done $0x0  }
0x131: {  	[sflag:s6] =	ssyncadd.s32 $0xFFFFF800  }
0x132: {  	_ =	swait.ge [sflag:s6], $0x800  }
0x133: {  	[sflag:s6] =	ssyncset.done $0x0  }
0x134: {  	[sflag:s6] =	ssyncadd.s32 $0xFFFFF800  }
0x135: {  	_ =	swait.ge [sflag:s6], $0x800  }
0x136: {  	[sflag:s6] =	ssyncset.done $0x0  }
0x137: {  	[sflag:s6] =	ssyncadd.s32 $0xFFFFF800  }
0x138: {  	_ =	swait.ge [sflag:s6], $0x800  }
0x139: {  	[sflag:s6] =	ssyncset.done $0x0  }
0x13a: {  	[sflag:s6] =	ssyncadd.s32 $0xFFFFF800  }
0x13b: {  	_ =	swait.ge [sflag:s6], $0x800  }
0x13c: {  	[sflag:s6] =	ssyncset.done $0x0  }
0x13d: {  	[sflag:s6] =	ssyncadd.s32 $0xFFFFF800  }
0x13e: {  	_ =	swait.ge [sflag:s6], $0x800  }
0x13f: {  	[sflag:s6] =	ssyncset.done $0x0  }
0x140: {  	[sflag:s6] =	ssyncadd.s32 $0xFFFFF800  }
0x141: {  	_ =	swait.ge [sflag:s6], $0x800  }
0x142: {  	[sflag:s6] =	ssyncset.done $0x0  }
0x143: {  	[sflag:s6] =	ssyncadd.s32 $0xFFFFF800  }
0x144: {  	_ =	swait.ge [sflag:s6], $0x800  }
0x145: {  	[sflag:s6] =	ssyncset.done $0x0  }
0x146: {  	[sflag:s6] =	ssyncadd.s32 $0xFFFFF800  }
0x147: {  	_ =	swait.ge [sflag:s6], $0x800  }
0x148: {  	[sflag:s6] =	ssyncset.done $0x0  }
0x149: {  	[sflag:s6] =	ssyncadd.s32 $0xFFFFF800  }
0x14a: {  	_ =	swait.ge [sflag:s6], $0x800  }
0x14b: {  	[sflag:s6] =	ssyncset.done $0x0  }
0x14c: {  	[sflag:s6] =	ssyncadd.s32 $0xFFFFF800  }
0x14d: {  	_ =	swait.ge [sflag:s6], $0x800  }
0x14e: {  	[sflag:s6] =	ssyncset.done $0x0  }
0x14f: {  	[sflag:s6] =	ssyncadd.s32 $0xFFFFF800  }
0x150: {  	_ =	swait.ge [sflag:s6], $0x800  }
0x151: {  	[sflag:s6] =	ssyncset.done $0x0  }
0x152: {  	[sflag:s6] =	ssyncadd.s32 $0xFFFFF800  }
0x153: {  	_ =	swait.ge [sflag:s6], $0x800  }
0x154: {  	[sflag:s6] =	ssyncset.done $0x0  }
0x155: {  	[sflag:s6] =	ssyncadd.s32 $0xFFFFF800  }
0x156: {  	_ =	swait.ge [sflag:s6], $0x800  }
0x157: {  	s5 =	sadd.s32 @p2 $0x1400, s9;
	[sflag:s6] =	ssyncset.done $0x0;
	s7 =	rddreg [dreg:$0x7]  }
.Ltmp3:
0x158: {  	s7 =	smov.u32 @p2 s5;
	[sflag:s6] =	ssyncadd.s32 $0xFFFFF800;
	(pc) =	sbr.rel @!p1 .LBB2_8-.Ltmp3, $4  }
0x159: {  	[hbm4b:s7+s2] =	stream.linear.scatter [tilespmem:s14], [sflag:$0x2], $0xA000, $0x38;
	[tilespmem:$0xF000] =	vst v63  }
0x15a: {  	_ =	swait.ge [sflag:s11], $0xA000  }
0x15b: {  	[sflag:s11] =	ssyncset.done $0x0  }
0x15c: {  	s5 =	simm.s32 $0x3180;
	[sflag:s11] =	ssyncadd.s32 $0xFFFF6000  }
0x15d: {  	s7 =	simm.s32 $0x2800  }
0x15e: {  	[tilespmem:s14], [sflag:$0x1] =	stream.indirect.gather [hbm4b:s4+s13], $0x10, s7, s13, $0xb8;
	[tilespmem:$0xF000] =	vst v63  }
0x15f: {  	s9 =	simm.s32 $0x2880  }
0x160: {  	[tilespmem:s15], [sflag:$0x1] =	stream.indirect.gather [hbm4b:s4+s13], $0x10, s9, s13, $0xb8;
	[tilespmem:$0xF000] =	vst v63  }
0x161: {  	s9 =	simm.s32 $0x2900  }
0x162: {  	[tilespmem:s16], [sflag:$0x1] =	stream.indirect.gather [hbm4b:s4+s13], $0x10, s9, s13, $0xb8;
	[tilespmem:$0xF000] =	vst v63  }
0x163: {  	s9 =	simm.s32 $0x2980  }
0x164: {  	[tilespmem:s17], [sflag:$0x1] =	stream.indirect.gather [hbm4b:s4+s13], $0x10, s9, s13, $0xb8;
	[tilespmem:$0xF000] =	vst v63  }
0x165: {  	s9 =	simm.s32 $0x2A00  }
0x166: {  	[tilespmem:s18], [sflag:$0x1] =	stream.indirect.gather [hbm4b:s4+s13], $0x10, s9, s13, $0xb8;
	[tilespmem:$0xF000] =	vst v63  }
0x167: {  	s9 =	simm.s32 $0x2A80  }
0x168: {  	[tilespmem:s19], [sflag:$0x1] =	stream.indirect.gather [hbm4b:s4+s13], $0x10, s9, s13, $0xb8;
	[tilespmem:$0xF000] =	vst v63  }
0x169: {  	s9 =	simm.s32 $0x2B00  }
0x16a: {  	[tilespmem:s20], [sflag:$0x1] =	stream.indirect.gather [hbm4b:s4+s13], $0x10, s9, s13, $0xb8;
	[tilespmem:$0xF000] =	vst v63  }
0x16b: {  	s9 =	simm.s32 $0x2B80  }
0x16c: {  	[tilespmem:s21], [sflag:$0x1] =	stream.indirect.gather [hbm4b:s4+s13], $0x10, s9, s13, $0xb8;
	[tilespmem:$0xF000] =	vst v63  }
0x16d: {  	s9 =	simm.s32 $0x2C00  }
0x16e: {  	[tilespmem:s22], [sflag:$0x1] =	stream.indirect.gather [hbm4b:s4+s13], $0x10, s9, s13, $0xb8;
	[tilespmem:$0xF000] =	vst v63  }
0x16f: {  	s9 =	simm.s32 $0x2C80  }
0x170: {  	[tilespmem:s23], [sflag:$0x1] =	stream.indirect.gather [hbm4b:s4+s13], $0x10, s9, s13, $0xb8;
	[tilespmem:$0xF000] =	vst v63  }
0x171: {  	s9 =	simm.s32 $0x2D00  }
0x172: {  	[tilespmem:s24], [sflag:$0x1] =	stream.indirect.gather [hbm4b:s4+s13], $0x10, s9, s13, $0xb8;
	[tilespmem:$0xF000] =	vst v63  }
0x173: {  	s9 =	simm.s32 $0x2D80  }
0x174: {  	[tilespmem:s25], [sflag:$0x1] =	stream.indirect.gather [hbm4b:s4+s13], $0x10, s9, s13, $0xb8;
	[tilespmem:$0xF000] =	vst v63  }
0x175: {  	s9 =	simm.s32 $0x2E00  }
0x176: {  	[tilespmem:s26], [sflag:$0x1] =	stream.indirect.gather [hbm4b:s4+s13], $0x10, s9, s13, $0xb8;
	[tilespmem:$0xF000] =	vst v63  }
0x177: {  	s9 =	simm.s32 $0x2E80  }
0x178: {  	[tilespmem:s28], [sflag:$0x1] =	stream.indirect.gather [hbm4b:s4+s13], $0x10, s9, s13, $0xb8;
	[tilespmem:$0xF000] =	vst v63  }
0x179: {  	s9 =	simm.s32 $0x2F00  }
0x17a: {  	[tilespmem:s29], [sflag:$0x1] =	stream.indirect.gather [hbm4b:s4+s13], $0x10, s9, s13, $0xb8;
	[tilespmem:$0xF000] =	vst v63  }
0x17b: {  	s9 =	simm.s32 $0x2F80  }
0x17c: {  	[tilespmem:s30], [sflag:$0x1] =	stream.indirect.gather [hbm4b:s4+s13], $0x10, s9, s13, $0xb8;
	[tilespmem:$0xF000] =	vst v63  }
0x17d: {  	s9 =	simm.s32 $0x3000  }
0x17e: {  	[tilespmem:s31], [sflag:$0x1] =	stream.indirect.gather [hbm4b:s4+s13], $0x10, s9, s13, $0xb8;
	[tilespmem:$0xF000] =	vst v63  }
0x17f: {  	s9 =	simm.s32 $0x3080  }
0x180: {  	[tilespmem:s1], [sflag:$0x1] =	stream.indirect.gather [hbm4b:s4+s13], $0x10, s9, s13, $0xb8;
	[tilespmem:$0xF000] =	vst v63  }
0x181: {  	s9 =	simm.s32 $0x3100  }
0x182: {  	[tilespmem:s0], [sflag:$0x1] =	stream.indirect.gather [hbm4b:s4+s13], $0x10, s9, s13, $0xb8;
	[tilespmem:$0xF000] =	vst v63  }
0x183: {  	_ = 	snop  }
0x184: {  	[tilespmem:s12], [sflag:$0x1] =	stream.indirect.gather [hbm4b:s4+s13], $0x10, s5, s13, $0xb8;
	[tilespmem:$0xF000] =	vst v63  }
0x185: {  	_ =	swait.ge [sflag:s6], $0x800  }
0x186: {  	[sflag:s6] =	ssyncset.done $0x0  }
0x187: {  	[sflag:s6] =	ssyncadd.s32 $0xFFFFF800  }
0x188: {  	_ =	swait.ge [sflag:s6], $0x800  }
0x189: {  	[sflag:s6] =	ssyncset.done $0x0  }
0x18a: {  	[sflag:s6] =	ssyncadd.s32 $0xFFFFF800  }
0x18b: {  	_ =	swait.ge [sflag:s6], $0x800  }
0x18c: {  	[sflag:s6] =	ssyncset.done $0x0  }
0x18d: {  	[sflag:s6] =	ssyncadd.s32 $0xFFFFF800  }
0x18e: {  	_ =	swait.ge [sflag:s6], $0x800  }
0x18f: {  	[sflag:s6] =	ssyncset.done $0x0  }
0x190: {  	[sflag:s6] =	ssyncadd.s32 $0xFFFFF800  }
0x191: {  	_ =	swait.ge [sflag:s6], $0x800  }
0x192: {  	[sflag:s6] =	ssyncset.done $0x0  }
0x193: {  	[sflag:s6] =	ssyncadd.s32 $0xFFFFF800  }
0x194: {  	_ =	swait.ge [sflag:s6], $0x800  }
0x195: {  	[sflag:s6] =	ssyncset.done $0x0  }
0x196: {  	[sflag:s6] =	ssyncadd.s32 $0xFFFFF800  }
0x197: {  	_ =	swait.ge [sflag:s6], $0x800  }
0x198: {  	[sflag:s6] =	ssyncset.done $0x0  }
0x199: {  	[sflag:s6] =	ssyncadd.s32 $0xFFFFF800  }
0x19a: {  	_ =	swait.ge [sflag:s6], $0x800  }
0x19b: {  	[sflag:s6] =	ssyncset.done $0x0  }
0x19c: {  	[sflag:s6] =	ssyncadd.s32 $0xFFFFF800  }
0x19d: {  	_ =	swait.ge [sflag:s6], $0x800  }
0x19e: {  	[sflag:s6] =	ssyncset.done $0x0  }
0x19f: {  	[sflag:s6] =	ssyncadd.s32 $0xFFFFF800  }
0x1a0: {  	_ =	swait.ge [sflag:s6], $0x800  }
0x1a1: {  	[sflag:s6] =	ssyncset.done $0x0  }
0x1a2: {  	[sflag:s6] =	ssyncadd.s32 $0xFFFFF800  }
0x1a3: {  	_ =	swait.ge [sflag:s6], $0x800  }
0x1a4: {  	[sflag:s6] =	ssyncset.done $0x0  }
0x1a5: {  	[sflag:s6] =	ssyncadd.s32 $0xFFFFF800  }
0x1a6: {  	_ =	swait.ge [sflag:s6], $0x800  }
0x1a7: {  	[sflag:s6] =	ssyncset.done $0x0  }
0x1a8: {  	[sflag:s6] =	ssyncadd.s32 $0xFFFFF800  }
0x1a9: {  	_ =	swait.ge [sflag:s6], $0x800  }
0x1aa: {  	[sflag:s6] =	ssyncset.done $0x0  }
0x1ab: {  	[sflag:s6] =	ssyncadd.s32 $0xFFFFF800  }
0x1ac: {  	_ =	swait.ge [sflag:s6], $0x800  }
0x1ad: {  	[sflag:s6] =	ssyncset.done $0x0  }
0x1ae: {  	[sflag:s6] =	ssyncadd.s32 $0xFFFFF800  }
0x1af: {  	_ =	swait.ge [sflag:s6], $0x800  }
0x1b0: {  	[sflag:s6] =	ssyncset.done $0x0  }
0x1b1: {  	[sflag:s6] =	ssyncadd.s32 $0xFFFFF800  }
0x1b2: {  	_ =	swait.ge [sflag:s6], $0x800  }
0x1b3: {  	[sflag:s6] =	ssyncset.done $0x0  }
0x1b4: {  	[sflag:s6] =	ssyncadd.s32 $0xFFFFF800  }
0x1b5: {  	_ =	swait.ge [sflag:s6], $0x800  }
0x1b6: {  	[sflag:s6] =	ssyncset.done $0x0  }
0x1b7: {  	[sflag:s6] =	ssyncadd.s32 $0xFFFFF800  }
0x1b8: {  	_ =	swait.ge [sflag:s6], $0x800  }
0x1b9: {  	[sflag:s6] =	ssyncset.done $0x0  }
0x1ba: {  	[sflag:s6] =	ssyncadd.s32 $0xFFFFF800  }
0x1bb: {  	_ =	swait.ge [sflag:s6], $0x800  }
0x1bc: {  	[sflag:s6] =	ssyncset.done $0x0  }
0x1bd: {  	[sflag:s6] =	ssyncadd.s32 $0xFFFFF800  }
0x1be: {  	p1 =	sne.s32 s8, $0x1;
	_ =	swait.ge [sflag:s6], $0x800  }
.Ltmp4:
0x1bf: {  	[sflag:s6] =	ssyncset.done $0x0;
	(pc) =	sbr.rel @!p1 .LBB2_10-.Ltmp4, $4  }
0x1c0: {  	[sflag:s6] =	ssyncadd.s32 $0xFFFFF800  }
0x1c1: {  	[hbm4b:s10+s2] =	stream.linear.scatter [tilespmem:s14], [sflag:$0x2], $0xA000, $0x38;
	[tilespmem:$0xF000] =	vst v63  }
0x1c2: {  	p0 =	por $0x1, $0x1;
	s9 =	sadd.s32 $0xFFFFFFFF, s8;
	_ =	swait.ge [sflag:s11], $0xA000  }
0x1c3: {  	s8 =	smov.u32 s10;
	s5 =	simm.s32 $0x3B80;
	[sflag:s11] =	ssyncset.done $0x0  }
.LBB2_11:
0x1c4: {  	s7 =	sadd.s32 $0xFFFFF680, s5;
	[sflag:s11] =	ssyncadd.s32 $0xFFFF6000;
	s8 =	sadd.s32 $0x1400, s8  }
0x1c5: {  	[tilespmem:s14], [sflag:$0x1] =	stream.indirect.gather [hbm4b:s4+s13], $0x10, s7, s13, $0xb8;
	[tilespmem:$0xF000] =	vst v63  }
0x1c6: {  	p1 =	sne.s32 s9, $0x1;
	s9 =	sadd.s32 $0xFFFFFFFF, s9;
	s7 =	sadd.s32 $0xFFFFF700, s5  }
0x1c7: {  	[tilespmem:s15], [sflag:$0x1] =	stream.indirect.gather [hbm4b:s4+s13], $0x10, s7, s13, $0xb8;
	[tilespmem:$0xF000] =	vst v63  }
0x1c8: {  	s7 =	sadd.s32 $0xFFFFF780, s5  }
0x1c9: {  	[tilespmem:s16], [sflag:$0x1] =	stream.indirect.gather [hbm4b:s4+s13], $0x10, s7, s13, $0xb8;
	[tilespmem:$0xF000] =	vst v63  }
0x1ca: {  	s7 =	sadd.s32 $0xFFFFF800, s5  }
0x1cb: {  	[tilespmem:s17], [sflag:$0x1] =	stream.indirect.gather [hbm4b:s4+s13], $0x10, s7, s13, $0xb8;
	[tilespmem:$0xF000] =	vst v63  }
0x1cc: {  	s7 =	sadd.s32 $0xFFFFF880, s5  }
0x1cd: {  	[tilespmem:s18], [sflag:$0x1] =	stream.indirect.gather [hbm4b:s4+s13], $0x10, s7, s13, $0xb8;
	[tilespmem:$0xF000] =	vst v63  }
0x1ce: {  	s7 =	sadd.s32 $0xFFFFF900, s5  }
0x1cf: {  	[tilespmem:s19], [sflag:$0x1] =	stream.indirect.gather [hbm4b:s4+s13], $0x10, s7, s13, $0xb8;
	[tilespmem:$0xF000] =	vst v63  }
0x1d0: {  	s7 =	sadd.s32 $0xFFFFF980, s5  }
0x1d1: {  	[tilespmem:s20], [sflag:$0x1] =	stream.indirect.gather [hbm4b:s4+s13], $0x10, s7, s13, $0xb8;
	[tilespmem:$0xF000] =	vst v63  }
0x1d2: {  	s7 =	sadd.s32 $0xFFFFFA00, s5  }
0x1d3: {  	[tilespmem:s21], [sflag:$0x1] =	stream.indirect.gather [hbm4b:s4+s13], $0x10, s7, s13, $0xb8;
	[tilespmem:$0xF000] =	vst v63  }
0x1d4: {  	s7 =	sadd.s32 $0xFFFFFA80, s5  }
0x1d5: {  	[tilespmem:s22], [sflag:$0x1] =	stream.indirect.gather [hbm4b:s4+s13], $0x10, s7, s13, $0xb8;
	[tilespmem:$0xF000] =	vst v63  }
0x1d6: {  	s7 =	sadd.s32 $0xFFFFFB00, s5  }
0x1d7: {  	[tilespmem:s23], [sflag:$0x1] =	stream.indirect.gather [hbm4b:s4+s13], $0x10, s7, s13, $0xb8;
	[tilespmem:$0xF000] =	vst v63  }
0x1d8: {  	s7 =	sadd.s32 $0xFFFFFB80, s5  }
0x1d9: {  	[tilespmem:s24], [sflag:$0x1] =	stream.indirect.gather [hbm4b:s4+s13], $0x10, s7, s13, $0xb8;
	[tilespmem:$0xF000] =	vst v63  }
0x1da: {  	s7 =	sadd.s32 $0xFFFFFC00, s5  }
0x1db: {  	[tilespmem:s25], [sflag:$0x1] =	stream.indirect.gather [hbm4b:s4+s13], $0x10, s7, s13, $0xb8;
	[tilespmem:$0xF000] =	vst v63  }
0x1dc: {  	s7 =	sadd.s32 $0xFFFFFC80, s5  }
0x1dd: {  	[tilespmem:s26], [sflag:$0x1] =	stream.indirect.gather [hbm4b:s4+s13], $0x10, s7, s13, $0xb8;
	[tilespmem:$0xF000] =	vst v63  }
0x1de: {  	s7 =	sadd.s32 $0xFFFFFD00, s5  }
0x1df: {  	[tilespmem:s28], [sflag:$0x1] =	stream.indirect.gather [hbm4b:s4+s13], $0x10, s7, s13, $0xb8;
	[tilespmem:$0xF000] =	vst v63  }
0x1e0: {  	s7 =	sadd.s32 $0xFFFFFD80, s5  }
0x1e1: {  	[tilespmem:s29], [sflag:$0x1] =	stream.indirect.gather [hbm4b:s4+s13], $0x10, s7, s13, $0xb8;
	[tilespmem:$0xF000] =	vst v63  }
0x1e2: {  	s7 =	sadd.s32 $0xFFFFFE00, s5  }
0x1e3: {  	[tilespmem:s30], [sflag:$0x1] =	stream.indirect.gather [hbm4b:s4+s13], $0x10, s7, s13, $0xb8;
	[tilespmem:$0xF000] =	vst v63  }
0x1e4: {  	s7 =	sadd.s32 $0xFFFFFE80, s5  }
0x1e5: {  	[tilespmem:s31], [sflag:$0x1] =	stream.indirect.gather [hbm4b:s4+s13], $0x10, s7, s13, $0xb8;
	[tilespmem:$0xF000] =	vst v63  }
0x1e6: {  	s7 =	sadd.s32 $0xFFFFFF00, s5  }
0x1e7: {  	[tilespmem:s1], [sflag:$0x1] =	stream.indirect.gather [hbm4b:s4+s13], $0x10, s7, s13, $0xb8;
	[tilespmem:$0xF000] =	vst v63  }
0x1e8: {  	s7 =	sadd.s32 $0xFFFFFF80, s5  }
0x1e9: {  	[tilespmem:s0], [sflag:$0x1] =	stream.indirect.gather [hbm4b:s4+s13], $0x10, s7, s13, $0xb8;
	[tilespmem:$0xF000] =	vst v63  }
0x1ea: {  	_ = 	snop  }
0x1eb: {  	[tilespmem:s12], [sflag:$0x1] =	stream.indirect.gather [hbm4b:s4+s13], $0x10, s5, s13, $0xb8;
	[tilespmem:$0xF000] =	vst v63  }
0x1ec: {  	_ =	swait.ge [sflag:s6], $0x800  }
0x1ed: {  	[sflag:s6] =	ssyncset.done $0x0  }
0x1ee: {  	[sflag:s6] =	ssyncadd.s32 $0xFFFFF800  }
0x1ef: {  	_ =	swait.ge [sflag:s6], $0x800  }
0x1f0: {  	[sflag:s6] =	ssyncset.done $0x0  }
0x1f1: {  	[sflag:s6] =	ssyncadd.s32 $0xFFFFF800  }
0x1f2: {  	_ =	swait.ge [sflag:s6], $0x800  }
0x1f3: {  	[sflag:s6] =	ssyncset.done $0x0  }
0x1f4: {  	[sflag:s6] =	ssyncadd.s32 $0xFFFFF800  }
0x1f5: {  	_ =	swait.ge [sflag:s6], $0x800  }
0x1f6: {  	[sflag:s6] =	ssyncset.done $0x0  }
0x1f7: {  	[sflag:s6] =	ssyncadd.s32 $0xFFFFF800  }
0x1f8: {  	_ =	swait.ge [sflag:s6], $0x800  }
0x1f9: {  	[sflag:s6] =	ssyncset.done $0x0  }
0x1fa: {  	[sflag:s6] =	ssyncadd.s32 $0xFFFFF800  }
0x1fb: {  	_ =	swait.ge [sflag:s6], $0x800  }
0x1fc: {  	[sflag:s6] =	ssyncset.done $0x0  }
0x1fd: {  	[sflag:s6] =	ssyncadd.s32 $0xFFFFF800  }
0x1fe: {  	_ =	swait.ge [sflag:s6], $0x800  }
0x1ff: {  	[sflag:s6] =	ssyncset.done $0x0  }
0x200: {  	[sflag:s6] =	ssyncadd.s32 $0xFFFFF800  }
0x201: {  	_ =	swait.ge [sflag:s6], $0x800  }
0x202: {  	[sflag:s6] =	ssyncset.done $0x0  }
0x203: {  	[sflag:s6] =	ssyncadd.s32 $0xFFFFF800  }
0x204: {  	_ =	swait.ge [sflag:s6], $0x800  }
0x205: {  	[sflag:s6] =	ssyncset.done $0x0  }
0x206: {  	[sflag:s6] =	ssyncadd.s32 $0xFFFFF800  }
0x207: {  	_ =	swait.ge [sflag:s6], $0x800  }
0x208: {  	[sflag:s6] =	ssyncset.done $0x0  }
0x209: {  	[sflag:s6] =	ssyncadd.s32 $0xFFFFF800  }
0x20a: {  	_ =	swait.ge [sflag:s6], $0x800  }
0x20b: {  	[sflag:s6] =	ssyncset.done $0x0  }
0x20c: {  	[sflag:s6] =	ssyncadd.s32 $0xFFFFF800  }
0x20d: {  	_ =	swait.ge [sflag:s6], $0x800  }
0x20e: {  	[sflag:s6] =	ssyncset.done $0x0  }
0x20f: {  	[sflag:s6] =	ssyncadd.s32 $0xFFFFF800  }
0x210: {  	_ =	swait.ge [sflag:s6], $0x800  }
0x211: {  	[sflag:s6] =	ssyncset.done $0x0  }
0x212: {  	[sflag:s6] =	ssyncadd.s32 $0xFFFFF800  }
0x213: {  	_ =	swait.ge [sflag:s6], $0x800  }
0x214: {  	[sflag:s6] =	ssyncset.done $0x0  }
0x215: {  	[sflag:s6] =	ssyncadd.s32 $0xFFFFF800  }
0x216: {  	_ =	swait.ge [sflag:s6], $0x800  }
0x217: {  	[sflag:s6] =	ssyncset.done $0x0  }
0x218: {  	[sflag:s6] =	ssyncadd.s32 $0xFFFFF800  }
0x219: {  	_ =	swait.ge [sflag:s6], $0x800  }
0x21a: {  	[sflag:s6] =	ssyncset.done $0x0  }
0x21b: {  	[sflag:s6] =	ssyncadd.s32 $0xFFFFF800  }
0x21c: {  	_ =	swait.ge [sflag:s6], $0x800  }
0x21d: {  	[sflag:s6] =	ssyncset.done $0x0  }
0x21e: {  	[sflag:s6] =	ssyncadd.s32 $0xFFFFF800  }
0x21f: {  	_ =	swait.ge [sflag:s6], $0x800  }
0x220: {  	[sflag:s6] =	ssyncset.done $0x0  }
0x221: {  	[sflag:s6] =	ssyncadd.s32 $0xFFFFF800  }
0x222: {  	_ =	swait.ge [sflag:s6], $0x800  }
0x223: {  	[sflag:s6] =	ssyncset.done $0x0  }
0x224: {  	[sflag:s6] =	ssyncadd.s32 $0xFFFFF800  }
0x225: {  	_ =	swait.ge [sflag:s6], $0x800  }
.Ltmp5:
0x226: {  	[sflag:s6] =	ssyncset.done $0x0;
	(pc) =	sbr.rel @p1 .LBB2_11-.Ltmp5, $4  }
0x227: {  	[sflag:s6] =	ssyncadd.s32 $0xFFFFF800  }
0x228: {  	[hbm4b:s8+s2] =	stream.linear.scatter [tilespmem:s14], [sflag:$0x2], $0xA000, $0x38;
	[tilespmem:$0xF000] =	vst v63  }
0x229: {  	_ =	swait.ge [sflag:s11], $0xA000  }
0x22a: {  	s5 =	sadd.s32 $0xA00, s5;
	[sflag:s11] =	ssyncset.done $0x0  }
0x22b: {  	s9 =	rddreg [dreg:$0x9]  }
.LBB2_13:
0x22c: {  	s7 =	sadd.s32 $0xFFFFF680, s5;
	[sflag:s11] =	ssyncadd.s32 @p0 $0xFFFF6000  }
0x22d: {  	[tilespmem:s14], [sflag:$0x1] =	stream.indirect.gather [hbm4b:s4+s13], $0x10, s7, s13, $0xb8;
	[tilespmem:$0xF000] =	vst v63  }
0x22e: {  	s7 =	sadd.s32 $0xFFFFF700, s5  }
0x22f: {  	[tilespmem:s15], [sflag:$0x1] =	stream.indirect.gather [hbm4b:s4+s13], $0x10, s7, s13, $0xb8;
	[tilespmem:$0xF000] =	vst v63  }
0x230: {  	s7 =	sadd.s32 $0xFFFFF780, s5  }
0x231: {  	[tilespmem:s16], [sflag:$0x1] =	stream.indirect.gather [hbm4b:s4+s13], $0x10, s7, s13, $0xb8;
	[tilespmem:$0xF000] =	vst v63  }
0x232: {  	s7 =	sadd.s32 $0xFFFFF800, s5  }
0x233: {  	[tilespmem:s17], [sflag:$0x1] =	stream.indirect.gather [hbm4b:s4+s13], $0x10, s7, s13, $0xb8;
	[tilespmem:$0xF000] =	vst v63  }
0x234: {  	s7 =	sadd.s32 $0xFFFFF880, s5  }
0x235: {  	[tilespmem:s18], [sflag:$0x1] =	stream.indirect.gather [hbm4b:s4+s13], $0x10, s7, s13, $0xb8;
	[tilespmem:$0xF000] =	vst v63  }
0x236: {  	s7 =	sadd.s32 $0xFFFFF900, s5  }
0x237: {  	[tilespmem:s19], [sflag:$0x1] =	stream.indirect.gather [hbm4b:s4+s13], $0x10, s7, s13, $0xb8;
	[tilespmem:$0xF000] =	vst v63  }
0x238: {  	s7 =	sadd.s32 $0xFFFFF980, s5  }
0x239: {  	[tilespmem:s20], [sflag:$0x1] =	stream.indirect.gather [hbm4b:s4+s13], $0x10, s7, s13, $0xb8;
	[tilespmem:$0xF000] =	vst v63  }
0x23a: {  	s7 =	sadd.s32 $0xFFFFFA00, s5  }
0x23b: {  	[tilespmem:s21], [sflag:$0x1] =	stream.indirect.gather [hbm4b:s4+s13], $0x10, s7, s13, $0xb8;
	[tilespmem:$0xF000] =	vst v63  }
0x23c: {  	s7 =	sadd.s32 $0xFFFFFA80, s5  }
0x23d: {  	[tilespmem:s22], [sflag:$0x1] =	stream.indirect.gather [hbm4b:s4+s13], $0x10, s7, s13, $0xb8;
	[tilespmem:$0xF000] =	vst v63  }
0x23e: {  	s7 =	sadd.s32 $0xFFFFFB00, s5  }
0x23f: {  	[tilespmem:s23], [sflag:$0x1] =	stream.indirect.gather [hbm4b:s4+s13], $0x10, s7, s13, $0xb8;
	[tilespmem:$0xF000] =	vst v63  }
0x240: {  	s7 =	sadd.s32 $0xFFFFFB80, s5  }
0x241: {  	[tilespmem:s24], [sflag:$0x1] =	stream.indirect.gather [hbm4b:s4+s13], $0x10, s7, s13, $0xb8;
	[tilespmem:$0xF000] =	vst v63  }
0x242: {  	s7 =	sadd.s32 $0xFFFFFC00, s5  }
0x243: {  	[tilespmem:s25], [sflag:$0x1] =	stream.indirect.gather [hbm4b:s4+s13], $0x10, s7, s13, $0xb8;
	[tilespmem:$0xF000] =	vst v63  }
0x244: {  	s7 =	sadd.s32 $0xFFFFFC80, s5  }
0x245: {  	[tilespmem:s26], [sflag:$0x1] =	stream.indirect.gather [hbm4b:s4+s13], $0x10, s7, s13, $0xb8;
	[tilespmem:$0xF000] =	vst v63  }
0x246: {  	s7 =	sadd.s32 $0xFFFFFD00, s5  }
0x247: {  	[tilespmem:s28], [sflag:$0x1] =	stream.indirect.gather [hbm4b:s4+s13], $0x10, s7, s13, $0xb8;
	[tilespmem:$0xF000] =	vst v63  }
0x248: {  	s7 =	sadd.s32 $0xFFFFFD80, s5  }
0x249: {  	[tilespmem:s29], [sflag:$0x1] =	stream.indirect.gather [hbm4b:s4+s13], $0x10, s7, s13, $0xb8;
	[tilespmem:$0xF000] =	vst v63  }
0x24a: {  	s7 =	sadd.s32 $0xFFFFFE00, s5  }
0x24b: {  	[tilespmem:s30], [sflag:$0x1] =	stream.indirect.gather [hbm4b:s4+s13], $0x10, s7, s13, $0xb8;
	[tilespmem:$0xF000] =	vst v63  }
0x24c: {  	s7 =	sadd.s32 $0xFFFFFE80, s5  }
0x24d: {  	[tilespmem:s31], [sflag:$0x1] =	stream.indirect.gather [hbm4b:s4+s13], $0x10, s7, s13, $0xb8;
	[tilespmem:$0xF000] =	vst v63  }
0x24e: {  	s7 =	sadd.s32 $0xFFFFFF00, s5  }
0x24f: {  	[tilespmem:s1], [sflag:$0x1] =	stream.indirect.gather [hbm4b:s4+s13], $0x10, s7, s13, $0xb8;
	[tilespmem:$0xF000] =	vst v63  }
0x250: {  	s7 =	sadd.s32 $0xFFFFFF80, s5  }
0x251: {  	[tilespmem:s0], [sflag:$0x1] =	stream.indirect.gather [hbm4b:s4+s13], $0x10, s7, s13, $0xb8;
	[tilespmem:$0xF000] =	vst v63  }
0x252: {  	_ = 	snop  }
0x253: {  	[tilespmem:s12], [sflag:$0x1] =	stream.indirect.gather [hbm4b:s4+s13], $0x10, s5, s13, $0xb8;
	[tilespmem:$0xF000] =	vst v63  }
0x254: {  	_ =	swait.ge [sflag:s6], $0x800  }
0x255: {  	[sflag:s6] =	ssyncset.done $0x0  }
0x256: {  	[sflag:s6] =	ssyncadd.s32 $0xFFFFF800  }
0x257: {  	_ =	swait.ge [sflag:s6], $0x800  }
0x258: {  	[sflag:s6] =	ssyncset.done $0x0  }
0x259: {  	[sflag:s6] =	ssyncadd.s32 $0xFFFFF800  }
0x25a: {  	_ =	swait.ge [sflag:s6], $0x800  }
0x25b: {  	[sflag:s6] =	ssyncset.done $0x0  }
0x25c: {  	[sflag:s6] =	ssyncadd.s32 $0xFFFFF800  }
0x25d: {  	_ =	swait.ge [sflag:s6], $0x800  }
0x25e: {  	[sflag:s6] =	ssyncset.done $0x0  }
0x25f: {  	[sflag:s6] =	ssyncadd.s32 $0xFFFFF800  }
0x260: {  	_ =	swait.ge [sflag:s6], $0x800  }
0x261: {  	[sflag:s6] =	ssyncset.done $0x0  }
0x262: {  	[sflag:s6] =	ssyncadd.s32 $0xFFFFF800  }
0x263: {  	_ =	swait.ge [sflag:s6], $0x800  }
0x264: {  	[sflag:s6] =	ssyncset.done $0x0  }
0x265: {  	[sflag:s6] =	ssyncadd.s32 $0xFFFFF800  }
0x266: {  	_ =	swait.ge [sflag:s6], $0x800  }
0x267: {  	[sflag:s6] =	ssyncset.done $0x0  }
0x268: {  	[sflag:s6] =	ssyncadd.s32 $0xFFFFF800  }
0x269: {  	_ =	swait.ge [sflag:s6], $0x800  }
0x26a: {  	[sflag:s6] =	ssyncset.done $0x0  }
0x26b: {  	[sflag:s6] =	ssyncadd.s32 $0xFFFFF800  }
0x26c: {  	_ =	swait.ge [sflag:s6], $0x800  }
0x26d: {  	[sflag:s6] =	ssyncset.done $0x0  }
0x26e: {  	[sflag:s6] =	ssyncadd.s32 $0xFFFFF800  }
0x26f: {  	_ =	swait.ge [sflag:s6], $0x800  }
0x270: {  	[sflag:s6] =	ssyncset.done $0x0  }
0x271: {  	[sflag:s6] =	ssyncadd.s32 $0xFFFFF800  }
0x272: {  	_ =	swait.ge [sflag:s6], $0x800  }
0x273: {  	[sflag:s6] =	ssyncset.done $0x0  }
0x274: {  	[sflag:s6] =	ssyncadd.s32 $0xFFFFF800  }
0x275: {  	_ =	swait.ge [sflag:s6], $0x800  }
0x276: {  	[sflag:s6] =	ssyncset.done $0x0  }
0x277: {  	[sflag:s6] =	ssyncadd.s32 $0xFFFFF800  }
0x278: {  	_ =	swait.ge [sflag:s6], $0x800  }
0x279: {  	[sflag:s6] =	ssyncset.done $0x0  }
0x27a: {  	[sflag:s6] =	ssyncadd.s32 $0xFFFFF800  }
0x27b: {  	_ =	swait.ge [sflag:s6], $0x800  }
0x27c: {  	[sflag:s6] =	ssyncset.done $0x0  }
0x27d: {  	[sflag:s6] =	ssyncadd.s32 $0xFFFFF800  }
0x27e: {  	_ =	swait.ge [sflag:s6], $0x800  }
0x27f: {  	[sflag:s6] =	ssyncset.done $0x0  }
0x280: {  	[sflag:s6] =	ssyncadd.s32 $0xFFFFF800  }
0x281: {  	_ =	swait.ge [sflag:s6], $0x800  }
0x282: {  	[sflag:s6] =	ssyncset.done $0x0  }
0x283: {  	[sflag:s6] =	ssyncadd.s32 $0xFFFFF800  }
0x284: {  	_ =	swait.ge [sflag:s6], $0x800  }
0x285: {  	[sflag:s6] =	ssyncset.done $0x0  }
0x286: {  	[sflag:s6] =	ssyncadd.s32 $0xFFFFF800  }
0x287: {  	_ =	swait.ge [sflag:s6], $0x800  }
0x288: {  	[sflag:s6] =	ssyncset.done $0x0  }
0x289: {  	[sflag:s6] =	ssyncadd.s32 $0xFFFFF800  }
0x28a: {  	_ =	swait.ge [sflag:s6], $0x800  }
0x28b: {  	[sflag:s6] =	ssyncset.done $0x0  }
0x28c: {  	[sflag:s6] =	ssyncadd.s32 $0xFFFFF800  }
0x28d: {  	_ =	swait.ge [sflag:s6], $0x800  }
0x28e: {  	s7 =	smov.u32 s10;
	s5 =	sadd.s32 @p0 $0x1400, s8;
	[sflag:s6] =	ssyncset.done $0x0  }
0x28f: {  	s7 =	smov.u32 @p0 s5;
	[sflag:s6] =	ssyncadd.s32 $0xFFFFF800  }
0x290: {  	[hbm4b:s7+s2] =	stream.linear.scatter [tilespmem:s14], [sflag:$0x2], $0xA000, $0x38;
	[tilespmem:$0xF000] =	vst v63  }
0x291: {  	_ =	swait.ge [sflag:s11], $0xA000  }
0x292: {  	s9 =	sadd.s32 $0x1, s9;
	s8 =	rddreg [dreg:$0x6]  }
0x293: {  	p0 =	sne.s32 s9, s8  }
.Ltmp6:
0x294: {  	_ = 	snop;
	(pc) =	sbr.rel @p0 .LBB2_1-.Ltmp6, $4  }
.Ltmp7:
0x295: {  	_ = 	snop;
	(pc) =	sbr.rel @!p0 .LBB2_14-.Ltmp7, $4  }
0x296: {  	_ = 	snop  }
0x297: {  	[sflag:s11] =	ssyncset.done $0x0  }
0x298: {  	[sflag:s11] =	ssyncadd.s32 $0xFFFF6000  }
0x299: {  	_ = 	snop  }
.LBB2_2:
.Ltmp8:
0x29a: {  	(pc) =	sbr.rel .LBB2_7-.Ltmp8, $2  }
0x29b: {  	_ =	sdelay $0x2  }
0x29c: {  	s9 =	rddreg [dreg:$0x7];
	p2 =	por $0x0, $0x0  }
.LBB2_8:
.Ltmp9:
0x29d: {  	(pc) =	sbr.rel .LBB2_13-.Ltmp9, $2  }
0x29e: {  	_ =	sdelay $0x2  }
0x29f: {  	s8 =	smov.u32 s10;
	s9 =	rddreg [dreg:$0x9]  }
.LBB2_4:
.Ltmp10:
0x2a0: {  	(pc) =	sbr.rel .LBB2_7-.Ltmp10, $3  }
0x2a1: {  	_ =	sdelay $0x1  }
0x2a2: {  	s9 =	rddreg [dreg:$0x7]  }
0x2a3: {  	s10 =	rddreg [dreg:$0x8]  }
.LBB2_10:
.Ltmp11:
0x2a4: {  	(pc) =	sbr.rel .LBB2_13-.Ltmp11, $2  }
0x2a5: {  	_ =	sdelay $0x2  }
0x2a6: {  	s8 =	smov.u32 s10;
	s9 =	rddreg [dreg:$0x9]  }
.LBB2_14:
0x2a7: {  	_ =	sfence.sel $0x180000  }
0x2a8: {  	[bflag:$0x0] =	sbarrier.arrive $0xFFFF  }
0x2a9: {  	_ =	strace $0x90000047  }
0x2aa: {  	s0 =	stileid.u32;
	[bflag:$0x2] =	sbarrier.arrive $0xFFFF  }
0x2ab: {  	p0 =	sne.s32 s0, $0x0;
	s0 =	rddreg [dreg:$0x2]  }
0x2ac: {  	s0 =	sadd.s32 @!p0 $0x100000, s0  }
0x2ad: {  	[sflag:s0] =	ssyncadd.tile.s32 @!p0 $0x1;
	_ =	shalt  }
.Lfunc_end2:
_tile_overlayer_lowered:
.L_overlay_start_2:
0x2ae: {  	(tag) =	ssettag $0x2  }
0x2af: {  	s0 =	rddreg [dreg:$0x0];
	s2 =	stileid.u32  }
0x2b0: {  	s1 =	rddreg [dreg:$0x1];
	p0 =	sne.s32 s2, $0x0  }
0x2b1: {  	s3 =	rddreg [dreg:$0x2];
	[bflag:$0x3] =	sbarrier.arrive $0xFFFF;
	s2 =	simm.s32 @!p0 $0x1C02  }
0x2b2: {  	[timem:s3], [sflag:s2] =	dma.local @!p0 [hbm:s0], s1  }
0x2b3: {  	s0 =	simm.s32 @!p0 $0x2  }
0x2b4: {  	_ =	swait.ge @!p0 [sflag:s0], s1  }
0x2b5: {  	s1 =	ssub.s32 @!p0 $0x0, s1;
	[sflag:s0] =	ssyncset.done @!p0 $0x0  }
0x2b6: {  	[sflag:s0] =	ssyncadd.s32 @!p0 s1  }
0x2b7: {  	[bflag:$0x3] =	sbarrier.arrive $0xFFFF  }
0x2b8: {  	_ =	shalt  }

</sc_bundles>
